<compile_context>
chip_gen: v7x
topology: tpu7x:2x2x1
jax: 0.10.2.dev20260603
libtpu: 0.0.44.dev20260713+nightly
codegen_flags: <defaults>
</compile_context>

<pallas_src>
import functools

import jax
import jax.numpy as jnp
from jax import lax
from jax.experimental import pallas as pl
from jax.experimental.pallas import tpu as pltpu
from jax.experimental.pallas import tpu_sc as plsc

_NUM_CORES = 2
_NUM_SUBCORES = 16
_NUM_WORKERS = _NUM_CORES * _NUM_SUBCORES
_P1_CHUNK = 98304


@functools.partial(jax.jit, static_argnums=(2,))
def _gather_t(table_t, idx_t, v):
    d, _ = table_t.shape
    l_fields, b = idx_t.shape
    m_rows = l_fields * d
    mesh = plsc.VectorSubcoreMesh(core_axis_name="c", subcore_axis_name="s")

    chunks = [(t * _P1_CHUNK, _P1_CHUNK) for t in range(v // _P1_CHUNK)]
    rem_off = (v // _P1_CHUNK) * _P1_CHUNK
    rem_aligned = ((v - rem_off) // 128) * 128
    if rem_aligned:
        chunks.append((rem_off, rem_aligned))
    tail_off = rem_off + rem_aligned
    tail = v - tail_off

    @functools.partial(
        pl.kernel,
        mesh=mesh,
        out_type=[
            jax.ShapeDtypeStruct((m_rows, b), jnp.float32),
            jax.ShapeDtypeStruct((d * v,), jnp.float32),
        ],
        scratch_types=[
            pltpu.VMEM((b,), jnp.int32),
            pltpu.VMEM((b,), jnp.int32),
            pltpu.VMEM((b,), jnp.float32),
            pltpu.VMEM((_P1_CHUNK,), jnp.float32),
            pltpu.VMEM((1, max(tail, 1)), jnp.float32),
            pltpu.SemaphoreType.DMA,
            pltpu.SemaphoreType.DMA,
        ],
        compiler_params=pltpu.CompilerParams(needs_layout_passes=False),
    )
    def gather(table_hbm, idx_hbm, out_hbm, scr_hbm, idx0_v, idx1_v, vals_v,
               chunk_v, tail_v, s_idx, s_g):
        idx_b = [idx0_v, idx1_v]
        w = lax.axis_index("s") * _NUM_CORES + lax.axis_index("c")
        row = scr_hbm.at[pl.ds(w * v, v)]
        feat = table_hbm.at[w]

        ci = [None] * l_fields
        ci[0] = pltpu.async_copy(idx_hbm.at[0], idx_b[0], s_idx)

        for off, sz in chunks:
            pltpu.sync_copy(
                feat.at[pl.ds(off, sz)], chunk_v.at[pl.ds(0, sz)]
            )
            pltpu.sync_copy(
                chunk_v.at[pl.ds(0, sz)], row.at[pl.ds(off, sz)]
            )
        if tail:
            pltpu.sync_copy(
                table_hbm.at[pl.ds(w, 1), pl.ds(tail_off, tail)], tail_v
            )
            pltpu.sync_copy(tail_v.at[0], row.at[pl.ds(tail_off, tail)])

        for r in range(l_fields):
            ci[r].wait()
            cg = pltpu.async_copy(row.at[idx_b[r % 2]], vals_v, s_g)
            if r + 1 < l_fields:
                ci[r + 1] = pltpu.async_copy(
                    idx_hbm.at[r + 1], idx_b[(r + 1) % 2], s_idx
                )
            cg.wait()
            pltpu.sync_copy(vals_v, out_hbm.at[r * d + w])

    return gather(table_t, idx_t)[0]


def kernel(inputs, embedding):
    b, l = inputs.shape
    v, d = embedding.shape
    idx_t = inputs.T.astype(jnp.int32)
    table_t = embedding.T
    out_t = _gather_t(table_t, idx_t, v)
    return out_t.T

# --- scband reference (transcript-rebuilt; emitter-appended) ---
"""Pipeline reference for scband-embedding-4277787427782 (READ-ONLY COPY).

The authoritative reference and input builder live on the scoring server;
editing this copy changes nothing except your own understanding.
"""

import jax, jax.numpy as jnp
import numpy as np


def setup_inputs(seed: int = 0) -> dict:
    key = jax.random.key(seed)
    k_idx, k_emb = jax.random.split(key)
    inputs = jax.random.randint(k_idx, (4096, 26), 0, 1000000, dtype=jnp.int64)
    # Keras 'uniform' initializer defaults to uniform(-0.05, 0.05)
    embedding = jax.random.uniform(k_emb, (1000000, 32), dtype=jnp.float32, minval=-0.05, maxval=0.05)
    return {"inputs": inputs, "embedding": embedding}


def reference(inputs, embedding):
    # tf.nn.embedding_lookup -> gather rows
    emb = jnp.take(embedding, inputs, axis=0)  # [B, L, D]
    out_dim = inputs.shape[-1] * embedding.shape[-1]
    return jnp.reshape(emb, (-1, out_dim))

if __name__ == "__main__":
    import jax
    _d = setup_inputs()
    print(jax.jit(kernel)(*tuple(_d.values())))

</pallas_src>

<mosaic_0001>
#map = affine_map<(d0, d1) -> (0, 0)>
#map1 = affine_map<(d0, d1) -> (0)>
module attributes {stable_mosaic.version = 14 : i64} {
  func.func @gather(%arg0: i32, %arg1: i32, %arg2: memref<32x1000000xf32, #tpu.memory_space<hbm>>, %arg3: memref<26x4096xi32, #tpu.memory_space<hbm>>, %arg4: memref<832x4096xf32, #tpu.memory_space<hbm>>, %arg5: memref<32000000xf32, #tpu.memory_space<hbm>>, %arg6: memref<4096xi32, #tpu.memory_space<vmem>>, %arg7: memref<4096xi32, #tpu.memory_space<vmem>>, %arg8: memref<4096xf32, #tpu.memory_space<vmem>>, %arg9: memref<98304xf32, #tpu.memory_space<vmem>>, %arg10: memref<1x64xf32, #tpu.memory_space<vmem>>, %arg11: memref<!tpu.dma_semaphore, #tpu.memory_space<semaphore_mem>>, %arg12: memref<!tpu.dma_semaphore, #tpu.memory_space<semaphore_mem>>) attributes {dimension_semantics = [#tpu.dimension_semantics<core_parallel>, #tpu.dimension_semantics<subcore_parallel>], iteration_bounds = array<i64: 2, 16>, scalar_prefetch = 0 : i64, scratch_operands = 7 : i64, tpu.core_type = #tpu.core_type<sc_vector_subcore>, window_params = [{transform_indices = #map}, {transform_indices = #map}, {transform_indices = #map}, {transform_indices = #map1}]} {
    %mul3A = arith.constant 2 : i32
    %mul3A_0 = arith.muli %arg1, %mul3A : i32
    %add3A = arith.addi %mul3A_0, %arg0 : i32
    %mul3A_1 = arith.constant 1000000 : i32
    %mul3A_2 = arith.muli %add3A, %mul3A_1 : i32
    %dma_start3A = arith.constant 0 : i32
    %dma_start3A_3 = arith.constant 0 : i32
    %dma_start3A_4 = tpu.memref_slice %arg3[%dma_start3A, %dma_start3A_3] : memref<26x4096xi32, #tpu.memory_space<hbm>> -> memref<1x4096xi32, #tpu.memory_space<hbm>>
    %dma_start3A_5 = tpu.memref_squeeze %dma_start3A_4 : memref<1x4096xi32, #tpu.memory_space<hbm>> -> memref<4096xi32, #tpu.memory_space<hbm>>
    %dma_start3A_6 = arith.constant 0 : i32
    %dma_start3A_7 = tpu.memref_slice %arg3[%dma_start3A, %dma_start3A_6] : memref<26x4096xi32, #tpu.memory_space<hbm>> -> memref<1x4096xi32, #tpu.memory_space<hbm>>
    %dma_start3A_8 = tpu.memref_squeeze %dma_start3A_7 : memref<1x4096xi32, #tpu.memory_space<hbm>> -> memref<4096xi32, #tpu.memory_space<hbm>>
    tpu.enqueue_dma source(%dma_start3A_8 : memref<4096xi32, #tpu.memory_space<hbm>>) target(%arg6 : memref<4096xi32, #tpu.memory_space<vmem>>) target_semaphore(%arg11 : memref<!tpu.dma_semaphore, #tpu.memory_space<semaphore_mem>>)
    "tpu.region"() ({
      %run_scoped3A_573 = tpu.sem_alloc : memref<!tpu.dma_semaphore, #tpu.memory_space<semaphore_mem>>
      %dma_start3A_574 = arith.constant 0 : i32
      %dma_start3A_575 = tpu.memref_slice %arg9[%dma_start3A_574] : memref<98304xf32, #tpu.memory_space<vmem>> -> memref<98304xf32, #tpu.memory_space<vmem>>
      %dma_start3A_576 = arith.constant 0 : i32
      %dma_start3A_577 = tpu.memref_slice %arg2[%add3A, %dma_start3A_576] : memref<32x1000000xf32, #tpu.memory_space<hbm>> -> memref<1x1000000xf32, #tpu.memory_space<hbm>>
      %dma_start3A_578 = tpu.memref_squeeze %dma_start3A_577 : memref<1x1000000xf32, #tpu.memory_space<hbm>> -> memref<1000000xf32, #tpu.memory_space<hbm>>
      %dma_start3A_579 = arith.constant 0 : i32
      %dma_start3A_580 = tpu.memref_slice %dma_start3A_578[%dma_start3A_579] : memref<1000000xf32, #tpu.memory_space<hbm>> -> memref<98304xf32, #tpu.memory_space<hbm>>
      %dma_start3A_581 = arith.constant 0 : i32
      %dma_start3A_582 = tpu.memref_slice %arg9[%dma_start3A_581] : memref<98304xf32, #tpu.memory_space<vmem>> -> memref<98304xf32, #tpu.memory_space<vmem>>
      %dma_start3A_583 = arith.constant 0 : i32
      %dma_start3A_584 = tpu.memref_slice %arg2[%add3A, %dma_start3A_583] : memref<32x1000000xf32, #tpu.memory_space<hbm>> -> memref<1x1000000xf32, #tpu.memory_space<hbm>>
      %dma_start3A_585 = tpu.memref_squeeze %dma_start3A_584 : memref<1x1000000xf32, #tpu.memory_space<hbm>> -> memref<1000000xf32, #tpu.memory_space<hbm>>
      %dma_start3A_586 = arith.constant 0 : i32
      %dma_start3A_587 = tpu.memref_slice %dma_start3A_585[%dma_start3A_586] : memref<1000000xf32, #tpu.memory_space<hbm>> -> memref<98304xf32, #tpu.memory_space<hbm>>
      tpu.enqueue_dma source(%dma_start3A_587 : memref<98304xf32, #tpu.memory_space<hbm>>) target(%dma_start3A_582 : memref<98304xf32, #tpu.memory_space<vmem>>) target_semaphore(%run_scoped3A_573 : memref<!tpu.dma_semaphore, #tpu.memory_space<semaphore_mem>>)
      %dma_wait3A_588 = arith.constant 0 : i32
      %dma_wait3A_589 = tpu.memref_slice %arg9[%dma_wait3A_588] : memref<98304xf32, #tpu.memory_space<vmem>> -> memref<98304xf32, #tpu.memory_space<vmem>>
      %dma_wait3A_590 = arith.constant 0 : i32
      %dma_wait3A_591 = tpu.memref_slice %arg2[%add3A, %dma_wait3A_590] : memref<32x1000000xf32, #tpu.memory_space<hbm>> -> memref<1x1000000xf32, #tpu.memory_space<hbm>>
      %dma_wait3A_592 = tpu.memref_squeeze %dma_wait3A_591 : memref<1x1000000xf32, #tpu.memory_space<hbm>> -> memref<1000000xf32, #tpu.memory_space<hbm>>
      %dma_wait3A_593 = arith.constant 0 : i32
      %dma_wait3A_594 = tpu.memref_slice %dma_wait3A_592[%dma_wait3A_593] : memref<1000000xf32, #tpu.memory_space<hbm>> -> memref<98304xf32, #tpu.memory_space<hbm>>
      %dma_wait3A_595 = arith.constant 0 : i32
      %dma_wait3A_596 = tpu.memref_slice %arg9[%dma_wait3A_595] : memref<98304xf32, #tpu.memory_space<vmem>> -> memref<98304xf32, #tpu.memory_space<vmem>>
      %dma_wait3A_597 = arith.constant 0 : i32
      %dma_wait3A_598 = tpu.memref_slice %arg2[%add3A, %dma_wait3A_597] : memref<32x1000000xf32, #tpu.memory_space<hbm>> -> memref<1x1000000xf32, #tpu.memory_space<hbm>>
      %dma_wait3A_599 = tpu.memref_squeeze %dma_wait3A_598 : memref<1x1000000xf32, #tpu.memory_space<hbm>> -> memref<1000000xf32, #tpu.memory_space<hbm>>
      %dma_wait3A_600 = arith.constant 0 : i32
      %dma_wait3A_601 = tpu.memref_slice %dma_wait3A_599[%dma_wait3A_600] : memref<1000000xf32, #tpu.memory_space<hbm>> -> memref<98304xf32, #tpu.memory_space<hbm>>
      tpu.wait_dma2 semaphore(%run_scoped3A_573 : memref<!tpu.dma_semaphore, #tpu.memory_space<semaphore_mem>>) src(%dma_wait3A_601 : memref<98304xf32, #tpu.memory_space<hbm>>) dst(%dma_wait3A_596 : memref<98304xf32, #tpu.memory_space<vmem>>)
      tpu.yield
    }) : () -> ()
    "tpu.region"() ({
      %run_scoped3A_573 = tpu.sem_alloc : memref<!tpu.dma_semaphore, #tpu.memory_space<semaphore_mem>>
      %dma_start3A_574 = arith.constant 0 : i32
      %dma_start3A_575 = tpu.memref_slice %arg9[%dma_start3A_574] : memref<98304xf32, #tpu.memory_space<vmem>> -> memref<98304xf32, #tpu.memory_space<vmem>>
      %dma_start3A_576 = tpu.memref_slice %arg5[%mul3A_2] : memref<32000000xf32, #tpu.memory_space<hbm>> -> memref<1000000xf32, #tpu.memory_space<hbm>>
      %dma_start3A_577 = arith.constant 0 : i32
      %dma_start3A_578 = tpu.memref_slice %dma_start3A_576[%dma_start3A_577] : memref<1000000xf32, #tpu.memory_space<hbm>> -> memref<98304xf32, #tpu.memory_space<hbm>>
      %dma_start3A_579 = tpu.memref_slice %arg5[%mul3A_2] : memref<32000000xf32, #tpu.memory_space<hbm>> -> memref<1000000xf32, #tpu.memory_space<hbm>>
      %dma_start3A_580 = arith.constant 0 : i32
      %dma_start3A_581 = tpu.memref_slice %dma_start3A_579[%dma_start3A_580] : memref<1000000xf32, #tpu.memory_space<hbm>> -> memref<98304xf32, #tpu.memory_space<hbm>>
      %dma_start3A_582 = arith.constant 0 : i32
      %dma_start3A_583 = tpu.memref_slice %arg9[%dma_start3A_582] : memref<98304xf32, #tpu.memory_space<vmem>> -> memref<98304xf32, #tpu.memory_space<vmem>>
      tpu.enqueue_dma source(%dma_start3A_583 : memref<98304xf32, #tpu.memory_space<vmem>>) target(%dma_start3A_581 : memref<98304xf32, #tpu.memory_space<hbm>>) target_semaphore(%run_scoped3A_573 : memref<!tpu.dma_semaphore, #tpu.memory_space<semaphore_mem>>)
      %dma_wait3A_584 = arith.constant 0 : i32
      %dma_wait3A_585 = tpu.memref_slice %arg9[%dma_wait3A_584] : memref<98304xf32, #tpu.memory_space<vmem>> -> memref<98304xf32, #tpu.memory_space<vmem>>
      %dma_wait3A_586 = tpu.memref_slice %arg5[%mul3A_2] : memref<32000000xf32, #tpu.memory_space<hbm>> -> memref<1000000xf32, #tpu.memory_space<hbm>>
      %dma_wait3A_587 = arith.constant 0 : i32
      %dma_wait3A_588 = tpu.memref_slice %dma_wait3A_586[%dma_wait3A_587] : memref<1000000xf32, #tpu.memory_space<hbm>> -> memref<98304xf32, #tpu.memory_space<hbm>>
      %dma_wait3A_589 = tpu.memref_slice %arg5[%mul3A_2] : memref<32000000xf32, #tpu.memory_space<hbm>> -> memref<1000000xf32, #tpu.memory_space<hbm>>
      %dma_wait3A_590 = arith.constant 0 : i32
      %dma_wait3A_591 = tpu.memref_slice %dma_wait3A_589[%dma_wait3A_590] : memref<1000000xf32, #tpu.memory_space<hbm>> -> memref<98304xf32, #tpu.memory_space<hbm>>
      %dma_wait3A_592 = arith.constant 0 : i32
      %dma_wait3A_593 = tpu.memref_slice %arg9[%dma_wait3A_592] : memref<98304xf32, #tpu.memory_space<vmem>> -> memref<98304xf32, #tpu.memory_space<vmem>>
      tpu.wait_dma2 semaphore(%run_scoped3A_573 : memref<!tpu.dma_semaphore, #tpu.memory_space<semaphore_mem>>) src(%dma_wait3A_593 : memref<98304xf32, #tpu.memory_space<vmem>>) dst(%dma_wait3A_591 : memref<98304xf32, #tpu.memory_space<hbm>>)
      tpu.yield
    }) : () -> ()
    "tpu.region"() ({
      %run_scoped3A_573 = tpu.sem_alloc : memref<!tpu.dma_semaphore, #tpu.memory_space<semaphore_mem>>
      %dma_start3A_574 = arith.constant 0 : i32
      %dma_start3A_575 = tpu.memref_slice %arg9[%dma_start3A_574] : memref<98304xf32, #tpu.memory_space<vmem>> -> memref<98304xf32, #tpu.memory_space<vmem>>
      %dma_start3A_576 = arith.constant 0 : i32
      %dma_start3A_577 = tpu.memref_slice %arg2[%add3A, %dma_start3A_576] : memref<32x1000000xf32, #tpu.memory_space<hbm>> -> memref<1x1000000xf32, #tpu.memory_space<hbm>>
      %dma_start3A_578 = tpu.memref_squeeze %dma_start3A_577 : memref<1x1000000xf32, #tpu.memory_space<hbm>> -> memref<1000000xf32, #tpu.memory_space<hbm>>
      %dma_start3A_579 = arith.constant 98304 : i32
      %dma_start3A_580 = tpu.memref_slice %dma_start3A_578[%dma_start3A_579] : memref<1000000xf32, #tpu.memory_space<hbm>> -> memref<98304xf32, #tpu.memory_space<hbm>>
      %dma_start3A_581 = arith.constant 0 : i32
      %dma_start3A_582 = tpu.memref_slice %arg9[%dma_start3A_581] : memref<98304xf32, #tpu.memory_space<vmem>> -> memref<98304xf32, #tpu.memory_space<vmem>>
      %dma_start3A_583 = arith.constant 0 : i32
      %dma_start3A_584 = tpu.memref_slice %arg2[%add3A, %dma_start3A_583] : memref<32x1000000xf32, #tpu.memory_space<hbm>> -> memref<1x1000000xf32, #tpu.memory_space<hbm>>
      %dma_start3A_585 = tpu.memref_squeeze %dma_start3A_584 : memref<1x1000000xf32, #tpu.memory_space<hbm>> -> memref<1000000xf32, #tpu.memory_space<hbm>>
      %dma_start3A_586 = arith.constant 98304 : i32
      %dma_start3A_587 = tpu.memref_slice %dma_start3A_585[%dma_start3A_586] : memref<1000000xf32, #tpu.memory_space<hbm>> -> memref<98304xf32, #tpu.memory_space<hbm>>
      tpu.enqueue_dma source(%dma_start3A_587 : memref<98304xf32, #tpu.memory_space<hbm>>) target(%dma_start3A_582 : memref<98304xf32, #tpu.memory_space<vmem>>) target_semaphore(%run_scoped3A_573 : memref<!tpu.dma_semaphore, #tpu.memory_space<semaphore_mem>>)
      %dma_wait3A_588 = arith.constant 0 : i32
      %dma_wait3A_589 = tpu.memref_slice %arg9[%dma_wait3A_588] : memref<98304xf32, #tpu.memory_space<vmem>> -> memref<98304xf32, #tpu.memory_space<vmem>>
      %dma_wait3A_590 = arith.constant 0 : i32
      %dma_wait3A_591 = tpu.memref_slice %arg2[%add3A, %dma_wait3A_590] : memref<32x1000000xf32, #tpu.memory_space<hbm>> -> memref<1x1000000xf32, #tpu.memory_space<hbm>>
      %dma_wait3A_592 = tpu.memref_squeeze %dma_wait3A_591 : memref<1x1000000xf32, #tpu.memory_space<hbm>> -> memref<1000000xf32, #tpu.memory_space<hbm>>
      %dma_wait3A_593 = arith.constant 98304 : i32
      %dma_wait3A_594 = tpu.memref_slice %dma_wait3A_592[%dma_wait3A_593] : memref<1000000xf32, #tpu.memory_space<hbm>> -> memref<98304xf32, #tpu.memory_space<hbm>>
      %dma_wait3A_595 = arith.constant 0 : i32
      %dma_wait3A_596 = tpu.memref_slice %arg9[%dma_wait3A_595] : memref<98304xf32, #tpu.memory_space<vmem>> -> memref<98304xf32, #tpu.memory_space<vmem>>
      %dma_wait3A_597 = arith.constant 0 : i32
      %dma_wait3A_598 = tpu.memref_slice %arg2[%add3A, %dma_wait3A_597] : memref<32x1000000xf32, #tpu.memory_space<hbm>> -> memref<1x1000000xf32, #tpu.memory_space<hbm>>
      %dma_wait3A_599 = tpu.memref_squeeze %dma_wait3A_598 : memref<1x1000000xf32, #tpu.memory_space<hbm>> -> memref<1000000xf32, #tpu.memory_space<hbm>>
      %dma_wait3A_600 = arith.constant 98304 : i32
      %dma_wait3A_601 = tpu.memref_slice %dma_wait3A_599[%dma_wait3A_600] : memref<1000000xf32, #tpu.memory_space<hbm>> -> memref<98304xf32, #tpu.memory_space<hbm>>
      tpu.wait_dma2 semaphore(%run_scoped3A_573 : memref<!tpu.dma_semaphore, #tpu.memory_space<semaphore_mem>>) src(%dma_wait3A_601 : memref<98304xf32, #tpu.memory_space<hbm>>) dst(%dma_wait3A_596 : memref<98304xf32, #tpu.memory_space<vmem>>)
      tpu.yield
    }) : () -> ()
    "tpu.region"() ({
      %run_scoped3A_573 = tpu.sem_alloc : memref<!tpu.dma_semaphore, #tpu.memory_space<semaphore_mem>>
      %dma_start3A_574 = arith.constant 0 : i32
      %dma_start3A_575 = tpu.memref_slice %arg9[%dma_start3A_574] : memref<98304xf32, #tpu.memory_space<vmem>> -> memref<98304xf32, #tpu.memory_space<vmem>>
      %dma_start3A_576 = tpu.memref_slice %arg5[%mul3A_2] : memref<32000000xf32, #tpu.memory_space<hbm>> -> memref<1000000xf32, #tpu.memory_space<hbm>>
      %dma_start3A_577 = arith.constant 98304 : i32
      %dma_start3A_578 = tpu.memref_slice %dma_start3A_576[%dma_start3A_577] : memref<1000000xf32, #tpu.memory_space<hbm>> -> memref<98304xf32, #tpu.memory_space<hbm>>
      %dma_start3A_579 = tpu.memref_slice %arg5[%mul3A_2] : memref<32000000xf32, #tpu.memory_space<hbm>> -> memref<1000000xf32, #tpu.memory_space<hbm>>
      %dma_start3A_580 = arith.constant 98304 : i32
      %dma_start3A_581 = tpu.memref_slice %dma_start3A_579[%dma_start3A_580] : memref<1000000xf32, #tpu.memory_space<hbm>> -> memref<98304xf32, #tpu.memory_space<hbm>>
      %dma_start3A_582 = arith.constant 0 : i32
      %dma_start3A_583 = tpu.memref_slice %arg9[%dma_start3A_582] : memref<98304xf32, #tpu.memory_space<vmem>> -> memref<98304xf32, #tpu.memory_space<vmem>>
      tpu.enqueue_dma source(%dma_start3A_583 : memref<98304xf32, #tpu.memory_space<vmem>>) target(%dma_start3A_581 : memref<98304xf32, #tpu.memory_space<hbm>>) target_semaphore(%run_scoped3A_573 : memref<!tpu.dma_semaphore, #tpu.memory_space<semaphore_mem>>)
      %dma_wait3A_584 = arith.constant 0 : i32
      %dma_wait3A_585 = tpu.memref_slice %arg9[%dma_wait3A_584] : memref<98304xf32, #tpu.memory_space<vmem>> -> memref<98304xf32, #tpu.memory_space<vmem>>
      %dma_wait3A_586 = tpu.memref_slice %arg5[%mul3A_2] : memref<32000000xf32, #tpu.memory_space<hbm>> -> memref<1000000xf32, #tpu.memory_space<hbm>>
      %dma_wait3A_587 = arith.constant 98304 : i32
      %dma_wait3A_588 = tpu.memref_slice %dma_wait3A_586[%dma_wait3A_587] : memref<1000000xf32, #tpu.memory_space<hbm>> -> memref<98304xf32, #tpu.memory_space<hbm>>
      %dma_wait3A_589 = tpu.memref_slice %arg5[%mul3A_2] : memref<32000000xf32, #tpu.memory_space<hbm>> -> memref<1000000xf32, #tpu.memory_space<hbm>>
      %dma_wait3A_590 = arith.constant 98304 : i32
      %dma_wait3A_591 = tpu.memref_slice %dma_wait3A_589[%dma_wait3A_590] : memref<1000000xf32, #tpu.memory_space<hbm>> -> memref<98304xf32, #tpu.memory_space<hbm>>
      %dma_wait3A_592 = arith.constant 0 : i32
      %dma_wait3A_593 = tpu.memref_slice %arg9[%dma_wait3A_592] : memref<98304xf32, #tpu.memory_space<vmem>> -> memref<98304xf32, #tpu.memory_space<vmem>>
      tpu.wait_dma2 semaphore(%run_scoped3A_573 : memref<!tpu.dma_semaphore, #tpu.memory_space<semaphore_mem>>) src(%dma_wait3A_593 : memref<98304xf32, #tpu.memory_space<vmem>>) dst(%dma_wait3A_591 : memref<98304xf32, #tpu.memory_space<hbm>>)
      tpu.yield
    }) : () -> ()
    "tpu.region"() ({
      %run_scoped3A_573 = tpu.sem_alloc : memref<!tpu.dma_semaphore, #tpu.memory_space<semaphore_mem>>
      %dma_start3A_574 = arith.constant 0 : i32
      %dma_start3A_575 = tpu.memref_slice %arg9[%dma_start3A_574] : memref<98304xf32, #tpu.memory_space<vmem>> -> memref<98304xf32, #tpu.memory_space<vmem>>
      %dma_start3A_576 = arith.constant 0 : i32
      %dma_start3A_577 = tpu.memref_slice %arg2[%add3A, %dma_start3A_576] : memref<32x1000000xf32, #tpu.memory_space<hbm>> -> memref<1x1000000xf32, #tpu.memory_space<hbm>>
      %dma_start3A_578 = tpu.memref_squeeze %dma_start3A_577 : memref<1x1000000xf32, #tpu.memory_space<hbm>> -> memref<1000000xf32, #tpu.memory_space<hbm>>
      %dma_start3A_579 = arith.constant 196608 : i32
      %dma_start3A_580 = tpu.memref_slice %dma_start3A_578[%dma_start3A_579] : memref<1000000xf32, #tpu.memory_space<hbm>> -> memref<98304xf32, #tpu.memory_space<hbm>>
      %dma_start3A_581 = arith.constant 0 : i32
      %dma_start3A_582 = tpu.memref_slice %arg9[%dma_start3A_581] : memref<98304xf32, #tpu.memory_space<vmem>> -> memref<98304xf32, #tpu.memory_space<vmem>>
      %dma_start3A_583 = arith.constant 0 : i32
      %dma_start3A_584 = tpu.memref_slice %arg2[%add3A, %dma_start3A_583] : memref<32x1000000xf32, #tpu.memory_space<hbm>> -> memref<1x1000000xf32, #tpu.memory_space<hbm>>
      %dma_start3A_585 = tpu.memref_squeeze %dma_start3A_584 : memref<1x1000000xf32, #tpu.memory_space<hbm>> -> memref<1000000xf32, #tpu.memory_space<hbm>>
      %dma_start3A_586 = arith.constant 196608 : i32
      %dma_start3A_587 = tpu.memref_slice %dma_start3A_585[%dma_start3A_586] : memref<1000000xf32, #tpu.memory_space<hbm>> -> memref<98304xf32, #tpu.memory_space<hbm>>
      tpu.enqueue_dma source(%dma_start3A_587 : memref<98304xf32, #tpu.memory_space<hbm>>) target(%dma_start3A_582 : memref<98304xf32, #tpu.memory_space<vmem>>) target_semaphore(%run_scoped3A_573 : memref<!tpu.dma_semaphore, #tpu.memory_space<semaphore_mem>>)
      %dma_wait3A_588 = arith.constant 0 : i32
      %dma_wait3A_589 = tpu.memref_slice %arg9[%dma_wait3A_588] : memref<98304xf32, #tpu.memory_space<vmem>> -> memref<98304xf32, #tpu.memory_space<vmem>>
      %dma_wait3A_590 = arith.constant 0 : i32
      %dma_wait3A_591 = tpu.memref_slice %arg2[%add3A, %dma_wait3A_590] : memref<32x1000000xf32, #tpu.memory_space<hbm>> -> memref<1x1000000xf32, #tpu.memory_space<hbm>>
      %dma_wait3A_592 = tpu.memref_squeeze %dma_wait3A_591 : memref<1x1000000xf32, #tpu.memory_space<hbm>> -> memref<1000000xf32, #tpu.memory_space<hbm>>
      %dma_wait3A_593 = arith.constant 196608 : i32
      %dma_wait3A_594 = tpu.memref_slice %dma_wait3A_592[%dma_wait3A_593] : memref<1000000xf32, #tpu.memory_space<hbm>> -> memref<98304xf32, #tpu.memory_space<hbm>>
      %dma_wait3A_595 = arith.constant 0 : i32
      %dma_wait3A_596 = tpu.memref_slice %arg9[%dma_wait3A_595] : memref<98304xf32, #tpu.memory_space<vmem>> -> memref<98304xf32, #tpu.memory_space<vmem>>
      %dma_wait3A_597 = arith.constant 0 : i32
      %dma_wait3A_598 = tpu.memref_slice %arg2[%add3A, %dma_wait3A_597] : memref<32x1000000xf32, #tpu.memory_space<hbm>> -> memref<1x1000000xf32, #tpu.memory_space<hbm>>
      %dma_wait3A_599 = tpu.memref_squeeze %dma_wait3A_598 : memref<1x1000000xf32, #tpu.memory_space<hbm>> -> memref<1000000xf32, #tpu.memory_space<hbm>>
      %dma_wait3A_600 = arith.constant 196608 : i32
      %dma_wait3A_601 = tpu.memref_slice %dma_wait3A_599[%dma_wait3A_600] : memref<1000000xf32, #tpu.memory_space<hbm>> -> memref<98304xf32, #tpu.memory_space<hbm>>
      tpu.wait_dma2 semaphore(%run_scoped3A_573 : memref<!tpu.dma_semaphore, #tpu.memory_space<semaphore_mem>>) src(%dma_wait3A_601 : memref<98304xf32, #tpu.memory_space<hbm>>) dst(%dma_wait3A_596 : memref<98304xf32, #tpu.memory_space<vmem>>)
      tpu.yield
    }) : () -> ()
    "tpu.region"() ({
      %run_scoped3A_573 = tpu.sem_alloc : memref<!tpu.dma_semaphore, #tpu.memory_space<semaphore_mem>>
      %dma_start3A_574 = arith.constant 0 : i32
      %dma_start3A_575 = tpu.memref_slice %arg9[%dma_start3A_574] : memref<98304xf32, #tpu.memory_space<vmem>> -> memref<98304xf32, #tpu.memory_space<vmem>>
      %dma_start3A_576 = tpu.memref_slice %arg5[%mul3A_2] : memref<32000000xf32, #tpu.memory_space<hbm>> -> memref<1000000xf32, #tpu.memory_space<hbm>>
      %dma_start3A_577 = arith.constant 196608 : i32
      %dma_start3A_578 = tpu.memref_slice %dma_start3A_576[%dma_start3A_577] : memref<1000000xf32, #tpu.memory_space<hbm>> -> memref<98304xf32, #tpu.memory_space<hbm>>
      %dma_start3A_579 = tpu.memref_slice %arg5[%mul3A_2] : memref<32000000xf32, #tpu.memory_space<hbm>> -> memref<1000000xf32, #tpu.memory_space<hbm>>
      %dma_start3A_580 = arith.constant 196608 : i32
      %dma_start3A_581 = tpu.memref_slice %dma_start3A_579[%dma_start3A_580] : memref<1000000xf32, #tpu.memory_space<hbm>> -> memref<98304xf32, #tpu.memory_space<hbm>>
      %dma_start3A_582 = arith.constant 0 : i32
      %dma_start3A_583 = tpu.memref_slice %arg9[%dma_start3A_582] : memref<98304xf32, #tpu.memory_space<vmem>> -> memref<98304xf32, #tpu.memory_space<vmem>>
      tpu.enqueue_dma source(%dma_start3A_583 : memref<98304xf32, #tpu.memory_space<vmem>>) target(%dma_start3A_581 : memref<98304xf32, #tpu.memory_space<hbm>>) target_semaphore(%run_scoped3A_573 : memref<!tpu.dma_semaphore, #tpu.memory_space<semaphore_mem>>)
      %dma_wait3A_584 = arith.constant 0 : i32
      %dma_wait3A_585 = tpu.memref_slice %arg9[%dma_wait3A_584] : memref<98304xf32, #tpu.memory_space<vmem>> -> memref<98304xf32, #tpu.memory_space<vmem>>
      %dma_wait3A_586 = tpu.memref_slice %arg5[%mul3A_2] : memref<32000000xf32, #tpu.memory_space<hbm>> -> memref<1000000xf32, #tpu.memory_space<hbm>>
      %dma_wait3A_587 = arith.constant 196608 : i32
      %dma_wait3A_588 = tpu.memref_slice %dma_wait3A_586[%dma_wait3A_587] : memref<1000000xf32, #tpu.memory_space<hbm>> -> memref<98304xf32, #tpu.memory_space<hbm>>
      %dma_wait3A_589 = tpu.memref_slice %arg5[%mul3A_2] : memref<32000000xf32, #tpu.memory_space<hbm>> -> memref<1000000xf32, #tpu.memory_space<hbm>>
      %dma_wait3A_590 = arith.constant 196608 : i32
      %dma_wait3A_591 = tpu.memref_slice %dma_wait3A_589[%dma_wait3A_590] : memref<1000000xf32, #tpu.memory_space<hbm>> -> memref<98304xf32, #tpu.memory_space<hbm>>
      %dma_wait3A_592 = arith.constant 0 : i32
      %dma_wait3A_593 = tpu.memref_slice %arg9[%dma_wait3A_592] : memref<98304xf32, #tpu.memory_space<vmem>> -> memref<98304xf32, #tpu.memory_space<vmem>>
      tpu.wait_dma2 semaphore(%run_scoped3A_573 : memref<!tpu.dma_semaphore, #tpu.memory_space<semaphore_mem>>) src(%dma_wait3A_593 : memref<98304xf32, #tpu.memory_space<vmem>>) dst(%dma_wait3A_591 : memref<98304xf32, #tpu.memory_space<hbm>>)
      tpu.yield
    }) : () -> ()
    "tpu.region"() ({
      %run_scoped3A_573 = tpu.sem_alloc : memref<!tpu.dma_semaphore, #tpu.memory_space<semaphore_mem>>
      %dma_start3A_574 = arith.constant 0 : i32
      %dma_start3A_575 = tpu.memref_slice %arg9[%dma_start3A_574] : memref<98304xf32, #tpu.memory_space<vmem>> -> memref<98304xf32, #tpu.memory_space<vmem>>
      %dma_start3A_576 = arith.constant 0 : i32
      %dma_start3A_577 = tpu.memref_slice %arg2[%add3A, %dma_start3A_576] : memref<32x1000000xf32, #tpu.memory_space<hbm>> -> memref<1x1000000xf32, #tpu.memory_space<hbm>>
      %dma_start3A_578 = tpu.memref_squeeze %dma_start3A_577 : memref<1x1000000xf32, #tpu.memory_space<hbm>> -> memref<1000000xf32, #tpu.memory_space<hbm>>
      %dma_start3A_579 = arith.constant 294912 : i32
      %dma_start3A_580 = tpu.memref_slice %dma_start3A_578[%dma_start3A_579] : memref<1000000xf32, #tpu.memory_space<hbm>> -> memref<98304xf32, #tpu.memory_space<hbm>>
      %dma_start3A_581 = arith.constant 0 : i32
      %dma_start3A_582 = tpu.memref_slice %arg9[%dma_start3A_581] : memref<98304xf32, #tpu.memory_space<vmem>> -> memref<98304xf32, #tpu.memory_space<vmem>>
      %dma_start3A_583 = arith.constant 0 : i32
      %dma_start3A_584 = tpu.memref_slice %arg2[%add3A, %dma_start3A_583] : memref<32x1000000xf32, #tpu.memory_space<hbm>> -> memref<1x1000000xf32, #tpu.memory_space<hbm>>
      %dma_start3A_585 = tpu.memref_squeeze %dma_start3A_584 : memref<1x1000000xf32, #tpu.memory_space<hbm>> -> memref<1000000xf32, #tpu.memory_space<hbm>>
      %dma_start3A_586 = arith.constant 294912 : i32
      %dma_start3A_587 = tpu.memref_slice %dma_start3A_585[%dma_start3A_586] : memref<1000000xf32, #tpu.memory_space<hbm>> -> memref<98304xf32, #tpu.memory_space<hbm>>
      tpu.enqueue_dma source(%dma_start3A_587 : memref<98304xf32, #tpu.memory_space<hbm>>) target(%dma_start3A_582 : memref<98304xf32, #tpu.memory_space<vmem>>) target_semaphore(%run_scoped3A_573 : memref<!tpu.dma_semaphore, #tpu.memory_space<semaphore_mem>>)
      %dma_wait3A_588 = arith.constant 0 : i32
      %dma_wait3A_589 = tpu.memref_slice %arg9[%dma_wait3A_588] : memref<98304xf32, #tpu.memory_space<vmem>> -> memref<98304xf32, #tpu.memory_space<vmem>>
      %dma_wait3A_590 = arith.constant 0 : i32
      %dma_wait3A_591 = tpu.memref_slice %arg2[%add3A, %dma_wait3A_590] : memref<32x1000000xf32, #tpu.memory_space<hbm>> -> memref<1x1000000xf32, #tpu.memory_space<hbm>>
      %dma_wait3A_592 = tpu.memref_squeeze %dma_wait3A_591 : memref<1x1000000xf32, #tpu.memory_space<hbm>> -> memref<1000000xf32, #tpu.memory_space<hbm>>
      %dma_wait3A_593 = arith.constant 294912 : i32
      %dma_wait3A_594 = tpu.memref_slice %dma_wait3A_592[%dma_wait3A_593] : memref<1000000xf32, #tpu.memory_space<hbm>> -> memref<98304xf32, #tpu.memory_space<hbm>>
      %dma_wait3A_595 = arith.constant 0 : i32
      %dma_wait3A_596 = tpu.memref_slice %arg9[%dma_wait3A_595] : memref<98304xf32, #tpu.memory_space<vmem>> -> memref<98304xf32, #tpu.memory_space<vmem>>
      %dma_wait3A_597 = arith.constant 0 : i32
      %dma_wait3A_598 = tpu.memref_slice %arg2[%add3A, %dma_wait3A_597] : memref<32x1000000xf32, #tpu.memory_space<hbm>> -> memref<1x1000000xf32, #tpu.memory_space<hbm>>
      %dma_wait3A_599 = tpu.memref_squeeze %dma_wait3A_598 : memref<1x1000000xf32, #tpu.memory_space<hbm>> -> memref<1000000xf32, #tpu.memory_space<hbm>>
      %dma_wait3A_600 = arith.constant 294912 : i32
      %dma_wait3A_601 = tpu.memref_slice %dma_wait3A_599[%dma_wait3A_600] : memref<1000000xf32, #tpu.memory_space<hbm>> -> memref<98304xf32, #tpu.memory_space<hbm>>
      tpu.wait_dma2 semaphore(%run_scoped3A_573 : memref<!tpu.dma_semaphore, #tpu.memory_space<semaphore_mem>>) src(%dma_wait3A_601 : memref<98304xf32, #tpu.memory_space<hbm>>) dst(%dma_wait3A_596 : memref<98304xf32, #tpu.memory_space<vmem>>)
      tpu.yield
    }) : () -> ()
    "tpu.region"() ({
      %run_scoped3A_573 = tpu.sem_alloc : memref<!tpu.dma_semaphore, #tpu.memory_space<semaphore_mem>>
      %dma_start3A_574 = arith.constant 0 : i32
      %dma_start3A_575 = tpu.memref_slice %arg9[%dma_start3A_574] : memref<98304xf32, #tpu.memory_space<vmem>> -> memref<98304xf32, #tpu.memory_space<vmem>>
      %dma_start3A_576 = tpu.memref_slice %arg5[%mul3A_2] : memref<32000000xf32, #tpu.memory_space<hbm>> -> memref<1000000xf32, #tpu.memory_space<hbm>>
      %dma_start3A_577 = arith.constant 294912 : i32
      %dma_start3A_578 = tpu.memref_slice %dma_start3A_576[%dma_start3A_577] : memref<1000000xf32, #tpu.memory_space<hbm>> -> memref<98304xf32, #tpu.memory_space<hbm>>
      %dma_start3A_579 = tpu.memref_slice %arg5[%mul3A_2] : memref<32000000xf32, #tpu.memory_space<hbm>> -> memref<1000000xf32, #tpu.memory_space<hbm>>
      %dma_start3A_580 = arith.constant 294912 : i32
      %dma_start3A_581 = tpu.memref_slice %dma_start3A_579[%dma_start3A_580] : memref<1000000xf32, #tpu.memory_space<hbm>> -> memref<98304xf32, #tpu.memory_space<hbm>>
      %dma_start3A_582 = arith.constant 0 : i32
      %dma_start3A_583 = tpu.memref_slice %arg9[%dma_start3A_582] : memref<98304xf32, #tpu.memory_space<vmem>> -> memref<98304xf32, #tpu.memory_space<vmem>>
      tpu.enqueue_dma source(%dma_start3A_583 : memref<98304xf32, #tpu.memory_space<vmem>>) target(%dma_start3A_581 : memref<98304xf32, #tpu.memory_space<hbm>>) target_semaphore(%run_scoped3A_573 : memref<!tpu.dma_semaphore, #tpu.memory_space<semaphore_mem>>)
      %dma_wait3A_584 = arith.constant 0 : i32
      %dma_wait3A_585 = tpu.memref_slice %arg9[%dma_wait3A_584] : memref<98304xf32, #tpu.memory_space<vmem>> -> memref<98304xf32, #tpu.memory_space<vmem>>
      %dma_wait3A_586 = tpu.memref_slice %arg5[%mul3A_2] : memref<32000000xf32, #tpu.memory_space<hbm>> -> memref<1000000xf32, #tpu.memory_space<hbm>>
      %dma_wait3A_587 = arith.constant 294912 : i32
      %dma_wait3A_588 = tpu.memref_slice %dma_wait3A_586[%dma_wait3A_587] : memref<1000000xf32, #tpu.memory_space<hbm>> -> memref<98304xf32, #tpu.memory_space<hbm>>
      %dma_wait3A_589 = tpu.memref_slice %arg5[%mul3A_2] : memref<32000000xf32, #tpu.memory_space<hbm>> -> memref<1000000xf32, #tpu.memory_space<hbm>>
      %dma_wait3A_590 = arith.constant 294912 : i32
      %dma_wait3A_591 = tpu.memref_slice %dma_wait3A_589[%dma_wait3A_590] : memref<1000000xf32, #tpu.memory_space<hbm>> -> memref<98304xf32, #tpu.memory_space<hbm>>
      %dma_wait3A_592 = arith.constant 0 : i32
      %dma_wait3A_593 = tpu.memref_slice %arg9[%dma_wait3A_592] : memref<98304xf32, #tpu.memory_space<vmem>> -> memref<98304xf32, #tpu.memory_space<vmem>>
      tpu.wait_dma2 semaphore(%run_scoped3A_573 : memref<!tpu.dma_semaphore, #tpu.memory_space<semaphore_mem>>) src(%dma_wait3A_593 : memref<98304xf32, #tpu.memory_space<vmem>>) dst(%dma_wait3A_591 : memref<98304xf32, #tpu.memory_space<hbm>>)
      tpu.yield
    }) : () -> ()
    "tpu.region"() ({
      %run_scoped3A_573 = tpu.sem_alloc : memref<!tpu.dma_semaphore, #tpu.memory_space<semaphore_mem>>
      %dma_start3A_574 = arith.constant 0 : i32
      %dma_start3A_575 = tpu.memref_slice %arg9[%dma_start3A_574] : memref<98304xf32, #tpu.memory_space<vmem>> -> memref<98304xf32, #tpu.memory_space<vmem>>
      %dma_start3A_576 = arith.constant 0 : i32
      %dma_start3A_577 = tpu.memref_slice %arg2[%add3A, %dma_start3A_576] : memref<32x1000000xf32, #tpu.memory_space<hbm>> -> memref<1x1000000xf32, #tpu.memory_space<hbm>>
      %dma_start3A_578 = tpu.memref_squeeze %dma_start3A_577 : memref<1x1000000xf32, #tpu.memory_space<hbm>> -> memref<1000000xf32, #tpu.memory_space<hbm>>
      %dma_start3A_579 = arith.constant 393216 : i32
      %dma_start3A_580 = tpu.memref_slice %dma_start3A_578[%dma_start3A_579] : memref<1000000xf32, #tpu.memory_space<hbm>> -> memref<98304xf32, #tpu.memory_space<hbm>>
      %dma_start3A_581 = arith.constant 0 : i32
      %dma_start3A_582 = tpu.memref_slice %arg9[%dma_start3A_581] : memref<98304xf32, #tpu.memory_space<vmem>> -> memref<98304xf32, #tpu.memory_space<vmem>>
      %dma_start3A_583 = arith.constant 0 : i32
      %dma_start3A_584 = tpu.memref_slice %arg2[%add3A, %dma_start3A_583] : memref<32x1000000xf32, #tpu.memory_space<hbm>> -> memref<1x1000000xf32, #tpu.memory_space<hbm>>
      %dma_start3A_585 = tpu.memref_squeeze %dma_start3A_584 : memref<1x1000000xf32, #tpu.memory_space<hbm>> -> memref<1000000xf32, #tpu.memory_space<hbm>>
      %dma_start3A_586 = arith.constant 393216 : i32
      %dma_start3A_587 = tpu.memref_slice %dma_start3A_585[%dma_start3A_586] : memref<1000000xf32, #tpu.memory_space<hbm>> -> memref<98304xf32, #tpu.memory_space<hbm>>
      tpu.enqueue_dma source(%dma_start3A_587 : memref<98304xf32, #tpu.memory_space<hbm>>) target(%dma_start3A_582 : memref<98304xf32, #tpu.memory_space<vmem>>) target_semaphore(%run_scoped3A_573 : memref<!tpu.dma_semaphore, #tpu.memory_space<semaphore_mem>>)
      %dma_wait3A_588 = arith.constant 0 : i32
      %dma_wait3A_589 = tpu.memref_slice %arg9[%dma_wait3A_588] : memref<98304xf32, #tpu.memory_space<vmem>> -> memref<98304xf32, #tpu.memory_space<vmem>>
      %dma_wait3A_590 = arith.constant 0 : i32
      %dma_wait3A_591 = tpu.memref_slice %arg2[%add3A, %dma_wait3A_590] : memref<32x1000000xf32, #tpu.memory_space<hbm>> -> memref<1x1000000xf32, #tpu.memory_space<hbm>>
      %dma_wait3A_592 = tpu.memref_squeeze %dma_wait3A_591 : memref<1x1000000xf32, #tpu.memory_space<hbm>> -> memref<1000000xf32, #tpu.memory_space<hbm>>
      %dma_wait3A_593 = arith.constant 393216 : i32
      %dma_wait3A_594 = tpu.memref_slice %dma_wait3A_592[%dma_wait3A_593] : memref<1000000xf32, #tpu.memory_space<hbm>> -> memref<98304xf32, #tpu.memory_space<hbm>>
      %dma_wait3A_595 = arith.constant 0 : i32
      %dma_wait3A_596 = tpu.memref_slice %arg9[%dma_wait3A_595] : memref<98304xf32, #tpu.memory_space<vmem>> -> memref<98304xf32, #tpu.memory_space<vmem>>
      %dma_wait3A_597 = arith.constant 0 : i32
      %dma_wait3A_598 = tpu.memref_slice %arg2[%add3A, %dma_wait3A_597] : memref<32x1000000xf32, #tpu.memory_space<hbm>> -> memref<1x1000000xf32, #tpu.memory_space<hbm>>
      %dma_wait3A_599 = tpu.memref_squeeze %dma_wait3A_598 : memref<1x1000000xf32, #tpu.memory_space<hbm>> -> memref<1000000xf32, #tpu.memory_space<hbm>>
      %dma_wait3A_600 = arith.constant 393216 : i32
      %dma_wait3A_601 = tpu.memref_slice %dma_wait3A_599[%dma_wait3A_600] : memref<1000000xf32, #tpu.memory_space<hbm>> -> memref<98304xf32, #tpu.memory_space<hbm>>
      tpu.wait_dma2 semaphore(%run_scoped3A_573 : memref<!tpu.dma_semaphore, #tpu.memory_space<semaphore_mem>>) src(%dma_wait3A_601 : memref<98304xf32, #tpu.memory_space<hbm>>) dst(%dma_wait3A_596 : memref<98304xf32, #tpu.memory_space<vmem>>)
      tpu.yield
    }) : () -> ()
    "tpu.region"() ({
      %run_scoped3A_573 = tpu.sem_alloc : memref<!tpu.dma_semaphore, #tpu.memory_space<semaphore_mem>>
      %dma_start3A_574 = arith.constant 0 : i32
      %dma_start3A_575 = tpu.memref_slice %arg9[%dma_start3A_574] : memref<98304xf32, #tpu.memory_space<vmem>> -> memref<98304xf32, #tpu.memory_space<vmem>>
      %dma_start3A_576 = tpu.memref_slice %arg5[%mul3A_2] : memref<32000000xf32, #tpu.memory_space<hbm>> -> memref<1000000xf32, #tpu.memory_space<hbm>>
      %dma_start3A_577 = arith.constant 393216 : i32
      %dma_start3A_578 = tpu.memref_slice %dma_start3A_576[%dma_start3A_577] : memref<1000000xf32, #tpu.memory_space<hbm>> -> memref<98304xf32, #tpu.memory_space<hbm>>
      %dma_start3A_579 = tpu.memref_slice %arg5[%mul3A_2] : memref<32000000xf32, #tpu.memory_space<hbm>> -> memref<1000000xf32, #tpu.memory_space<hbm>>
      %dma_start3A_580 = arith.constant 393216 : i32
      %dma_start3A_581 = tpu.memref_slice %dma_start3A_579[%dma_start3A_580] : memref<1000000xf32, #tpu.memory_space<hbm>> -> memref<98304xf32, #tpu.memory_space<hbm>>
      %dma_start3A_582 = arith.constant 0 : i32
      %dma_start3A_583 = tpu.memref_slice %arg9[%dma_start3A_582] : memref<98304xf32, #tpu.memory_space<vmem>> -> memref<98304xf32, #tpu.memory_space<vmem>>
      tpu.enqueue_dma source(%dma_start3A_583 : memref<98304xf32, #tpu.memory_space<vmem>>) target(%dma_start3A_581 : memref<98304xf32, #tpu.memory_space<hbm>>) target_semaphore(%run_scoped3A_573 : memref<!tpu.dma_semaphore, #tpu.memory_space<semaphore_mem>>)
      %dma_wait3A_584 = arith.constant 0 : i32
      %dma_wait3A_585 = tpu.memref_slice %arg9[%dma_wait3A_584] : memref<98304xf32, #tpu.memory_space<vmem>> -> memref<98304xf32, #tpu.memory_space<vmem>>
      %dma_wait3A_586 = tpu.memref_slice %arg5[%mul3A_2] : memref<32000000xf32, #tpu.memory_space<hbm>> -> memref<1000000xf32, #tpu.memory_space<hbm>>
      %dma_wait3A_587 = arith.constant 393216 : i32
      %dma_wait3A_588 = tpu.memref_slice %dma_wait3A_586[%dma_wait3A_587] : memref<1000000xf32, #tpu.memory_space<hbm>> -> memref<98304xf32, #tpu.memory_space<hbm>>
      %dma_wait3A_589 = tpu.memref_slice %arg5[%mul3A_2] : memref<32000000xf32, #tpu.memory_space<hbm>> -> memref<1000000xf32, #tpu.memory_space<hbm>>
      %dma_wait3A_590 = arith.constant 393216 : i32
      %dma_wait3A_591 = tpu.memref_slice %dma_wait3A_589[%dma_wait3A_590] : memref<1000000xf32, #tpu.memory_space<hbm>> -> memref<98304xf32, #tpu.memory_space<hbm>>
      %dma_wait3A_592 = arith.constant 0 : i32
      %dma_wait3A_593 = tpu.memref_slice %arg9[%dma_wait3A_592] : memref<98304xf32, #tpu.memory_space<vmem>> -> memref<98304xf32, #tpu.memory_space<vmem>>
      tpu.wait_dma2 semaphore(%run_scoped3A_573 : memref<!tpu.dma_semaphore, #tpu.memory_space<semaphore_mem>>) src(%dma_wait3A_593 : memref<98304xf32, #tpu.memory_space<vmem>>) dst(%dma_wait3A_591 : memref<98304xf32, #tpu.memory_space<hbm>>)
      tpu.yield
    }) : () -> ()
    "tpu.region"() ({
      %run_scoped3A_573 = tpu.sem_alloc : memref<!tpu.dma_semaphore, #tpu.memory_space<semaphore_mem>>
      %dma_start3A_574 = arith.constant 0 : i32
      %dma_start3A_575 = tpu.memref_slice %arg9[%dma_start3A_574] : memref<98304xf32, #tpu.memory_space<vmem>> -> memref<98304xf32, #tpu.memory_space<vmem>>
      %dma_start3A_576 = arith.constant 0 : i32
      %dma_start3A_577 = tpu.memref_slice %arg2[%add3A, %dma_start3A_576] : memref<32x1000000xf32, #tpu.memory_space<hbm>> -> memref<1x1000000xf32, #tpu.memory_space<hbm>>
      %dma_start3A_578 = tpu.memref_squeeze %dma_start3A_577 : memref<1x1000000xf32, #tpu.memory_space<hbm>> -> memref<1000000xf32, #tpu.memory_space<hbm>>
      %dma_start3A_579 = arith.constant 491520 : i32
      %dma_start3A_580 = tpu.memref_slice %dma_start3A_578[%dma_start3A_579] : memref<1000000xf32, #tpu.memory_space<hbm>> -> memref<98304xf32, #tpu.memory_space<hbm>>
      %dma_start3A_581 = arith.constant 0 : i32
      %dma_start3A_582 = tpu.memref_slice %arg9[%dma_start3A_581] : memref<98304xf32, #tpu.memory_space<vmem>> -> memref<98304xf32, #tpu.memory_space<vmem>>
      %dma_start3A_583 = arith.constant 0 : i32
      %dma_start3A_584 = tpu.memref_slice %arg2[%add3A, %dma_start3A_583] : memref<32x1000000xf32, #tpu.memory_space<hbm>> -> memref<1x1000000xf32, #tpu.memory_space<hbm>>
      %dma_start3A_585 = tpu.memref_squeeze %dma_start3A_584 : memref<1x1000000xf32, #tpu.memory_space<hbm>> -> memref<1000000xf32, #tpu.memory_space<hbm>>
      %dma_start3A_586 = arith.constant 491520 : i32
      %dma_start3A_587 = tpu.memref_slice %dma_start3A_585[%dma_start3A_586] : memref<1000000xf32, #tpu.memory_space<hbm>> -> memref<98304xf32, #tpu.memory_space<hbm>>
      tpu.enqueue_dma source(%dma_start3A_587 : memref<98304xf32, #tpu.memory_space<hbm>>) target(%dma_start3A_582 : memref<98304xf32, #tpu.memory_space<vmem>>) target_semaphore(%run_scoped3A_573 : memref<!tpu.dma_semaphore, #tpu.memory_space<semaphore_mem>>)
      %dma_wait3A_588 = arith.constant 0 : i32
      %dma_wait3A_589 = tpu.memref_slice %arg9[%dma_wait3A_588] : memref<98304xf32, #tpu.memory_space<vmem>> -> memref<98304xf32, #tpu.memory_space<vmem>>
      %dma_wait3A_590 = arith.constant 0 : i32
      %dma_wait3A_591 = tpu.memref_slice %arg2[%add3A, %dma_wait3A_590] : memref<32x1000000xf32, #tpu.memory_space<hbm>> -> memref<1x1000000xf32, #tpu.memory_space<hbm>>
      %dma_wait3A_592 = tpu.memref_squeeze %dma_wait3A_591 : memref<1x1000000xf32, #tpu.memory_space<hbm>> -> memref<1000000xf32, #tpu.memory_space<hbm>>
      %dma_wait3A_593 = arith.constant 491520 : i32
      %dma_wait3A_594 = tpu.memref_slice %dma_wait3A_592[%dma_wait3A_593] : memref<1000000xf32, #tpu.memory_space<hbm>> -> memref<98304xf32, #tpu.memory_space<hbm>>
      %dma_wait3A_595 = arith.constant 0 : i32
      %dma_wait3A_596 = tpu.memref_slice %arg9[%dma_wait3A_595] : memref<98304xf32, #tpu.memory_space<vmem>> -> memref<98304xf32, #tpu.memory_space<vmem>>
      %dma_wait3A_597 = arith.constant 0 : i32
      %dma_wait3A_598 = tpu.memref_slice %arg2[%add3A, %dma_wait3A_597] : memref<32x1000000xf32, #tpu.memory_space<hbm>> -> memref<1x1000000xf32, #tpu.memory_space<hbm>>
      %dma_wait3A_599 = tpu.memref_squeeze %dma_wait3A_598 : memref<1x1000000xf32, #tpu.memory_space<hbm>> -> memref<1000000xf32, #tpu.memory_space<hbm>>
      %dma_wait3A_600 = arith.constant 491520 : i32
      %dma_wait3A_601 = tpu.memref_slice %dma_wait3A_599[%dma_wait3A_600] : memref<1000000xf32, #tpu.memory_space<hbm>> -> memref<98304xf32, #tpu.memory_space<hbm>>
      tpu.wait_dma2 semaphore(%run_scoped3A_573 : memref<!tpu.dma_semaphore, #tpu.memory_space<semaphore_mem>>) src(%dma_wait3A_601 : memref<98304xf32, #tpu.memory_space<hbm>>) dst(%dma_wait3A_596 : memref<98304xf32, #tpu.memory_space<vmem>>)
      tpu.yield
    }) : () -> ()
    "tpu.region"() ({
      %run_scoped3A_573 = tpu.sem_alloc : memref<!tpu.dma_semaphore, #tpu.memory_space<semaphore_mem>>
      %dma_start3A_574 = arith.constant 0 : i32
      %dma_start3A_575 = tpu.memref_slice %arg9[%dma_start3A_574] : memref<98304xf32, #tpu.memory_space<vmem>> -> memref<98304xf32, #tpu.memory_space<vmem>>
      %dma_start3A_576 = tpu.memref_slice %arg5[%mul3A_2] : memref<32000000xf32, #tpu.memory_space<hbm>> -> memref<1000000xf32, #tpu.memory_space<hbm>>
      %dma_start3A_577 = arith.constant 491520 : i32
      %dma_start3A_578 = tpu.memref_slice %dma_start3A_576[%dma_start3A_577] : memref<1000000xf32, #tpu.memory_space<hbm>> -> memref<98304xf32, #tpu.memory_space<hbm>>
      %dma_start3A_579 = tpu.memref_slice %arg5[%mul3A_2] : memref<32000000xf32, #tpu.memory_space<hbm>> -> memref<1000000xf32, #tpu.memory_space<hbm>>
      %dma_start3A_580 = arith.constant 491520 : i32
      %dma_start3A_581 = tpu.memref_slice %dma_start3A_579[%dma_start3A_580] : memref<1000000xf32, #tpu.memory_space<hbm>> -> memref<98304xf32, #tpu.memory_space<hbm>>
      %dma_start3A_582 = arith.constant 0 : i32
      %dma_start3A_583 = tpu.memref_slice %arg9[%dma_start3A_582] : memref<98304xf32, #tpu.memory_space<vmem>> -> memref<98304xf32, #tpu.memory_space<vmem>>
      tpu.enqueue_dma source(%dma_start3A_583 : memref<98304xf32, #tpu.memory_space<vmem>>) target(%dma_start3A_581 : memref<98304xf32, #tpu.memory_space<hbm>>) target_semaphore(%run_scoped3A_573 : memref<!tpu.dma_semaphore, #tpu.memory_space<semaphore_mem>>)
      %dma_wait3A_584 = arith.constant 0 : i32
      %dma_wait3A_585 = tpu.memref_slice %arg9[%dma_wait3A_584] : memref<98304xf32, #tpu.memory_space<vmem>> -> memref<98304xf32, #tpu.memory_space<vmem>>
      %dma_wait3A_586 = tpu.memref_slice %arg5[%mul3A_2] : memref<32000000xf32, #tpu.memory_space<hbm>> -> memref<1000000xf32, #tpu.memory_space<hbm>>
      %dma_wait3A_587 = arith.constant 491520 : i32
      %dma_wait3A_588 = tpu.memref_slice %dma_wait3A_586[%dma_wait3A_587] : memref<1000000xf32, #tpu.memory_space<hbm>> -> memref<98304xf32, #tpu.memory_space<hbm>>
      %dma_wait3A_589 = tpu.memref_slice %arg5[%mul3A_2] : memref<32000000xf32, #tpu.memory_space<hbm>> -> memref<1000000xf32, #tpu.memory_space<hbm>>
      %dma_wait3A_590 = arith.constant 491520 : i32
      %dma_wait3A_591 = tpu.memref_slice %dma_wait3A_589[%dma_wait3A_590] : memref<1000000xf32, #tpu.memory_space<hbm>> -> memref<98304xf32, #tpu.memory_space<hbm>>
      %dma_wait3A_592 = arith.constant 0 : i32
      %dma_wait3A_593 = tpu.memref_slice %arg9[%dma_wait3A_592] : memref<98304xf32, #tpu.memory_space<vmem>> -> memref<98304xf32, #tpu.memory_space<vmem>>
      tpu.wait_dma2 semaphore(%run_scoped3A_573 : memref<!tpu.dma_semaphore, #tpu.memory_space<semaphore_mem>>) src(%dma_wait3A_593 : memref<98304xf32, #tpu.memory_space<vmem>>) dst(%dma_wait3A_591 : memref<98304xf32, #tpu.memory_space<hbm>>)
      tpu.yield
    }) : () -> ()
    "tpu.region"() ({
      %run_scoped3A_573 = tpu.sem_alloc : memref<!tpu.dma_semaphore, #tpu.memory_space<semaphore_mem>>
      %dma_start3A_574 = arith.constant 0 : i32
      %dma_start3A_575 = tpu.memref_slice %arg9[%dma_start3A_574] : memref<98304xf32, #tpu.memory_space<vmem>> -> memref<98304xf32, #tpu.memory_space<vmem>>
      %dma_start3A_576 = arith.constant 0 : i32
      %dma_start3A_577 = tpu.memref_slice %arg2[%add3A, %dma_start3A_576] : memref<32x1000000xf32, #tpu.memory_space<hbm>> -> memref<1x1000000xf32, #tpu.memory_space<hbm>>
      %dma_start3A_578 = tpu.memref_squeeze %dma_start3A_577 : memref<1x1000000xf32, #tpu.memory_space<hbm>> -> memref<1000000xf32, #tpu.memory_space<hbm>>
      %dma_start3A_579 = arith.constant 589824 : i32
      %dma_start3A_580 = tpu.memref_slice %dma_start3A_578[%dma_start3A_579] : memref<1000000xf32, #tpu.memory_space<hbm>> -> memref<98304xf32, #tpu.memory_space<hbm>>
      %dma_start3A_581 = arith.constant 0 : i32
      %dma_start3A_582 = tpu.memref_slice %arg9[%dma_start3A_581] : memref<98304xf32, #tpu.memory_space<vmem>> -> memref<98304xf32, #tpu.memory_space<vmem>>
      %dma_start3A_583 = arith.constant 0 : i32
      %dma_start3A_584 = tpu.memref_slice %arg2[%add3A, %dma_start3A_583] : memref<32x1000000xf32, #tpu.memory_space<hbm>> -> memref<1x1000000xf32, #tpu.memory_space<hbm>>
      %dma_start3A_585 = tpu.memref_squeeze %dma_start3A_584 : memref<1x1000000xf32, #tpu.memory_space<hbm>> -> memref<1000000xf32, #tpu.memory_space<hbm>>
      %dma_start3A_586 = arith.constant 589824 : i32
      %dma_start3A_587 = tpu.memref_slice %dma_start3A_585[%dma_start3A_586] : memref<1000000xf32, #tpu.memory_space<hbm>> -> memref<98304xf32, #tpu.memory_space<hbm>>
      tpu.enqueue_dma source(%dma_start3A_587 : memref<98304xf32, #tpu.memory_space<hbm>>) target(%dma_start3A_582 : memref<98304xf32, #tpu.memory_space<vmem>>) target_semaphore(%run_scoped3A_573 : memref<!tpu.dma_semaphore, #tpu.memory_space<semaphore_mem>>)
      %dma_wait3A_588 = arith.constant 0 : i32
      %dma_wait3A_589 = tpu.memref_slice %arg9[%dma_wait3A_588] : memref<98304xf32, #tpu.memory_space<vmem>> -> memref<98304xf32, #tpu.memory_space<vmem>>
      %dma_wait3A_590 = arith.constant 0 : i32
      %dma_wait3A_591 = tpu.memref_slice %arg2[%add3A, %dma_wait3A_590] : memref<32x1000000xf32, #tpu.memory_space<hbm>> -> memref<1x1000000xf32, #tpu.memory_space<hbm>>
      %dma_wait3A_592 = tpu.memref_squeeze %dma_wait3A_591 : memref<1x1000000xf32, #tpu.memory_space<hbm>> -> memref<1000000xf32, #tpu.memory_space<hbm>>
      %dma_wait3A_593 = arith.constant 589824 : i32
      %dma_wait3A_594 = tpu.memref_slice %dma_wait3A_592[%dma_wait3A_593] : memref<1000000xf32, #tpu.memory_space<hbm>> -> memref<98304xf32, #tpu.memory_space<hbm>>
      %dma_wait3A_595 = arith.constant 0 : i32
      %dma_wait3A_596 = tpu.memref_slice %arg9[%dma_wait3A_595] : memref<98304xf32, #tpu.memory_space<vmem>> -> memref<98304xf32, #tpu.memory_space<vmem>>
      %dma_wait3A_597 = arith.constant 0 : i32
      %dma_wait3A_598 = tpu.memref_slice %arg2[%add3A, %dma_wait3A_597] : memref<32x1000000xf32, #tpu.memory_space<hbm>> -> memref<1x1000000xf32, #tpu.memory_space<hbm>>
      %dma_wait3A_599 = tpu.memref_squeeze %dma_wait3A_598 : memref<1x1000000xf32, #tpu.memory_space<hbm>> -> memref<1000000xf32, #tpu.memory_space<hbm>>
      %dma_wait3A_600 = arith.constant 589824 : i32
      %dma_wait3A_601 = tpu.memref_slice %dma_wait3A_599[%dma_wait3A_600] : memref<1000000xf32, #tpu.memory_space<hbm>> -> memref<98304xf32, #tpu.memory_space<hbm>>
      tpu.wait_dma2 semaphore(%run_scoped3A_573 : memref<!tpu.dma_semaphore, #tpu.memory_space<semaphore_mem>>) src(%dma_wait3A_601 : memref<98304xf32, #tpu.memory_space<hbm>>) dst(%dma_wait3A_596 : memref<98304xf32, #tpu.memory_space<vmem>>)
      tpu.yield
    }) : () -> ()
    "tpu.region"() ({
      %run_scoped3A_573 = tpu.sem_alloc : memref<!tpu.dma_semaphore, #tpu.memory_space<semaphore_mem>>
      %dma_start3A_574 = arith.constant 0 : i32
      %dma_start3A_575 = tpu.memref_slice %arg9[%dma_start3A_574] : memref<98304xf32, #tpu.memory_space<vmem>> -> memref<98304xf32, #tpu.memory_space<vmem>>
      %dma_start3A_576 = tpu.memref_slice %arg5[%mul3A_2] : memref<32000000xf32, #tpu.memory_space<hbm>> -> memref<1000000xf32, #tpu.memory_space<hbm>>
      %dma_start3A_577 = arith.constant 589824 : i32
      %dma_start3A_578 = tpu.memref_slice %dma_start3A_576[%dma_start3A_577] : memref<1000000xf32, #tpu.memory_space<hbm>> -> memref<98304xf32, #tpu.memory_space<hbm>>
      %dma_start3A_579 = tpu.memref_slice %arg5[%mul3A_2] : memref<32000000xf32, #tpu.memory_space<hbm>> -> memref<1000000xf32, #tpu.memory_space<hbm>>
      %dma_start3A_580 = arith.constant 589824 : i32
      %dma_start3A_581 = tpu.memref_slice %dma_start3A_579[%dma_start3A_580] : memref<1000000xf32, #tpu.memory_space<hbm>> -> memref<98304xf32, #tpu.memory_space<hbm>>
      %dma_start3A_582 = arith.constant 0 : i32
      %dma_start3A_583 = tpu.memref_slice %arg9[%dma_start3A_582] : memref<98304xf32, #tpu.memory_space<vmem>> -> memref<98304xf32, #tpu.memory_space<vmem>>
      tpu.enqueue_dma source(%dma_start3A_583 : memref<98304xf32, #tpu.memory_space<vmem>>) target(%dma_start3A_581 : memref<98304xf32, #tpu.memory_space<hbm>>) target_semaphore(%run_scoped3A_573 : memref<!tpu.dma_semaphore, #tpu.memory_space<semaphore_mem>>)
      %dma_wait3A_584 = arith.constant 0 : i32
      %dma_wait3A_585 = tpu.memref_slice %arg9[%dma_wait3A_584] : memref<98304xf32, #tpu.memory_space<vmem>> -> memref<98304xf32, #tpu.memory_space<vmem>>
      %dma_wait3A_586 = tpu.memref_slice %arg5[%mul3A_2] : memref<32000000xf32, #tpu.memory_space<hbm>> -> memref<1000000xf32, #tpu.memory_space<hbm>>
      %dma_wait3A_587 = arith.constant 589824 : i32
      %dma_wait3A_588 = tpu.memref_slice %dma_wait3A_586[%dma_wait3A_587] : memref<1000000xf32, #tpu.memory_space<hbm>> -> memref<98304xf32, #tpu.memory_space<hbm>>
      %dma_wait3A_589 = tpu.memref_slice %arg5[%mul3A_2] : memref<32000000xf32, #tpu.memory_space<hbm>> -> memref<1000000xf32, #tpu.memory_space<hbm>>
      %dma_wait3A_590 = arith.constant 589824 : i32
      %dma_wait3A_591 = tpu.memref_slice %dma_wait3A_589[%dma_wait3A_590] : memref<1000000xf32, #tpu.memory_space<hbm>> -> memref<98304xf32, #tpu.memory_space<hbm>>
      %dma_wait3A_592 = arith.constant 0 : i32
      %dma_wait3A_593 = tpu.memref_slice %arg9[%dma_wait3A_592] : memref<98304xf32, #tpu.memory_space<vmem>> -> memref<98304xf32, #tpu.memory_space<vmem>>
      tpu.wait_dma2 semaphore(%run_scoped3A_573 : memref<!tpu.dma_semaphore, #tpu.memory_space<semaphore_mem>>) src(%dma_wait3A_593 : memref<98304xf32, #tpu.memory_space<vmem>>) dst(%dma_wait3A_591 : memref<98304xf32, #tpu.memory_space<hbm>>)
      tpu.yield
    }) : () -> ()
    "tpu.region"() ({
      %run_scoped3A_573 = tpu.sem_alloc : memref<!tpu.dma_semaphore, #tpu.memory_space<semaphore_mem>>
      %dma_start3A_574 = arith.constant 0 : i32
      %dma_start3A_575 = tpu.memref_slice %arg9[%dma_start3A_574] : memref<98304xf32, #tpu.memory_space<vmem>> -> memref<98304xf32, #tpu.memory_space<vmem>>
      %dma_start3A_576 = arith.constant 0 : i32
      %dma_start3A_577 = tpu.memref_slice %arg2[%add3A, %dma_start3A_576] : memref<32x1000000xf32, #tpu.memory_space<hbm>> -> memref<1x1000000xf32, #tpu.memory_space<hbm>>
      %dma_start3A_578 = tpu.memref_squeeze %dma_start3A_577 : memref<1x1000000xf32, #tpu.memory_space<hbm>> -> memref<1000000xf32, #tpu.memory_space<hbm>>
      %dma_start3A_579 = arith.constant 688128 : i32
      %dma_start3A_580 = tpu.memref_slice %dma_start3A_578[%dma_start3A_579] : memref<1000000xf32, #tpu.memory_space<hbm>> -> memref<98304xf32, #tpu.memory_space<hbm>>
      %dma_start3A_581 = arith.constant 0 : i32
      %dma_start3A_582 = tpu.memref_slice %arg9[%dma_start3A_581] : memref<98304xf32, #tpu.memory_space<vmem>> -> memref<98304xf32, #tpu.memory_space<vmem>>
      %dma_start3A_583 = arith.constant 0 : i32
      %dma_start3A_584 = tpu.memref_slice %arg2[%add3A, %dma_start3A_583] : memref<32x1000000xf32, #tpu.memory_space<hbm>> -> memref<1x1000000xf32, #tpu.memory_space<hbm>>
      %dma_start3A_585 = tpu.memref_squeeze %dma_start3A_584 : memref<1x1000000xf32, #tpu.memory_space<hbm>> -> memref<1000000xf32, #tpu.memory_space<hbm>>
      %dma_start3A_586 = arith.constant 688128 : i32
      %dma_start3A_587 = tpu.memref_slice %dma_start3A_585[%dma_start3A_586] : memref<1000000xf32, #tpu.memory_space<hbm>> -> memref<98304xf32, #tpu.memory_space<hbm>>
      tpu.enqueue_dma source(%dma_start3A_587 : memref<98304xf32, #tpu.memory_space<hbm>>) target(%dma_start3A_582 : memref<98304xf32, #tpu.memory_space<vmem>>) target_semaphore(%run_scoped3A_573 : memref<!tpu.dma_semaphore, #tpu.memory_space<semaphore_mem>>)
      %dma_wait3A_588 = arith.constant 0 : i32
      %dma_wait3A_589 = tpu.memref_slice %arg9[%dma_wait3A_588] : memref<98304xf32, #tpu.memory_space<vmem>> -> memref<98304xf32, #tpu.memory_space<vmem>>
      %dma_wait3A_590 = arith.constant 0 : i32
      %dma_wait3A_591 = tpu.memref_slice %arg2[%add3A, %dma_wait3A_590] : memref<32x1000000xf32, #tpu.memory_space<hbm>> -> memref<1x1000000xf32, #tpu.memory_space<hbm>>
      %dma_wait3A_592 = tpu.memref_squeeze %dma_wait3A_591 : memref<1x1000000xf32, #tpu.memory_space<hbm>> -> memref<1000000xf32, #tpu.memory_space<hbm>>
      %dma_wait3A_593 = arith.constant 688128 : i32
      %dma_wait3A_594 = tpu.memref_slice %dma_wait3A_592[%dma_wait3A_593] : memref<1000000xf32, #tpu.memory_space<hbm>> -> memref<98304xf32, #tpu.memory_space<hbm>>
      %dma_wait3A_595 = arith.constant 0 : i32
      %dma_wait3A_596 = tpu.memref_slice %arg9[%dma_wait3A_595] : memref<98304xf32, #tpu.memory_space<vmem>> -> memref<98304xf32, #tpu.memory_space<vmem>>
      %dma_wait3A_597 = arith.constant 0 : i32
      %dma_wait3A_598 = tpu.memref_slice %arg2[%add3A, %dma_wait3A_597] : memref<32x1000000xf32, #tpu.memory_space<hbm>> -> memref<1x1000000xf32, #tpu.memory_space<hbm>>
      %dma_wait3A_599 = tpu.memref_squeeze %dma_wait3A_598 : memref<1x1000000xf32, #tpu.memory_space<hbm>> -> memref<1000000xf32, #tpu.memory_space<hbm>>
      %dma_wait3A_600 = arith.constant 688128 : i32
      %dma_wait3A_601 = tpu.memref_slice %dma_wait3A_599[%dma_wait3A_600] : memref<1000000xf32, #tpu.memory_space<hbm>> -> memref<98304xf32, #tpu.memory_space<hbm>>
      tpu.wait_dma2 semaphore(%run_scoped3A_573 : memref<!tpu.dma_semaphore, #tpu.memory_space<semaphore_mem>>) src(%dma_wait3A_601 : memref<98304xf32, #tpu.memory_space<hbm>>) dst(%dma_wait3A_596 : memref<98304xf32, #tpu.memory_space<vmem>>)
      tpu.yield
    }) : () -> ()
    "tpu.region"() ({
      %run_scoped3A_573 = tpu.sem_alloc : memref<!tpu.dma_semaphore, #tpu.memory_space<semaphore_mem>>
      %dma_start3A_574 = arith.constant 0 : i32
      %dma_start3A_575 = tpu.memref_slice %arg9[%dma_start3A_574] : memref<98304xf32, #tpu.memory_space<vmem>> -> memref<98304xf32, #tpu.memory_space<vmem>>
      %dma_start3A_576 = tpu.memref_slice %arg5[%mul3A_2] : memref<32000000xf32, #tpu.memory_space<hbm>> -> memref<1000000xf32, #tpu.memory_space<hbm>>
      %dma_start3A_577 = arith.constant 688128 : i32
      %dma_start3A_578 = tpu.memref_slice %dma_start3A_576[%dma_start3A_577] : memref<1000000xf32, #tpu.memory_space<hbm>> -> memref<98304xf32, #tpu.memory_space<hbm>>
      %dma_start3A_579 = tpu.memref_slice %arg5[%mul3A_2] : memref<32000000xf32, #tpu.memory_space<hbm>> -> memref<1000000xf32, #tpu.memory_space<hbm>>
      %dma_start3A_580 = arith.constant 688128 : i32
      %dma_start3A_581 = tpu.memref_slice %dma_start3A_579[%dma_start3A_580] : memref<1000000xf32, #tpu.memory_space<hbm>> -> memref<98304xf32, #tpu.memory_space<hbm>>
      %dma_start3A_582 = arith.constant 0 : i32
      %dma_start3A_583 = tpu.memref_slice %arg9[%dma_start3A_582] : memref<98304xf32, #tpu.memory_space<vmem>> -> memref<98304xf32, #tpu.memory_space<vmem>>
      tpu.enqueue_dma source(%dma_start3A_583 : memref<98304xf32, #tpu.memory_space<vmem>>) target(%dma_start3A_581 : memref<98304xf32, #tpu.memory_space<hbm>>) target_semaphore(%run_scoped3A_573 : memref<!tpu.dma_semaphore, #tpu.memory_space<semaphore_mem>>)
      %dma_wait3A_584 = arith.constant 0 : i32
      %dma_wait3A_585 = tpu.memref_slice %arg9[%dma_wait3A_584] : memref<98304xf32, #tpu.memory_space<vmem>> -> memref<98304xf32, #tpu.memory_space<vmem>>
      %dma_wait3A_586 = tpu.memref_slice %arg5[%mul3A_2] : memref<32000000xf32, #tpu.memory_space<hbm>> -> memref<1000000xf32, #tpu.memory_space<hbm>>
      %dma_wait3A_587 = arith.constant 688128 : i32
      %dma_wait3A_588 = tpu.memref_slice %dma_wait3A_586[%dma_wait3A_587] : memref<1000000xf32, #tpu.memory_space<hbm>> -> memref<98304xf32, #tpu.memory_space<hbm>>
      %dma_wait3A_589 = tpu.memref_slice %arg5[%mul3A_2] : memref<32000000xf32, #tpu.memory_space<hbm>> -> memref<1000000xf32, #tpu.memory_space<hbm>>
      %dma_wait3A_590 = arith.constant 688128 : i32
      %dma_wait3A_591 = tpu.memref_slice %dma_wait3A_589[%dma_wait3A_590] : memref<1000000xf32, #tpu.memory_space<hbm>> -> memref<98304xf32, #tpu.memory_space<hbm>>
      %dma_wait3A_592 = arith.constant 0 : i32
      %dma_wait3A_593 = tpu.memref_slice %arg9[%dma_wait3A_592] : memref<98304xf32, #tpu.memory_space<vmem>> -> memref<98304xf32, #tpu.memory_space<vmem>>
      tpu.wait_dma2 semaphore(%run_scoped3A_573 : memref<!tpu.dma_semaphore, #tpu.memory_space<semaphore_mem>>) src(%dma_wait3A_593 : memref<98304xf32, #tpu.memory_space<vmem>>) dst(%dma_wait3A_591 : memref<98304xf32, #tpu.memory_space<hbm>>)
      tpu.yield
    }) : () -> ()
    "tpu.region"() ({
      %run_scoped3A_573 = tpu.sem_alloc : memref<!tpu.dma_semaphore, #tpu.memory_space<semaphore_mem>>
      %dma_start3A_574 = arith.constant 0 : i32
      %dma_start3A_575 = tpu.memref_slice %arg9[%dma_start3A_574] : memref<98304xf32, #tpu.memory_space<vmem>> -> memref<98304xf32, #tpu.memory_space<vmem>>
      %dma_start3A_576 = arith.constant 0 : i32
      %dma_start3A_577 = tpu.memref_slice %arg2[%add3A, %dma_start3A_576] : memref<32x1000000xf32, #tpu.memory_space<hbm>> -> memref<1x1000000xf32, #tpu.memory_space<hbm>>
      %dma_start3A_578 = tpu.memref_squeeze %dma_start3A_577 : memref<1x1000000xf32, #tpu.memory_space<hbm>> -> memref<1000000xf32, #tpu.memory_space<hbm>>
      %dma_start3A_579 = arith.constant 786432 : i32
      %dma_start3A_580 = tpu.memref_slice %dma_start3A_578[%dma_start3A_579] : memref<1000000xf32, #tpu.memory_space<hbm>> -> memref<98304xf32, #tpu.memory_space<hbm>>
      %dma_start3A_581 = arith.constant 0 : i32
      %dma_start3A_582 = tpu.memref_slice %arg9[%dma_start3A_581] : memref<98304xf32, #tpu.memory_space<vmem>> -> memref<98304xf32, #tpu.memory_space<vmem>>
      %dma_start3A_583 = arith.constant 0 : i32
      %dma_start3A_584 = tpu.memref_slice %arg2[%add3A, %dma_start3A_583] : memref<32x1000000xf32, #tpu.memory_space<hbm>> -> memref<1x1000000xf32, #tpu.memory_space<hbm>>
      %dma_start3A_585 = tpu.memref_squeeze %dma_start3A_584 : memref<1x1000000xf32, #tpu.memory_space<hbm>> -> memref<1000000xf32, #tpu.memory_space<hbm>>
      %dma_start3A_586 = arith.constant 786432 : i32
      %dma_start3A_587 = tpu.memref_slice %dma_start3A_585[%dma_start3A_586] : memref<1000000xf32, #tpu.memory_space<hbm>> -> memref<98304xf32, #tpu.memory_space<hbm>>
      tpu.enqueue_dma source(%dma_start3A_587 : memref<98304xf32, #tpu.memory_space<hbm>>) target(%dma_start3A_582 : memref<98304xf32, #tpu.memory_space<vmem>>) target_semaphore(%run_scoped3A_573 : memref<!tpu.dma_semaphore, #tpu.memory_space<semaphore_mem>>)
      %dma_wait3A_588 = arith.constant 0 : i32
      %dma_wait3A_589 = tpu.memref_slice %arg9[%dma_wait3A_588] : memref<98304xf32, #tpu.memory_space<vmem>> -> memref<98304xf32, #tpu.memory_space<vmem>>
      %dma_wait3A_590 = arith.constant 0 : i32
      %dma_wait3A_591 = tpu.memref_slice %arg2[%add3A, %dma_wait3A_590] : memref<32x1000000xf32, #tpu.memory_space<hbm>> -> memref<1x1000000xf32, #tpu.memory_space<hbm>>
      %dma_wait3A_592 = tpu.memref_squeeze %dma_wait3A_591 : memref<1x1000000xf32, #tpu.memory_space<hbm>> -> memref<1000000xf32, #tpu.memory_space<hbm>>
      %dma_wait3A_593 = arith.constant 786432 : i32
      %dma_wait3A_594 = tpu.memref_slice %dma_wait3A_592[%dma_wait3A_593] : memref<1000000xf32, #tpu.memory_space<hbm>> -> memref<98304xf32, #tpu.memory_space<hbm>>
      %dma_wait3A_595 = arith.constant 0 : i32
      %dma_wait3A_596 = tpu.memref_slice %arg9[%dma_wait3A_595] : memref<98304xf32, #tpu.memory_space<vmem>> -> memref<98304xf32, #tpu.memory_space<vmem>>
      %dma_wait3A_597 = arith.constant 0 : i32
      %dma_wait3A_598 = tpu.memref_slice %arg2[%add3A, %dma_wait3A_597] : memref<32x1000000xf32, #tpu.memory_space<hbm>> -> memref<1x1000000xf32, #tpu.memory_space<hbm>>
      %dma_wait3A_599 = tpu.memref_squeeze %dma_wait3A_598 : memref<1x1000000xf32, #tpu.memory_space<hbm>> -> memref<1000000xf32, #tpu.memory_space<hbm>>
      %dma_wait3A_600 = arith.constant 786432 : i32
      %dma_wait3A_601 = tpu.memref_slice %dma_wait3A_599[%dma_wait3A_600] : memref<1000000xf32, #tpu.memory_space<hbm>> -> memref<98304xf32, #tpu.memory_space<hbm>>
      tpu.wait_dma2 semaphore(%run_scoped3A_573 : memref<!tpu.dma_semaphore, #tpu.memory_space<semaphore_mem>>) src(%dma_wait3A_601 : memref<98304xf32, #tpu.memory_space<hbm>>) dst(%dma_wait3A_596 : memref<98304xf32, #tpu.memory_space<vmem>>)
      tpu.yield
    }) : () -> ()
    "tpu.region"() ({
      %run_scoped3A_573 = tpu.sem_alloc : memref<!tpu.dma_semaphore, #tpu.memory_space<semaphore_mem>>
      %dma_start3A_574 = arith.constant 0 : i32
      %dma_start3A_575 = tpu.memref_slice %arg9[%dma_start3A_574] : memref<98304xf32, #tpu.memory_space<vmem>> -> memref<98304xf32, #tpu.memory_space<vmem>>
      %dma_start3A_576 = tpu.memref_slice %arg5[%mul3A_2] : memref<32000000xf32, #tpu.memory_space<hbm>> -> memref<1000000xf32, #tpu.memory_space<hbm>>
      %dma_start3A_577 = arith.constant 786432 : i32
      %dma_start3A_578 = tpu.memref_slice %dma_start3A_576[%dma_start3A_577] : memref<1000000xf32, #tpu.memory_space<hbm>> -> memref<98304xf32, #tpu.memory_space<hbm>>
      %dma_start3A_579 = tpu.memref_slice %arg5[%mul3A_2] : memref<32000000xf32, #tpu.memory_space<hbm>> -> memref<1000000xf32, #tpu.memory_space<hbm>>
      %dma_start3A_580 = arith.constant 786432 : i32
      %dma_start3A_581 = tpu.memref_slice %dma_start3A_579[%dma_start3A_580] : memref<1000000xf32, #tpu.memory_space<hbm>> -> memref<98304xf32, #tpu.memory_space<hbm>>
      %dma_start3A_582 = arith.constant 0 : i32
      %dma_start3A_583 = tpu.memref_slice %arg9[%dma_start3A_582] : memref<98304xf32, #tpu.memory_space<vmem>> -> memref<98304xf32, #tpu.memory_space<vmem>>
      tpu.enqueue_dma source(%dma_start3A_583 : memref<98304xf32, #tpu.memory_space<vmem>>) target(%dma_start3A_581 : memref<98304xf32, #tpu.memory_space<hbm>>) target_semaphore(%run_scoped3A_573 : memref<!tpu.dma_semaphore, #tpu.memory_space<semaphore_mem>>)
      %dma_wait3A_584 = arith.constant 0 : i32
      %dma_wait3A_585 = tpu.memref_slice %arg9[%dma_wait3A_584] : memref<98304xf32, #tpu.memory_space<vmem>> -> memref<98304xf32, #tpu.memory_space<vmem>>
      %dma_wait3A_586 = tpu.memref_slice %arg5[%mul3A_2] : memref<32000000xf32, #tpu.memory_space<hbm>> -> memref<1000000xf32, #tpu.memory_space<hbm>>
      %dma_wait3A_587 = arith.constant 786432 : i32
      %dma_wait3A_588 = tpu.memref_slice %dma_wait3A_586[%dma_wait3A_587] : memref<1000000xf32, #tpu.memory_space<hbm>> -> memref<98304xf32, #tpu.memory_space<hbm>>
      %dma_wait3A_589 = tpu.memref_slice %arg5[%mul3A_2] : memref<32000000xf32, #tpu.memory_space<hbm>> -> memref<1000000xf32, #tpu.memory_space<hbm>>
      %dma_wait3A_590 = arith.constant 786432 : i32
      %dma_wait3A_591 = tpu.memref_slice %dma_wait3A_589[%dma_wait3A_590] : memref<1000000xf32, #tpu.memory_space<hbm>> -> memref<98304xf32, #tpu.memory_space<hbm>>
      %dma_wait3A_592 = arith.constant 0 : i32
      %dma_wait3A_593 = tpu.memref_slice %arg9[%dma_wait3A_592] : memref<98304xf32, #tpu.memory_space<vmem>> -> memref<98304xf32, #tpu.memory_space<vmem>>
      tpu.wait_dma2 semaphore(%run_scoped3A_573 : memref<!tpu.dma_semaphore, #tpu.memory_space<semaphore_mem>>) src(%dma_wait3A_593 : memref<98304xf32, #tpu.memory_space<vmem>>) dst(%dma_wait3A_591 : memref<98304xf32, #tpu.memory_space<hbm>>)
      tpu.yield
    }) : () -> ()
    "tpu.region"() ({
      %run_scoped3A_573 = tpu.sem_alloc : memref<!tpu.dma_semaphore, #tpu.memory_space<semaphore_mem>>
      %dma_start3A_574 = arith.constant 0 : i32
      %dma_start3A_575 = tpu.memref_slice %arg9[%dma_start3A_574] : memref<98304xf32, #tpu.memory_space<vmem>> -> memref<98304xf32, #tpu.memory_space<vmem>>
      %dma_start3A_576 = arith.constant 0 : i32
      %dma_start3A_577 = tpu.memref_slice %arg2[%add3A, %dma_start3A_576] : memref<32x1000000xf32, #tpu.memory_space<hbm>> -> memref<1x1000000xf32, #tpu.memory_space<hbm>>
      %dma_start3A_578 = tpu.memref_squeeze %dma_start3A_577 : memref<1x1000000xf32, #tpu.memory_space<hbm>> -> memref<1000000xf32, #tpu.memory_space<hbm>>
      %dma_start3A_579 = arith.constant 884736 : i32
      %dma_start3A_580 = tpu.memref_slice %dma_start3A_578[%dma_start3A_579] : memref<1000000xf32, #tpu.memory_space<hbm>> -> memref<98304xf32, #tpu.memory_space<hbm>>
      %dma_start3A_581 = arith.constant 0 : i32
      %dma_start3A_582 = tpu.memref_slice %arg9[%dma_start3A_581] : memref<98304xf32, #tpu.memory_space<vmem>> -> memref<98304xf32, #tpu.memory_space<vmem>>
      %dma_start3A_583 = arith.constant 0 : i32
      %dma_start3A_584 = tpu.memref_slice %arg2[%add3A, %dma_start3A_583] : memref<32x1000000xf32, #tpu.memory_space<hbm>> -> memref<1x1000000xf32, #tpu.memory_space<hbm>>
      %dma_start3A_585 = tpu.memref_squeeze %dma_start3A_584 : memref<1x1000000xf32, #tpu.memory_space<hbm>> -> memref<1000000xf32, #tpu.memory_space<hbm>>
      %dma_start3A_586 = arith.constant 884736 : i32
      %dma_start3A_587 = tpu.memref_slice %dma_start3A_585[%dma_start3A_586] : memref<1000000xf32, #tpu.memory_space<hbm>> -> memref<98304xf32, #tpu.memory_space<hbm>>
      tpu.enqueue_dma source(%dma_start3A_587 : memref<98304xf32, #tpu.memory_space<hbm>>) target(%dma_start3A_582 : memref<98304xf32, #tpu.memory_space<vmem>>) target_semaphore(%run_scoped3A_573 : memref<!tpu.dma_semaphore, #tpu.memory_space<semaphore_mem>>)
      %dma_wait3A_588 = arith.constant 0 : i32
      %dma_wait3A_589 = tpu.memref_slice %arg9[%dma_wait3A_588] : memref<98304xf32, #tpu.memory_space<vmem>> -> memref<98304xf32, #tpu.memory_space<vmem>>
      %dma_wait3A_590 = arith.constant 0 : i32
      %dma_wait3A_591 = tpu.memref_slice %arg2[%add3A, %dma_wait3A_590] : memref<32x1000000xf32, #tpu.memory_space<hbm>> -> memref<1x1000000xf32, #tpu.memory_space<hbm>>
      %dma_wait3A_592 = tpu.memref_squeeze %dma_wait3A_591 : memref<1x1000000xf32, #tpu.memory_space<hbm>> -> memref<1000000xf32, #tpu.memory_space<hbm>>
      %dma_wait3A_593 = arith.constant 884736 : i32
      %dma_wait3A_594 = tpu.memref_slice %dma_wait3A_592[%dma_wait3A_593] : memref<1000000xf32, #tpu.memory_space<hbm>> -> memref<98304xf32, #tpu.memory_space<hbm>>
      %dma_wait3A_595 = arith.constant 0 : i32
      %dma_wait3A_596 = tpu.memref_slice %arg9[%dma_wait3A_595] : memref<98304xf32, #tpu.memory_space<vmem>> -> memref<98304xf32, #tpu.memory_space<vmem>>
      %dma_wait3A_597 = arith.constant 0 : i32
      %dma_wait3A_598 = tpu.memref_slice %arg2[%add3A, %dma_wait3A_597] : memref<32x1000000xf32, #tpu.memory_space<hbm>> -> memref<1x1000000xf32, #tpu.memory_space<hbm>>
      %dma_wait3A_599 = tpu.memref_squeeze %dma_wait3A_598 : memref<1x1000000xf32, #tpu.memory_space<hbm>> -> memref<1000000xf32, #tpu.memory_space<hbm>>
      %dma_wait3A_600 = arith.constant 884736 : i32
      %dma_wait3A_601 = tpu.memref_slice %dma_wait3A_599[%dma_wait3A_600] : memref<1000000xf32, #tpu.memory_space<hbm>> -> memref<98304xf32, #tpu.memory_space<hbm>>
      tpu.wait_dma2 semaphore(%run_scoped3A_573 : memref<!tpu.dma_semaphore, #tpu.memory_space<semaphore_mem>>) src(%dma_wait3A_601 : memref<98304xf32, #tpu.memory_space<hbm>>) dst(%dma_wait3A_596 : memref<98304xf32, #tpu.memory_space<vmem>>)
      tpu.yield
    }) : () -> ()
    "tpu.region"() ({
      %run_scoped3A_573 = tpu.sem_alloc : memref<!tpu.dma_semaphore, #tpu.memory_space<semaphore_mem>>
      %dma_start3A_574 = arith.constant 0 : i32
      %dma_start3A_575 = tpu.memref_slice %arg9[%dma_start3A_574] : memref<98304xf32, #tpu.memory_space<vmem>> -> memref<98304xf32, #tpu.memory_space<vmem>>
      %dma_start3A_576 = tpu.memref_slice %arg5[%mul3A_2] : memref<32000000xf32, #tpu.memory_space<hbm>> -> memref<1000000xf32, #tpu.memory_space<hbm>>
      %dma_start3A_577 = arith.constant 884736 : i32
      %dma_start3A_578 = tpu.memref_slice %dma_start3A_576[%dma_start3A_577] : memref<1000000xf32, #tpu.memory_space<hbm>> -> memref<98304xf32, #tpu.memory_space<hbm>>
      %dma_start3A_579 = tpu.memref_slice %arg5[%mul3A_2] : memref<32000000xf32, #tpu.memory_space<hbm>> -> memref<1000000xf32, #tpu.memory_space<hbm>>
      %dma_start3A_580 = arith.constant 884736 : i32
      %dma_start3A_581 = tpu.memref_slice %dma_start3A_579[%dma_start3A_580] : memref<1000000xf32, #tpu.memory_space<hbm>> -> memref<98304xf32, #tpu.memory_space<hbm>>
      %dma_start3A_582 = arith.constant 0 : i32
      %dma_start3A_583 = tpu.memref_slice %arg9[%dma_start3A_582] : memref<98304xf32, #tpu.memory_space<vmem>> -> memref<98304xf32, #tpu.memory_space<vmem>>
      tpu.enqueue_dma source(%dma_start3A_583 : memref<98304xf32, #tpu.memory_space<vmem>>) target(%dma_start3A_581 : memref<98304xf32, #tpu.memory_space<hbm>>) target_semaphore(%run_scoped3A_573 : memref<!tpu.dma_semaphore, #tpu.memory_space<semaphore_mem>>)
      %dma_wait3A_584 = arith.constant 0 : i32
      %dma_wait3A_585 = tpu.memref_slice %arg9[%dma_wait3A_584] : memref<98304xf32, #tpu.memory_space<vmem>> -> memref<98304xf32, #tpu.memory_space<vmem>>
      %dma_wait3A_586 = tpu.memref_slice %arg5[%mul3A_2] : memref<32000000xf32, #tpu.memory_space<hbm>> -> memref<1000000xf32, #tpu.memory_space<hbm>>
      %dma_wait3A_587 = arith.constant 884736 : i32
      %dma_wait3A_588 = tpu.memref_slice %dma_wait3A_586[%dma_wait3A_587] : memref<1000000xf32, #tpu.memory_space<hbm>> -> memref<98304xf32, #tpu.memory_space<hbm>>
      %dma_wait3A_589 = tpu.memref_slice %arg5[%mul3A_2] : memref<32000000xf32, #tpu.memory_space<hbm>> -> memref<1000000xf32, #tpu.memory_space<hbm>>
      %dma_wait3A_590 = arith.constant 884736 : i32
      %dma_wait3A_591 = tpu.memref_slice %dma_wait3A_589[%dma_wait3A_590] : memref<1000000xf32, #tpu.memory_space<hbm>> -> memref<98304xf32, #tpu.memory_space<hbm>>
      %dma_wait3A_592 = arith.constant 0 : i32
      %dma_wait3A_593 = tpu.memref_slice %arg9[%dma_wait3A_592] : memref<98304xf32, #tpu.memory_space<vmem>> -> memref<98304xf32, #tpu.memory_space<vmem>>
      tpu.wait_dma2 semaphore(%run_scoped3A_573 : memref<!tpu.dma_semaphore, #tpu.memory_space<semaphore_mem>>) src(%dma_wait3A_593 : memref<98304xf32, #tpu.memory_space<vmem>>) dst(%dma_wait3A_591 : memref<98304xf32, #tpu.memory_space<hbm>>)
      tpu.yield
    }) : () -> ()
    "tpu.region"() ({
      %run_scoped3A_573 = tpu.sem_alloc : memref<!tpu.dma_semaphore, #tpu.memory_space<semaphore_mem>>
      %dma_start3A_574 = arith.constant 0 : i32
      %dma_start3A_575 = tpu.memref_slice %arg9[%dma_start3A_574] : memref<98304xf32, #tpu.memory_space<vmem>> -> memref<16896xf32, #tpu.memory_space<vmem>>
      %dma_start3A_576 = arith.constant 0 : i32
      %dma_start3A_577 = tpu.memref_slice %arg2[%add3A, %dma_start3A_576] : memref<32x1000000xf32, #tpu.memory_space<hbm>> -> memref<1x1000000xf32, #tpu.memory_space<hbm>>
      %dma_start3A_578 = tpu.memref_squeeze %dma_start3A_577 : memref<1x1000000xf32, #tpu.memory_space<hbm>> -> memref<1000000xf32, #tpu.memory_space<hbm>>
      %dma_start3A_579 = arith.constant 983040 : i32
      %dma_start3A_580 = tpu.memref_slice %dma_start3A_578[%dma_start3A_579] : memref<1000000xf32, #tpu.memory_space<hbm>> -> memref<16896xf32, #tpu.memory_space<hbm>>
      %dma_start3A_581 = arith.constant 0 : i32
      %dma_start3A_582 = tpu.memref_slice %arg9[%dma_start3A_581] : memref<98304xf32, #tpu.memory_space<vmem>> -> memref<16896xf32, #tpu.memory_space<vmem>>
      %dma_start3A_583 = arith.constant 0 : i32
      %dma_start3A_584 = tpu.memref_slice %arg2[%add3A, %dma_start3A_583] : memref<32x1000000xf32, #tpu.memory_space<hbm>> -> memref<1x1000000xf32, #tpu.memory_space<hbm>>
      %dma_start3A_585 = tpu.memref_squeeze %dma_start3A_584 : memref<1x1000000xf32, #tpu.memory_space<hbm>> -> memref<1000000xf32, #tpu.memory_space<hbm>>
      %dma_start3A_586 = arith.constant 983040 : i32
      %dma_start3A_587 = tpu.memref_slice %dma_start3A_585[%dma_start3A_586] : memref<1000000xf32, #tpu.memory_space<hbm>> -> memref<16896xf32, #tpu.memory_space<hbm>>
      tpu.enqueue_dma source(%dma_start3A_587 : memref<16896xf32, #tpu.memory_space<hbm>>) target(%dma_start3A_582 : memref<16896xf32, #tpu.memory_space<vmem>>) target_semaphore(%run_scoped3A_573 : memref<!tpu.dma_semaphore, #tpu.memory_space<semaphore_mem>>)
      %dma_wait3A_588 = arith.constant 0 : i32
      %dma_wait3A_589 = tpu.memref_slice %arg9[%dma_wait3A_588] : memref<98304xf32, #tpu.memory_space<vmem>> -> memref<16896xf32, #tpu.memory_space<vmem>>
      %dma_wait3A_590 = arith.constant 0 : i32
      %dma_wait3A_591 = tpu.memref_slice %arg2[%add3A, %dma_wait3A_590] : memref<32x1000000xf32, #tpu.memory_space<hbm>> -> memref<1x1000000xf32, #tpu.memory_space<hbm>>
      %dma_wait3A_592 = tpu.memref_squeeze %dma_wait3A_591 : memref<1x1000000xf32, #tpu.memory_space<hbm>> -> memref<1000000xf32, #tpu.memory_space<hbm>>
      %dma_wait3A_593 = arith.constant 983040 : i32
      %dma_wait3A_594 = tpu.memref_slice %dma_wait3A_592[%dma_wait3A_593] : memref<1000000xf32, #tpu.memory_space<hbm>> -> memref<16896xf32, #tpu.memory_space<hbm>>
      %dma_wait3A_595 = arith.constant 0 : i32
      %dma_wait3A_596 = tpu.memref_slice %arg9[%dma_wait3A_595] : memref<98304xf32, #tpu.memory_space<vmem>> -> memref<16896xf32, #tpu.memory_space<vmem>>
      %dma_wait3A_597 = arith.constant 0 : i32
      %dma_wait3A_598 = tpu.memref_slice %arg2[%add3A, %dma_wait3A_597] : memref<32x1000000xf32, #tpu.memory_space<hbm>> -> memref<1x1000000xf32, #tpu.memory_space<hbm>>
      %dma_wait3A_599 = tpu.memref_squeeze %dma_wait3A_598 : memref<1x1000000xf32, #tpu.memory_space<hbm>> -> memref<1000000xf32, #tpu.memory_space<hbm>>
      %dma_wait3A_600 = arith.constant 983040 : i32
      %dma_wait3A_601 = tpu.memref_slice %dma_wait3A_599[%dma_wait3A_600] : memref<1000000xf32, #tpu.memory_space<hbm>> -> memref<16896xf32, #tpu.memory_space<hbm>>
      tpu.wait_dma2 semaphore(%run_scoped3A_573 : memref<!tpu.dma_semaphore, #tpu.memory_space<semaphore_mem>>) src(%dma_wait3A_601 : memref<16896xf32, #tpu.memory_space<hbm>>) dst(%dma_wait3A_596 : memref<16896xf32, #tpu.memory_space<vmem>>)
      tpu.yield
    }) : () -> ()
    "tpu.region"() ({
      %run_scoped3A_573 = tpu.sem_alloc : memref<!tpu.dma_semaphore, #tpu.memory_space<semaphore_mem>>
      %dma_start3A_574 = arith.constant 0 : i32
      %dma_start3A_575 = tpu.memref_slice %arg9[%dma_start3A_574] : memref<98304xf32, #tpu.memory_space<vmem>> -> memref<16896xf32, #tpu.memory_space<vmem>>
      %dma_start3A_576 = tpu.memref_slice %arg5[%mul3A_2] : memref<32000000xf32, #tpu.memory_space<hbm>> -> memref<1000000xf32, #tpu.memory_space<hbm>>
      %dma_start3A_577 = arith.constant 983040 : i32
      %dma_start3A_578 = tpu.memref_slice %dma_start3A_576[%dma_start3A_577] : memref<1000000xf32, #tpu.memory_space<hbm>> -> memref<16896xf32, #tpu.memory_space<hbm>>
      %dma_start3A_579 = tpu.memref_slice %arg5[%mul3A_2] : memref<32000000xf32, #tpu.memory_space<hbm>> -> memref<1000000xf32, #tpu.memory_space<hbm>>
      %dma_start3A_580 = arith.constant 983040 : i32
      %dma_start3A_581 = tpu.memref_slice %dma_start3A_579[%dma_start3A_580] : memref<1000000xf32, #tpu.memory_space<hbm>> -> memref<16896xf32, #tpu.memory_space<hbm>>
      %dma_start3A_582 = arith.constant 0 : i32
      %dma_start3A_583 = tpu.memref_slice %arg9[%dma_start3A_582] : memref<98304xf32, #tpu.memory_space<vmem>> -> memref<16896xf32, #tpu.memory_space<vmem>>
      tpu.enqueue_dma source(%dma_start3A_583 : memref<16896xf32, #tpu.memory_space<vmem>>) target(%dma_start3A_581 : memref<16896xf32, #tpu.memory_space<hbm>>) target_semaphore(%run_scoped3A_573 : memref<!tpu.dma_semaphore, #tpu.memory_space<semaphore_mem>>)
      %dma_wait3A_584 = arith.constant 0 : i32
      %dma_wait3A_585 = tpu.memref_slice %arg9[%dma_wait3A_584] : memref<98304xf32, #tpu.memory_space<vmem>> -> memref<16896xf32, #tpu.memory_space<vmem>>
      %dma_wait3A_586 = tpu.memref_slice %arg5[%mul3A_2] : memref<32000000xf32, #tpu.memory_space<hbm>> -> memref<1000000xf32, #tpu.memory_space<hbm>>
      %dma_wait3A_587 = arith.constant 983040 : i32
      %dma_wait3A_588 = tpu.memref_slice %dma_wait3A_586[%dma_wait3A_587] : memref<1000000xf32, #tpu.memory_space<hbm>> -> memref<16896xf32, #tpu.memory_space<hbm>>
      %dma_wait3A_589 = tpu.memref_slice %arg5[%mul3A_2] : memref<32000000xf32, #tpu.memory_space<hbm>> -> memref<1000000xf32, #tpu.memory_space<hbm>>
      %dma_wait3A_590 = arith.constant 983040 : i32
      %dma_wait3A_591 = tpu.memref_slice %dma_wait3A_589[%dma_wait3A_590] : memref<1000000xf32, #tpu.memory_space<hbm>> -> memref<16896xf32, #tpu.memory_space<hbm>>
      %dma_wait3A_592 = arith.constant 0 : i32
      %dma_wait3A_593 = tpu.memref_slice %arg9[%dma_wait3A_592] : memref<98304xf32, #tpu.memory_space<vmem>> -> memref<16896xf32, #tpu.memory_space<vmem>>
      tpu.wait_dma2 semaphore(%run_scoped3A_573 : memref<!tpu.dma_semaphore, #tpu.memory_space<semaphore_mem>>) src(%dma_wait3A_593 : memref<16896xf32, #tpu.memory_space<vmem>>) dst(%dma_wait3A_591 : memref<16896xf32, #tpu.memory_space<hbm>>)
      tpu.yield
    }) : () -> ()
    "tpu.region"() ({
      %run_scoped3A_573 = tpu.sem_alloc : memref<!tpu.dma_semaphore, #tpu.memory_space<semaphore_mem>>
      %dma_start3A_574 = arith.constant 999936 : i32
      %dma_start3A_575 = tpu.memref_slice %arg2[%add3A, %dma_start3A_574] : memref<32x1000000xf32, #tpu.memory_space<hbm>> -> memref<1x64xf32, #tpu.memory_space<hbm>>
      %dma_start3A_576 = arith.constant 999936 : i32
      %dma_start3A_577 = tpu.memref_slice %arg2[%add3A, %dma_start3A_576] : memref<32x1000000xf32, #tpu.memory_space<hbm>> -> memref<1x64xf32, #tpu.memory_space<hbm>>
      tpu.enqueue_dma source(%dma_start3A_577 : memref<1x64xf32, #tpu.memory_space<hbm>>) target(%arg10 : memref<1x64xf32, #tpu.memory_space<vmem>>) target_semaphore(%run_scoped3A_573 : memref<!tpu.dma_semaphore, #tpu.memory_space<semaphore_mem>>)
      %dma_wait3A_578 = arith.constant 999936 : i32
      %dma_wait3A_579 = tpu.memref_slice %arg2[%add3A, %dma_wait3A_578] : memref<32x1000000xf32, #tpu.memory_space<hbm>> -> memref<1x64xf32, #tpu.memory_space<hbm>>
      %dma_wait3A_580 = arith.constant 999936 : i32
      %dma_wait3A_581 = tpu.memref_slice %arg2[%add3A, %dma_wait3A_580] : memref<32x1000000xf32, #tpu.memory_space<hbm>> -> memref<1x64xf32, #tpu.memory_space<hbm>>
      tpu.wait_dma2 semaphore(%run_scoped3A_573 : memref<!tpu.dma_semaphore, #tpu.memory_space<semaphore_mem>>) src(%dma_wait3A_581 : memref<1x64xf32, #tpu.memory_space<hbm>>) dst(%arg10 : memref<1x64xf32, #tpu.memory_space<vmem>>)
      tpu.yield
    }) : () -> ()
    %run_scoped3A = arith.constant 0 : i32
    "tpu.region"() ({
      %run_scoped3A_573 = tpu.sem_alloc : memref<!tpu.dma_semaphore, #tpu.memory_space<semaphore_mem>>
      %dma_start3A_574 = arith.constant 0 : i32
      %dma_start3A_575 = tpu.memref_slice %arg10[%run_scoped3A, %dma_start3A_574] : memref<1x64xf32, #tpu.memory_space<vmem>> -> memref<1x64xf32, #tpu.memory_space<vmem>>
      %dma_start3A_576 = tpu.memref_squeeze %dma_start3A_575 : memref<1x64xf32, #tpu.memory_space<vmem>> -> memref<64xf32, #tpu.memory_space<vmem>>
      %dma_start3A_577 = tpu.memref_slice %arg5[%mul3A_2] : memref<32000000xf32, #tpu.memory_space<hbm>> -> memref<1000000xf32, #tpu.memory_space<hbm>>
      %dma_start3A_578 = arith.constant 999936 : i32
      %dma_start3A_579 = tpu.memref_slice %dma_start3A_577[%dma_start3A_578] : memref<1000000xf32, #tpu.memory_space<hbm>> -> memref<64xf32, #tpu.memory_space<hbm>>
      %dma_start3A_580 = tpu.memref_slice %arg5[%mul3A_2] : memref<32000000xf32, #tpu.memory_space<hbm>> -> memref<1000000xf32, #tpu.memory_space<hbm>>
      %dma_start3A_581 = arith.constant 999936 : i32
      %dma_start3A_582 = tpu.memref_slice %dma_start3A_580[%dma_start3A_581] : memref<1000000xf32, #tpu.memory_space<hbm>> -> memref<64xf32, #tpu.memory_space<hbm>>
      %dma_start3A_583 = arith.constant 0 : i32
      %dma_start3A_584 = tpu.memref_slice %arg10[%run_scoped3A, %dma_start3A_583] : memref<1x64xf32, #tpu.memory_space<vmem>> -> memref<1x64xf32, #tpu.memory_space<vmem>>
      %dma_start3A_585 = tpu.memref_squeeze %dma_start3A_584 : memref<1x64xf32, #tpu.memory_space<vmem>> -> memref<64xf32, #tpu.memory_space<vmem>>
      tpu.enqueue_dma source(%dma_start3A_585 : memref<64xf32, #tpu.memory_space<vmem>>) target(%dma_start3A_582 : memref<64xf32, #tpu.memory_space<hbm>>) target_semaphore(%run_scoped3A_573 : memref<!tpu.dma_semaphore, #tpu.memory_space<semaphore_mem>>)
      %dma_wait3A_586 = arith.constant 0 : i32
      %dma_wait3A_587 = tpu.memref_slice %arg10[%run_scoped3A, %dma_wait3A_586] : memref<1x64xf32, #tpu.memory_space<vmem>> -> memref<1x64xf32, #tpu.memory_space<vmem>>
      %dma_wait3A_588 = tpu.memref_squeeze %dma_wait3A_587 : memref<1x64xf32, #tpu.memory_space<vmem>> -> memref<64xf32, #tpu.memory_space<vmem>>
      %dma_wait3A_589 = tpu.memref_slice %arg5[%mul3A_2] : memref<32000000xf32, #tpu.memory_space<hbm>> -> memref<1000000xf32, #tpu.memory_space<hbm>>
      %dma_wait3A_590 = arith.constant 999936 : i32
      %dma_wait3A_591 = tpu.memref_slice %dma_wait3A_589[%dma_wait3A_590] : memref<1000000xf32, #tpu.memory_space<hbm>> -> memref<64xf32, #tpu.memory_space<hbm>>
      %dma_wait3A_592 = tpu.memref_slice %arg5[%mul3A_2] : memref<32000000xf32, #tpu.memory_space<hbm>> -> memref<1000000xf32, #tpu.memory_space<hbm>>
      %dma_wait3A_593 = arith.constant 999936 : i32
      %dma_wait3A_594 = tpu.memref_slice %dma_wait3A_592[%dma_wait3A_593] : memref<1000000xf32, #tpu.memory_space<hbm>> -> memref<64xf32, #tpu.memory_space<hbm>>
      %dma_wait3A_595 = arith.constant 0 : i32
      %dma_wait3A_596 = tpu.memref_slice %arg10[%run_scoped3A, %dma_wait3A_595] : memref<1x64xf32, #tpu.memory_space<vmem>> -> memref<1x64xf32, #tpu.memory_space<vmem>>
      %dma_wait3A_597 = tpu.memref_squeeze %dma_wait3A_596 : memref<1x64xf32, #tpu.memory_space<vmem>> -> memref<64xf32, #tpu.memory_space<vmem>>
      tpu.wait_dma2 semaphore(%run_scoped3A_573 : memref<!tpu.dma_semaphore, #tpu.memory_space<semaphore_mem>>) src(%dma_wait3A_597 : memref<64xf32, #tpu.memory_space<vmem>>) dst(%dma_wait3A_594 : memref<64xf32, #tpu.memory_space<hbm>>)
      tpu.yield
    }) : () -> ()
    %dma_wait3A = arith.constant 0 : i32
    %dma_wait3A_9 = arith.constant 0 : i32
    %dma_wait3A_10 = tpu.memref_slice %arg3[%dma_wait3A, %dma_wait3A_9] : memref<26x4096xi32, #tpu.memory_space<hbm>> -> memref<1x4096xi32, #tpu.memory_space<hbm>>
    %dma_wait3A_11 = tpu.memref_squeeze %dma_wait3A_10 : memref<1x4096xi32, #tpu.memory_space<hbm>> -> memref<4096xi32, #tpu.memory_space<hbm>>
    %dma_wait3A_12 = arith.constant 0 : i32
    %dma_wait3A_13 = tpu.memref_slice %arg3[%dma_wait3A, %dma_wait3A_12] : memref<26x4096xi32, #tpu.memory_space<hbm>> -> memref<1x4096xi32, #tpu.memory_space<hbm>>
    %dma_wait3A_14 = tpu.memref_squeeze %dma_wait3A_13 : memref<1x4096xi32, #tpu.memory_space<hbm>> -> memref<4096xi32, #tpu.memory_space<hbm>>
    tpu.wait_dma2 semaphore(%arg11 : memref<!tpu.dma_semaphore, #tpu.memory_space<semaphore_mem>>) src(%dma_wait3A_14 : memref<4096xi32, #tpu.memory_space<hbm>>) dst(%arg6 : memref<4096xi32, #tpu.memory_space<vmem>>)
    %dma_start3A_15 = tpu.memref_slice %arg5[%mul3A_2] : memref<32000000xf32, #tpu.memory_space<hbm>> -> memref<1000000xf32, #tpu.memory_space<hbm>>
    %dma_start3A_16 = arith.constant 0 : i32
    %dma_start3A_17 = tpu.memref_slice %dma_start3A_15[%dma_start3A_16] : memref<1000000xf32, #tpu.memory_space<hbm>> -> memref<1000000xf32, #tpu.memory_space<hbm>>
    tpu.enqueue_indirect_dma source(%dma_start3A_17 : memref<1000000xf32, #tpu.memory_space<hbm>>) target(%arg8 : memref<4096xf32, #tpu.memory_space<vmem>>) offsets(%arg6 : memref<4096xi32, #tpu.memory_space<vmem>>) semaphore(%arg12 : memref<!tpu.dma_semaphore, #tpu.memory_space<semaphore_mem>>)
    %dma_start3A_18 = arith.constant 1 : i32
    %dma_start3A_19 = arith.constant 0 : i32
    %dma_start3A_20 = tpu.memref_slice %arg3[%dma_start3A_18, %dma_start3A_19] : memref<26x4096xi32, #tpu.memory_space<hbm>> -> memref<1x4096xi32, #tpu.memory_space<hbm>>
    %dma_start3A_21 = tpu.memref_squeeze %dma_start3A_20 : memref<1x4096xi32, #tpu.memory_space<hbm>> -> memref<4096xi32, #tpu.memory_space<hbm>>
    %dma_start3A_22 = arith.constant 0 : i32
    %dma_start3A_23 = tpu.memref_slice %arg3[%dma_start3A_18, %dma_start3A_22] : memref<26x4096xi32, #tpu.memory_space<hbm>> -> memref<1x4096xi32, #tpu.memory_space<hbm>>
    %dma_start3A_24 = tpu.memref_squeeze %dma_start3A_23 : memref<1x4096xi32, #tpu.memory_space<hbm>> -> memref<4096xi32, #tpu.memory_space<hbm>>
    tpu.enqueue_dma source(%dma_start3A_24 : memref<4096xi32, #tpu.memory_space<hbm>>) target(%arg7 : memref<4096xi32, #tpu.memory_space<vmem>>) target_semaphore(%arg11 : memref<!tpu.dma_semaphore, #tpu.memory_space<semaphore_mem>>)
    %dma_wait3A_25 = tpu.memref_slice %arg5[%mul3A_2] : memref<32000000xf32, #tpu.memory_space<hbm>> -> memref<1000000xf32, #tpu.memory_space<hbm>>
    %dma_wait3A_26 = arith.constant 0 : i32
    %dma_wait3A_27 = tpu.memref_slice %dma_wait3A_25[%dma_wait3A_26] : memref<1000000xf32, #tpu.memory_space<hbm>> -> memref<1000000xf32, #tpu.memory_space<hbm>>
    tpu.wait_indirect_dma semaphore(%arg12 : memref<!tpu.dma_semaphore, #tpu.memory_space<semaphore_mem>>) src(%dma_wait3A_27 : memref<1000000xf32, #tpu.memory_space<hbm>>) dst(%arg8 : memref<4096xf32, #tpu.memory_space<vmem>>)
    %add3A_28 = arith.constant 0 : i32
    %add3A_29 = arith.addi %add3A_28, %add3A : i32
    "tpu.region"() ({
      %run_scoped3A_573 = tpu.sem_alloc : memref<!tpu.dma_semaphore, #tpu.memory_space<semaphore_mem>>
      %dma_start3A_574 = arith.constant 0 : i32
      %dma_start3A_575 = tpu.memref_slice %arg4[%add3A_29, %dma_start3A_574] : memref<832x4096xf32, #tpu.memory_space<hbm>> -> memref<1x4096xf32, #tpu.memory_space<hbm>>
      %dma_start3A_576 = tpu.memref_squeeze %dma_start3A_575 : memref<1x4096xf32, #tpu.memory_space<hbm>> -> memref<4096xf32, #tpu.memory_space<hbm>>
      %dma_start3A_577 = arith.constant 0 : i32
      %dma_start3A_578 = tpu.memref_slice %arg4[%add3A_29, %dma_start3A_577] : memref<832x4096xf32, #tpu.memory_space<hbm>> -> memref<1x4096xf32, #tpu.memory_space<hbm>>
      %dma_start3A_579 = tpu.memref_squeeze %dma_start3A_578 : memref<1x4096xf32, #tpu.memory_space<hbm>> -> memref<4096xf32, #tpu.memory_space<hbm>>
      tpu.enqueue_dma source(%arg8 : memref<4096xf32, #tpu.memory_space<vmem>>) target(%dma_start3A_579 : memref<4096xf32, #tpu.memory_space<hbm>>) target_semaphore(%run_scoped3A_573 : memref<!tpu.dma_semaphore, #tpu.memory_space<semaphore_mem>>)
      %dma_wait3A_580 = arith.constant 0 : i32
      %dma_wait3A_581 = tpu.memref_slice %arg4[%add3A_29, %dma_wait3A_580] : memref<832x4096xf32, #tpu.memory_space<hbm>> -> memref<1x4096xf32, #tpu.memory_space<hbm>>
      %dma_wait3A_582 = tpu.memref_squeeze %dma_wait3A_581 : memref<1x4096xf32, #tpu.memory_space<hbm>> -> memref<4096xf32, #tpu.memory_space<hbm>>
      %dma_wait3A_583 = arith.constant 0 : i32
      %dma_wait3A_584 = tpu.memref_slice %arg4[%add3A_29, %dma_wait3A_583] : memref<832x4096xf32, #tpu.memory_space<hbm>> -> memref<1x4096xf32, #tpu.memory_space<hbm>>
      %dma_wait3A_585 = tpu.memref_squeeze %dma_wait3A_584 : memref<1x4096xf32, #tpu.memory_space<hbm>> -> memref<4096xf32, #tpu.memory_space<hbm>>
      tpu.wait_dma2 semaphore(%run_scoped3A_573 : memref<!tpu.dma_semaphore, #tpu.memory_space<semaphore_mem>>) src(%arg8 : memref<4096xf32, #tpu.memory_space<vmem>>) dst(%dma_wait3A_585 : memref<4096xf32, #tpu.memory_space<hbm>>)
      tpu.yield
    }) : () -> ()
    %dma_wait3A_30 = arith.constant 1 : i32
    %dma_wait3A_31 = arith.constant 0 : i32
    %dma_wait3A_32 = tpu.memref_slice %arg3[%dma_wait3A_30, %dma_wait3A_31] : memref<26x4096xi32, #tpu.memory_space<hbm>> -> memref<1x4096xi32, #tpu.memory_space<hbm>>
    %dma_wait3A_33 = tpu.memref_squeeze %dma_wait3A_32 : memref<1x4096xi32, #tpu.memory_space<hbm>> -> memref<4096xi32, #tpu.memory_space<hbm>>
    %dma_wait3A_34 = arith.constant 0 : i32
    %dma_wait3A_35 = tpu.memref_slice %arg3[%dma_wait3A_30, %dma_wait3A_34] : memref<26x4096xi32, #tpu.memory_space<hbm>> -> memref<1x4096xi32, #tpu.memory_space<hbm>>
    %dma_wait3A_36 = tpu.memref_squeeze %dma_wait3A_35 : memref<1x4096xi32, #tpu.memory_space<hbm>> -> memref<4096xi32, #tpu.memory_space<hbm>>
    tpu.wait_dma2 semaphore(%arg11 : memref<!tpu.dma_semaphore, #tpu.memory_space<semaphore_mem>>) src(%dma_wait3A_36 : memref<4096xi32, #tpu.memory_space<hbm>>) dst(%arg7 : memref<4096xi32, #tpu.memory_space<vmem>>)
    %dma_start3A_37 = tpu.memref_slice %arg5[%mul3A_2] : memref<32000000xf32, #tpu.memory_space<hbm>> -> memref<1000000xf32, #tpu.memory_space<hbm>>
    %dma_start3A_38 = arith.constant 0 : i32
    %dma_start3A_39 = tpu.memref_slice %dma_start3A_37[%dma_start3A_38] : memref<1000000xf32, #tpu.memory_space<hbm>> -> memref<1000000xf32, #tpu.memory_space<hbm>>
    tpu.enqueue_indirect_dma source(%dma_start3A_39 : memref<1000000xf32, #tpu.memory_space<hbm>>) target(%arg8 : memref<4096xf32, #tpu.memory_space<vmem>>) offsets(%arg7 : memref<4096xi32, #tpu.memory_space<vmem>>) semaphore(%arg12 : memref<!tpu.dma_semaphore, #tpu.memory_space<semaphore_mem>>)
    %dma_start3A_40 = arith.constant 2 : i32
    %dma_start3A_41 = arith.constant 0 : i32
    %dma_start3A_42 = tpu.memref_slice %arg3[%dma_start3A_40, %dma_start3A_41] : memref<26x4096xi32, #tpu.memory_space<hbm>> -> memref<1x4096xi32, #tpu.memory_space<hbm>>
    %dma_start3A_43 = tpu.memref_squeeze %dma_start3A_42 : memref<1x4096xi32, #tpu.memory_space<hbm>> -> memref<4096xi32, #tpu.memory_space<hbm>>
    %dma_start3A_44 = arith.constant 0 : i32
    %dma_start3A_45 = tpu.memref_slice %arg3[%dma_start3A_40, %dma_start3A_44] : memref<26x4096xi32, #tpu.memory_space<hbm>> -> memref<1x4096xi32, #tpu.memory_space<hbm>>
    %dma_start3A_46 = tpu.memref_squeeze %dma_start3A_45 : memref<1x4096xi32, #tpu.memory_space<hbm>> -> memref<4096xi32, #tpu.memory_space<hbm>>
    tpu.enqueue_dma source(%dma_start3A_46 : memref<4096xi32, #tpu.memory_space<hbm>>) target(%arg6 : memref<4096xi32, #tpu.memory_space<vmem>>) target_semaphore(%arg11 : memref<!tpu.dma_semaphore, #tpu.memory_space<semaphore_mem>>)
    %dma_wait3A_47 = tpu.memref_slice %arg5[%mul3A_2] : memref<32000000xf32, #tpu.memory_space<hbm>> -> memref<1000000xf32, #tpu.memory_space<hbm>>
    %dma_wait3A_48 = arith.constant 0 : i32
    %dma_wait3A_49 = tpu.memref_slice %dma_wait3A_47[%dma_wait3A_48] : memref<1000000xf32, #tpu.memory_space<hbm>> -> memref<1000000xf32, #tpu.memory_space<hbm>>
    tpu.wait_indirect_dma semaphore(%arg12 : memref<!tpu.dma_semaphore, #tpu.memory_space<semaphore_mem>>) src(%dma_wait3A_49 : memref<1000000xf32, #tpu.memory_space<hbm>>) dst(%arg8 : memref<4096xf32, #tpu.memory_space<vmem>>)
    %add3A_50 = arith.constant 32 : i32
    %add3A_51 = arith.addi %add3A_50, %add3A : i32
    "tpu.region"() ({
      %run_scoped3A_573 = tpu.sem_alloc : memref<!tpu.dma_semaphore, #tpu.memory_space<semaphore_mem>>
      %dma_start3A_574 = arith.constant 0 : i32
      %dma_start3A_575 = tpu.memref_slice %arg4[%add3A_51, %dma_start3A_574] : memref<832x4096xf32, #tpu.memory_space<hbm>> -> memref<1x4096xf32, #tpu.memory_space<hbm>>
      %dma_start3A_576 = tpu.memref_squeeze %dma_start3A_575 : memref<1x4096xf32, #tpu.memory_space<hbm>> -> memref<4096xf32, #tpu.memory_space<hbm>>
      %dma_start3A_577 = arith.constant 0 : i32
      %dma_start3A_578 = tpu.memref_slice %arg4[%add3A_51, %dma_start3A_577] : memref<832x4096xf32, #tpu.memory_space<hbm>> -> memref<1x4096xf32, #tpu.memory_space<hbm>>
      %dma_start3A_579 = tpu.memref_squeeze %dma_start3A_578 : memref<1x4096xf32, #tpu.memory_space<hbm>> -> memref<4096xf32, #tpu.memory_space<hbm>>
      tpu.enqueue_dma source(%arg8 : memref<4096xf32, #tpu.memory_space<vmem>>) target(%dma_start3A_579 : memref<4096xf32, #tpu.memory_space<hbm>>) target_semaphore(%run_scoped3A_573 : memref<!tpu.dma_semaphore, #tpu.memory_space<semaphore_mem>>)
      %dma_wait3A_580 = arith.constant 0 : i32
      %dma_wait3A_581 = tpu.memref_slice %arg4[%add3A_51, %dma_wait3A_580] : memref<832x4096xf32, #tpu.memory_space<hbm>> -> memref<1x4096xf32, #tpu.memory_space<hbm>>
      %dma_wait3A_582 = tpu.memref_squeeze %dma_wait3A_581 : memref<1x4096xf32, #tpu.memory_space<hbm>> -> memref<4096xf32, #tpu.memory_space<hbm>>
      %dma_wait3A_583 = arith.constant 0 : i32
      %dma_wait3A_584 = tpu.memref_slice %arg4[%add3A_51, %dma_wait3A_583] : memref<832x4096xf32, #tpu.memory_space<hbm>> -> memref<1x4096xf32, #tpu.memory_space<hbm>>
      %dma_wait3A_585 = tpu.memref_squeeze %dma_wait3A_584 : memref<1x4096xf32, #tpu.memory_space<hbm>> -> memref<4096xf32, #tpu.memory_space<hbm>>
      tpu.wait_dma2 semaphore(%run_scoped3A_573 : memref<!tpu.dma_semaphore, #tpu.memory_space<semaphore_mem>>) src(%arg8 : memref<4096xf32, #tpu.memory_space<vmem>>) dst(%dma_wait3A_585 : memref<4096xf32, #tpu.memory_space<hbm>>)
      tpu.yield
    }) : () -> ()
    %dma_wait3A_52 = arith.constant 2 : i32
    %dma_wait3A_53 = arith.constant 0 : i32
    %dma_wait3A_54 = tpu.memref_slice %arg3[%dma_wait3A_52, %dma_wait3A_53] : memref<26x4096xi32, #tpu.memory_space<hbm>> -> memref<1x4096xi32, #tpu.memory_space<hbm>>
    %dma_wait3A_55 = tpu.memref_squeeze %dma_wait3A_54 : memref<1x4096xi32, #tpu.memory_space<hbm>> -> memref<4096xi32, #tpu.memory_space<hbm>>
    %dma_wait3A_56 = arith.constant 0 : i32
    %dma_wait3A_57 = tpu.memref_slice %arg3[%dma_wait3A_52, %dma_wait3A_56] : memref<26x4096xi32, #tpu.memory_space<hbm>> -> memref<1x4096xi32, #tpu.memory_space<hbm>>
    %dma_wait3A_58 = tpu.memref_squeeze %dma_wait3A_57 : memref<1x4096xi32, #tpu.memory_space<hbm>> -> memref<4096xi32, #tpu.memory_space<hbm>>
    tpu.wait_dma2 semaphore(%arg11 : memref<!tpu.dma_semaphore, #tpu.memory_space<semaphore_mem>>) src(%dma_wait3A_58 : memref<4096xi32, #tpu.memory_space<hbm>>) dst(%arg6 : memref<4096xi32, #tpu.memory_space<vmem>>)
    %dma_start3A_59 = tpu.memref_slice %arg5[%mul3A_2] : memref<32000000xf32, #tpu.memory_space<hbm>> -> memref<1000000xf32, #tpu.memory_space<hbm>>
    %dma_start3A_60 = arith.constant 0 : i32
    %dma_start3A_61 = tpu.memref_slice %dma_start3A_59[%dma_start3A_60] : memref<1000000xf32, #tpu.memory_space<hbm>> -> memref<1000000xf32, #tpu.memory_space<hbm>>
    tpu.enqueue_indirect_dma source(%dma_start3A_61 : memref<1000000xf32, #tpu.memory_space<hbm>>) target(%arg8 : memref<4096xf32, #tpu.memory_space<vmem>>) offsets(%arg6 : memref<4096xi32, #tpu.memory_space<vmem>>) semaphore(%arg12 : memref<!tpu.dma_semaphore, #tpu.memory_space<semaphore_mem>>)
    %dma_start3A_62 = arith.constant 3 : i32
    %dma_start3A_63 = arith.constant 0 : i32
    %dma_start3A_64 = tpu.memref_slice %arg3[%dma_start3A_62, %dma_start3A_63] : memref<26x4096xi32, #tpu.memory_space<hbm>> -> memref<1x4096xi32, #tpu.memory_space<hbm>>
    %dma_start3A_65 = tpu.memref_squeeze %dma_start3A_64 : memref<1x4096xi32, #tpu.memory_space<hbm>> -> memref<4096xi32, #tpu.memory_space<hbm>>
    %dma_start3A_66 = arith.constant 0 : i32
    %dma_start3A_67 = tpu.memref_slice %arg3[%dma_start3A_62, %dma_start3A_66] : memref<26x4096xi32, #tpu.memory_space<hbm>> -> memref<1x4096xi32, #tpu.memory_space<hbm>>
    %dma_start3A_68 = tpu.memref_squeeze %dma_start3A_67 : memref<1x4096xi32, #tpu.memory_space<hbm>> -> memref<4096xi32, #tpu.memory_space<hbm>>
    tpu.enqueue_dma source(%dma_start3A_68 : memref<4096xi32, #tpu.memory_space<hbm>>) target(%arg7 : memref<4096xi32, #tpu.memory_space<vmem>>) target_semaphore(%arg11 : memref<!tpu.dma_semaphore, #tpu.memory_space<semaphore_mem>>)
    %dma_wait3A_69 = tpu.memref_slice %arg5[%mul3A_2] : memref<32000000xf32, #tpu.memory_space<hbm>> -> memref<1000000xf32, #tpu.memory_space<hbm>>
    %dma_wait3A_70 = arith.constant 0 : i32
    %dma_wait3A_71 = tpu.memref_slice %dma_wait3A_69[%dma_wait3A_70] : memref<1000000xf32, #tpu.memory_space<hbm>> -> memref<1000000xf32, #tpu.memory_space<hbm>>
    tpu.wait_indirect_dma semaphore(%arg12 : memref<!tpu.dma_semaphore, #tpu.memory_space<semaphore_mem>>) src(%dma_wait3A_71 : memref<1000000xf32, #tpu.memory_space<hbm>>) dst(%arg8 : memref<4096xf32, #tpu.memory_space<vmem>>)
    %add3A_72 = arith.constant 64 : i32
    %add3A_73 = arith.addi %add3A_72, %add3A : i32
    "tpu.region"() ({
      %run_scoped3A_573 = tpu.sem_alloc : memref<!tpu.dma_semaphore, #tpu.memory_space<semaphore_mem>>
      %dma_start3A_574 = arith.constant 0 : i32
      %dma_start3A_575 = tpu.memref_slice %arg4[%add3A_73, %dma_start3A_574] : memref<832x4096xf32, #tpu.memory_space<hbm>> -> memref<1x4096xf32, #tpu.memory_space<hbm>>
      %dma_start3A_576 = tpu.memref_squeeze %dma_start3A_575 : memref<1x4096xf32, #tpu.memory_space<hbm>> -> memref<4096xf32, #tpu.memory_space<hbm>>
      %dma_start3A_577 = arith.constant 0 : i32
      %dma_start3A_578 = tpu.memref_slice %arg4[%add3A_73, %dma_start3A_577] : memref<832x4096xf32, #tpu.memory_space<hbm>> -> memref<1x4096xf32, #tpu.memory_space<hbm>>
      %dma_start3A_579 = tpu.memref_squeeze %dma_start3A_578 : memref<1x4096xf32, #tpu.memory_space<hbm>> -> memref<4096xf32, #tpu.memory_space<hbm>>
      tpu.enqueue_dma source(%arg8 : memref<4096xf32, #tpu.memory_space<vmem>>) target(%dma_start3A_579 : memref<4096xf32, #tpu.memory_space<hbm>>) target_semaphore(%run_scoped3A_573 : memref<!tpu.dma_semaphore, #tpu.memory_space<semaphore_mem>>)
      %dma_wait3A_580 = arith.constant 0 : i32
      %dma_wait3A_581 = tpu.memref_slice %arg4[%add3A_73, %dma_wait3A_580] : memref<832x4096xf32, #tpu.memory_space<hbm>> -> memref<1x4096xf32, #tpu.memory_space<hbm>>
      %dma_wait3A_582 = tpu.memref_squeeze %dma_wait3A_581 : memref<1x4096xf32, #tpu.memory_space<hbm>> -> memref<4096xf32, #tpu.memory_space<hbm>>
      %dma_wait3A_583 = arith.constant 0 : i32
      %dma_wait3A_584 = tpu.memref_slice %arg4[%add3A_73, %dma_wait3A_583] : memref<832x4096xf32, #tpu.memory_space<hbm>> -> memref<1x4096xf32, #tpu.memory_space<hbm>>
      %dma_wait3A_585 = tpu.memref_squeeze %dma_wait3A_584 : memref<1x4096xf32, #tpu.memory_space<hbm>> -> memref<4096xf32, #tpu.memory_space<hbm>>
      tpu.wait_dma2 semaphore(%run_scoped3A_573 : memref<!tpu.dma_semaphore, #tpu.memory_space<semaphore_mem>>) src(%arg8 : memref<4096xf32, #tpu.memory_space<vmem>>) dst(%dma_wait3A_585 : memref<4096xf32, #tpu.memory_space<hbm>>)
      tpu.yield
    }) : () -> ()
    %dma_wait3A_74 = arith.constant 3 : i32
    %dma_wait3A_75 = arith.constant 0 : i32
    %dma_wait3A_76 = tpu.memref_slice %arg3[%dma_wait3A_74, %dma_wait3A_75] : memref<26x4096xi32, #tpu.memory_space<hbm>> -> memref<1x4096xi32, #tpu.memory_space<hbm>>
    %dma_wait3A_77 = tpu.memref_squeeze %dma_wait3A_76 : memref<1x4096xi32, #tpu.memory_space<hbm>> -> memref<4096xi32, #tpu.memory_space<hbm>>
    %dma_wait3A_78 = arith.constant 0 : i32
    %dma_wait3A_79 = tpu.memref_slice %arg3[%dma_wait3A_74, %dma_wait3A_78] : memref<26x4096xi32, #tpu.memory_space<hbm>> -> memref<1x4096xi32, #tpu.memory_space<hbm>>
    %dma_wait3A_80 = tpu.memref_squeeze %dma_wait3A_79 : memref<1x4096xi32, #tpu.memory_space<hbm>> -> memref<4096xi32, #tpu.memory_space<hbm>>
    tpu.wait_dma2 semaphore(%arg11 : memref<!tpu.dma_semaphore, #tpu.memory_space<semaphore_mem>>) src(%dma_wait3A_80 : memref<4096xi32, #tpu.memory_space<hbm>>) dst(%arg7 : memref<4096xi32, #tpu.memory_space<vmem>>)
    %dma_start3A_81 = tpu.memref_slice %arg5[%mul3A_2] : memref<32000000xf32, #tpu.memory_space<hbm>> -> memref<1000000xf32, #tpu.memory_space<hbm>>
    %dma_start3A_82 = arith.constant 0 : i32
    %dma_start3A_83 = tpu.memref_slice %dma_start3A_81[%dma_start3A_82] : memref<1000000xf32, #tpu.memory_space<hbm>> -> memref<1000000xf32, #tpu.memory_space<hbm>>
    tpu.enqueue_indirect_dma source(%dma_start3A_83 : memref<1000000xf32, #tpu.memory_space<hbm>>) target(%arg8 : memref<4096xf32, #tpu.memory_space<vmem>>) offsets(%arg7 : memref<4096xi32, #tpu.memory_space<vmem>>) semaphore(%arg12 : memref<!tpu.dma_semaphore, #tpu.memory_space<semaphore_mem>>)
    %dma_start3A_84 = arith.constant 4 : i32
    %dma_start3A_85 = arith.constant 0 : i32
    %dma_start3A_86 = tpu.memref_slice %arg3[%dma_start3A_84, %dma_start3A_85] : memref<26x4096xi32, #tpu.memory_space<hbm>> -> memref<1x4096xi32, #tpu.memory_space<hbm>>
    %dma_start3A_87 = tpu.memref_squeeze %dma_start3A_86 : memref<1x4096xi32, #tpu.memory_space<hbm>> -> memref<4096xi32, #tpu.memory_space<hbm>>
    %dma_start3A_88 = arith.constant 0 : i32
    %dma_start3A_89 = tpu.memref_slice %arg3[%dma_start3A_84, %dma_start3A_88] : memref<26x4096xi32, #tpu.memory_space<hbm>> -> memref<1x4096xi32, #tpu.memory_space<hbm>>
    %dma_start3A_90 = tpu.memref_squeeze %dma_start3A_89 : memref<1x4096xi32, #tpu.memory_space<hbm>> -> memref<4096xi32, #tpu.memory_space<hbm>>
    tpu.enqueue_dma source(%dma_start3A_90 : memref<4096xi32, #tpu.memory_space<hbm>>) target(%arg6 : memref<4096xi32, #tpu.memory_space<vmem>>) target_semaphore(%arg11 : memref<!tpu.dma_semaphore, #tpu.memory_space<semaphore_mem>>)
    %dma_wait3A_91 = tpu.memref_slice %arg5[%mul3A_2] : memref<32000000xf32, #tpu.memory_space<hbm>> -> memref<1000000xf32, #tpu.memory_space<hbm>>
    %dma_wait3A_92 = arith.constant 0 : i32
    %dma_wait3A_93 = tpu.memref_slice %dma_wait3A_91[%dma_wait3A_92] : memref<1000000xf32, #tpu.memory_space<hbm>> -> memref<1000000xf32, #tpu.memory_space<hbm>>
    tpu.wait_indirect_dma semaphore(%arg12 : memref<!tpu.dma_semaphore, #tpu.memory_space<semaphore_mem>>) src(%dma_wait3A_93 : memref<1000000xf32, #tpu.memory_space<hbm>>) dst(%arg8 : memref<4096xf32, #tpu.memory_space<vmem>>)
    %add3A_94 = arith.constant 96 : i32
    %add3A_95 = arith.addi %add3A_94, %add3A : i32
    "tpu.region"() ({
      %run_scoped3A_573 = tpu.sem_alloc : memref<!tpu.dma_semaphore, #tpu.memory_space<semaphore_mem>>
      %dma_start3A_574 = arith.constant 0 : i32
      %dma_start3A_575 = tpu.memref_slice %arg4[%add3A_95, %dma_start3A_574] : memref<832x4096xf32, #tpu.memory_space<hbm>> -> memref<1x4096xf32, #tpu.memory_space<hbm>>
      %dma_start3A_576 = tpu.memref_squeeze %dma_start3A_575 : memref<1x4096xf32, #tpu.memory_space<hbm>> -> memref<4096xf32, #tpu.memory_space<hbm>>
      %dma_start3A_577 = arith.constant 0 : i32
      %dma_start3A_578 = tpu.memref_slice %arg4[%add3A_95, %dma_start3A_577] : memref<832x4096xf32, #tpu.memory_space<hbm>> -> memref<1x4096xf32, #tpu.memory_space<hbm>>
      %dma_start3A_579 = tpu.memref_squeeze %dma_start3A_578 : memref<1x4096xf32, #tpu.memory_space<hbm>> -> memref<4096xf32, #tpu.memory_space<hbm>>
      tpu.enqueue_dma source(%arg8 : memref<4096xf32, #tpu.memory_space<vmem>>) target(%dma_start3A_579 : memref<4096xf32, #tpu.memory_space<hbm>>) target_semaphore(%run_scoped3A_573 : memref<!tpu.dma_semaphore, #tpu.memory_space<semaphore_mem>>)
      %dma_wait3A_580 = arith.constant 0 : i32
      %dma_wait3A_581 = tpu.memref_slice %arg4[%add3A_95, %dma_wait3A_580] : memref<832x4096xf32, #tpu.memory_space<hbm>> -> memref<1x4096xf32, #tpu.memory_space<hbm>>
      %dma_wait3A_582 = tpu.memref_squeeze %dma_wait3A_581 : memref<1x4096xf32, #tpu.memory_space<hbm>> -> memref<4096xf32, #tpu.memory_space<hbm>>
      %dma_wait3A_583 = arith.constant 0 : i32
      %dma_wait3A_584 = tpu.memref_slice %arg4[%add3A_95, %dma_wait3A_583] : memref<832x4096xf32, #tpu.memory_space<hbm>> -> memref<1x4096xf32, #tpu.memory_space<hbm>>
      %dma_wait3A_585 = tpu.memref_squeeze %dma_wait3A_584 : memref<1x4096xf32, #tpu.memory_space<hbm>> -> memref<4096xf32, #tpu.memory_space<hbm>>
      tpu.wait_dma2 semaphore(%run_scoped3A_573 : memref<!tpu.dma_semaphore, #tpu.memory_space<semaphore_mem>>) src(%arg8 : memref<4096xf32, #tpu.memory_space<vmem>>) dst(%dma_wait3A_585 : memref<4096xf32, #tpu.memory_space<hbm>>)
      tpu.yield
    }) : () -> ()
    %dma_wait3A_96 = arith.constant 4 : i32
    %dma_wait3A_97 = arith.constant 0 : i32
    %dma_wait3A_98 = tpu.memref_slice %arg3[%dma_wait3A_96, %dma_wait3A_97] : memref<26x4096xi32, #tpu.memory_space<hbm>> -> memref<1x4096xi32, #tpu.memory_space<hbm>>
    %dma_wait3A_99 = tpu.memref_squeeze %dma_wait3A_98 : memref<1x4096xi32, #tpu.memory_space<hbm>> -> memref<4096xi32, #tpu.memory_space<hbm>>
    %dma_wait3A_100 = arith.constant 0 : i32
    %dma_wait3A_101 = tpu.memref_slice %arg3[%dma_wait3A_96, %dma_wait3A_100] : memref<26x4096xi32, #tpu.memory_space<hbm>> -> memref<1x4096xi32, #tpu.memory_space<hbm>>
    %dma_wait3A_102 = tpu.memref_squeeze %dma_wait3A_101 : memref<1x4096xi32, #tpu.memory_space<hbm>> -> memref<4096xi32, #tpu.memory_space<hbm>>
    tpu.wait_dma2 semaphore(%arg11 : memref<!tpu.dma_semaphore, #tpu.memory_space<semaphore_mem>>) src(%dma_wait3A_102 : memref<4096xi32, #tpu.memory_space<hbm>>) dst(%arg6 : memref<4096xi32, #tpu.memory_space<vmem>>)
    %dma_start3A_103 = tpu.memref_slice %arg5[%mul3A_2] : memref<32000000xf32, #tpu.memory_space<hbm>> -> memref<1000000xf32, #tpu.memory_space<hbm>>
    %dma_start3A_104 = arith.constant 0 : i32
    %dma_start3A_105 = tpu.memref_slice %dma_start3A_103[%dma_start3A_104] : memref<1000000xf32, #tpu.memory_space<hbm>> -> memref<1000000xf32, #tpu.memory_space<hbm>>
    tpu.enqueue_indirect_dma source(%dma_start3A_105 : memref<1000000xf32, #tpu.memory_space<hbm>>) target(%arg8 : memref<4096xf32, #tpu.memory_space<vmem>>) offsets(%arg6 : memref<4096xi32, #tpu.memory_space<vmem>>) semaphore(%arg12 : memref<!tpu.dma_semaphore, #tpu.memory_space<semaphore_mem>>)
    %dma_start3A_106 = arith.constant 5 : i32
    %dma_start3A_107 = arith.constant 0 : i32
    %dma_start3A_108 = tpu.memref_slice %arg3[%dma_start3A_106, %dma_start3A_107] : memref<26x4096xi32, #tpu.memory_space<hbm>> -> memref<1x4096xi32, #tpu.memory_space<hbm>>
    %dma_start3A_109 = tpu.memref_squeeze %dma_start3A_108 : memref<1x4096xi32, #tpu.memory_space<hbm>> -> memref<4096xi32, #tpu.memory_space<hbm>>
    %dma_start3A_110 = arith.constant 0 : i32
    %dma_start3A_111 = tpu.memref_slice %arg3[%dma_start3A_106, %dma_start3A_110] : memref<26x4096xi32, #tpu.memory_space<hbm>> -> memref<1x4096xi32, #tpu.memory_space<hbm>>
    %dma_start3A_112 = tpu.memref_squeeze %dma_start3A_111 : memref<1x4096xi32, #tpu.memory_space<hbm>> -> memref<4096xi32, #tpu.memory_space<hbm>>
    tpu.enqueue_dma source(%dma_start3A_112 : memref<4096xi32, #tpu.memory_space<hbm>>) target(%arg7 : memref<4096xi32, #tpu.memory_space<vmem>>) target_semaphore(%arg11 : memref<!tpu.dma_semaphore, #tpu.memory_space<semaphore_mem>>)
    %dma_wait3A_113 = tpu.memref_slice %arg5[%mul3A_2] : memref<32000000xf32, #tpu.memory_space<hbm>> -> memref<1000000xf32, #tpu.memory_space<hbm>>
    %dma_wait3A_114 = arith.constant 0 : i32
    %dma_wait3A_115 = tpu.memref_slice %dma_wait3A_113[%dma_wait3A_114] : memref<1000000xf32, #tpu.memory_space<hbm>> -> memref<1000000xf32, #tpu.memory_space<hbm>>
    tpu.wait_indirect_dma semaphore(%arg12 : memref<!tpu.dma_semaphore, #tpu.memory_space<semaphore_mem>>) src(%dma_wait3A_115 : memref<1000000xf32, #tpu.memory_space<hbm>>) dst(%arg8 : memref<4096xf32, #tpu.memory_space<vmem>>)
    %add3A_116 = arith.constant 128 : i32
    %add3A_117 = arith.addi %add3A_116, %add3A : i32
    "tpu.region"() ({
      %run_scoped3A_573 = tpu.sem_alloc : memref<!tpu.dma_semaphore, #tpu.memory_space<semaphore_mem>>
      %dma_start3A_574 = arith.constant 0 : i32
      %dma_start3A_575 = tpu.memref_slice %arg4[%add3A_117, %dma_start3A_574] : memref<832x4096xf32, #tpu.memory_space<hbm>> -> memref<1x4096xf32, #tpu.memory_space<hbm>>
      %dma_start3A_576 = tpu.memref_squeeze %dma_start3A_575 : memref<1x4096xf32, #tpu.memory_space<hbm>> -> memref<4096xf32, #tpu.memory_space<hbm>>
      %dma_start3A_577 = arith.constant 0 : i32
      %dma_start3A_578 = tpu.memref_slice %arg4[%add3A_117, %dma_start3A_577] : memref<832x4096xf32, #tpu.memory_space<hbm>> -> memref<1x4096xf32, #tpu.memory_space<hbm>>
      %dma_start3A_579 = tpu.memref_squeeze %dma_start3A_578 : memref<1x4096xf32, #tpu.memory_space<hbm>> -> memref<4096xf32, #tpu.memory_space<hbm>>
      tpu.enqueue_dma source(%arg8 : memref<4096xf32, #tpu.memory_space<vmem>>) target(%dma_start3A_579 : memref<4096xf32, #tpu.memory_space<hbm>>) target_semaphore(%run_scoped3A_573 : memref<!tpu.dma_semaphore, #tpu.memory_space<semaphore_mem>>)
      %dma_wait3A_580 = arith.constant 0 : i32
      %dma_wait3A_581 = tpu.memref_slice %arg4[%add3A_117, %dma_wait3A_580] : memref<832x4096xf32, #tpu.memory_space<hbm>> -> memref<1x4096xf32, #tpu.memory_space<hbm>>
      %dma_wait3A_582 = tpu.memref_squeeze %dma_wait3A_581 : memref<1x4096xf32, #tpu.memory_space<hbm>> -> memref<4096xf32, #tpu.memory_space<hbm>>
      %dma_wait3A_583 = arith.constant 0 : i32
      %dma_wait3A_584 = tpu.memref_slice %arg4[%add3A_117, %dma_wait3A_583] : memref<832x4096xf32, #tpu.memory_space<hbm>> -> memref<1x4096xf32, #tpu.memory_space<hbm>>
      %dma_wait3A_585 = tpu.memref_squeeze %dma_wait3A_584 : memref<1x4096xf32, #tpu.memory_space<hbm>> -> memref<4096xf32, #tpu.memory_space<hbm>>
      tpu.wait_dma2 semaphore(%run_scoped3A_573 : memref<!tpu.dma_semaphore, #tpu.memory_space<semaphore_mem>>) src(%arg8 : memref<4096xf32, #tpu.memory_space<vmem>>) dst(%dma_wait3A_585 : memref<4096xf32, #tpu.memory_space<hbm>>)
      tpu.yield
    }) : () -> ()
    %dma_wait3A_118 = arith.constant 5 : i32
    %dma_wait3A_119 = arith.constant 0 : i32
    %dma_wait3A_120 = tpu.memref_slice %arg3[%dma_wait3A_118, %dma_wait3A_119] : memref<26x4096xi32, #tpu.memory_space<hbm>> -> memref<1x4096xi32, #tpu.memory_space<hbm>>
    %dma_wait3A_121 = tpu.memref_squeeze %dma_wait3A_120 : memref<1x4096xi32, #tpu.memory_space<hbm>> -> memref<4096xi32, #tpu.memory_space<hbm>>
    %dma_wait3A_122 = arith.constant 0 : i32
    %dma_wait3A_123 = tpu.memref_slice %arg3[%dma_wait3A_118, %dma_wait3A_122] : memref<26x4096xi32, #tpu.memory_space<hbm>> -> memref<1x4096xi32, #tpu.memory_space<hbm>>
    %dma_wait3A_124 = tpu.memref_squeeze %dma_wait3A_123 : memref<1x4096xi32, #tpu.memory_space<hbm>> -> memref<4096xi32, #tpu.memory_space<hbm>>
    tpu.wait_dma2 semaphore(%arg11 : memref<!tpu.dma_semaphore, #tpu.memory_space<semaphore_mem>>) src(%dma_wait3A_124 : memref<4096xi32, #tpu.memory_space<hbm>>) dst(%arg7 : memref<4096xi32, #tpu.memory_space<vmem>>)
    %dma_start3A_125 = tpu.memref_slice %arg5[%mul3A_2] : memref<32000000xf32, #tpu.memory_space<hbm>> -> memref<1000000xf32, #tpu.memory_space<hbm>>
    %dma_start3A_126 = arith.constant 0 : i32
    %dma_start3A_127 = tpu.memref_slice %dma_start3A_125[%dma_start3A_126] : memref<1000000xf32, #tpu.memory_space<hbm>> -> memref<1000000xf32, #tpu.memory_space<hbm>>
    tpu.enqueue_indirect_dma source(%dma_start3A_127 : memref<1000000xf32, #tpu.memory_space<hbm>>) target(%arg8 : memref<4096xf32, #tpu.memory_space<vmem>>) offsets(%arg7 : memref<4096xi32, #tpu.memory_space<vmem>>) semaphore(%arg12 : memref<!tpu.dma_semaphore, #tpu.memory_space<semaphore_mem>>)
    %dma_start3A_128 = arith.constant 6 : i32
    %dma_start3A_129 = arith.constant 0 : i32
    %dma_start3A_130 = tpu.memref_slice %arg3[%dma_start3A_128, %dma_start3A_129] : memref<26x4096xi32, #tpu.memory_space<hbm>> -> memref<1x4096xi32, #tpu.memory_space<hbm>>
    %dma_start3A_131 = tpu.memref_squeeze %dma_start3A_130 : memref<1x4096xi32, #tpu.memory_space<hbm>> -> memref<4096xi32, #tpu.memory_space<hbm>>
    %dma_start3A_132 = arith.constant 0 : i32
    %dma_start3A_133 = tpu.memref_slice %arg3[%dma_start3A_128, %dma_start3A_132] : memref<26x4096xi32, #tpu.memory_space<hbm>> -> memref<1x4096xi32, #tpu.memory_space<hbm>>
    %dma_start3A_134 = tpu.memref_squeeze %dma_start3A_133 : memref<1x4096xi32, #tpu.memory_space<hbm>> -> memref<4096xi32, #tpu.memory_space<hbm>>
    tpu.enqueue_dma source(%dma_start3A_134 : memref<4096xi32, #tpu.memory_space<hbm>>) target(%arg6 : memref<4096xi32, #tpu.memory_space<vmem>>) target_semaphore(%arg11 : memref<!tpu.dma_semaphore, #tpu.memory_space<semaphore_mem>>)
    %dma_wait3A_135 = tpu.memref_slice %arg5[%mul3A_2] : memref<32000000xf32, #tpu.memory_space<hbm>> -> memref<1000000xf32, #tpu.memory_space<hbm>>
    %dma_wait3A_136 = arith.constant 0 : i32
    %dma_wait3A_137 = tpu.memref_slice %dma_wait3A_135[%dma_wait3A_136] : memref<1000000xf32, #tpu.memory_space<hbm>> -> memref<1000000xf32, #tpu.memory_space<hbm>>
    tpu.wait_indirect_dma semaphore(%arg12 : memref<!tpu.dma_semaphore, #tpu.memory_space<semaphore_mem>>) src(%dma_wait3A_137 : memref<1000000xf32, #tpu.memory_space<hbm>>) dst(%arg8 : memref<4096xf32, #tpu.memory_space<vmem>>)
    %add3A_138 = arith.constant 160 : i32
    %add3A_139 = arith.addi %add3A_138, %add3A : i32
    "tpu.region"() ({
      %run_scoped3A_573 = tpu.sem_alloc : memref<!tpu.dma_semaphore, #tpu.memory_space<semaphore_mem>>
      %dma_start3A_574 = arith.constant 0 : i32
      %dma_start3A_575 = tpu.memref_slice %arg4[%add3A_139, %dma_start3A_574] : memref<832x4096xf32, #tpu.memory_space<hbm>> -> memref<1x4096xf32, #tpu.memory_space<hbm>>
      %dma_start3A_576 = tpu.memref_squeeze %dma_start3A_575 : memref<1x4096xf32, #tpu.memory_space<hbm>> -> memref<4096xf32, #tpu.memory_space<hbm>>
      %dma_start3A_577 = arith.constant 0 : i32
      %dma_start3A_578 = tpu.memref_slice %arg4[%add3A_139, %dma_start3A_577] : memref<832x4096xf32, #tpu.memory_space<hbm>> -> memref<1x4096xf32, #tpu.memory_space<hbm>>
      %dma_start3A_579 = tpu.memref_squeeze %dma_start3A_578 : memref<1x4096xf32, #tpu.memory_space<hbm>> -> memref<4096xf32, #tpu.memory_space<hbm>>
      tpu.enqueue_dma source(%arg8 : memref<4096xf32, #tpu.memory_space<vmem>>) target(%dma_start3A_579 : memref<4096xf32, #tpu.memory_space<hbm>>) target_semaphore(%run_scoped3A_573 : memref<!tpu.dma_semaphore, #tpu.memory_space<semaphore_mem>>)
      %dma_wait3A_580 = arith.constant 0 : i32
      %dma_wait3A_581 = tpu.memref_slice %arg4[%add3A_139, %dma_wait3A_580] : memref<832x4096xf32, #tpu.memory_space<hbm>> -> memref<1x4096xf32, #tpu.memory_space<hbm>>
      %dma_wait3A_582 = tpu.memref_squeeze %dma_wait3A_581 : memref<1x4096xf32, #tpu.memory_space<hbm>> -> memref<4096xf32, #tpu.memory_space<hbm>>
      %dma_wait3A_583 = arith.constant 0 : i32
      %dma_wait3A_584 = tpu.memref_slice %arg4[%add3A_139, %dma_wait3A_583] : memref<832x4096xf32, #tpu.memory_space<hbm>> -> memref<1x4096xf32, #tpu.memory_space<hbm>>
      %dma_wait3A_585 = tpu.memref_squeeze %dma_wait3A_584 : memref<1x4096xf32, #tpu.memory_space<hbm>> -> memref<4096xf32, #tpu.memory_space<hbm>>
      tpu.wait_dma2 semaphore(%run_scoped3A_573 : memref<!tpu.dma_semaphore, #tpu.memory_space<semaphore_mem>>) src(%arg8 : memref<4096xf32, #tpu.memory_space<vmem>>) dst(%dma_wait3A_585 : memref<4096xf32, #tpu.memory_space<hbm>>)
      tpu.yield
    }) : () -> ()
    %dma_wait3A_140 = arith.constant 6 : i32
    %dma_wait3A_141 = arith.constant 0 : i32
    %dma_wait3A_142 = tpu.memref_slice %arg3[%dma_wait3A_140, %dma_wait3A_141] : memref<26x4096xi32, #tpu.memory_space<hbm>> -> memref<1x4096xi32, #tpu.memory_space<hbm>>
    %dma_wait3A_143 = tpu.memref_squeeze %dma_wait3A_142 : memref<1x4096xi32, #tpu.memory_space<hbm>> -> memref<4096xi32, #tpu.memory_space<hbm>>
    %dma_wait3A_144 = arith.constant 0 : i32
    %dma_wait3A_145 = tpu.memref_slice %arg3[%dma_wait3A_140, %dma_wait3A_144] : memref<26x4096xi32, #tpu.memory_space<hbm>> -> memref<1x4096xi32, #tpu.memory_space<hbm>>
    %dma_wait3A_146 = tpu.memref_squeeze %dma_wait3A_145 : memref<1x4096xi32, #tpu.memory_space<hbm>> -> memref<4096xi32, #tpu.memory_space<hbm>>
    tpu.wait_dma2 semaphore(%arg11 : memref<!tpu.dma_semaphore, #tpu.memory_space<semaphore_mem>>) src(%dma_wait3A_146 : memref<4096xi32, #tpu.memory_space<hbm>>) dst(%arg6 : memref<4096xi32, #tpu.memory_space<vmem>>)
    %dma_start3A_147 = tpu.memref_slice %arg5[%mul3A_2] : memref<32000000xf32, #tpu.memory_space<hbm>> -> memref<1000000xf32, #tpu.memory_space<hbm>>
    %dma_start3A_148 = arith.constant 0 : i32
    %dma_start3A_149 = tpu.memref_slice %dma_start3A_147[%dma_start3A_148] : memref<1000000xf32, #tpu.memory_space<hbm>> -> memref<1000000xf32, #tpu.memory_space<hbm>>
    tpu.enqueue_indirect_dma source(%dma_start3A_149 : memref<1000000xf32, #tpu.memory_space<hbm>>) target(%arg8 : memref<4096xf32, #tpu.memory_space<vmem>>) offsets(%arg6 : memref<4096xi32, #tpu.memory_space<vmem>>) semaphore(%arg12 : memref<!tpu.dma_semaphore, #tpu.memory_space<semaphore_mem>>)
    %dma_start3A_150 = arith.constant 7 : i32
    %dma_start3A_151 = arith.constant 0 : i32
    %dma_start3A_152 = tpu.memref_slice %arg3[%dma_start3A_150, %dma_start3A_151] : memref<26x4096xi32, #tpu.memory_space<hbm>> -> memref<1x4096xi32, #tpu.memory_space<hbm>>
    %dma_start3A_153 = tpu.memref_squeeze %dma_start3A_152 : memref<1x4096xi32, #tpu.memory_space<hbm>> -> memref<4096xi32, #tpu.memory_space<hbm>>
    %dma_start3A_154 = arith.constant 0 : i32
    %dma_start3A_155 = tpu.memref_slice %arg3[%dma_start3A_150, %dma_start3A_154] : memref<26x4096xi32, #tpu.memory_space<hbm>> -> memref<1x4096xi32, #tpu.memory_space<hbm>>
    %dma_start3A_156 = tpu.memref_squeeze %dma_start3A_155 : memref<1x4096xi32, #tpu.memory_space<hbm>> -> memref<4096xi32, #tpu.memory_space<hbm>>
    tpu.enqueue_dma source(%dma_start3A_156 : memref<4096xi32, #tpu.memory_space<hbm>>) target(%arg7 : memref<4096xi32, #tpu.memory_space<vmem>>) target_semaphore(%arg11 : memref<!tpu.dma_semaphore, #tpu.memory_space<semaphore_mem>>)
    %dma_wait3A_157 = tpu.memref_slice %arg5[%mul3A_2] : memref<32000000xf32, #tpu.memory_space<hbm>> -> memref<1000000xf32, #tpu.memory_space<hbm>>
    %dma_wait3A_158 = arith.constant 0 : i32
    %dma_wait3A_159 = tpu.memref_slice %dma_wait3A_157[%dma_wait3A_158] : memref<1000000xf32, #tpu.memory_space<hbm>> -> memref<1000000xf32, #tpu.memory_space<hbm>>
    tpu.wait_indirect_dma semaphore(%arg12 : memref<!tpu.dma_semaphore, #tpu.memory_space<semaphore_mem>>) src(%dma_wait3A_159 : memref<1000000xf32, #tpu.memory_space<hbm>>) dst(%arg8 : memref<4096xf32, #tpu.memory_space<vmem>>)
    %add3A_160 = arith.constant 192 : i32
    %add3A_161 = arith.addi %add3A_160, %add3A : i32
    "tpu.region"() ({
      %run_scoped3A_573 = tpu.sem_alloc : memref<!tpu.dma_semaphore, #tpu.memory_space<semaphore_mem>>
      %dma_start3A_574 = arith.constant 0 : i32
      %dma_start3A_575 = tpu.memref_slice %arg4[%add3A_161, %dma_start3A_574] : memref<832x4096xf32, #tpu.memory_space<hbm>> -> memref<1x4096xf32, #tpu.memory_space<hbm>>
      %dma_start3A_576 = tpu.memref_squeeze %dma_start3A_575 : memref<1x4096xf32, #tpu.memory_space<hbm>> -> memref<4096xf32, #tpu.memory_space<hbm>>
      %dma_start3A_577 = arith.constant 0 : i32
      %dma_start3A_578 = tpu.memref_slice %arg4[%add3A_161, %dma_start3A_577] : memref<832x4096xf32, #tpu.memory_space<hbm>> -> memref<1x4096xf32, #tpu.memory_space<hbm>>
      %dma_start3A_579 = tpu.memref_squeeze %dma_start3A_578 : memref<1x4096xf32, #tpu.memory_space<hbm>> -> memref<4096xf32, #tpu.memory_space<hbm>>
      tpu.enqueue_dma source(%arg8 : memref<4096xf32, #tpu.memory_space<vmem>>) target(%dma_start3A_579 : memref<4096xf32, #tpu.memory_space<hbm>>) target_semaphore(%run_scoped3A_573 : memref<!tpu.dma_semaphore, #tpu.memory_space<semaphore_mem>>)
      %dma_wait3A_580 = arith.constant 0 : i32
      %dma_wait3A_581 = tpu.memref_slice %arg4[%add3A_161, %dma_wait3A_580] : memref<832x4096xf32, #tpu.memory_space<hbm>> -> memref<1x4096xf32, #tpu.memory_space<hbm>>
      %dma_wait3A_582 = tpu.memref_squeeze %dma_wait3A_581 : memref<1x4096xf32, #tpu.memory_space<hbm>> -> memref<4096xf32, #tpu.memory_space<hbm>>
      %dma_wait3A_583 = arith.constant 0 : i32
      %dma_wait3A_584 = tpu.memref_slice %arg4[%add3A_161, %dma_wait3A_583] : memref<832x4096xf32, #tpu.memory_space<hbm>> -> memref<1x4096xf32, #tpu.memory_space<hbm>>
      %dma_wait3A_585 = tpu.memref_squeeze %dma_wait3A_584 : memref<1x4096xf32, #tpu.memory_space<hbm>> -> memref<4096xf32, #tpu.memory_space<hbm>>
      tpu.wait_dma2 semaphore(%run_scoped3A_573 : memref<!tpu.dma_semaphore, #tpu.memory_space<semaphore_mem>>) src(%arg8 : memref<4096xf32, #tpu.memory_space<vmem>>) dst(%dma_wait3A_585 : memref<4096xf32, #tpu.memory_space<hbm>>)
      tpu.yield
    }) : () -> ()
    %dma_wait3A_162 = arith.constant 7 : i32
    %dma_wait3A_163 = arith.constant 0 : i32
    %dma_wait3A_164 = tpu.memref_slice %arg3[%dma_wait3A_162, %dma_wait3A_163] : memref<26x4096xi32, #tpu.memory_space<hbm>> -> memref<1x4096xi32, #tpu.memory_space<hbm>>
    %dma_wait3A_165 = tpu.memref_squeeze %dma_wait3A_164 : memref<1x4096xi32, #tpu.memory_space<hbm>> -> memref<4096xi32, #tpu.memory_space<hbm>>
    %dma_wait3A_166 = arith.constant 0 : i32
    %dma_wait3A_167 = tpu.memref_slice %arg3[%dma_wait3A_162, %dma_wait3A_166] : memref<26x4096xi32, #tpu.memory_space<hbm>> -> memref<1x4096xi32, #tpu.memory_space<hbm>>
    %dma_wait3A_168 = tpu.memref_squeeze %dma_wait3A_167 : memref<1x4096xi32, #tpu.memory_space<hbm>> -> memref<4096xi32, #tpu.memory_space<hbm>>
    tpu.wait_dma2 semaphore(%arg11 : memref<!tpu.dma_semaphore, #tpu.memory_space<semaphore_mem>>) src(%dma_wait3A_168 : memref<4096xi32, #tpu.memory_space<hbm>>) dst(%arg7 : memref<4096xi32, #tpu.memory_space<vmem>>)
    %dma_start3A_169 = tpu.memref_slice %arg5[%mul3A_2] : memref<32000000xf32, #tpu.memory_space<hbm>> -> memref<1000000xf32, #tpu.memory_space<hbm>>
    %dma_start3A_170 = arith.constant 0 : i32
    %dma_start3A_171 = tpu.memref_slice %dma_start3A_169[%dma_start3A_170] : memref<1000000xf32, #tpu.memory_space<hbm>> -> memref<1000000xf32, #tpu.memory_space<hbm>>
    tpu.enqueue_indirect_dma source(%dma_start3A_171 : memref<1000000xf32, #tpu.memory_space<hbm>>) target(%arg8 : memref<4096xf32, #tpu.memory_space<vmem>>) offsets(%arg7 : memref<4096xi32, #tpu.memory_space<vmem>>) semaphore(%arg12 : memref<!tpu.dma_semaphore, #tpu.memory_space<semaphore_mem>>)
    %dma_start3A_172 = arith.constant 8 : i32
    %dma_start3A_173 = arith.constant 0 : i32
    %dma_start3A_174 = tpu.memref_slice %arg3[%dma_start3A_172, %dma_start3A_173] : memref<26x4096xi32, #tpu.memory_space<hbm>> -> memref<1x4096xi32, #tpu.memory_space<hbm>>
    %dma_start3A_175 = tpu.memref_squeeze %dma_start3A_174 : memref<1x4096xi32, #tpu.memory_space<hbm>> -> memref<4096xi32, #tpu.memory_space<hbm>>
    %dma_start3A_176 = arith.constant 0 : i32
    %dma_start3A_177 = tpu.memref_slice %arg3[%dma_start3A_172, %dma_start3A_176] : memref<26x4096xi32, #tpu.memory_space<hbm>> -> memref<1x4096xi32, #tpu.memory_space<hbm>>
    %dma_start3A_178 = tpu.memref_squeeze %dma_start3A_177 : memref<1x4096xi32, #tpu.memory_space<hbm>> -> memref<4096xi32, #tpu.memory_space<hbm>>
    tpu.enqueue_dma source(%dma_start3A_178 : memref<4096xi32, #tpu.memory_space<hbm>>) target(%arg6 : memref<4096xi32, #tpu.memory_space<vmem>>) target_semaphore(%arg11 : memref<!tpu.dma_semaphore, #tpu.memory_space<semaphore_mem>>)
    %dma_wait3A_179 = tpu.memref_slice %arg5[%mul3A_2] : memref<32000000xf32, #tpu.memory_space<hbm>> -> memref<1000000xf32, #tpu.memory_space<hbm>>
    %dma_wait3A_180 = arith.constant 0 : i32
    %dma_wait3A_181 = tpu.memref_slice %dma_wait3A_179[%dma_wait3A_180] : memref<1000000xf32, #tpu.memory_space<hbm>> -> memref<1000000xf32, #tpu.memory_space<hbm>>
    tpu.wait_indirect_dma semaphore(%arg12 : memref<!tpu.dma_semaphore, #tpu.memory_space<semaphore_mem>>) src(%dma_wait3A_181 : memref<1000000xf32, #tpu.memory_space<hbm>>) dst(%arg8 : memref<4096xf32, #tpu.memory_space<vmem>>)
    %add3A_182 = arith.constant 224 : i32
    %add3A_183 = arith.addi %add3A_182, %add3A : i32
    "tpu.region"() ({
      %run_scoped3A_573 = tpu.sem_alloc : memref<!tpu.dma_semaphore, #tpu.memory_space<semaphore_mem>>
      %dma_start3A_574 = arith.constant 0 : i32
      %dma_start3A_575 = tpu.memref_slice %arg4[%add3A_183, %dma_start3A_574] : memref<832x4096xf32, #tpu.memory_space<hbm>> -> memref<1x4096xf32, #tpu.memory_space<hbm>>
      %dma_start3A_576 = tpu.memref_squeeze %dma_start3A_575 : memref<1x4096xf32, #tpu.memory_space<hbm>> -> memref<4096xf32, #tpu.memory_space<hbm>>
      %dma_start3A_577 = arith.constant 0 : i32
      %dma_start3A_578 = tpu.memref_slice %arg4[%add3A_183, %dma_start3A_577] : memref<832x4096xf32, #tpu.memory_space<hbm>> -> memref<1x4096xf32, #tpu.memory_space<hbm>>
      %dma_start3A_579 = tpu.memref_squeeze %dma_start3A_578 : memref<1x4096xf32, #tpu.memory_space<hbm>> -> memref<4096xf32, #tpu.memory_space<hbm>>
      tpu.enqueue_dma source(%arg8 : memref<4096xf32, #tpu.memory_space<vmem>>) target(%dma_start3A_579 : memref<4096xf32, #tpu.memory_space<hbm>>) target_semaphore(%run_scoped3A_573 : memref<!tpu.dma_semaphore, #tpu.memory_space<semaphore_mem>>)
      %dma_wait3A_580 = arith.constant 0 : i32
      %dma_wait3A_581 = tpu.memref_slice %arg4[%add3A_183, %dma_wait3A_580] : memref<832x4096xf32, #tpu.memory_space<hbm>> -> memref<1x4096xf32, #tpu.memory_space<hbm>>
      %dma_wait3A_582 = tpu.memref_squeeze %dma_wait3A_581 : memref<1x4096xf32, #tpu.memory_space<hbm>> -> memref<4096xf32, #tpu.memory_space<hbm>>
      %dma_wait3A_583 = arith.constant 0 : i32
      %dma_wait3A_584 = tpu.memref_slice %arg4[%add3A_183, %dma_wait3A_583] : memref<832x4096xf32, #tpu.memory_space<hbm>> -> memref<1x4096xf32, #tpu.memory_space<hbm>>
      %dma_wait3A_585 = tpu.memref_squeeze %dma_wait3A_584 : memref<1x4096xf32, #tpu.memory_space<hbm>> -> memref<4096xf32, #tpu.memory_space<hbm>>
      tpu.wait_dma2 semaphore(%run_scoped3A_573 : memref<!tpu.dma_semaphore, #tpu.memory_space<semaphore_mem>>) src(%arg8 : memref<4096xf32, #tpu.memory_space<vmem>>) dst(%dma_wait3A_585 : memref<4096xf32, #tpu.memory_space<hbm>>)
      tpu.yield
    }) : () -> ()
    %dma_wait3A_184 = arith.constant 8 : i32
    %dma_wait3A_185 = arith.constant 0 : i32
    %dma_wait3A_186 = tpu.memref_slice %arg3[%dma_wait3A_184, %dma_wait3A_185] : memref<26x4096xi32, #tpu.memory_space<hbm>> -> memref<1x4096xi32, #tpu.memory_space<hbm>>
    %dma_wait3A_187 = tpu.memref_squeeze %dma_wait3A_186 : memref<1x4096xi32, #tpu.memory_space<hbm>> -> memref<4096xi32, #tpu.memory_space<hbm>>
    %dma_wait3A_188 = arith.constant 0 : i32
    %dma_wait3A_189 = tpu.memref_slice %arg3[%dma_wait3A_184, %dma_wait3A_188] : memref<26x4096xi32, #tpu.memory_space<hbm>> -> memref<1x4096xi32, #tpu.memory_space<hbm>>
    %dma_wait3A_190 = tpu.memref_squeeze %dma_wait3A_189 : memref<1x4096xi32, #tpu.memory_space<hbm>> -> memref<4096xi32, #tpu.memory_space<hbm>>
    tpu.wait_dma2 semaphore(%arg11 : memref<!tpu.dma_semaphore, #tpu.memory_space<semaphore_mem>>) src(%dma_wait3A_190 : memref<4096xi32, #tpu.memory_space<hbm>>) dst(%arg6 : memref<4096xi32, #tpu.memory_space<vmem>>)
    %dma_start3A_191 = tpu.memref_slice %arg5[%mul3A_2] : memref<32000000xf32, #tpu.memory_space<hbm>> -> memref<1000000xf32, #tpu.memory_space<hbm>>
    %dma_start3A_192 = arith.constant 0 : i32
    %dma_start3A_193 = tpu.memref_slice %dma_start3A_191[%dma_start3A_192] : memref<1000000xf32, #tpu.memory_space<hbm>> -> memref<1000000xf32, #tpu.memory_space<hbm>>
    tpu.enqueue_indirect_dma source(%dma_start3A_193 : memref<1000000xf32, #tpu.memory_space<hbm>>) target(%arg8 : memref<4096xf32, #tpu.memory_space<vmem>>) offsets(%arg6 : memref<4096xi32, #tpu.memory_space<vmem>>) semaphore(%arg12 : memref<!tpu.dma_semaphore, #tpu.memory_space<semaphore_mem>>)
    %dma_start3A_194 = arith.constant 9 : i32
    %dma_start3A_195 = arith.constant 0 : i32
    %dma_start3A_196 = tpu.memref_slice %arg3[%dma_start3A_194, %dma_start3A_195] : memref<26x4096xi32, #tpu.memory_space<hbm>> -> memref<1x4096xi32, #tpu.memory_space<hbm>>
    %dma_start3A_197 = tpu.memref_squeeze %dma_start3A_196 : memref<1x4096xi32, #tpu.memory_space<hbm>> -> memref<4096xi32, #tpu.memory_space<hbm>>
    %dma_start3A_198 = arith.constant 0 : i32
    %dma_start3A_199 = tpu.memref_slice %arg3[%dma_start3A_194, %dma_start3A_198] : memref<26x4096xi32, #tpu.memory_space<hbm>> -> memref<1x4096xi32, #tpu.memory_space<hbm>>
    %dma_start3A_200 = tpu.memref_squeeze %dma_start3A_199 : memref<1x4096xi32, #tpu.memory_space<hbm>> -> memref<4096xi32, #tpu.memory_space<hbm>>
    tpu.enqueue_dma source(%dma_start3A_200 : memref<4096xi32, #tpu.memory_space<hbm>>) target(%arg7 : memref<4096xi32, #tpu.memory_space<vmem>>) target_semaphore(%arg11 : memref<!tpu.dma_semaphore, #tpu.memory_space<semaphore_mem>>)
    %dma_wait3A_201 = tpu.memref_slice %arg5[%mul3A_2] : memref<32000000xf32, #tpu.memory_space<hbm>> -> memref<1000000xf32, #tpu.memory_space<hbm>>
    %dma_wait3A_202 = arith.constant 0 : i32
    %dma_wait3A_203 = tpu.memref_slice %dma_wait3A_201[%dma_wait3A_202] : memref<1000000xf32, #tpu.memory_space<hbm>> -> memref<1000000xf32, #tpu.memory_space<hbm>>
    tpu.wait_indirect_dma semaphore(%arg12 : memref<!tpu.dma_semaphore, #tpu.memory_space<semaphore_mem>>) src(%dma_wait3A_203 : memref<1000000xf32, #tpu.memory_space<hbm>>) dst(%arg8 : memref<4096xf32, #tpu.memory_space<vmem>>)
    %add3A_204 = arith.constant 256 : i32
    %add3A_205 = arith.addi %add3A_204, %add3A : i32
    "tpu.region"() ({
      %run_scoped3A_573 = tpu.sem_alloc : memref<!tpu.dma_semaphore, #tpu.memory_space<semaphore_mem>>
      %dma_start3A_574 = arith.constant 0 : i32
      %dma_start3A_575 = tpu.memref_slice %arg4[%add3A_205, %dma_start3A_574] : memref<832x4096xf32, #tpu.memory_space<hbm>> -> memref<1x4096xf32, #tpu.memory_space<hbm>>
      %dma_start3A_576 = tpu.memref_squeeze %dma_start3A_575 : memref<1x4096xf32, #tpu.memory_space<hbm>> -> memref<4096xf32, #tpu.memory_space<hbm>>
      %dma_start3A_577 = arith.constant 0 : i32
      %dma_start3A_578 = tpu.memref_slice %arg4[%add3A_205, %dma_start3A_577] : memref<832x4096xf32, #tpu.memory_space<hbm>> -> memref<1x4096xf32, #tpu.memory_space<hbm>>
      %dma_start3A_579 = tpu.memref_squeeze %dma_start3A_578 : memref<1x4096xf32, #tpu.memory_space<hbm>> -> memref<4096xf32, #tpu.memory_space<hbm>>
      tpu.enqueue_dma source(%arg8 : memref<4096xf32, #tpu.memory_space<vmem>>) target(%dma_start3A_579 : memref<4096xf32, #tpu.memory_space<hbm>>) target_semaphore(%run_scoped3A_573 : memref<!tpu.dma_semaphore, #tpu.memory_space<semaphore_mem>>)
      %dma_wait3A_580 = arith.constant 0 : i32
      %dma_wait3A_581 = tpu.memref_slice %arg4[%add3A_205, %dma_wait3A_580] : memref<832x4096xf32, #tpu.memory_space<hbm>> -> memref<1x4096xf32, #tpu.memory_space<hbm>>
      %dma_wait3A_582 = tpu.memref_squeeze %dma_wait3A_581 : memref<1x4096xf32, #tpu.memory_space<hbm>> -> memref<4096xf32, #tpu.memory_space<hbm>>
      %dma_wait3A_583 = arith.constant 0 : i32
      %dma_wait3A_584 = tpu.memref_slice %arg4[%add3A_205, %dma_wait3A_583] : memref<832x4096xf32, #tpu.memory_space<hbm>> -> memref<1x4096xf32, #tpu.memory_space<hbm>>
      %dma_wait3A_585 = tpu.memref_squeeze %dma_wait3A_584 : memref<1x4096xf32, #tpu.memory_space<hbm>> -> memref<4096xf32, #tpu.memory_space<hbm>>
      tpu.wait_dma2 semaphore(%run_scoped3A_573 : memref<!tpu.dma_semaphore, #tpu.memory_space<semaphore_mem>>) src(%arg8 : memref<4096xf32, #tpu.memory_space<vmem>>) dst(%dma_wait3A_585 : memref<4096xf32, #tpu.memory_space<hbm>>)
      tpu.yield
    }) : () -> ()
    %dma_wait3A_206 = arith.constant 9 : i32
    %dma_wait3A_207 = arith.constant 0 : i32
    %dma_wait3A_208 = tpu.memref_slice %arg3[%dma_wait3A_206, %dma_wait3A_207] : memref<26x4096xi32, #tpu.memory_space<hbm>> -> memref<1x4096xi32, #tpu.memory_space<hbm>>
    %dma_wait3A_209 = tpu.memref_squeeze %dma_wait3A_208 : memref<1x4096xi32, #tpu.memory_space<hbm>> -> memref<4096xi32, #tpu.memory_space<hbm>>
    %dma_wait3A_210 = arith.constant 0 : i32
    %dma_wait3A_211 = tpu.memref_slice %arg3[%dma_wait3A_206, %dma_wait3A_210] : memref<26x4096xi32, #tpu.memory_space<hbm>> -> memref<1x4096xi32, #tpu.memory_space<hbm>>
    %dma_wait3A_212 = tpu.memref_squeeze %dma_wait3A_211 : memref<1x4096xi32, #tpu.memory_space<hbm>> -> memref<4096xi32, #tpu.memory_space<hbm>>
    tpu.wait_dma2 semaphore(%arg11 : memref<!tpu.dma_semaphore, #tpu.memory_space<semaphore_mem>>) src(%dma_wait3A_212 : memref<4096xi32, #tpu.memory_space<hbm>>) dst(%arg7 : memref<4096xi32, #tpu.memory_space<vmem>>)
    %dma_start3A_213 = tpu.memref_slice %arg5[%mul3A_2] : memref<32000000xf32, #tpu.memory_space<hbm>> -> memref<1000000xf32, #tpu.memory_space<hbm>>
    %dma_start3A_214 = arith.constant 0 : i32
    %dma_start3A_215 = tpu.memref_slice %dma_start3A_213[%dma_start3A_214] : memref<1000000xf32, #tpu.memory_space<hbm>> -> memref<1000000xf32, #tpu.memory_space<hbm>>
    tpu.enqueue_indirect_dma source(%dma_start3A_215 : memref<1000000xf32, #tpu.memory_space<hbm>>) target(%arg8 : memref<4096xf32, #tpu.memory_space<vmem>>) offsets(%arg7 : memref<4096xi32, #tpu.memory_space<vmem>>) semaphore(%arg12 : memref<!tpu.dma_semaphore, #tpu.memory_space<semaphore_mem>>)
    %dma_start3A_216 = arith.constant 10 : i32
    %dma_start3A_217 = arith.constant 0 : i32
    %dma_start3A_218 = tpu.memref_slice %arg3[%dma_start3A_216, %dma_start3A_217] : memref<26x4096xi32, #tpu.memory_space<hbm>> -> memref<1x4096xi32, #tpu.memory_space<hbm>>
    %dma_start3A_219 = tpu.memref_squeeze %dma_start3A_218 : memref<1x4096xi32, #tpu.memory_space<hbm>> -> memref<4096xi32, #tpu.memory_space<hbm>>
    %dma_start3A_220 = arith.constant 0 : i32
    %dma_start3A_221 = tpu.memref_slice %arg3[%dma_start3A_216, %dma_start3A_220] : memref<26x4096xi32, #tpu.memory_space<hbm>> -> memref<1x4096xi32, #tpu.memory_space<hbm>>
    %dma_start3A_222 = tpu.memref_squeeze %dma_start3A_221 : memref<1x4096xi32, #tpu.memory_space<hbm>> -> memref<4096xi32, #tpu.memory_space<hbm>>
    tpu.enqueue_dma source(%dma_start3A_222 : memref<4096xi32, #tpu.memory_space<hbm>>) target(%arg6 : memref<4096xi32, #tpu.memory_space<vmem>>) target_semaphore(%arg11 : memref<!tpu.dma_semaphore, #tpu.memory_space<semaphore_mem>>)
    %dma_wait3A_223 = tpu.memref_slice %arg5[%mul3A_2] : memref<32000000xf32, #tpu.memory_space<hbm>> -> memref<1000000xf32, #tpu.memory_space<hbm>>
    %dma_wait3A_224 = arith.constant 0 : i32
    %dma_wait3A_225 = tpu.memref_slice %dma_wait3A_223[%dma_wait3A_224] : memref<1000000xf32, #tpu.memory_space<hbm>> -> memref<1000000xf32, #tpu.memory_space<hbm>>
    tpu.wait_indirect_dma semaphore(%arg12 : memref<!tpu.dma_semaphore, #tpu.memory_space<semaphore_mem>>) src(%dma_wait3A_225 : memref<1000000xf32, #tpu.memory_space<hbm>>) dst(%arg8 : memref<4096xf32, #tpu.memory_space<vmem>>)
    %add3A_226 = arith.constant 288 : i32
    %add3A_227 = arith.addi %add3A_226, %add3A : i32
    "tpu.region"() ({
      %run_scoped3A_573 = tpu.sem_alloc : memref<!tpu.dma_semaphore, #tpu.memory_space<semaphore_mem>>
      %dma_start3A_574 = arith.constant 0 : i32
      %dma_start3A_575 = tpu.memref_slice %arg4[%add3A_227, %dma_start3A_574] : memref<832x4096xf32, #tpu.memory_space<hbm>> -> memref<1x4096xf32, #tpu.memory_space<hbm>>
      %dma_start3A_576 = tpu.memref_squeeze %dma_start3A_575 : memref<1x4096xf32, #tpu.memory_space<hbm>> -> memref<4096xf32, #tpu.memory_space<hbm>>
      %dma_start3A_577 = arith.constant 0 : i32
      %dma_start3A_578 = tpu.memref_slice %arg4[%add3A_227, %dma_start3A_577] : memref<832x4096xf32, #tpu.memory_space<hbm>> -> memref<1x4096xf32, #tpu.memory_space<hbm>>
      %dma_start3A_579 = tpu.memref_squeeze %dma_start3A_578 : memref<1x4096xf32, #tpu.memory_space<hbm>> -> memref<4096xf32, #tpu.memory_space<hbm>>
      tpu.enqueue_dma source(%arg8 : memref<4096xf32, #tpu.memory_space<vmem>>) target(%dma_start3A_579 : memref<4096xf32, #tpu.memory_space<hbm>>) target_semaphore(%run_scoped3A_573 : memref<!tpu.dma_semaphore, #tpu.memory_space<semaphore_mem>>)
      %dma_wait3A_580 = arith.constant 0 : i32
      %dma_wait3A_581 = tpu.memref_slice %arg4[%add3A_227, %dma_wait3A_580] : memref<832x4096xf32, #tpu.memory_space<hbm>> -> memref<1x4096xf32, #tpu.memory_space<hbm>>
      %dma_wait3A_582 = tpu.memref_squeeze %dma_wait3A_581 : memref<1x4096xf32, #tpu.memory_space<hbm>> -> memref<4096xf32, #tpu.memory_space<hbm>>
      %dma_wait3A_583 = arith.constant 0 : i32
      %dma_wait3A_584 = tpu.memref_slice %arg4[%add3A_227, %dma_wait3A_583] : memref<832x4096xf32, #tpu.memory_space<hbm>> -> memref<1x4096xf32, #tpu.memory_space<hbm>>
      %dma_wait3A_585 = tpu.memref_squeeze %dma_wait3A_584 : memref<1x4096xf32, #tpu.memory_space<hbm>> -> memref<4096xf32, #tpu.memory_space<hbm>>
      tpu.wait_dma2 semaphore(%run_scoped3A_573 : memref<!tpu.dma_semaphore, #tpu.memory_space<semaphore_mem>>) src(%arg8 : memref<4096xf32, #tpu.memory_space<vmem>>) dst(%dma_wait3A_585 : memref<4096xf32, #tpu.memory_space<hbm>>)
      tpu.yield
    }) : () -> ()
    %dma_wait3A_228 = arith.constant 10 : i32
    %dma_wait3A_229 = arith.constant 0 : i32
    %dma_wait3A_230 = tpu.memref_slice %arg3[%dma_wait3A_228, %dma_wait3A_229] : memref<26x4096xi32, #tpu.memory_space<hbm>> -> memref<1x4096xi32, #tpu.memory_space<hbm>>
    %dma_wait3A_231 = tpu.memref_squeeze %dma_wait3A_230 : memref<1x4096xi32, #tpu.memory_space<hbm>> -> memref<4096xi32, #tpu.memory_space<hbm>>
    %dma_wait3A_232 = arith.constant 0 : i32
    %dma_wait3A_233 = tpu.memref_slice %arg3[%dma_wait3A_228, %dma_wait3A_232] : memref<26x4096xi32, #tpu.memory_space<hbm>> -> memref<1x4096xi32, #tpu.memory_space<hbm>>
    %dma_wait3A_234 = tpu.memref_squeeze %dma_wait3A_233 : memref<1x4096xi32, #tpu.memory_space<hbm>> -> memref<4096xi32, #tpu.memory_space<hbm>>
    tpu.wait_dma2 semaphore(%arg11 : memref<!tpu.dma_semaphore, #tpu.memory_space<semaphore_mem>>) src(%dma_wait3A_234 : memref<4096xi32, #tpu.memory_space<hbm>>) dst(%arg6 : memref<4096xi32, #tpu.memory_space<vmem>>)
    %dma_start3A_235 = tpu.memref_slice %arg5[%mul3A_2] : memref<32000000xf32, #tpu.memory_space<hbm>> -> memref<1000000xf32, #tpu.memory_space<hbm>>
    %dma_start3A_236 = arith.constant 0 : i32
    %dma_start3A_237 = tpu.memref_slice %dma_start3A_235[%dma_start3A_236] : memref<1000000xf32, #tpu.memory_space<hbm>> -> memref<1000000xf32, #tpu.memory_space<hbm>>
    tpu.enqueue_indirect_dma source(%dma_start3A_237 : memref<1000000xf32, #tpu.memory_space<hbm>>) target(%arg8 : memref<4096xf32, #tpu.memory_space<vmem>>) offsets(%arg6 : memref<4096xi32, #tpu.memory_space<vmem>>) semaphore(%arg12 : memref<!tpu.dma_semaphore, #tpu.memory_space<semaphore_mem>>)
    %dma_start3A_238 = arith.constant 11 : i32
    %dma_start3A_239 = arith.constant 0 : i32
    %dma_start3A_240 = tpu.memref_slice %arg3[%dma_start3A_238, %dma_start3A_239] : memref<26x4096xi32, #tpu.memory_space<hbm>> -> memref<1x4096xi32, #tpu.memory_space<hbm>>
    %dma_start3A_241 = tpu.memref_squeeze %dma_start3A_240 : memref<1x4096xi32, #tpu.memory_space<hbm>> -> memref<4096xi32, #tpu.memory_space<hbm>>
    %dma_start3A_242 = arith.constant 0 : i32
    %dma_start3A_243 = tpu.memref_slice %arg3[%dma_start3A_238, %dma_start3A_242] : memref<26x4096xi32, #tpu.memory_space<hbm>> -> memref<1x4096xi32, #tpu.memory_space<hbm>>
    %dma_start3A_244 = tpu.memref_squeeze %dma_start3A_243 : memref<1x4096xi32, #tpu.memory_space<hbm>> -> memref<4096xi32, #tpu.memory_space<hbm>>
    tpu.enqueue_dma source(%dma_start3A_244 : memref<4096xi32, #tpu.memory_space<hbm>>) target(%arg7 : memref<4096xi32, #tpu.memory_space<vmem>>) target_semaphore(%arg11 : memref<!tpu.dma_semaphore, #tpu.memory_space<semaphore_mem>>)
    %dma_wait3A_245 = tpu.memref_slice %arg5[%mul3A_2] : memref<32000000xf32, #tpu.memory_space<hbm>> -> memref<1000000xf32, #tpu.memory_space<hbm>>
    %dma_wait3A_246 = arith.constant 0 : i32
    %dma_wait3A_247 = tpu.memref_slice %dma_wait3A_245[%dma_wait3A_246] : memref<1000000xf32, #tpu.memory_space<hbm>> -> memref<1000000xf32, #tpu.memory_space<hbm>>
    tpu.wait_indirect_dma semaphore(%arg12 : memref<!tpu.dma_semaphore, #tpu.memory_space<semaphore_mem>>) src(%dma_wait3A_247 : memref<1000000xf32, #tpu.memory_space<hbm>>) dst(%arg8 : memref<4096xf32, #tpu.memory_space<vmem>>)
    %add3A_248 = arith.constant 320 : i32
    %add3A_249 = arith.addi %add3A_248, %add3A : i32
    "tpu.region"() ({
      %run_scoped3A_573 = tpu.sem_alloc : memref<!tpu.dma_semaphore, #tpu.memory_space<semaphore_mem>>
      %dma_start3A_574 = arith.constant 0 : i32
      %dma_start3A_575 = tpu.memref_slice %arg4[%add3A_249, %dma_start3A_574] : memref<832x4096xf32, #tpu.memory_space<hbm>> -> memref<1x4096xf32, #tpu.memory_space<hbm>>
      %dma_start3A_576 = tpu.memref_squeeze %dma_start3A_575 : memref<1x4096xf32, #tpu.memory_space<hbm>> -> memref<4096xf32, #tpu.memory_space<hbm>>
      %dma_start3A_577 = arith.constant 0 : i32
      %dma_start3A_578 = tpu.memref_slice %arg4[%add3A_249, %dma_start3A_577] : memref<832x4096xf32, #tpu.memory_space<hbm>> -> memref<1x4096xf32, #tpu.memory_space<hbm>>
      %dma_start3A_579 = tpu.memref_squeeze %dma_start3A_578 : memref<1x4096xf32, #tpu.memory_space<hbm>> -> memref<4096xf32, #tpu.memory_space<hbm>>
      tpu.enqueue_dma source(%arg8 : memref<4096xf32, #tpu.memory_space<vmem>>) target(%dma_start3A_579 : memref<4096xf32, #tpu.memory_space<hbm>>) target_semaphore(%run_scoped3A_573 : memref<!tpu.dma_semaphore, #tpu.memory_space<semaphore_mem>>)
      %dma_wait3A_580 = arith.constant 0 : i32
      %dma_wait3A_581 = tpu.memref_slice %arg4[%add3A_249, %dma_wait3A_580] : memref<832x4096xf32, #tpu.memory_space<hbm>> -> memref<1x4096xf32, #tpu.memory_space<hbm>>
      %dma_wait3A_582 = tpu.memref_squeeze %dma_wait3A_581 : memref<1x4096xf32, #tpu.memory_space<hbm>> -> memref<4096xf32, #tpu.memory_space<hbm>>
      %dma_wait3A_583 = arith.constant 0 : i32
      %dma_wait3A_584 = tpu.memref_slice %arg4[%add3A_249, %dma_wait3A_583] : memref<832x4096xf32, #tpu.memory_space<hbm>> -> memref<1x4096xf32, #tpu.memory_space<hbm>>
      %dma_wait3A_585 = tpu.memref_squeeze %dma_wait3A_584 : memref<1x4096xf32, #tpu.memory_space<hbm>> -> memref<4096xf32, #tpu.memory_space<hbm>>
      tpu.wait_dma2 semaphore(%run_scoped3A_573 : memref<!tpu.dma_semaphore, #tpu.memory_space<semaphore_mem>>) src(%arg8 : memref<4096xf32, #tpu.memory_space<vmem>>) dst(%dma_wait3A_585 : memref<4096xf32, #tpu.memory_space<hbm>>)
      tpu.yield
    }) : () -> ()
    %dma_wait3A_250 = arith.constant 11 : i32
    %dma_wait3A_251 = arith.constant 0 : i32
    %dma_wait3A_252 = tpu.memref_slice %arg3[%dma_wait3A_250, %dma_wait3A_251] : memref<26x4096xi32, #tpu.memory_space<hbm>> -> memref<1x4096xi32, #tpu.memory_space<hbm>>
    %dma_wait3A_253 = tpu.memref_squeeze %dma_wait3A_252 : memref<1x4096xi32, #tpu.memory_space<hbm>> -> memref<4096xi32, #tpu.memory_space<hbm>>
    %dma_wait3A_254 = arith.constant 0 : i32
    %dma_wait3A_255 = tpu.memref_slice %arg3[%dma_wait3A_250, %dma_wait3A_254] : memref<26x4096xi32, #tpu.memory_space<hbm>> -> memref<1x4096xi32, #tpu.memory_space<hbm>>
    %dma_wait3A_256 = tpu.memref_squeeze %dma_wait3A_255 : memref<1x4096xi32, #tpu.memory_space<hbm>> -> memref<4096xi32, #tpu.memory_space<hbm>>
    tpu.wait_dma2 semaphore(%arg11 : memref<!tpu.dma_semaphore, #tpu.memory_space<semaphore_mem>>) src(%dma_wait3A_256 : memref<4096xi32, #tpu.memory_space<hbm>>) dst(%arg7 : memref<4096xi32, #tpu.memory_space<vmem>>)
    %dma_start3A_257 = tpu.memref_slice %arg5[%mul3A_2] : memref<32000000xf32, #tpu.memory_space<hbm>> -> memref<1000000xf32, #tpu.memory_space<hbm>>
    %dma_start3A_258 = arith.constant 0 : i32
    %dma_start3A_259 = tpu.memref_slice %dma_start3A_257[%dma_start3A_258] : memref<1000000xf32, #tpu.memory_space<hbm>> -> memref<1000000xf32, #tpu.memory_space<hbm>>
    tpu.enqueue_indirect_dma source(%dma_start3A_259 : memref<1000000xf32, #tpu.memory_space<hbm>>) target(%arg8 : memref<4096xf32, #tpu.memory_space<vmem>>) offsets(%arg7 : memref<4096xi32, #tpu.memory_space<vmem>>) semaphore(%arg12 : memref<!tpu.dma_semaphore, #tpu.memory_space<semaphore_mem>>)
    %dma_start3A_260 = arith.constant 12 : i32
    %dma_start3A_261 = arith.constant 0 : i32
    %dma_start3A_262 = tpu.memref_slice %arg3[%dma_start3A_260, %dma_start3A_261] : memref<26x4096xi32, #tpu.memory_space<hbm>> -> memref<1x4096xi32, #tpu.memory_space<hbm>>
    %dma_start3A_263 = tpu.memref_squeeze %dma_start3A_262 : memref<1x4096xi32, #tpu.memory_space<hbm>> -> memref<4096xi32, #tpu.memory_space<hbm>>
    %dma_start3A_264 = arith.constant 0 : i32
    %dma_start3A_265 = tpu.memref_slice %arg3[%dma_start3A_260, %dma_start3A_264] : memref<26x4096xi32, #tpu.memory_space<hbm>> -> memref<1x4096xi32, #tpu.memory_space<hbm>>
    %dma_start3A_266 = tpu.memref_squeeze %dma_start3A_265 : memref<1x4096xi32, #tpu.memory_space<hbm>> -> memref<4096xi32, #tpu.memory_space<hbm>>
    tpu.enqueue_dma source(%dma_start3A_266 : memref<4096xi32, #tpu.memory_space<hbm>>) target(%arg6 : memref<4096xi32, #tpu.memory_space<vmem>>) target_semaphore(%arg11 : memref<!tpu.dma_semaphore, #tpu.memory_space<semaphore_mem>>)
    %dma_wait3A_267 = tpu.memref_slice %arg5[%mul3A_2] : memref<32000000xf32, #tpu.memory_space<hbm>> -> memref<1000000xf32, #tpu.memory_space<hbm>>
    %dma_wait3A_268 = arith.constant 0 : i32
    %dma_wait3A_269 = tpu.memref_slice %dma_wait3A_267[%dma_wait3A_268] : memref<1000000xf32, #tpu.memory_space<hbm>> -> memref<1000000xf32, #tpu.memory_space<hbm>>
    tpu.wait_indirect_dma semaphore(%arg12 : memref<!tpu.dma_semaphore, #tpu.memory_space<semaphore_mem>>) src(%dma_wait3A_269 : memref<1000000xf32, #tpu.memory_space<hbm>>) dst(%arg8 : memref<4096xf32, #tpu.memory_space<vmem>>)
    %add3A_270 = arith.constant 352 : i32
    %add3A_271 = arith.addi %add3A_270, %add3A : i32
    "tpu.region"() ({
      %run_scoped3A_573 = tpu.sem_alloc : memref<!tpu.dma_semaphore, #tpu.memory_space<semaphore_mem>>
      %dma_start3A_574 = arith.constant 0 : i32
      %dma_start3A_575 = tpu.memref_slice %arg4[%add3A_271, %dma_start3A_574] : memref<832x4096xf32, #tpu.memory_space<hbm>> -> memref<1x4096xf32, #tpu.memory_space<hbm>>
      %dma_start3A_576 = tpu.memref_squeeze %dma_start3A_575 : memref<1x4096xf32, #tpu.memory_space<hbm>> -> memref<4096xf32, #tpu.memory_space<hbm>>
      %dma_start3A_577 = arith.constant 0 : i32
      %dma_start3A_578 = tpu.memref_slice %arg4[%add3A_271, %dma_start3A_577] : memref<832x4096xf32, #tpu.memory_space<hbm>> -> memref<1x4096xf32, #tpu.memory_space<hbm>>
      %dma_start3A_579 = tpu.memref_squeeze %dma_start3A_578 : memref<1x4096xf32, #tpu.memory_space<hbm>> -> memref<4096xf32, #tpu.memory_space<hbm>>
      tpu.enqueue_dma source(%arg8 : memref<4096xf32, #tpu.memory_space<vmem>>) target(%dma_start3A_579 : memref<4096xf32, #tpu.memory_space<hbm>>) target_semaphore(%run_scoped3A_573 : memref<!tpu.dma_semaphore, #tpu.memory_space<semaphore_mem>>)
      %dma_wait3A_580 = arith.constant 0 : i32
      %dma_wait3A_581 = tpu.memref_slice %arg4[%add3A_271, %dma_wait3A_580] : memref<832x4096xf32, #tpu.memory_space<hbm>> -> memref<1x4096xf32, #tpu.memory_space<hbm>>
      %dma_wait3A_582 = tpu.memref_squeeze %dma_wait3A_581 : memref<1x4096xf32, #tpu.memory_space<hbm>> -> memref<4096xf32, #tpu.memory_space<hbm>>
      %dma_wait3A_583 = arith.constant 0 : i32
      %dma_wait3A_584 = tpu.memref_slice %arg4[%add3A_271, %dma_wait3A_583] : memref<832x4096xf32, #tpu.memory_space<hbm>> -> memref<1x4096xf32, #tpu.memory_space<hbm>>
      %dma_wait3A_585 = tpu.memref_squeeze %dma_wait3A_584 : memref<1x4096xf32, #tpu.memory_space<hbm>> -> memref<4096xf32, #tpu.memory_space<hbm>>
      tpu.wait_dma2 semaphore(%run_scoped3A_573 : memref<!tpu.dma_semaphore, #tpu.memory_space<semaphore_mem>>) src(%arg8 : memref<4096xf32, #tpu.memory_space<vmem>>) dst(%dma_wait3A_585 : memref<4096xf32, #tpu.memory_space<hbm>>)
      tpu.yield
    }) : () -> ()
    %dma_wait3A_272 = arith.constant 12 : i32
    %dma_wait3A_273 = arith.constant 0 : i32
    %dma_wait3A_274 = tpu.memref_slice %arg3[%dma_wait3A_272, %dma_wait3A_273] : memref<26x4096xi32, #tpu.memory_space<hbm>> -> memref<1x4096xi32, #tpu.memory_space<hbm>>
    %dma_wait3A_275 = tpu.memref_squeeze %dma_wait3A_274 : memref<1x4096xi32, #tpu.memory_space<hbm>> -> memref<4096xi32, #tpu.memory_space<hbm>>
    %dma_wait3A_276 = arith.constant 0 : i32
    %dma_wait3A_277 = tpu.memref_slice %arg3[%dma_wait3A_272, %dma_wait3A_276] : memref<26x4096xi32, #tpu.memory_space<hbm>> -> memref<1x4096xi32, #tpu.memory_space<hbm>>
    %dma_wait3A_278 = tpu.memref_squeeze %dma_wait3A_277 : memref<1x4096xi32, #tpu.memory_space<hbm>> -> memref<4096xi32, #tpu.memory_space<hbm>>
    tpu.wait_dma2 semaphore(%arg11 : memref<!tpu.dma_semaphore, #tpu.memory_space<semaphore_mem>>) src(%dma_wait3A_278 : memref<4096xi32, #tpu.memory_space<hbm>>) dst(%arg6 : memref<4096xi32, #tpu.memory_space<vmem>>)
    %dma_start3A_279 = tpu.memref_slice %arg5[%mul3A_2] : memref<32000000xf32, #tpu.memory_space<hbm>> -> memref<1000000xf32, #tpu.memory_space<hbm>>
    %dma_start3A_280 = arith.constant 0 : i32
    %dma_start3A_281 = tpu.memref_slice %dma_start3A_279[%dma_start3A_280] : memref<1000000xf32, #tpu.memory_space<hbm>> -> memref<1000000xf32, #tpu.memory_space<hbm>>
    tpu.enqueue_indirect_dma source(%dma_start3A_281 : memref<1000000xf32, #tpu.memory_space<hbm>>) target(%arg8 : memref<4096xf32, #tpu.memory_space<vmem>>) offsets(%arg6 : memref<4096xi32, #tpu.memory_space<vmem>>) semaphore(%arg12 : memref<!tpu.dma_semaphore, #tpu.memory_space<semaphore_mem>>)
    %dma_start3A_282 = arith.constant 13 : i32
    %dma_start3A_283 = arith.constant 0 : i32
    %dma_start3A_284 = tpu.memref_slice %arg3[%dma_start3A_282, %dma_start3A_283] : memref<26x4096xi32, #tpu.memory_space<hbm>> -> memref<1x4096xi32, #tpu.memory_space<hbm>>
    %dma_start3A_285 = tpu.memref_squeeze %dma_start3A_284 : memref<1x4096xi32, #tpu.memory_space<hbm>> -> memref<4096xi32, #tpu.memory_space<hbm>>
    %dma_start3A_286 = arith.constant 0 : i32
    %dma_start3A_287 = tpu.memref_slice %arg3[%dma_start3A_282, %dma_start3A_286] : memref<26x4096xi32, #tpu.memory_space<hbm>> -> memref<1x4096xi32, #tpu.memory_space<hbm>>
    %dma_start3A_288 = tpu.memref_squeeze %dma_start3A_287 : memref<1x4096xi32, #tpu.memory_space<hbm>> -> memref<4096xi32, #tpu.memory_space<hbm>>
    tpu.enqueue_dma source(%dma_start3A_288 : memref<4096xi32, #tpu.memory_space<hbm>>) target(%arg7 : memref<4096xi32, #tpu.memory_space<vmem>>) target_semaphore(%arg11 : memref<!tpu.dma_semaphore, #tpu.memory_space<semaphore_mem>>)
    %dma_wait3A_289 = tpu.memref_slice %arg5[%mul3A_2] : memref<32000000xf32, #tpu.memory_space<hbm>> -> memref<1000000xf32, #tpu.memory_space<hbm>>
    %dma_wait3A_290 = arith.constant 0 : i32
    %dma_wait3A_291 = tpu.memref_slice %dma_wait3A_289[%dma_wait3A_290] : memref<1000000xf32, #tpu.memory_space<hbm>> -> memref<1000000xf32, #tpu.memory_space<hbm>>
    tpu.wait_indirect_dma semaphore(%arg12 : memref<!tpu.dma_semaphore, #tpu.memory_space<semaphore_mem>>) src(%dma_wait3A_291 : memref<1000000xf32, #tpu.memory_space<hbm>>) dst(%arg8 : memref<4096xf32, #tpu.memory_space<vmem>>)
    %add3A_292 = arith.constant 384 : i32
    %add3A_293 = arith.addi %add3A_292, %add3A : i32
    "tpu.region"() ({
      %run_scoped3A_573 = tpu.sem_alloc : memref<!tpu.dma_semaphore, #tpu.memory_space<semaphore_mem>>
      %dma_start3A_574 = arith.constant 0 : i32
      %dma_start3A_575 = tpu.memref_slice %arg4[%add3A_293, %dma_start3A_574] : memref<832x4096xf32, #tpu.memory_space<hbm>> -> memref<1x4096xf32, #tpu.memory_space<hbm>>
      %dma_start3A_576 = tpu.memref_squeeze %dma_start3A_575 : memref<1x4096xf32, #tpu.memory_space<hbm>> -> memref<4096xf32, #tpu.memory_space<hbm>>
      %dma_start3A_577 = arith.constant 0 : i32
      %dma_start3A_578 = tpu.memref_slice %arg4[%add3A_293, %dma_start3A_577] : memref<832x4096xf32, #tpu.memory_space<hbm>> -> memref<1x4096xf32, #tpu.memory_space<hbm>>
      %dma_start3A_579 = tpu.memref_squeeze %dma_start3A_578 : memref<1x4096xf32, #tpu.memory_space<hbm>> -> memref<4096xf32, #tpu.memory_space<hbm>>
      tpu.enqueue_dma source(%arg8 : memref<4096xf32, #tpu.memory_space<vmem>>) target(%dma_start3A_579 : memref<4096xf32, #tpu.memory_space<hbm>>) target_semaphore(%run_scoped3A_573 : memref<!tpu.dma_semaphore, #tpu.memory_space<semaphore_mem>>)
      %dma_wait3A_580 = arith.constant 0 : i32
      %dma_wait3A_581 = tpu.memref_slice %arg4[%add3A_293, %dma_wait3A_580] : memref<832x4096xf32, #tpu.memory_space<hbm>> -> memref<1x4096xf32, #tpu.memory_space<hbm>>
      %dma_wait3A_582 = tpu.memref_squeeze %dma_wait3A_581 : memref<1x4096xf32, #tpu.memory_space<hbm>> -> memref<4096xf32, #tpu.memory_space<hbm>>
      %dma_wait3A_583 = arith.constant 0 : i32
      %dma_wait3A_584 = tpu.memref_slice %arg4[%add3A_293, %dma_wait3A_583] : memref<832x4096xf32, #tpu.memory_space<hbm>> -> memref<1x4096xf32, #tpu.memory_space<hbm>>
      %dma_wait3A_585 = tpu.memref_squeeze %dma_wait3A_584 : memref<1x4096xf32, #tpu.memory_space<hbm>> -> memref<4096xf32, #tpu.memory_space<hbm>>
      tpu.wait_dma2 semaphore(%run_scoped3A_573 : memref<!tpu.dma_semaphore, #tpu.memory_space<semaphore_mem>>) src(%arg8 : memref<4096xf32, #tpu.memory_space<vmem>>) dst(%dma_wait3A_585 : memref<4096xf32, #tpu.memory_space<hbm>>)
      tpu.yield
    }) : () -> ()
    %dma_wait3A_294 = arith.constant 13 : i32
    %dma_wait3A_295 = arith.constant 0 : i32
    %dma_wait3A_296 = tpu.memref_slice %arg3[%dma_wait3A_294, %dma_wait3A_295] : memref<26x4096xi32, #tpu.memory_space<hbm>> -> memref<1x4096xi32, #tpu.memory_space<hbm>>
    %dma_wait3A_297 = tpu.memref_squeeze %dma_wait3A_296 : memref<1x4096xi32, #tpu.memory_space<hbm>> -> memref<4096xi32, #tpu.memory_space<hbm>>
    %dma_wait3A_298 = arith.constant 0 : i32
    %dma_wait3A_299 = tpu.memref_slice %arg3[%dma_wait3A_294, %dma_wait3A_298] : memref<26x4096xi32, #tpu.memory_space<hbm>> -> memref<1x4096xi32, #tpu.memory_space<hbm>>
    %dma_wait3A_300 = tpu.memref_squeeze %dma_wait3A_299 : memref<1x4096xi32, #tpu.memory_space<hbm>> -> memref<4096xi32, #tpu.memory_space<hbm>>
    tpu.wait_dma2 semaphore(%arg11 : memref<!tpu.dma_semaphore, #tpu.memory_space<semaphore_mem>>) src(%dma_wait3A_300 : memref<4096xi32, #tpu.memory_space<hbm>>) dst(%arg7 : memref<4096xi32, #tpu.memory_space<vmem>>)
    %dma_start3A_301 = tpu.memref_slice %arg5[%mul3A_2] : memref<32000000xf32, #tpu.memory_space<hbm>> -> memref<1000000xf32, #tpu.memory_space<hbm>>
    %dma_start3A_302 = arith.constant 0 : i32
    %dma_start3A_303 = tpu.memref_slice %dma_start3A_301[%dma_start3A_302] : memref<1000000xf32, #tpu.memory_space<hbm>> -> memref<1000000xf32, #tpu.memory_space<hbm>>
    tpu.enqueue_indirect_dma source(%dma_start3A_303 : memref<1000000xf32, #tpu.memory_space<hbm>>) target(%arg8 : memref<4096xf32, #tpu.memory_space<vmem>>) offsets(%arg7 : memref<4096xi32, #tpu.memory_space<vmem>>) semaphore(%arg12 : memref<!tpu.dma_semaphore, #tpu.memory_space<semaphore_mem>>)
    %dma_start3A_304 = arith.constant 14 : i32
    %dma_start3A_305 = arith.constant 0 : i32
    %dma_start3A_306 = tpu.memref_slice %arg3[%dma_start3A_304, %dma_start3A_305] : memref<26x4096xi32, #tpu.memory_space<hbm>> -> memref<1x4096xi32, #tpu.memory_space<hbm>>
    %dma_start3A_307 = tpu.memref_squeeze %dma_start3A_306 : memref<1x4096xi32, #tpu.memory_space<hbm>> -> memref<4096xi32, #tpu.memory_space<hbm>>
    %dma_start3A_308 = arith.constant 0 : i32
    %dma_start3A_309 = tpu.memref_slice %arg3[%dma_start3A_304, %dma_start3A_308] : memref<26x4096xi32, #tpu.memory_space<hbm>> -> memref<1x4096xi32, #tpu.memory_space<hbm>>
    %dma_start3A_310 = tpu.memref_squeeze %dma_start3A_309 : memref<1x4096xi32, #tpu.memory_space<hbm>> -> memref<4096xi32, #tpu.memory_space<hbm>>
    tpu.enqueue_dma source(%dma_start3A_310 : memref<4096xi32, #tpu.memory_space<hbm>>) target(%arg6 : memref<4096xi32, #tpu.memory_space<vmem>>) target_semaphore(%arg11 : memref<!tpu.dma_semaphore, #tpu.memory_space<semaphore_mem>>)
    %dma_wait3A_311 = tpu.memref_slice %arg5[%mul3A_2] : memref<32000000xf32, #tpu.memory_space<hbm>> -> memref<1000000xf32, #tpu.memory_space<hbm>>
    %dma_wait3A_312 = arith.constant 0 : i32
    %dma_wait3A_313 = tpu.memref_slice %dma_wait3A_311[%dma_wait3A_312] : memref<1000000xf32, #tpu.memory_space<hbm>> -> memref<1000000xf32, #tpu.memory_space<hbm>>
    tpu.wait_indirect_dma semaphore(%arg12 : memref<!tpu.dma_semaphore, #tpu.memory_space<semaphore_mem>>) src(%dma_wait3A_313 : memref<1000000xf32, #tpu.memory_space<hbm>>) dst(%arg8 : memref<4096xf32, #tpu.memory_space<vmem>>)
    %add3A_314 = arith.constant 416 : i32
    %add3A_315 = arith.addi %add3A_314, %add3A : i32
    "tpu.region"() ({
      %run_scoped3A_573 = tpu.sem_alloc : memref<!tpu.dma_semaphore, #tpu.memory_space<semaphore_mem>>
      %dma_start3A_574 = arith.constant 0 : i32
      %dma_start3A_575 = tpu.memref_slice %arg4[%add3A_315, %dma_start3A_574] : memref<832x4096xf32, #tpu.memory_space<hbm>> -> memref<1x4096xf32, #tpu.memory_space<hbm>>
      %dma_start3A_576 = tpu.memref_squeeze %dma_start3A_575 : memref<1x4096xf32, #tpu.memory_space<hbm>> -> memref<4096xf32, #tpu.memory_space<hbm>>
      %dma_start3A_577 = arith.constant 0 : i32
      %dma_start3A_578 = tpu.memref_slice %arg4[%add3A_315, %dma_start3A_577] : memref<832x4096xf32, #tpu.memory_space<hbm>> -> memref<1x4096xf32, #tpu.memory_space<hbm>>
      %dma_start3A_579 = tpu.memref_squeeze %dma_start3A_578 : memref<1x4096xf32, #tpu.memory_space<hbm>> -> memref<4096xf32, #tpu.memory_space<hbm>>
      tpu.enqueue_dma source(%arg8 : memref<4096xf32, #tpu.memory_space<vmem>>) target(%dma_start3A_579 : memref<4096xf32, #tpu.memory_space<hbm>>) target_semaphore(%run_scoped3A_573 : memref<!tpu.dma_semaphore, #tpu.memory_space<semaphore_mem>>)
      %dma_wait3A_580 = arith.constant 0 : i32
      %dma_wait3A_581 = tpu.memref_slice %arg4[%add3A_315, %dma_wait3A_580] : memref<832x4096xf32, #tpu.memory_space<hbm>> -> memref<1x4096xf32, #tpu.memory_space<hbm>>
      %dma_wait3A_582 = tpu.memref_squeeze %dma_wait3A_581 : memref<1x4096xf32, #tpu.memory_space<hbm>> -> memref<4096xf32, #tpu.memory_space<hbm>>
      %dma_wait3A_583 = arith.constant 0 : i32
      %dma_wait3A_584 = tpu.memref_slice %arg4[%add3A_315, %dma_wait3A_583] : memref<832x4096xf32, #tpu.memory_space<hbm>> -> memref<1x4096xf32, #tpu.memory_space<hbm>>
      %dma_wait3A_585 = tpu.memref_squeeze %dma_wait3A_584 : memref<1x4096xf32, #tpu.memory_space<hbm>> -> memref<4096xf32, #tpu.memory_space<hbm>>
      tpu.wait_dma2 semaphore(%run_scoped3A_573 : memref<!tpu.dma_semaphore, #tpu.memory_space<semaphore_mem>>) src(%arg8 : memref<4096xf32, #tpu.memory_space<vmem>>) dst(%dma_wait3A_585 : memref<4096xf32, #tpu.memory_space<hbm>>)
      tpu.yield
    }) : () -> ()
    %dma_wait3A_316 = arith.constant 14 : i32
    %dma_wait3A_317 = arith.constant 0 : i32
    %dma_wait3A_318 = tpu.memref_slice %arg3[%dma_wait3A_316, %dma_wait3A_317] : memref<26x4096xi32, #tpu.memory_space<hbm>> -> memref<1x4096xi32, #tpu.memory_space<hbm>>
    %dma_wait3A_319 = tpu.memref_squeeze %dma_wait3A_318 : memref<1x4096xi32, #tpu.memory_space<hbm>> -> memref<4096xi32, #tpu.memory_space<hbm>>
    %dma_wait3A_320 = arith.constant 0 : i32
    %dma_wait3A_321 = tpu.memref_slice %arg3[%dma_wait3A_316, %dma_wait3A_320] : memref<26x4096xi32, #tpu.memory_space<hbm>> -> memref<1x4096xi32, #tpu.memory_space<hbm>>
    %dma_wait3A_322 = tpu.memref_squeeze %dma_wait3A_321 : memref<1x4096xi32, #tpu.memory_space<hbm>> -> memref<4096xi32, #tpu.memory_space<hbm>>
    tpu.wait_dma2 semaphore(%arg11 : memref<!tpu.dma_semaphore, #tpu.memory_space<semaphore_mem>>) src(%dma_wait3A_322 : memref<4096xi32, #tpu.memory_space<hbm>>) dst(%arg6 : memref<4096xi32, #tpu.memory_space<vmem>>)
    %dma_start3A_323 = tpu.memref_slice %arg5[%mul3A_2] : memref<32000000xf32, #tpu.memory_space<hbm>> -> memref<1000000xf32, #tpu.memory_space<hbm>>
    %dma_start3A_324 = arith.constant 0 : i32
    %dma_start3A_325 = tpu.memref_slice %dma_start3A_323[%dma_start3A_324] : memref<1000000xf32, #tpu.memory_space<hbm>> -> memref<1000000xf32, #tpu.memory_space<hbm>>
    tpu.enqueue_indirect_dma source(%dma_start3A_325 : memref<1000000xf32, #tpu.memory_space<hbm>>) target(%arg8 : memref<4096xf32, #tpu.memory_space<vmem>>) offsets(%arg6 : memref<4096xi32, #tpu.memory_space<vmem>>) semaphore(%arg12 : memref<!tpu.dma_semaphore, #tpu.memory_space<semaphore_mem>>)
    %dma_start3A_326 = arith.constant 15 : i32
    %dma_start3A_327 = arith.constant 0 : i32
    %dma_start3A_328 = tpu.memref_slice %arg3[%dma_start3A_326, %dma_start3A_327] : memref<26x4096xi32, #tpu.memory_space<hbm>> -> memref<1x4096xi32, #tpu.memory_space<hbm>>
    %dma_start3A_329 = tpu.memref_squeeze %dma_start3A_328 : memref<1x4096xi32, #tpu.memory_space<hbm>> -> memref<4096xi32, #tpu.memory_space<hbm>>
    %dma_start3A_330 = arith.constant 0 : i32
    %dma_start3A_331 = tpu.memref_slice %arg3[%dma_start3A_326, %dma_start3A_330] : memref<26x4096xi32, #tpu.memory_space<hbm>> -> memref<1x4096xi32, #tpu.memory_space<hbm>>
    %dma_start3A_332 = tpu.memref_squeeze %dma_start3A_331 : memref<1x4096xi32, #tpu.memory_space<hbm>> -> memref<4096xi32, #tpu.memory_space<hbm>>
    tpu.enqueue_dma source(%dma_start3A_332 : memref<4096xi32, #tpu.memory_space<hbm>>) target(%arg7 : memref<4096xi32, #tpu.memory_space<vmem>>) target_semaphore(%arg11 : memref<!tpu.dma_semaphore, #tpu.memory_space<semaphore_mem>>)
    %dma_wait3A_333 = tpu.memref_slice %arg5[%mul3A_2] : memref<32000000xf32, #tpu.memory_space<hbm>> -> memref<1000000xf32, #tpu.memory_space<hbm>>
    %dma_wait3A_334 = arith.constant 0 : i32
    %dma_wait3A_335 = tpu.memref_slice %dma_wait3A_333[%dma_wait3A_334] : memref<1000000xf32, #tpu.memory_space<hbm>> -> memref<1000000xf32, #tpu.memory_space<hbm>>
    tpu.wait_indirect_dma semaphore(%arg12 : memref<!tpu.dma_semaphore, #tpu.memory_space<semaphore_mem>>) src(%dma_wait3A_335 : memref<1000000xf32, #tpu.memory_space<hbm>>) dst(%arg8 : memref<4096xf32, #tpu.memory_space<vmem>>)
    %add3A_336 = arith.constant 448 : i32
    %add3A_337 = arith.addi %add3A_336, %add3A : i32
    "tpu.region"() ({
      %run_scoped3A_573 = tpu.sem_alloc : memref<!tpu.dma_semaphore, #tpu.memory_space<semaphore_mem>>
      %dma_start3A_574 = arith.constant 0 : i32
      %dma_start3A_575 = tpu.memref_slice %arg4[%add3A_337, %dma_start3A_574] : memref<832x4096xf32, #tpu.memory_space<hbm>> -> memref<1x4096xf32, #tpu.memory_space<hbm>>
      %dma_start3A_576 = tpu.memref_squeeze %dma_start3A_575 : memref<1x4096xf32, #tpu.memory_space<hbm>> -> memref<4096xf32, #tpu.memory_space<hbm>>
      %dma_start3A_577 = arith.constant 0 : i32
      %dma_start3A_578 = tpu.memref_slice %arg4[%add3A_337, %dma_start3A_577] : memref<832x4096xf32, #tpu.memory_space<hbm>> -> memref<1x4096xf32, #tpu.memory_space<hbm>>
      %dma_start3A_579 = tpu.memref_squeeze %dma_start3A_578 : memref<1x4096xf32, #tpu.memory_space<hbm>> -> memref<4096xf32, #tpu.memory_space<hbm>>
      tpu.enqueue_dma source(%arg8 : memref<4096xf32, #tpu.memory_space<vmem>>) target(%dma_start3A_579 : memref<4096xf32, #tpu.memory_space<hbm>>) target_semaphore(%run_scoped3A_573 : memref<!tpu.dma_semaphore, #tpu.memory_space<semaphore_mem>>)
      %dma_wait3A_580 = arith.constant 0 : i32
      %dma_wait3A_581 = tpu.memref_slice %arg4[%add3A_337, %dma_wait3A_580] : memref<832x4096xf32, #tpu.memory_space<hbm>> -> memref<1x4096xf32, #tpu.memory_space<hbm>>
      %dma_wait3A_582 = tpu.memref_squeeze %dma_wait3A_581 : memref<1x4096xf32, #tpu.memory_space<hbm>> -> memref<4096xf32, #tpu.memory_space<hbm>>
      %dma_wait3A_583 = arith.constant 0 : i32
      %dma_wait3A_584 = tpu.memref_slice %arg4[%add3A_337, %dma_wait3A_583] : memref<832x4096xf32, #tpu.memory_space<hbm>> -> memref<1x4096xf32, #tpu.memory_space<hbm>>
      %dma_wait3A_585 = tpu.memref_squeeze %dma_wait3A_584 : memref<1x4096xf32, #tpu.memory_space<hbm>> -> memref<4096xf32, #tpu.memory_space<hbm>>
      tpu.wait_dma2 semaphore(%run_scoped3A_573 : memref<!tpu.dma_semaphore, #tpu.memory_space<semaphore_mem>>) src(%arg8 : memref<4096xf32, #tpu.memory_space<vmem>>) dst(%dma_wait3A_585 : memref<4096xf32, #tpu.memory_space<hbm>>)
      tpu.yield
    }) : () -> ()
    %dma_wait3A_338 = arith.constant 15 : i32
    %dma_wait3A_339 = arith.constant 0 : i32
    %dma_wait3A_340 = tpu.memref_slice %arg3[%dma_wait3A_338, %dma_wait3A_339] : memref<26x4096xi32, #tpu.memory_space<hbm>> -> memref<1x4096xi32, #tpu.memory_space<hbm>>
    %dma_wait3A_341 = tpu.memref_squeeze %dma_wait3A_340 : memref<1x4096xi32, #tpu.memory_space<hbm>> -> memref<4096xi32, #tpu.memory_space<hbm>>
    %dma_wait3A_342 = arith.constant 0 : i32
    %dma_wait3A_343 = tpu.memref_slice %arg3[%dma_wait3A_338, %dma_wait3A_342] : memref<26x4096xi32, #tpu.memory_space<hbm>> -> memref<1x4096xi32, #tpu.memory_space<hbm>>
    %dma_wait3A_344 = tpu.memref_squeeze %dma_wait3A_343 : memref<1x4096xi32, #tpu.memory_space<hbm>> -> memref<4096xi32, #tpu.memory_space<hbm>>
    tpu.wait_dma2 semaphore(%arg11 : memref<!tpu.dma_semaphore, #tpu.memory_space<semaphore_mem>>) src(%dma_wait3A_344 : memref<4096xi32, #tpu.memory_space<hbm>>) dst(%arg7 : memref<4096xi32, #tpu.memory_space<vmem>>)
    %dma_start3A_345 = tpu.memref_slice %arg5[%mul3A_2] : memref<32000000xf32, #tpu.memory_space<hbm>> -> memref<1000000xf32, #tpu.memory_space<hbm>>
    %dma_start3A_346 = arith.constant 0 : i32
    %dma_start3A_347 = tpu.memref_slice %dma_start3A_345[%dma_start3A_346] : memref<1000000xf32, #tpu.memory_space<hbm>> -> memref<1000000xf32, #tpu.memory_space<hbm>>
    tpu.enqueue_indirect_dma source(%dma_start3A_347 : memref<1000000xf32, #tpu.memory_space<hbm>>) target(%arg8 : memref<4096xf32, #tpu.memory_space<vmem>>) offsets(%arg7 : memref<4096xi32, #tpu.memory_space<vmem>>) semaphore(%arg12 : memref<!tpu.dma_semaphore, #tpu.memory_space<semaphore_mem>>)
    %dma_start3A_348 = arith.constant 16 : i32
    %dma_start3A_349 = arith.constant 0 : i32
    %dma_start3A_350 = tpu.memref_slice %arg3[%dma_start3A_348, %dma_start3A_349] : memref<26x4096xi32, #tpu.memory_space<hbm>> -> memref<1x4096xi32, #tpu.memory_space<hbm>>
    %dma_start3A_351 = tpu.memref_squeeze %dma_start3A_350 : memref<1x4096xi32, #tpu.memory_space<hbm>> -> memref<4096xi32, #tpu.memory_space<hbm>>
    %dma_start3A_352 = arith.constant 0 : i32
    %dma_start3A_353 = tpu.memref_slice %arg3[%dma_start3A_348, %dma_start3A_352] : memref<26x4096xi32, #tpu.memory_space<hbm>> -> memref<1x4096xi32, #tpu.memory_space<hbm>>
    %dma_start3A_354 = tpu.memref_squeeze %dma_start3A_353 : memref<1x4096xi32, #tpu.memory_space<hbm>> -> memref<4096xi32, #tpu.memory_space<hbm>>
    tpu.enqueue_dma source(%dma_start3A_354 : memref<4096xi32, #tpu.memory_space<hbm>>) target(%arg6 : memref<4096xi32, #tpu.memory_space<vmem>>) target_semaphore(%arg11 : memref<!tpu.dma_semaphore, #tpu.memory_space<semaphore_mem>>)
    %dma_wait3A_355 = tpu.memref_slice %arg5[%mul3A_2] : memref<32000000xf32, #tpu.memory_space<hbm>> -> memref<1000000xf32, #tpu.memory_space<hbm>>
    %dma_wait3A_356 = arith.constant 0 : i32
    %dma_wait3A_357 = tpu.memref_slice %dma_wait3A_355[%dma_wait3A_356] : memref<1000000xf32, #tpu.memory_space<hbm>> -> memref<1000000xf32, #tpu.memory_space<hbm>>
    tpu.wait_indirect_dma semaphore(%arg12 : memref<!tpu.dma_semaphore, #tpu.memory_space<semaphore_mem>>) src(%dma_wait3A_357 : memref<1000000xf32, #tpu.memory_space<hbm>>) dst(%arg8 : memref<4096xf32, #tpu.memory_space<vmem>>)
    %add3A_358 = arith.constant 480 : i32
    %add3A_359 = arith.addi %add3A_358, %add3A : i32
    "tpu.region"() ({
      %run_scoped3A_573 = tpu.sem_alloc : memref<!tpu.dma_semaphore, #tpu.memory_space<semaphore_mem>>
      %dma_start3A_574 = arith.constant 0 : i32
      %dma_start3A_575 = tpu.memref_slice %arg4[%add3A_359, %dma_start3A_574] : memref<832x4096xf32, #tpu.memory_space<hbm>> -> memref<1x4096xf32, #tpu.memory_space<hbm>>
      %dma_start3A_576 = tpu.memref_squeeze %dma_start3A_575 : memref<1x4096xf32, #tpu.memory_space<hbm>> -> memref<4096xf32, #tpu.memory_space<hbm>>
      %dma_start3A_577 = arith.constant 0 : i32
      %dma_start3A_578 = tpu.memref_slice %arg4[%add3A_359, %dma_start3A_577] : memref<832x4096xf32, #tpu.memory_space<hbm>> -> memref<1x4096xf32, #tpu.memory_space<hbm>>
      %dma_start3A_579 = tpu.memref_squeeze %dma_start3A_578 : memref<1x4096xf32, #tpu.memory_space<hbm>> -> memref<4096xf32, #tpu.memory_space<hbm>>
      tpu.enqueue_dma source(%arg8 : memref<4096xf32, #tpu.memory_space<vmem>>) target(%dma_start3A_579 : memref<4096xf32, #tpu.memory_space<hbm>>) target_semaphore(%run_scoped3A_573 : memref<!tpu.dma_semaphore, #tpu.memory_space<semaphore_mem>>)
      %dma_wait3A_580 = arith.constant 0 : i32
      %dma_wait3A_581 = tpu.memref_slice %arg4[%add3A_359, %dma_wait3A_580] : memref<832x4096xf32, #tpu.memory_space<hbm>> -> memref<1x4096xf32, #tpu.memory_space<hbm>>
      %dma_wait3A_582 = tpu.memref_squeeze %dma_wait3A_581 : memref<1x4096xf32, #tpu.memory_space<hbm>> -> memref<4096xf32, #tpu.memory_space<hbm>>
      %dma_wait3A_583 = arith.constant 0 : i32
      %dma_wait3A_584 = tpu.memref_slice %arg4[%add3A_359, %dma_wait3A_583] : memref<832x4096xf32, #tpu.memory_space<hbm>> -> memref<1x4096xf32, #tpu.memory_space<hbm>>
      %dma_wait3A_585 = tpu.memref_squeeze %dma_wait3A_584 : memref<1x4096xf32, #tpu.memory_space<hbm>> -> memref<4096xf32, #tpu.memory_space<hbm>>
      tpu.wait_dma2 semaphore(%run_scoped3A_573 : memref<!tpu.dma_semaphore, #tpu.memory_space<semaphore_mem>>) src(%arg8 : memref<4096xf32, #tpu.memory_space<vmem>>) dst(%dma_wait3A_585 : memref<4096xf32, #tpu.memory_space<hbm>>)
      tpu.yield
    }) : () -> ()
    %dma_wait3A_360 = arith.constant 16 : i32
    %dma_wait3A_361 = arith.constant 0 : i32
    %dma_wait3A_362 = tpu.memref_slice %arg3[%dma_wait3A_360, %dma_wait3A_361] : memref<26x4096xi32, #tpu.memory_space<hbm>> -> memref<1x4096xi32, #tpu.memory_space<hbm>>
    %dma_wait3A_363 = tpu.memref_squeeze %dma_wait3A_362 : memref<1x4096xi32, #tpu.memory_space<hbm>> -> memref<4096xi32, #tpu.memory_space<hbm>>
    %dma_wait3A_364 = arith.constant 0 : i32
    %dma_wait3A_365 = tpu.memref_slice %arg3[%dma_wait3A_360, %dma_wait3A_364] : memref<26x4096xi32, #tpu.memory_space<hbm>> -> memref<1x4096xi32, #tpu.memory_space<hbm>>
    %dma_wait3A_366 = tpu.memref_squeeze %dma_wait3A_365 : memref<1x4096xi32, #tpu.memory_space<hbm>> -> memref<4096xi32, #tpu.memory_space<hbm>>
    tpu.wait_dma2 semaphore(%arg11 : memref<!tpu.dma_semaphore, #tpu.memory_space<semaphore_mem>>) src(%dma_wait3A_366 : memref<4096xi32, #tpu.memory_space<hbm>>) dst(%arg6 : memref<4096xi32, #tpu.memory_space<vmem>>)
    %dma_start3A_367 = tpu.memref_slice %arg5[%mul3A_2] : memref<32000000xf32, #tpu.memory_space<hbm>> -> memref<1000000xf32, #tpu.memory_space<hbm>>
    %dma_start3A_368 = arith.constant 0 : i32
    %dma_start3A_369 = tpu.memref_slice %dma_start3A_367[%dma_start3A_368] : memref<1000000xf32, #tpu.memory_space<hbm>> -> memref<1000000xf32, #tpu.memory_space<hbm>>
    tpu.enqueue_indirect_dma source(%dma_start3A_369 : memref<1000000xf32, #tpu.memory_space<hbm>>) target(%arg8 : memref<4096xf32, #tpu.memory_space<vmem>>) offsets(%arg6 : memref<4096xi32, #tpu.memory_space<vmem>>) semaphore(%arg12 : memref<!tpu.dma_semaphore, #tpu.memory_space<semaphore_mem>>)
    %dma_start3A_370 = arith.constant 17 : i32
    %dma_start3A_371 = arith.constant 0 : i32
    %dma_start3A_372 = tpu.memref_slice %arg3[%dma_start3A_370, %dma_start3A_371] : memref<26x4096xi32, #tpu.memory_space<hbm>> -> memref<1x4096xi32, #tpu.memory_space<hbm>>
    %dma_start3A_373 = tpu.memref_squeeze %dma_start3A_372 : memref<1x4096xi32, #tpu.memory_space<hbm>> -> memref<4096xi32, #tpu.memory_space<hbm>>
    %dma_start3A_374 = arith.constant 0 : i32
    %dma_start3A_375 = tpu.memref_slice %arg3[%dma_start3A_370, %dma_start3A_374] : memref<26x4096xi32, #tpu.memory_space<hbm>> -> memref<1x4096xi32, #tpu.memory_space<hbm>>
    %dma_start3A_376 = tpu.memref_squeeze %dma_start3A_375 : memref<1x4096xi32, #tpu.memory_space<hbm>> -> memref<4096xi32, #tpu.memory_space<hbm>>
    tpu.enqueue_dma source(%dma_start3A_376 : memref<4096xi32, #tpu.memory_space<hbm>>) target(%arg7 : memref<4096xi32, #tpu.memory_space<vmem>>) target_semaphore(%arg11 : memref<!tpu.dma_semaphore, #tpu.memory_space<semaphore_mem>>)
    %dma_wait3A_377 = tpu.memref_slice %arg5[%mul3A_2] : memref<32000000xf32, #tpu.memory_space<hbm>> -> memref<1000000xf32, #tpu.memory_space<hbm>>
    %dma_wait3A_378 = arith.constant 0 : i32
    %dma_wait3A_379 = tpu.memref_slice %dma_wait3A_377[%dma_wait3A_378] : memref<1000000xf32, #tpu.memory_space<hbm>> -> memref<1000000xf32, #tpu.memory_space<hbm>>
    tpu.wait_indirect_dma semaphore(%arg12 : memref<!tpu.dma_semaphore, #tpu.memory_space<semaphore_mem>>) src(%dma_wait3A_379 : memref<1000000xf32, #tpu.memory_space<hbm>>) dst(%arg8 : memref<4096xf32, #tpu.memory_space<vmem>>)
    %add3A_380 = arith.constant 512 : i32
    %add3A_381 = arith.addi %add3A_380, %add3A : i32
    "tpu.region"() ({
      %run_scoped3A_573 = tpu.sem_alloc : memref<!tpu.dma_semaphore, #tpu.memory_space<semaphore_mem>>
      %dma_start3A_574 = arith.constant 0 : i32
      %dma_start3A_575 = tpu.memref_slice %arg4[%add3A_381, %dma_start3A_574] : memref<832x4096xf32, #tpu.memory_space<hbm>> -> memref<1x4096xf32, #tpu.memory_space<hbm>>
      %dma_start3A_576 = tpu.memref_squeeze %dma_start3A_575 : memref<1x4096xf32, #tpu.memory_space<hbm>> -> memref<4096xf32, #tpu.memory_space<hbm>>
      %dma_start3A_577 = arith.constant 0 : i32
      %dma_start3A_578 = tpu.memref_slice %arg4[%add3A_381, %dma_start3A_577] : memref<832x4096xf32, #tpu.memory_space<hbm>> -> memref<1x4096xf32, #tpu.memory_space<hbm>>
      %dma_start3A_579 = tpu.memref_squeeze %dma_start3A_578 : memref<1x4096xf32, #tpu.memory_space<hbm>> -> memref<4096xf32, #tpu.memory_space<hbm>>
      tpu.enqueue_dma source(%arg8 : memref<4096xf32, #tpu.memory_space<vmem>>) target(%dma_start3A_579 : memref<4096xf32, #tpu.memory_space<hbm>>) target_semaphore(%run_scoped3A_573 : memref<!tpu.dma_semaphore, #tpu.memory_space<semaphore_mem>>)
      %dma_wait3A_580 = arith.constant 0 : i32
      %dma_wait3A_581 = tpu.memref_slice %arg4[%add3A_381, %dma_wait3A_580] : memref<832x4096xf32, #tpu.memory_space<hbm>> -> memref<1x4096xf32, #tpu.memory_space<hbm>>
      %dma_wait3A_582 = tpu.memref_squeeze %dma_wait3A_581 : memref<1x4096xf32, #tpu.memory_space<hbm>> -> memref<4096xf32, #tpu.memory_space<hbm>>
      %dma_wait3A_583 = arith.constant 0 : i32
      %dma_wait3A_584 = tpu.memref_slice %arg4[%add3A_381, %dma_wait3A_583] : memref<832x4096xf32, #tpu.memory_space<hbm>> -> memref<1x4096xf32, #tpu.memory_space<hbm>>
      %dma_wait3A_585 = tpu.memref_squeeze %dma_wait3A_584 : memref<1x4096xf32, #tpu.memory_space<hbm>> -> memref<4096xf32, #tpu.memory_space<hbm>>
      tpu.wait_dma2 semaphore(%run_scoped3A_573 : memref<!tpu.dma_semaphore, #tpu.memory_space<semaphore_mem>>) src(%arg8 : memref<4096xf32, #tpu.memory_space<vmem>>) dst(%dma_wait3A_585 : memref<4096xf32, #tpu.memory_space<hbm>>)
      tpu.yield
    }) : () -> ()
    %dma_wait3A_382 = arith.constant 17 : i32
    %dma_wait3A_383 = arith.constant 0 : i32
    %dma_wait3A_384 = tpu.memref_slice %arg3[%dma_wait3A_382, %dma_wait3A_383] : memref<26x4096xi32, #tpu.memory_space<hbm>> -> memref<1x4096xi32, #tpu.memory_space<hbm>>
    %dma_wait3A_385 = tpu.memref_squeeze %dma_wait3A_384 : memref<1x4096xi32, #tpu.memory_space<hbm>> -> memref<4096xi32, #tpu.memory_space<hbm>>
    %dma_wait3A_386 = arith.constant 0 : i32
    %dma_wait3A_387 = tpu.memref_slice %arg3[%dma_wait3A_382, %dma_wait3A_386] : memref<26x4096xi32, #tpu.memory_space<hbm>> -> memref<1x4096xi32, #tpu.memory_space<hbm>>
    %dma_wait3A_388 = tpu.memref_squeeze %dma_wait3A_387 : memref<1x4096xi32, #tpu.memory_space<hbm>> -> memref<4096xi32, #tpu.memory_space<hbm>>
    tpu.wait_dma2 semaphore(%arg11 : memref<!tpu.dma_semaphore, #tpu.memory_space<semaphore_mem>>) src(%dma_wait3A_388 : memref<4096xi32, #tpu.memory_space<hbm>>) dst(%arg7 : memref<4096xi32, #tpu.memory_space<vmem>>)
    %dma_start3A_389 = tpu.memref_slice %arg5[%mul3A_2] : memref<32000000xf32, #tpu.memory_space<hbm>> -> memref<1000000xf32, #tpu.memory_space<hbm>>
    %dma_start3A_390 = arith.constant 0 : i32
    %dma_start3A_391 = tpu.memref_slice %dma_start3A_389[%dma_start3A_390] : memref<1000000xf32, #tpu.memory_space<hbm>> -> memref<1000000xf32, #tpu.memory_space<hbm>>
    tpu.enqueue_indirect_dma source(%dma_start3A_391 : memref<1000000xf32, #tpu.memory_space<hbm>>) target(%arg8 : memref<4096xf32, #tpu.memory_space<vmem>>) offsets(%arg7 : memref<4096xi32, #tpu.memory_space<vmem>>) semaphore(%arg12 : memref<!tpu.dma_semaphore, #tpu.memory_space<semaphore_mem>>)
    %dma_start3A_392 = arith.constant 18 : i32
    %dma_start3A_393 = arith.constant 0 : i32
    %dma_start3A_394 = tpu.memref_slice %arg3[%dma_start3A_392, %dma_start3A_393] : memref<26x4096xi32, #tpu.memory_space<hbm>> -> memref<1x4096xi32, #tpu.memory_space<hbm>>
    %dma_start3A_395 = tpu.memref_squeeze %dma_start3A_394 : memref<1x4096xi32, #tpu.memory_space<hbm>> -> memref<4096xi32, #tpu.memory_space<hbm>>
    %dma_start3A_396 = arith.constant 0 : i32
    %dma_start3A_397 = tpu.memref_slice %arg3[%dma_start3A_392, %dma_start3A_396] : memref<26x4096xi32, #tpu.memory_space<hbm>> -> memref<1x4096xi32, #tpu.memory_space<hbm>>
    %dma_start3A_398 = tpu.memref_squeeze %dma_start3A_397 : memref<1x4096xi32, #tpu.memory_space<hbm>> -> memref<4096xi32, #tpu.memory_space<hbm>>
    tpu.enqueue_dma source(%dma_start3A_398 : memref<4096xi32, #tpu.memory_space<hbm>>) target(%arg6 : memref<4096xi32, #tpu.memory_space<vmem>>) target_semaphore(%arg11 : memref<!tpu.dma_semaphore, #tpu.memory_space<semaphore_mem>>)
    %dma_wait3A_399 = tpu.memref_slice %arg5[%mul3A_2] : memref<32000000xf32, #tpu.memory_space<hbm>> -> memref<1000000xf32, #tpu.memory_space<hbm>>
    %dma_wait3A_400 = arith.constant 0 : i32
    %dma_wait3A_401 = tpu.memref_slice %dma_wait3A_399[%dma_wait3A_400] : memref<1000000xf32, #tpu.memory_space<hbm>> -> memref<1000000xf32, #tpu.memory_space<hbm>>
    tpu.wait_indirect_dma semaphore(%arg12 : memref<!tpu.dma_semaphore, #tpu.memory_space<semaphore_mem>>) src(%dma_wait3A_401 : memref<1000000xf32, #tpu.memory_space<hbm>>) dst(%arg8 : memref<4096xf32, #tpu.memory_space<vmem>>)
    %add3A_402 = arith.constant 544 : i32
    %add3A_403 = arith.addi %add3A_402, %add3A : i32
    "tpu.region"() ({
      %run_scoped3A_573 = tpu.sem_alloc : memref<!tpu.dma_semaphore, #tpu.memory_space<semaphore_mem>>
      %dma_start3A_574 = arith.constant 0 : i32
      %dma_start3A_575 = tpu.memref_slice %arg4[%add3A_403, %dma_start3A_574] : memref<832x4096xf32, #tpu.memory_space<hbm>> -> memref<1x4096xf32, #tpu.memory_space<hbm>>
      %dma_start3A_576 = tpu.memref_squeeze %dma_start3A_575 : memref<1x4096xf32, #tpu.memory_space<hbm>> -> memref<4096xf32, #tpu.memory_space<hbm>>
      %dma_start3A_577 = arith.constant 0 : i32
      %dma_start3A_578 = tpu.memref_slice %arg4[%add3A_403, %dma_start3A_577] : memref<832x4096xf32, #tpu.memory_space<hbm>> -> memref<1x4096xf32, #tpu.memory_space<hbm>>
      %dma_start3A_579 = tpu.memref_squeeze %dma_start3A_578 : memref<1x4096xf32, #tpu.memory_space<hbm>> -> memref<4096xf32, #tpu.memory_space<hbm>>
      tpu.enqueue_dma source(%arg8 : memref<4096xf32, #tpu.memory_space<vmem>>) target(%dma_start3A_579 : memref<4096xf32, #tpu.memory_space<hbm>>) target_semaphore(%run_scoped3A_573 : memref<!tpu.dma_semaphore, #tpu.memory_space<semaphore_mem>>)
      %dma_wait3A_580 = arith.constant 0 : i32
      %dma_wait3A_581 = tpu.memref_slice %arg4[%add3A_403, %dma_wait3A_580] : memref<832x4096xf32, #tpu.memory_space<hbm>> -> memref<1x4096xf32, #tpu.memory_space<hbm>>
      %dma_wait3A_582 = tpu.memref_squeeze %dma_wait3A_581 : memref<1x4096xf32, #tpu.memory_space<hbm>> -> memref<4096xf32, #tpu.memory_space<hbm>>
      %dma_wait3A_583 = arith.constant 0 : i32
      %dma_wait3A_584 = tpu.memref_slice %arg4[%add3A_403, %dma_wait3A_583] : memref<832x4096xf32, #tpu.memory_space<hbm>> -> memref<1x4096xf32, #tpu.memory_space<hbm>>
      %dma_wait3A_585 = tpu.memref_squeeze %dma_wait3A_584 : memref<1x4096xf32, #tpu.memory_space<hbm>> -> memref<4096xf32, #tpu.memory_space<hbm>>
      tpu.wait_dma2 semaphore(%run_scoped3A_573 : memref<!tpu.dma_semaphore, #tpu.memory_space<semaphore_mem>>) src(%arg8 : memref<4096xf32, #tpu.memory_space<vmem>>) dst(%dma_wait3A_585 : memref<4096xf32, #tpu.memory_space<hbm>>)
      tpu.yield
    }) : () -> ()
    %dma_wait3A_404 = arith.constant 18 : i32
    %dma_wait3A_405 = arith.constant 0 : i32
    %dma_wait3A_406 = tpu.memref_slice %arg3[%dma_wait3A_404, %dma_wait3A_405] : memref<26x4096xi32, #tpu.memory_space<hbm>> -> memref<1x4096xi32, #tpu.memory_space<hbm>>
    %dma_wait3A_407 = tpu.memref_squeeze %dma_wait3A_406 : memref<1x4096xi32, #tpu.memory_space<hbm>> -> memref<4096xi32, #tpu.memory_space<hbm>>
    %dma_wait3A_408 = arith.constant 0 : i32
    %dma_wait3A_409 = tpu.memref_slice %arg3[%dma_wait3A_404, %dma_wait3A_408] : memref<26x4096xi32, #tpu.memory_space<hbm>> -> memref<1x4096xi32, #tpu.memory_space<hbm>>
    %dma_wait3A_410 = tpu.memref_squeeze %dma_wait3A_409 : memref<1x4096xi32, #tpu.memory_space<hbm>> -> memref<4096xi32, #tpu.memory_space<hbm>>
    tpu.wait_dma2 semaphore(%arg11 : memref<!tpu.dma_semaphore, #tpu.memory_space<semaphore_mem>>) src(%dma_wait3A_410 : memref<4096xi32, #tpu.memory_space<hbm>>) dst(%arg6 : memref<4096xi32, #tpu.memory_space<vmem>>)
    %dma_start3A_411 = tpu.memref_slice %arg5[%mul3A_2] : memref<32000000xf32, #tpu.memory_space<hbm>> -> memref<1000000xf32, #tpu.memory_space<hbm>>
    %dma_start3A_412 = arith.constant 0 : i32
    %dma_start3A_413 = tpu.memref_slice %dma_start3A_411[%dma_start3A_412] : memref<1000000xf32, #tpu.memory_space<hbm>> -> memref<1000000xf32, #tpu.memory_space<hbm>>
    tpu.enqueue_indirect_dma source(%dma_start3A_413 : memref<1000000xf32, #tpu.memory_space<hbm>>) target(%arg8 : memref<4096xf32, #tpu.memory_space<vmem>>) offsets(%arg6 : memref<4096xi32, #tpu.memory_space<vmem>>) semaphore(%arg12 : memref<!tpu.dma_semaphore, #tpu.memory_space<semaphore_mem>>)
    %dma_start3A_414 = arith.constant 19 : i32
    %dma_start3A_415 = arith.constant 0 : i32
    %dma_start3A_416 = tpu.memref_slice %arg3[%dma_start3A_414, %dma_start3A_415] : memref<26x4096xi32, #tpu.memory_space<hbm>> -> memref<1x4096xi32, #tpu.memory_space<hbm>>
    %dma_start3A_417 = tpu.memref_squeeze %dma_start3A_416 : memref<1x4096xi32, #tpu.memory_space<hbm>> -> memref<4096xi32, #tpu.memory_space<hbm>>
    %dma_start3A_418 = arith.constant 0 : i32
    %dma_start3A_419 = tpu.memref_slice %arg3[%dma_start3A_414, %dma_start3A_418] : memref<26x4096xi32, #tpu.memory_space<hbm>> -> memref<1x4096xi32, #tpu.memory_space<hbm>>
    %dma_start3A_420 = tpu.memref_squeeze %dma_start3A_419 : memref<1x4096xi32, #tpu.memory_space<hbm>> -> memref<4096xi32, #tpu.memory_space<hbm>>
    tpu.enqueue_dma source(%dma_start3A_420 : memref<4096xi32, #tpu.memory_space<hbm>>) target(%arg7 : memref<4096xi32, #tpu.memory_space<vmem>>) target_semaphore(%arg11 : memref<!tpu.dma_semaphore, #tpu.memory_space<semaphore_mem>>)
    %dma_wait3A_421 = tpu.memref_slice %arg5[%mul3A_2] : memref<32000000xf32, #tpu.memory_space<hbm>> -> memref<1000000xf32, #tpu.memory_space<hbm>>
    %dma_wait3A_422 = arith.constant 0 : i32
    %dma_wait3A_423 = tpu.memref_slice %dma_wait3A_421[%dma_wait3A_422] : memref<1000000xf32, #tpu.memory_space<hbm>> -> memref<1000000xf32, #tpu.memory_space<hbm>>
    tpu.wait_indirect_dma semaphore(%arg12 : memref<!tpu.dma_semaphore, #tpu.memory_space<semaphore_mem>>) src(%dma_wait3A_423 : memref<1000000xf32, #tpu.memory_space<hbm>>) dst(%arg8 : memref<4096xf32, #tpu.memory_space<vmem>>)
    %add3A_424 = arith.constant 576 : i32
    %add3A_425 = arith.addi %add3A_424, %add3A : i32
    "tpu.region"() ({
      %run_scoped3A_573 = tpu.sem_alloc : memref<!tpu.dma_semaphore, #tpu.memory_space<semaphore_mem>>
      %dma_start3A_574 = arith.constant 0 : i32
      %dma_start3A_575 = tpu.memref_slice %arg4[%add3A_425, %dma_start3A_574] : memref<832x4096xf32, #tpu.memory_space<hbm>> -> memref<1x4096xf32, #tpu.memory_space<hbm>>
      %dma_start3A_576 = tpu.memref_squeeze %dma_start3A_575 : memref<1x4096xf32, #tpu.memory_space<hbm>> -> memref<4096xf32, #tpu.memory_space<hbm>>
      %dma_start3A_577 = arith.constant 0 : i32
      %dma_start3A_578 = tpu.memref_slice %arg4[%add3A_425, %dma_start3A_577] : memref<832x4096xf32, #tpu.memory_space<hbm>> -> memref<1x4096xf32, #tpu.memory_space<hbm>>
      %dma_start3A_579 = tpu.memref_squeeze %dma_start3A_578 : memref<1x4096xf32, #tpu.memory_space<hbm>> -> memref<4096xf32, #tpu.memory_space<hbm>>
      tpu.enqueue_dma source(%arg8 : memref<4096xf32, #tpu.memory_space<vmem>>) target(%dma_start3A_579 : memref<4096xf32, #tpu.memory_space<hbm>>) target_semaphore(%run_scoped3A_573 : memref<!tpu.dma_semaphore, #tpu.memory_space<semaphore_mem>>)
      %dma_wait3A_580 = arith.constant 0 : i32
      %dma_wait3A_581 = tpu.memref_slice %arg4[%add3A_425, %dma_wait3A_580] : memref<832x4096xf32, #tpu.memory_space<hbm>> -> memref<1x4096xf32, #tpu.memory_space<hbm>>
      %dma_wait3A_582 = tpu.memref_squeeze %dma_wait3A_581 : memref<1x4096xf32, #tpu.memory_space<hbm>> -> memref<4096xf32, #tpu.memory_space<hbm>>
      %dma_wait3A_583 = arith.constant 0 : i32
      %dma_wait3A_584 = tpu.memref_slice %arg4[%add3A_425, %dma_wait3A_583] : memref<832x4096xf32, #tpu.memory_space<hbm>> -> memref<1x4096xf32, #tpu.memory_space<hbm>>
      %dma_wait3A_585 = tpu.memref_squeeze %dma_wait3A_584 : memref<1x4096xf32, #tpu.memory_space<hbm>> -> memref<4096xf32, #tpu.memory_space<hbm>>
      tpu.wait_dma2 semaphore(%run_scoped3A_573 : memref<!tpu.dma_semaphore, #tpu.memory_space<semaphore_mem>>) src(%arg8 : memref<4096xf32, #tpu.memory_space<vmem>>) dst(%dma_wait3A_585 : memref<4096xf32, #tpu.memory_space<hbm>>)
      tpu.yield
    }) : () -> ()
    %dma_wait3A_426 = arith.constant 19 : i32
    %dma_wait3A_427 = arith.constant 0 : i32
    %dma_wait3A_428 = tpu.memref_slice %arg3[%dma_wait3A_426, %dma_wait3A_427] : memref<26x4096xi32, #tpu.memory_space<hbm>> -> memref<1x4096xi32, #tpu.memory_space<hbm>>
    %dma_wait3A_429 = tpu.memref_squeeze %dma_wait3A_428 : memref<1x4096xi32, #tpu.memory_space<hbm>> -> memref<4096xi32, #tpu.memory_space<hbm>>
    %dma_wait3A_430 = arith.constant 0 : i32
    %dma_wait3A_431 = tpu.memref_slice %arg3[%dma_wait3A_426, %dma_wait3A_430] : memref<26x4096xi32, #tpu.memory_space<hbm>> -> memref<1x4096xi32, #tpu.memory_space<hbm>>
    %dma_wait3A_432 = tpu.memref_squeeze %dma_wait3A_431 : memref<1x4096xi32, #tpu.memory_space<hbm>> -> memref<4096xi32, #tpu.memory_space<hbm>>
    tpu.wait_dma2 semaphore(%arg11 : memref<!tpu.dma_semaphore, #tpu.memory_space<semaphore_mem>>) src(%dma_wait3A_432 : memref<4096xi32, #tpu.memory_space<hbm>>) dst(%arg7 : memref<4096xi32, #tpu.memory_space<vmem>>)
    %dma_start3A_433 = tpu.memref_slice %arg5[%mul3A_2] : memref<32000000xf32, #tpu.memory_space<hbm>> -> memref<1000000xf32, #tpu.memory_space<hbm>>
    %dma_start3A_434 = arith.constant 0 : i32
    %dma_start3A_435 = tpu.memref_slice %dma_start3A_433[%dma_start3A_434] : memref<1000000xf32, #tpu.memory_space<hbm>> -> memref<1000000xf32, #tpu.memory_space<hbm>>
    tpu.enqueue_indirect_dma source(%dma_start3A_435 : memref<1000000xf32, #tpu.memory_space<hbm>>) target(%arg8 : memref<4096xf32, #tpu.memory_space<vmem>>) offsets(%arg7 : memref<4096xi32, #tpu.memory_space<vmem>>) semaphore(%arg12 : memref<!tpu.dma_semaphore, #tpu.memory_space<semaphore_mem>>)
    %dma_start3A_436 = arith.constant 20 : i32
    %dma_start3A_437 = arith.constant 0 : i32
    %dma_start3A_438 = tpu.memref_slice %arg3[%dma_start3A_436, %dma_start3A_437] : memref<26x4096xi32, #tpu.memory_space<hbm>> -> memref<1x4096xi32, #tpu.memory_space<hbm>>
    %dma_start3A_439 = tpu.memref_squeeze %dma_start3A_438 : memref<1x4096xi32, #tpu.memory_space<hbm>> -> memref<4096xi32, #tpu.memory_space<hbm>>
    %dma_start3A_440 = arith.constant 0 : i32
    %dma_start3A_441 = tpu.memref_slice %arg3[%dma_start3A_436, %dma_start3A_440] : memref<26x4096xi32, #tpu.memory_space<hbm>> -> memref<1x4096xi32, #tpu.memory_space<hbm>>
    %dma_start3A_442 = tpu.memref_squeeze %dma_start3A_441 : memref<1x4096xi32, #tpu.memory_space<hbm>> -> memref<4096xi32, #tpu.memory_space<hbm>>
    tpu.enqueue_dma source(%dma_start3A_442 : memref<4096xi32, #tpu.memory_space<hbm>>) target(%arg6 : memref<4096xi32, #tpu.memory_space<vmem>>) target_semaphore(%arg11 : memref<!tpu.dma_semaphore, #tpu.memory_space<semaphore_mem>>)
    %dma_wait3A_443 = tpu.memref_slice %arg5[%mul3A_2] : memref<32000000xf32, #tpu.memory_space<hbm>> -> memref<1000000xf32, #tpu.memory_space<hbm>>
    %dma_wait3A_444 = arith.constant 0 : i32
    %dma_wait3A_445 = tpu.memref_slice %dma_wait3A_443[%dma_wait3A_444] : memref<1000000xf32, #tpu.memory_space<hbm>> -> memref<1000000xf32, #tpu.memory_space<hbm>>
    tpu.wait_indirect_dma semaphore(%arg12 : memref<!tpu.dma_semaphore, #tpu.memory_space<semaphore_mem>>) src(%dma_wait3A_445 : memref<1000000xf32, #tpu.memory_space<hbm>>) dst(%arg8 : memref<4096xf32, #tpu.memory_space<vmem>>)
    %add3A_446 = arith.constant 608 : i32
    %add3A_447 = arith.addi %add3A_446, %add3A : i32
    "tpu.region"() ({
      %run_scoped3A_573 = tpu.sem_alloc : memref<!tpu.dma_semaphore, #tpu.memory_space<semaphore_mem>>
      %dma_start3A_574 = arith.constant 0 : i32
      %dma_start3A_575 = tpu.memref_slice %arg4[%add3A_447, %dma_start3A_574] : memref<832x4096xf32, #tpu.memory_space<hbm>> -> memref<1x4096xf32, #tpu.memory_space<hbm>>
      %dma_start3A_576 = tpu.memref_squeeze %dma_start3A_575 : memref<1x4096xf32, #tpu.memory_space<hbm>> -> memref<4096xf32, #tpu.memory_space<hbm>>
      %dma_start3A_577 = arith.constant 0 : i32
      %dma_start3A_578 = tpu.memref_slice %arg4[%add3A_447, %dma_start3A_577] : memref<832x4096xf32, #tpu.memory_space<hbm>> -> memref<1x4096xf32, #tpu.memory_space<hbm>>
      %dma_start3A_579 = tpu.memref_squeeze %dma_start3A_578 : memref<1x4096xf32, #tpu.memory_space<hbm>> -> memref<4096xf32, #tpu.memory_space<hbm>>
      tpu.enqueue_dma source(%arg8 : memref<4096xf32, #tpu.memory_space<vmem>>) target(%dma_start3A_579 : memref<4096xf32, #tpu.memory_space<hbm>>) target_semaphore(%run_scoped3A_573 : memref<!tpu.dma_semaphore, #tpu.memory_space<semaphore_mem>>)
      %dma_wait3A_580 = arith.constant 0 : i32
      %dma_wait3A_581 = tpu.memref_slice %arg4[%add3A_447, %dma_wait3A_580] : memref<832x4096xf32, #tpu.memory_space<hbm>> -> memref<1x4096xf32, #tpu.memory_space<hbm>>
      %dma_wait3A_582 = tpu.memref_squeeze %dma_wait3A_581 : memref<1x4096xf32, #tpu.memory_space<hbm>> -> memref<4096xf32, #tpu.memory_space<hbm>>
      %dma_wait3A_583 = arith.constant 0 : i32
      %dma_wait3A_584 = tpu.memref_slice %arg4[%add3A_447, %dma_wait3A_583] : memref<832x4096xf32, #tpu.memory_space<hbm>> -> memref<1x4096xf32, #tpu.memory_space<hbm>>
      %dma_wait3A_585 = tpu.memref_squeeze %dma_wait3A_584 : memref<1x4096xf32, #tpu.memory_space<hbm>> -> memref<4096xf32, #tpu.memory_space<hbm>>
      tpu.wait_dma2 semaphore(%run_scoped3A_573 : memref<!tpu.dma_semaphore, #tpu.memory_space<semaphore_mem>>) src(%arg8 : memref<4096xf32, #tpu.memory_space<vmem>>) dst(%dma_wait3A_585 : memref<4096xf32, #tpu.memory_space<hbm>>)
      tpu.yield
    }) : () -> ()
    %dma_wait3A_448 = arith.constant 20 : i32
    %dma_wait3A_449 = arith.constant 0 : i32
    %dma_wait3A_450 = tpu.memref_slice %arg3[%dma_wait3A_448, %dma_wait3A_449] : memref<26x4096xi32, #tpu.memory_space<hbm>> -> memref<1x4096xi32, #tpu.memory_space<hbm>>
    %dma_wait3A_451 = tpu.memref_squeeze %dma_wait3A_450 : memref<1x4096xi32, #tpu.memory_space<hbm>> -> memref<4096xi32, #tpu.memory_space<hbm>>
    %dma_wait3A_452 = arith.constant 0 : i32
    %dma_wait3A_453 = tpu.memref_slice %arg3[%dma_wait3A_448, %dma_wait3A_452] : memref<26x4096xi32, #tpu.memory_space<hbm>> -> memref<1x4096xi32, #tpu.memory_space<hbm>>
    %dma_wait3A_454 = tpu.memref_squeeze %dma_wait3A_453 : memref<1x4096xi32, #tpu.memory_space<hbm>> -> memref<4096xi32, #tpu.memory_space<hbm>>
    tpu.wait_dma2 semaphore(%arg11 : memref<!tpu.dma_semaphore, #tpu.memory_space<semaphore_mem>>) src(%dma_wait3A_454 : memref<4096xi32, #tpu.memory_space<hbm>>) dst(%arg6 : memref<4096xi32, #tpu.memory_space<vmem>>)
    %dma_start3A_455 = tpu.memref_slice %arg5[%mul3A_2] : memref<32000000xf32, #tpu.memory_space<hbm>> -> memref<1000000xf32, #tpu.memory_space<hbm>>
    %dma_start3A_456 = arith.constant 0 : i32
    %dma_start3A_457 = tpu.memref_slice %dma_start3A_455[%dma_start3A_456] : memref<1000000xf32, #tpu.memory_space<hbm>> -> memref<1000000xf32, #tpu.memory_space<hbm>>
    tpu.enqueue_indirect_dma source(%dma_start3A_457 : memref<1000000xf32, #tpu.memory_space<hbm>>) target(%arg8 : memref<4096xf32, #tpu.memory_space<vmem>>) offsets(%arg6 : memref<4096xi32, #tpu.memory_space<vmem>>) semaphore(%arg12 : memref<!tpu.dma_semaphore, #tpu.memory_space<semaphore_mem>>)
    %dma_start3A_458 = arith.constant 21 : i32
    %dma_start3A_459 = arith.constant 0 : i32
    %dma_start3A_460 = tpu.memref_slice %arg3[%dma_start3A_458, %dma_start3A_459] : memref<26x4096xi32, #tpu.memory_space<hbm>> -> memref<1x4096xi32, #tpu.memory_space<hbm>>
    %dma_start3A_461 = tpu.memref_squeeze %dma_start3A_460 : memref<1x4096xi32, #tpu.memory_space<hbm>> -> memref<4096xi32, #tpu.memory_space<hbm>>
    %dma_start3A_462 = arith.constant 0 : i32
    %dma_start3A_463 = tpu.memref_slice %arg3[%dma_start3A_458, %dma_start3A_462] : memref<26x4096xi32, #tpu.memory_space<hbm>> -> memref<1x4096xi32, #tpu.memory_space<hbm>>
    %dma_start3A_464 = tpu.memref_squeeze %dma_start3A_463 : memref<1x4096xi32, #tpu.memory_space<hbm>> -> memref<4096xi32, #tpu.memory_space<hbm>>
    tpu.enqueue_dma source(%dma_start3A_464 : memref<4096xi32, #tpu.memory_space<hbm>>) target(%arg7 : memref<4096xi32, #tpu.memory_space<vmem>>) target_semaphore(%arg11 : memref<!tpu.dma_semaphore, #tpu.memory_space<semaphore_mem>>)
    %dma_wait3A_465 = tpu.memref_slice %arg5[%mul3A_2] : memref<32000000xf32, #tpu.memory_space<hbm>> -> memref<1000000xf32, #tpu.memory_space<hbm>>
    %dma_wait3A_466 = arith.constant 0 : i32
    %dma_wait3A_467 = tpu.memref_slice %dma_wait3A_465[%dma_wait3A_466] : memref<1000000xf32, #tpu.memory_space<hbm>> -> memref<1000000xf32, #tpu.memory_space<hbm>>
    tpu.wait_indirect_dma semaphore(%arg12 : memref<!tpu.dma_semaphore, #tpu.memory_space<semaphore_mem>>) src(%dma_wait3A_467 : memref<1000000xf32, #tpu.memory_space<hbm>>) dst(%arg8 : memref<4096xf32, #tpu.memory_space<vmem>>)
    %add3A_468 = arith.constant 640 : i32
    %add3A_469 = arith.addi %add3A_468, %add3A : i32
    "tpu.region"() ({
      %run_scoped3A_573 = tpu.sem_alloc : memref<!tpu.dma_semaphore, #tpu.memory_space<semaphore_mem>>
      %dma_start3A_574 = arith.constant 0 : i32
      %dma_start3A_575 = tpu.memref_slice %arg4[%add3A_469, %dma_start3A_574] : memref<832x4096xf32, #tpu.memory_space<hbm>> -> memref<1x4096xf32, #tpu.memory_space<hbm>>
      %dma_start3A_576 = tpu.memref_squeeze %dma_start3A_575 : memref<1x4096xf32, #tpu.memory_space<hbm>> -> memref<4096xf32, #tpu.memory_space<hbm>>
      %dma_start3A_577 = arith.constant 0 : i32
      %dma_start3A_578 = tpu.memref_slice %arg4[%add3A_469, %dma_start3A_577] : memref<832x4096xf32, #tpu.memory_space<hbm>> -> memref<1x4096xf32, #tpu.memory_space<hbm>>
      %dma_start3A_579 = tpu.memref_squeeze %dma_start3A_578 : memref<1x4096xf32, #tpu.memory_space<hbm>> -> memref<4096xf32, #tpu.memory_space<hbm>>
      tpu.enqueue_dma source(%arg8 : memref<4096xf32, #tpu.memory_space<vmem>>) target(%dma_start3A_579 : memref<4096xf32, #tpu.memory_space<hbm>>) target_semaphore(%run_scoped3A_573 : memref<!tpu.dma_semaphore, #tpu.memory_space<semaphore_mem>>)
      %dma_wait3A_580 = arith.constant 0 : i32
      %dma_wait3A_581 = tpu.memref_slice %arg4[%add3A_469, %dma_wait3A_580] : memref<832x4096xf32, #tpu.memory_space<hbm>> -> memref<1x4096xf32, #tpu.memory_space<hbm>>
      %dma_wait3A_582 = tpu.memref_squeeze %dma_wait3A_581 : memref<1x4096xf32, #tpu.memory_space<hbm>> -> memref<4096xf32, #tpu.memory_space<hbm>>
      %dma_wait3A_583 = arith.constant 0 : i32
      %dma_wait3A_584 = tpu.memref_slice %arg4[%add3A_469, %dma_wait3A_583] : memref<832x4096xf32, #tpu.memory_space<hbm>> -> memref<1x4096xf32, #tpu.memory_space<hbm>>
      %dma_wait3A_585 = tpu.memref_squeeze %dma_wait3A_584 : memref<1x4096xf32, #tpu.memory_space<hbm>> -> memref<4096xf32, #tpu.memory_space<hbm>>
      tpu.wait_dma2 semaphore(%run_scoped3A_573 : memref<!tpu.dma_semaphore, #tpu.memory_space<semaphore_mem>>) src(%arg8 : memref<4096xf32, #tpu.memory_space<vmem>>) dst(%dma_wait3A_585 : memref<4096xf32, #tpu.memory_space<hbm>>)
      tpu.yield
    }) : () -> ()
    %dma_wait3A_470 = arith.constant 21 : i32
    %dma_wait3A_471 = arith.constant 0 : i32
    %dma_wait3A_472 = tpu.memref_slice %arg3[%dma_wait3A_470, %dma_wait3A_471] : memref<26x4096xi32, #tpu.memory_space<hbm>> -> memref<1x4096xi32, #tpu.memory_space<hbm>>
    %dma_wait3A_473 = tpu.memref_squeeze %dma_wait3A_472 : memref<1x4096xi32, #tpu.memory_space<hbm>> -> memref<4096xi32, #tpu.memory_space<hbm>>
    %dma_wait3A_474 = arith.constant 0 : i32
    %dma_wait3A_475 = tpu.memref_slice %arg3[%dma_wait3A_470, %dma_wait3A_474] : memref<26x4096xi32, #tpu.memory_space<hbm>> -> memref<1x4096xi32, #tpu.memory_space<hbm>>
    %dma_wait3A_476 = tpu.memref_squeeze %dma_wait3A_475 : memref<1x4096xi32, #tpu.memory_space<hbm>> -> memref<4096xi32, #tpu.memory_space<hbm>>
    tpu.wait_dma2 semaphore(%arg11 : memref<!tpu.dma_semaphore, #tpu.memory_space<semaphore_mem>>) src(%dma_wait3A_476 : memref<4096xi32, #tpu.memory_space<hbm>>) dst(%arg7 : memref<4096xi32, #tpu.memory_space<vmem>>)
    %dma_start3A_477 = tpu.memref_slice %arg5[%mul3A_2] : memref<32000000xf32, #tpu.memory_space<hbm>> -> memref<1000000xf32, #tpu.memory_space<hbm>>
    %dma_start3A_478 = arith.constant 0 : i32
    %dma_start3A_479 = tpu.memref_slice %dma_start3A_477[%dma_start3A_478] : memref<1000000xf32, #tpu.memory_space<hbm>> -> memref<1000000xf32, #tpu.memory_space<hbm>>
    tpu.enqueue_indirect_dma source(%dma_start3A_479 : memref<1000000xf32, #tpu.memory_space<hbm>>) target(%arg8 : memref<4096xf32, #tpu.memory_space<vmem>>) offsets(%arg7 : memref<4096xi32, #tpu.memory_space<vmem>>) semaphore(%arg12 : memref<!tpu.dma_semaphore, #tpu.memory_space<semaphore_mem>>)
    %dma_start3A_480 = arith.constant 22 : i32
    %dma_start3A_481 = arith.constant 0 : i32
    %dma_start3A_482 = tpu.memref_slice %arg3[%dma_start3A_480, %dma_start3A_481] : memref<26x4096xi32, #tpu.memory_space<hbm>> -> memref<1x4096xi32, #tpu.memory_space<hbm>>
    %dma_start3A_483 = tpu.memref_squeeze %dma_start3A_482 : memref<1x4096xi32, #tpu.memory_space<hbm>> -> memref<4096xi32, #tpu.memory_space<hbm>>
    %dma_start3A_484 = arith.constant 0 : i32
    %dma_start3A_485 = tpu.memref_slice %arg3[%dma_start3A_480, %dma_start3A_484] : memref<26x4096xi32, #tpu.memory_space<hbm>> -> memref<1x4096xi32, #tpu.memory_space<hbm>>
    %dma_start3A_486 = tpu.memref_squeeze %dma_start3A_485 : memref<1x4096xi32, #tpu.memory_space<hbm>> -> memref<4096xi32, #tpu.memory_space<hbm>>
    tpu.enqueue_dma source(%dma_start3A_486 : memref<4096xi32, #tpu.memory_space<hbm>>) target(%arg6 : memref<4096xi32, #tpu.memory_space<vmem>>) target_semaphore(%arg11 : memref<!tpu.dma_semaphore, #tpu.memory_space<semaphore_mem>>)
    %dma_wait3A_487 = tpu.memref_slice %arg5[%mul3A_2] : memref<32000000xf32, #tpu.memory_space<hbm>> -> memref<1000000xf32, #tpu.memory_space<hbm>>
    %dma_wait3A_488 = arith.constant 0 : i32
    %dma_wait3A_489 = tpu.memref_slice %dma_wait3A_487[%dma_wait3A_488] : memref<1000000xf32, #tpu.memory_space<hbm>> -> memref<1000000xf32, #tpu.memory_space<hbm>>
    tpu.wait_indirect_dma semaphore(%arg12 : memref<!tpu.dma_semaphore, #tpu.memory_space<semaphore_mem>>) src(%dma_wait3A_489 : memref<1000000xf32, #tpu.memory_space<hbm>>) dst(%arg8 : memref<4096xf32, #tpu.memory_space<vmem>>)
    %add3A_490 = arith.constant 672 : i32
    %add3A_491 = arith.addi %add3A_490, %add3A : i32
    "tpu.region"() ({
      %run_scoped3A_573 = tpu.sem_alloc : memref<!tpu.dma_semaphore, #tpu.memory_space<semaphore_mem>>
      %dma_start3A_574 = arith.constant 0 : i32
      %dma_start3A_575 = tpu.memref_slice %arg4[%add3A_491, %dma_start3A_574] : memref<832x4096xf32, #tpu.memory_space<hbm>> -> memref<1x4096xf32, #tpu.memory_space<hbm>>
      %dma_start3A_576 = tpu.memref_squeeze %dma_start3A_575 : memref<1x4096xf32, #tpu.memory_space<hbm>> -> memref<4096xf32, #tpu.memory_space<hbm>>
      %dma_start3A_577 = arith.constant 0 : i32
      %dma_start3A_578 = tpu.memref_slice %arg4[%add3A_491, %dma_start3A_577] : memref<832x4096xf32, #tpu.memory_space<hbm>> -> memref<1x4096xf32, #tpu.memory_space<hbm>>
      %dma_start3A_579 = tpu.memref_squeeze %dma_start3A_578 : memref<1x4096xf32, #tpu.memory_space<hbm>> -> memref<4096xf32, #tpu.memory_space<hbm>>
      tpu.enqueue_dma source(%arg8 : memref<4096xf32, #tpu.memory_space<vmem>>) target(%dma_start3A_579 : memref<4096xf32, #tpu.memory_space<hbm>>) target_semaphore(%run_scoped3A_573 : memref<!tpu.dma_semaphore, #tpu.memory_space<semaphore_mem>>)
      %dma_wait3A_580 = arith.constant 0 : i32
      %dma_wait3A_581 = tpu.memref_slice %arg4[%add3A_491, %dma_wait3A_580] : memref<832x4096xf32, #tpu.memory_space<hbm>> -> memref<1x4096xf32, #tpu.memory_space<hbm>>
      %dma_wait3A_582 = tpu.memref_squeeze %dma_wait3A_581 : memref<1x4096xf32, #tpu.memory_space<hbm>> -> memref<4096xf32, #tpu.memory_space<hbm>>
      %dma_wait3A_583 = arith.constant 0 : i32
      %dma_wait3A_584 = tpu.memref_slice %arg4[%add3A_491, %dma_wait3A_583] : memref<832x4096xf32, #tpu.memory_space<hbm>> -> memref<1x4096xf32, #tpu.memory_space<hbm>>
      %dma_wait3A_585 = tpu.memref_squeeze %dma_wait3A_584 : memref<1x4096xf32, #tpu.memory_space<hbm>> -> memref<4096xf32, #tpu.memory_space<hbm>>
      tpu.wait_dma2 semaphore(%run_scoped3A_573 : memref<!tpu.dma_semaphore, #tpu.memory_space<semaphore_mem>>) src(%arg8 : memref<4096xf32, #tpu.memory_space<vmem>>) dst(%dma_wait3A_585 : memref<4096xf32, #tpu.memory_space<hbm>>)
      tpu.yield
    }) : () -> ()
    %dma_wait3A_492 = arith.constant 22 : i32
    %dma_wait3A_493 = arith.constant 0 : i32
    %dma_wait3A_494 = tpu.memref_slice %arg3[%dma_wait3A_492, %dma_wait3A_493] : memref<26x4096xi32, #tpu.memory_space<hbm>> -> memref<1x4096xi32, #tpu.memory_space<hbm>>
    %dma_wait3A_495 = tpu.memref_squeeze %dma_wait3A_494 : memref<1x4096xi32, #tpu.memory_space<hbm>> -> memref<4096xi32, #tpu.memory_space<hbm>>
    %dma_wait3A_496 = arith.constant 0 : i32
    %dma_wait3A_497 = tpu.memref_slice %arg3[%dma_wait3A_492, %dma_wait3A_496] : memref<26x4096xi32, #tpu.memory_space<hbm>> -> memref<1x4096xi32, #tpu.memory_space<hbm>>
    %dma_wait3A_498 = tpu.memref_squeeze %dma_wait3A_497 : memref<1x4096xi32, #tpu.memory_space<hbm>> -> memref<4096xi32, #tpu.memory_space<hbm>>
    tpu.wait_dma2 semaphore(%arg11 : memref<!tpu.dma_semaphore, #tpu.memory_space<semaphore_mem>>) src(%dma_wait3A_498 : memref<4096xi32, #tpu.memory_space<hbm>>) dst(%arg6 : memref<4096xi32, #tpu.memory_space<vmem>>)
    %dma_start3A_499 = tpu.memref_slice %arg5[%mul3A_2] : memref<32000000xf32, #tpu.memory_space<hbm>> -> memref<1000000xf32, #tpu.memory_space<hbm>>
    %dma_start3A_500 = arith.constant 0 : i32
    %dma_start3A_501 = tpu.memref_slice %dma_start3A_499[%dma_start3A_500] : memref<1000000xf32, #tpu.memory_space<hbm>> -> memref<1000000xf32, #tpu.memory_space<hbm>>
    tpu.enqueue_indirect_dma source(%dma_start3A_501 : memref<1000000xf32, #tpu.memory_space<hbm>>) target(%arg8 : memref<4096xf32, #tpu.memory_space<vmem>>) offsets(%arg6 : memref<4096xi32, #tpu.memory_space<vmem>>) semaphore(%arg12 : memref<!tpu.dma_semaphore, #tpu.memory_space<semaphore_mem>>)
    %dma_start3A_502 = arith.constant 23 : i32
    %dma_start3A_503 = arith.constant 0 : i32
    %dma_start3A_504 = tpu.memref_slice %arg3[%dma_start3A_502, %dma_start3A_503] : memref<26x4096xi32, #tpu.memory_space<hbm>> -> memref<1x4096xi32, #tpu.memory_space<hbm>>
    %dma_start3A_505 = tpu.memref_squeeze %dma_start3A_504 : memref<1x4096xi32, #tpu.memory_space<hbm>> -> memref<4096xi32, #tpu.memory_space<hbm>>
    %dma_start3A_506 = arith.constant 0 : i32
    %dma_start3A_507 = tpu.memref_slice %arg3[%dma_start3A_502, %dma_start3A_506] : memref<26x4096xi32, #tpu.memory_space<hbm>> -> memref<1x4096xi32, #tpu.memory_space<hbm>>
    %dma_start3A_508 = tpu.memref_squeeze %dma_start3A_507 : memref<1x4096xi32, #tpu.memory_space<hbm>> -> memref<4096xi32, #tpu.memory_space<hbm>>
    tpu.enqueue_dma source(%dma_start3A_508 : memref<4096xi32, #tpu.memory_space<hbm>>) target(%arg7 : memref<4096xi32, #tpu.memory_space<vmem>>) target_semaphore(%arg11 : memref<!tpu.dma_semaphore, #tpu.memory_space<semaphore_mem>>)
    %dma_wait3A_509 = tpu.memref_slice %arg5[%mul3A_2] : memref<32000000xf32, #tpu.memory_space<hbm>> -> memref<1000000xf32, #tpu.memory_space<hbm>>
    %dma_wait3A_510 = arith.constant 0 : i32
    %dma_wait3A_511 = tpu.memref_slice %dma_wait3A_509[%dma_wait3A_510] : memref<1000000xf32, #tpu.memory_space<hbm>> -> memref<1000000xf32, #tpu.memory_space<hbm>>
    tpu.wait_indirect_dma semaphore(%arg12 : memref<!tpu.dma_semaphore, #tpu.memory_space<semaphore_mem>>) src(%dma_wait3A_511 : memref<1000000xf32, #tpu.memory_space<hbm>>) dst(%arg8 : memref<4096xf32, #tpu.memory_space<vmem>>)
    %add3A_512 = arith.constant 704 : i32
    %add3A_513 = arith.addi %add3A_512, %add3A : i32
    "tpu.region"() ({
      %run_scoped3A_573 = tpu.sem_alloc : memref<!tpu.dma_semaphore, #tpu.memory_space<semaphore_mem>>
      %dma_start3A_574 = arith.constant 0 : i32
      %dma_start3A_575 = tpu.memref_slice %arg4[%add3A_513, %dma_start3A_574] : memref<832x4096xf32, #tpu.memory_space<hbm>> -> memref<1x4096xf32, #tpu.memory_space<hbm>>
      %dma_start3A_576 = tpu.memref_squeeze %dma_start3A_575 : memref<1x4096xf32, #tpu.memory_space<hbm>> -> memref<4096xf32, #tpu.memory_space<hbm>>
      %dma_start3A_577 = arith.constant 0 : i32
      %dma_start3A_578 = tpu.memref_slice %arg4[%add3A_513, %dma_start3A_577] : memref<832x4096xf32, #tpu.memory_space<hbm>> -> memref<1x4096xf32, #tpu.memory_space<hbm>>
      %dma_start3A_579 = tpu.memref_squeeze %dma_start3A_578 : memref<1x4096xf32, #tpu.memory_space<hbm>> -> memref<4096xf32, #tpu.memory_space<hbm>>
      tpu.enqueue_dma source(%arg8 : memref<4096xf32, #tpu.memory_space<vmem>>) target(%dma_start3A_579 : memref<4096xf32, #tpu.memory_space<hbm>>) target_semaphore(%run_scoped3A_573 : memref<!tpu.dma_semaphore, #tpu.memory_space<semaphore_mem>>)
      %dma_wait3A_580 = arith.constant 0 : i32
      %dma_wait3A_581 = tpu.memref_slice %arg4[%add3A_513, %dma_wait3A_580] : memref<832x4096xf32, #tpu.memory_space<hbm>> -> memref<1x4096xf32, #tpu.memory_space<hbm>>
      %dma_wait3A_582 = tpu.memref_squeeze %dma_wait3A_581 : memref<1x4096xf32, #tpu.memory_space<hbm>> -> memref<4096xf32, #tpu.memory_space<hbm>>
      %dma_wait3A_583 = arith.constant 0 : i32
      %dma_wait3A_584 = tpu.memref_slice %arg4[%add3A_513, %dma_wait3A_583] : memref<832x4096xf32, #tpu.memory_space<hbm>> -> memref<1x4096xf32, #tpu.memory_space<hbm>>
      %dma_wait3A_585 = tpu.memref_squeeze %dma_wait3A_584 : memref<1x4096xf32, #tpu.memory_space<hbm>> -> memref<4096xf32, #tpu.memory_space<hbm>>
      tpu.wait_dma2 semaphore(%run_scoped3A_573 : memref<!tpu.dma_semaphore, #tpu.memory_space<semaphore_mem>>) src(%arg8 : memref<4096xf32, #tpu.memory_space<vmem>>) dst(%dma_wait3A_585 : memref<4096xf32, #tpu.memory_space<hbm>>)
      tpu.yield
    }) : () -> ()
    %dma_wait3A_514 = arith.constant 23 : i32
    %dma_wait3A_515 = arith.constant 0 : i32
    %dma_wait3A_516 = tpu.memref_slice %arg3[%dma_wait3A_514, %dma_wait3A_515] : memref<26x4096xi32, #tpu.memory_space<hbm>> -> memref<1x4096xi32, #tpu.memory_space<hbm>>
    %dma_wait3A_517 = tpu.memref_squeeze %dma_wait3A_516 : memref<1x4096xi32, #tpu.memory_space<hbm>> -> memref<4096xi32, #tpu.memory_space<hbm>>
    %dma_wait3A_518 = arith.constant 0 : i32
    %dma_wait3A_519 = tpu.memref_slice %arg3[%dma_wait3A_514, %dma_wait3A_518] : memref<26x4096xi32, #tpu.memory_space<hbm>> -> memref<1x4096xi32, #tpu.memory_space<hbm>>
    %dma_wait3A_520 = tpu.memref_squeeze %dma_wait3A_519 : memref<1x4096xi32, #tpu.memory_space<hbm>> -> memref<4096xi32, #tpu.memory_space<hbm>>
    tpu.wait_dma2 semaphore(%arg11 : memref<!tpu.dma_semaphore, #tpu.memory_space<semaphore_mem>>) src(%dma_wait3A_520 : memref<4096xi32, #tpu.memory_space<hbm>>) dst(%arg7 : memref<4096xi32, #tpu.memory_space<vmem>>)
    %dma_start3A_521 = tpu.memref_slice %arg5[%mul3A_2] : memref<32000000xf32, #tpu.memory_space<hbm>> -> memref<1000000xf32, #tpu.memory_space<hbm>>
    %dma_start3A_522 = arith.constant 0 : i32
    %dma_start3A_523 = tpu.memref_slice %dma_start3A_521[%dma_start3A_522] : memref<1000000xf32, #tpu.memory_space<hbm>> -> memref<1000000xf32, #tpu.memory_space<hbm>>
    tpu.enqueue_indirect_dma source(%dma_start3A_523 : memref<1000000xf32, #tpu.memory_space<hbm>>) target(%arg8 : memref<4096xf32, #tpu.memory_space<vmem>>) offsets(%arg7 : memref<4096xi32, #tpu.memory_space<vmem>>) semaphore(%arg12 : memref<!tpu.dma_semaphore, #tpu.memory_space<semaphore_mem>>)
    %dma_start3A_524 = arith.constant 24 : i32
    %dma_start3A_525 = arith.constant 0 : i32
    %dma_start3A_526 = tpu.memref_slice %arg3[%dma_start3A_524, %dma_start3A_525] : memref<26x4096xi32, #tpu.memory_space<hbm>> -> memref<1x4096xi32, #tpu.memory_space<hbm>>
    %dma_start3A_527 = tpu.memref_squeeze %dma_start3A_526 : memref<1x4096xi32, #tpu.memory_space<hbm>> -> memref<4096xi32, #tpu.memory_space<hbm>>
    %dma_start3A_528 = arith.constant 0 : i32
    %dma_start3A_529 = tpu.memref_slice %arg3[%dma_start3A_524, %dma_start3A_528] : memref<26x4096xi32, #tpu.memory_space<hbm>> -> memref<1x4096xi32, #tpu.memory_space<hbm>>
    %dma_start3A_530 = tpu.memref_squeeze %dma_start3A_529 : memref<1x4096xi32, #tpu.memory_space<hbm>> -> memref<4096xi32, #tpu.memory_space<hbm>>
    tpu.enqueue_dma source(%dma_start3A_530 : memref<4096xi32, #tpu.memory_space<hbm>>) target(%arg6 : memref<4096xi32, #tpu.memory_space<vmem>>) target_semaphore(%arg11 : memref<!tpu.dma_semaphore, #tpu.memory_space<semaphore_mem>>)
    %dma_wait3A_531 = tpu.memref_slice %arg5[%mul3A_2] : memref<32000000xf32, #tpu.memory_space<hbm>> -> memref<1000000xf32, #tpu.memory_space<hbm>>
    %dma_wait3A_532 = arith.constant 0 : i32
    %dma_wait3A_533 = tpu.memref_slice %dma_wait3A_531[%dma_wait3A_532] : memref<1000000xf32, #tpu.memory_space<hbm>> -> memref<1000000xf32, #tpu.memory_space<hbm>>
    tpu.wait_indirect_dma semaphore(%arg12 : memref<!tpu.dma_semaphore, #tpu.memory_space<semaphore_mem>>) src(%dma_wait3A_533 : memref<1000000xf32, #tpu.memory_space<hbm>>) dst(%arg8 : memref<4096xf32, #tpu.memory_space<vmem>>)
    %add3A_534 = arith.constant 736 : i32
    %add3A_535 = arith.addi %add3A_534, %add3A : i32
    "tpu.region"() ({
      %run_scoped3A_573 = tpu.sem_alloc : memref<!tpu.dma_semaphore, #tpu.memory_space<semaphore_mem>>
      %dma_start3A_574 = arith.constant 0 : i32
      %dma_start3A_575 = tpu.memref_slice %arg4[%add3A_535, %dma_start3A_574] : memref<832x4096xf32, #tpu.memory_space<hbm>> -> memref<1x4096xf32, #tpu.memory_space<hbm>>
      %dma_start3A_576 = tpu.memref_squeeze %dma_start3A_575 : memref<1x4096xf32, #tpu.memory_space<hbm>> -> memref<4096xf32, #tpu.memory_space<hbm>>
      %dma_start3A_577 = arith.constant 0 : i32
      %dma_start3A_578 = tpu.memref_slice %arg4[%add3A_535, %dma_start3A_577] : memref<832x4096xf32, #tpu.memory_space<hbm>> -> memref<1x4096xf32, #tpu.memory_space<hbm>>
      %dma_start3A_579 = tpu.memref_squeeze %dma_start3A_578 : memref<1x4096xf32, #tpu.memory_space<hbm>> -> memref<4096xf32, #tpu.memory_space<hbm>>
      tpu.enqueue_dma source(%arg8 : memref<4096xf32, #tpu.memory_space<vmem>>) target(%dma_start3A_579 : memref<4096xf32, #tpu.memory_space<hbm>>) target_semaphore(%run_scoped3A_573 : memref<!tpu.dma_semaphore, #tpu.memory_space<semaphore_mem>>)
      %dma_wait3A_580 = arith.constant 0 : i32
      %dma_wait3A_581 = tpu.memref_slice %arg4[%add3A_535, %dma_wait3A_580] : memref<832x4096xf32, #tpu.memory_space<hbm>> -> memref<1x4096xf32, #tpu.memory_space<hbm>>
      %dma_wait3A_582 = tpu.memref_squeeze %dma_wait3A_581 : memref<1x4096xf32, #tpu.memory_space<hbm>> -> memref<4096xf32, #tpu.memory_space<hbm>>
      %dma_wait3A_583 = arith.constant 0 : i32
      %dma_wait3A_584 = tpu.memref_slice %arg4[%add3A_535, %dma_wait3A_583] : memref<832x4096xf32, #tpu.memory_space<hbm>> -> memref<1x4096xf32, #tpu.memory_space<hbm>>
      %dma_wait3A_585 = tpu.memref_squeeze %dma_wait3A_584 : memref<1x4096xf32, #tpu.memory_space<hbm>> -> memref<4096xf32, #tpu.memory_space<hbm>>
      tpu.wait_dma2 semaphore(%run_scoped3A_573 : memref<!tpu.dma_semaphore, #tpu.memory_space<semaphore_mem>>) src(%arg8 : memref<4096xf32, #tpu.memory_space<vmem>>) dst(%dma_wait3A_585 : memref<4096xf32, #tpu.memory_space<hbm>>)
      tpu.yield
    }) : () -> ()
    %dma_wait3A_536 = arith.constant 24 : i32
    %dma_wait3A_537 = arith.constant 0 : i32
    %dma_wait3A_538 = tpu.memref_slice %arg3[%dma_wait3A_536, %dma_wait3A_537] : memref<26x4096xi32, #tpu.memory_space<hbm>> -> memref<1x4096xi32, #tpu.memory_space<hbm>>
    %dma_wait3A_539 = tpu.memref_squeeze %dma_wait3A_538 : memref<1x4096xi32, #tpu.memory_space<hbm>> -> memref<4096xi32, #tpu.memory_space<hbm>>
    %dma_wait3A_540 = arith.constant 0 : i32
    %dma_wait3A_541 = tpu.memref_slice %arg3[%dma_wait3A_536, %dma_wait3A_540] : memref<26x4096xi32, #tpu.memory_space<hbm>> -> memref<1x4096xi32, #tpu.memory_space<hbm>>
    %dma_wait3A_542 = tpu.memref_squeeze %dma_wait3A_541 : memref<1x4096xi32, #tpu.memory_space<hbm>> -> memref<4096xi32, #tpu.memory_space<hbm>>
    tpu.wait_dma2 semaphore(%arg11 : memref<!tpu.dma_semaphore, #tpu.memory_space<semaphore_mem>>) src(%dma_wait3A_542 : memref<4096xi32, #tpu.memory_space<hbm>>) dst(%arg6 : memref<4096xi32, #tpu.memory_space<vmem>>)
    %dma_start3A_543 = tpu.memref_slice %arg5[%mul3A_2] : memref<32000000xf32, #tpu.memory_space<hbm>> -> memref<1000000xf32, #tpu.memory_space<hbm>>
    %dma_start3A_544 = arith.constant 0 : i32
    %dma_start3A_545 = tpu.memref_slice %dma_start3A_543[%dma_start3A_544] : memref<1000000xf32, #tpu.memory_space<hbm>> -> memref<1000000xf32, #tpu.memory_space<hbm>>
    tpu.enqueue_indirect_dma source(%dma_start3A_545 : memref<1000000xf32, #tpu.memory_space<hbm>>) target(%arg8 : memref<4096xf32, #tpu.memory_space<vmem>>) offsets(%arg6 : memref<4096xi32, #tpu.memory_space<vmem>>) semaphore(%arg12 : memref<!tpu.dma_semaphore, #tpu.memory_space<semaphore_mem>>)
    %dma_start3A_546 = arith.constant 25 : i32
    %dma_start3A_547 = arith.constant 0 : i32
    %dma_start3A_548 = tpu.memref_slice %arg3[%dma_start3A_546, %dma_start3A_547] : memref<26x4096xi32, #tpu.memory_space<hbm>> -> memref<1x4096xi32, #tpu.memory_space<hbm>>
    %dma_start3A_549 = tpu.memref_squeeze %dma_start3A_548 : memref<1x4096xi32, #tpu.memory_space<hbm>> -> memref<4096xi32, #tpu.memory_space<hbm>>
    %dma_start3A_550 = arith.constant 0 : i32
    %dma_start3A_551 = tpu.memref_slice %arg3[%dma_start3A_546, %dma_start3A_550] : memref<26x4096xi32, #tpu.memory_space<hbm>> -> memref<1x4096xi32, #tpu.memory_space<hbm>>
    %dma_start3A_552 = tpu.memref_squeeze %dma_start3A_551 : memref<1x4096xi32, #tpu.memory_space<hbm>> -> memref<4096xi32, #tpu.memory_space<hbm>>
    tpu.enqueue_dma source(%dma_start3A_552 : memref<4096xi32, #tpu.memory_space<hbm>>) target(%arg7 : memref<4096xi32, #tpu.memory_space<vmem>>) target_semaphore(%arg11 : memref<!tpu.dma_semaphore, #tpu.memory_space<semaphore_mem>>)
    %dma_wait3A_553 = tpu.memref_slice %arg5[%mul3A_2] : memref<32000000xf32, #tpu.memory_space<hbm>> -> memref<1000000xf32, #tpu.memory_space<hbm>>
    %dma_wait3A_554 = arith.constant 0 : i32
    %dma_wait3A_555 = tpu.memref_slice %dma_wait3A_553[%dma_wait3A_554] : memref<1000000xf32, #tpu.memory_space<hbm>> -> memref<1000000xf32, #tpu.memory_space<hbm>>
    tpu.wait_indirect_dma semaphore(%arg12 : memref<!tpu.dma_semaphore, #tpu.memory_space<semaphore_mem>>) src(%dma_wait3A_555 : memref<1000000xf32, #tpu.memory_space<hbm>>) dst(%arg8 : memref<4096xf32, #tpu.memory_space<vmem>>)
    %add3A_556 = arith.constant 768 : i32
    %add3A_557 = arith.addi %add3A_556, %add3A : i32
    "tpu.region"() ({
      %run_scoped3A_573 = tpu.sem_alloc : memref<!tpu.dma_semaphore, #tpu.memory_space<semaphore_mem>>
      %dma_start3A_574 = arith.constant 0 : i32
      %dma_start3A_575 = tpu.memref_slice %arg4[%add3A_557, %dma_start3A_574] : memref<832x4096xf32, #tpu.memory_space<hbm>> -> memref<1x4096xf32, #tpu.memory_space<hbm>>
      %dma_start3A_576 = tpu.memref_squeeze %dma_start3A_575 : memref<1x4096xf32, #tpu.memory_space<hbm>> -> memref<4096xf32, #tpu.memory_space<hbm>>
      %dma_start3A_577 = arith.constant 0 : i32
      %dma_start3A_578 = tpu.memref_slice %arg4[%add3A_557, %dma_start3A_577] : memref<832x4096xf32, #tpu.memory_space<hbm>> -> memref<1x4096xf32, #tpu.memory_space<hbm>>
      %dma_start3A_579 = tpu.memref_squeeze %dma_start3A_578 : memref<1x4096xf32, #tpu.memory_space<hbm>> -> memref<4096xf32, #tpu.memory_space<hbm>>
      tpu.enqueue_dma source(%arg8 : memref<4096xf32, #tpu.memory_space<vmem>>) target(%dma_start3A_579 : memref<4096xf32, #tpu.memory_space<hbm>>) target_semaphore(%run_scoped3A_573 : memref<!tpu.dma_semaphore, #tpu.memory_space<semaphore_mem>>)
      %dma_wait3A_580 = arith.constant 0 : i32
      %dma_wait3A_581 = tpu.memref_slice %arg4[%add3A_557, %dma_wait3A_580] : memref<832x4096xf32, #tpu.memory_space<hbm>> -> memref<1x4096xf32, #tpu.memory_space<hbm>>
      %dma_wait3A_582 = tpu.memref_squeeze %dma_wait3A_581 : memref<1x4096xf32, #tpu.memory_space<hbm>> -> memref<4096xf32, #tpu.memory_space<hbm>>
      %dma_wait3A_583 = arith.constant 0 : i32
      %dma_wait3A_584 = tpu.memref_slice %arg4[%add3A_557, %dma_wait3A_583] : memref<832x4096xf32, #tpu.memory_space<hbm>> -> memref<1x4096xf32, #tpu.memory_space<hbm>>
      %dma_wait3A_585 = tpu.memref_squeeze %dma_wait3A_584 : memref<1x4096xf32, #tpu.memory_space<hbm>> -> memref<4096xf32, #tpu.memory_space<hbm>>
      tpu.wait_dma2 semaphore(%run_scoped3A_573 : memref<!tpu.dma_semaphore, #tpu.memory_space<semaphore_mem>>) src(%arg8 : memref<4096xf32, #tpu.memory_space<vmem>>) dst(%dma_wait3A_585 : memref<4096xf32, #tpu.memory_space<hbm>>)
      tpu.yield
    }) : () -> ()
    %dma_wait3A_558 = arith.constant 25 : i32
    %dma_wait3A_559 = arith.constant 0 : i32
    %dma_wait3A_560 = tpu.memref_slice %arg3[%dma_wait3A_558, %dma_wait3A_559] : memref<26x4096xi32, #tpu.memory_space<hbm>> -> memref<1x4096xi32, #tpu.memory_space<hbm>>
    %dma_wait3A_561 = tpu.memref_squeeze %dma_wait3A_560 : memref<1x4096xi32, #tpu.memory_space<hbm>> -> memref<4096xi32, #tpu.memory_space<hbm>>
    %dma_wait3A_562 = arith.constant 0 : i32
    %dma_wait3A_563 = tpu.memref_slice %arg3[%dma_wait3A_558, %dma_wait3A_562] : memref<26x4096xi32, #tpu.memory_space<hbm>> -> memref<1x4096xi32, #tpu.memory_space<hbm>>
    %dma_wait3A_564 = tpu.memref_squeeze %dma_wait3A_563 : memref<1x4096xi32, #tpu.memory_space<hbm>> -> memref<4096xi32, #tpu.memory_space<hbm>>
    tpu.wait_dma2 semaphore(%arg11 : memref<!tpu.dma_semaphore, #tpu.memory_space<semaphore_mem>>) src(%dma_wait3A_564 : memref<4096xi32, #tpu.memory_space<hbm>>) dst(%arg7 : memref<4096xi32, #tpu.memory_space<vmem>>)
    %dma_start3A_565 = tpu.memref_slice %arg5[%mul3A_2] : memref<32000000xf32, #tpu.memory_space<hbm>> -> memref<1000000xf32, #tpu.memory_space<hbm>>
    %dma_start3A_566 = arith.constant 0 : i32
    %dma_start3A_567 = tpu.memref_slice %dma_start3A_565[%dma_start3A_566] : memref<1000000xf32, #tpu.memory_space<hbm>> -> memref<1000000xf32, #tpu.memory_space<hbm>>
    tpu.enqueue_indirect_dma source(%dma_start3A_567 : memref<1000000xf32, #tpu.memory_space<hbm>>) target(%arg8 : memref<4096xf32, #tpu.memory_space<vmem>>) offsets(%arg7 : memref<4096xi32, #tpu.memory_space<vmem>>) semaphore(%arg12 : memref<!tpu.dma_semaphore, #tpu.memory_space<semaphore_mem>>)
    %dma_wait3A_568 = tpu.memref_slice %arg5[%mul3A_2] : memref<32000000xf32, #tpu.memory_space<hbm>> -> memref<1000000xf32, #tpu.memory_space<hbm>>
    %dma_wait3A_569 = arith.constant 0 : i32
    %dma_wait3A_570 = tpu.memref_slice %dma_wait3A_568[%dma_wait3A_569] : memref<1000000xf32, #tpu.memory_space<hbm>> -> memref<1000000xf32, #tpu.memory_space<hbm>>
    tpu.wait_indirect_dma semaphore(%arg12 : memref<!tpu.dma_semaphore, #tpu.memory_space<semaphore_mem>>) src(%dma_wait3A_570 : memref<1000000xf32, #tpu.memory_space<hbm>>) dst(%arg8 : memref<4096xf32, #tpu.memory_space<vmem>>)
    %add3A_571 = arith.constant 800 : i32
    %add3A_572 = arith.addi %add3A_571, %add3A : i32
    "tpu.region"() ({
      %run_scoped3A_573 = tpu.sem_alloc : memref<!tpu.dma_semaphore, #tpu.memory_space<semaphore_mem>>
      %dma_start3A_574 = arith.constant 0 : i32
      %dma_start3A_575 = tpu.memref_slice %arg4[%add3A_572, %dma_start3A_574] : memref<832x4096xf32, #tpu.memory_space<hbm>> -> memref<1x4096xf32, #tpu.memory_space<hbm>>
      %dma_start3A_576 = tpu.memref_squeeze %dma_start3A_575 : memref<1x4096xf32, #tpu.memory_space<hbm>> -> memref<4096xf32, #tpu.memory_space<hbm>>
      %dma_start3A_577 = arith.constant 0 : i32
      %dma_start3A_578 = tpu.memref_slice %arg4[%add3A_572, %dma_start3A_577] : memref<832x4096xf32, #tpu.memory_space<hbm>> -> memref<1x4096xf32, #tpu.memory_space<hbm>>
      %dma_start3A_579 = tpu.memref_squeeze %dma_start3A_578 : memref<1x4096xf32, #tpu.memory_space<hbm>> -> memref<4096xf32, #tpu.memory_space<hbm>>
      tpu.enqueue_dma source(%arg8 : memref<4096xf32, #tpu.memory_space<vmem>>) target(%dma_start3A_579 : memref<4096xf32, #tpu.memory_space<hbm>>) target_semaphore(%run_scoped3A_573 : memref<!tpu.dma_semaphore, #tpu.memory_space<semaphore_mem>>)
      %dma_wait3A_580 = arith.constant 0 : i32
      %dma_wait3A_581 = tpu.memref_slice %arg4[%add3A_572, %dma_wait3A_580] : memref<832x4096xf32, #tpu.memory_space<hbm>> -> memref<1x4096xf32, #tpu.memory_space<hbm>>
      %dma_wait3A_582 = tpu.memref_squeeze %dma_wait3A_581 : memref<1x4096xf32, #tpu.memory_space<hbm>> -> memref<4096xf32, #tpu.memory_space<hbm>>
      %dma_wait3A_583 = arith.constant 0 : i32
      %dma_wait3A_584 = tpu.memref_slice %arg4[%add3A_572, %dma_wait3A_583] : memref<832x4096xf32, #tpu.memory_space<hbm>> -> memref<1x4096xf32, #tpu.memory_space<hbm>>
      %dma_wait3A_585 = tpu.memref_squeeze %dma_wait3A_584 : memref<1x4096xf32, #tpu.memory_space<hbm>> -> memref<4096xf32, #tpu.memory_space<hbm>>
      tpu.wait_dma2 semaphore(%run_scoped3A_573 : memref<!tpu.dma_semaphore, #tpu.memory_space<semaphore_mem>>) src(%arg8 : memref<4096xf32, #tpu.memory_space<vmem>>) dst(%dma_wait3A_585 : memref<4096xf32, #tpu.memory_space<hbm>>)
      tpu.yield
    }) : () -> ()
    return
  }
}

</mosaic_0001>

<sc_bundles>
// kernel: _gather_t.3.cloned.1.call-start
scs
__scs_entry_jumppad:
0x0: {  	(pc) =	sbr.rel $0x88, $3  }
0x1: {  	(tag) =	ssettag $0x0;
	lr =	simm.s32 $0x1  }
0x2: {  	[smem:$0x3F9F] =	sst lr;
	_ =	strace $0xD0000000  }
0x3: {  	_ = 	snop  }
0x4: {  	_ = 	snop  }
0x5: {  	_ = 	snop  }
0x6: {  	_ = 	snop  }
0x7: {  	_ = 	snop  }
__scs_overlays_trampoline_lowered:
0x8: {  	[smem:$0x3FAE] =	sst s0  }
0x9: {  	[smem:$0x3FAF] =	sst s1  }
0xa: {  	[smem:$0x3FB0] =	sst s2  }
0xb: {  	[smem:$0x3FB1] =	sst s3  }
0xc: {  	[smem:$0x3FB2] =	sst s4  }
0xd: {  	[smem:$0x3FB3] =	sst s5  }
0xe: {  	[smem:$0x3FB4] =	sst s6  }
0xf: {  	[smem:$0x3FB5] =	sst s7  }
0x10: {  	[smem:$0x3FB6] =	sst s8  }
0x11: {  	[smem:$0x3FB7] =	sst s9;
	s0 =	simm.s32 @!p0 $0x0  }
0x12: {  	s1 =	sld [smem:$0x3F9D];
	s0 =	simm.s32 @p0 $0x1  }
0x13: {  	[smem:$0x3FB8] =	sst s0;
	s0 =	simm.s32 @!p1 $0x0  }
0x14: {  	s2 =	sld [smem:$0x3F9C];
	s0 =	simm.s32 @p1 $0x1  }
0x15: {  	[smem:$0x3FB9] =	sst s0;
	s0 =	simm.s32 @!p2 $0x0  }
0x16: {  	s3 =	sld [smem:$0x3FDB];
	s0 =	simm.s32 @p2 $0x1  }
0x17: {  	s4 =	simm.s32 $0x1BF5;
	[smem:$0x3FBB] =	sst s0  }
0x18: {  	s0 =	sld [smem:$0x3F9E];
	_ =	swait.ge [sflag:s4], $0x0  }
0x19: {  	s7 =	sld [smem:$0x3F9F]  }
0x1a: {  	s8 =	sadd.s32 $0xFFFFE003, lr  }
0x1b: {  	s9 =	sadd.s32 $0xFFFFFEF7, lr;
	s5 =	simm.s32 $0xFFFFFFFF;
	p2 =	slt.u32 s8, $0xFFFFF086  }
0x1c: {  	p1 =	slt.u32 s9, $0xF7A;
	s5 =	simm.s32 @!p2 $0x0  }
0x1d: {  	s5 =	simm.s32 @p1 $0x1;
	p0 =	seq.s32 s7, s2  }
0x1e: {  	s7 =	smul.u32 @!p0 $0xF7A, s2;
	p2 =	seq.s32 @!p0 s5, $0x0  }
0x1f: {  	s9 =	smul.u32 $0xF7A, s1;
	s8 =	simm.s32 @!p0 $0x1BF5;
	p2 =	por !p2, p0  }
0x20: {  	[sflag:s8] =	ssyncset.s32 @!p0 $0xFFFFF086;
	s6 =	sadd.s32 @!p0 s3, s7;
	s7 =	simm.s32 @!p0 $0x108  }
0x21: {  	s3 =	sadd.s32 s3, s9;
	s6 =	sadd.s32 @!p0 $0x88, s6;
	s7 =	simm.s32 @p2 $0x1082  }
0x22: {  	[simem:s7], [sflag:s8] =	dma.local @!p0 [hbm:s6], $0xF7A  }
0x23: {  	s9 =	sor.u32 $0xD0000000, s2;
	s6 =	simm.s32 $0x108;
	_ =	swait.ge @!p0 [sflag:s8], $0x0  }
0x24: {  	s3 =	sadd.s32 $0x88, s3;
	s6 =	simm.s32 @!p1 $0x1082;
	[sflag:s4] =	ssyncset.s32 $0xFFFFF086  }
0x25: {  	[simem:s6], [sflag:s4] =	dma.local [hbm:s3], $0xF7A  }
0x26: {  	[smem:$0x3F9F] =	sst s1;
	(tag) =	ssettag s2;
	_ =	strace s9  }
0x27: {  	s1 =	sld [smem:$0x3FAF]  }
0x28: {  	s2 =	sld [smem:$0x3FB0]  }
0x29: {  	s4 =	sld [smem:$0x3FB2]  }
0x2a: {  	p0 =	seq.s32 s5, $0x0;
	s5 =	sld [smem:$0x3FB3]  }
0x2b: {  	s6 =	sld [smem:$0x3FB4]  }
0x2c: {  	s7 =	sld [smem:$0x3FB5]  }
0x2d: {  	s3 =	simm.s32 $0x108;
	s8 =	sld [smem:$0x3FB6]  }
0x2e: {  	s3 =	simm.s32 @!p0 $0x1082;
	s9 =	sld [smem:$0x3FB7]  }
0x2f: {  	lr =	sadd.s32 s0, s3;
	s0 =	sld [smem:$0x3FAE]  }
0x30: {  	s3 =	sld [smem:$0x3FB1]  }
0x31: {  	[smem:$0x3FBA] =	sst s10  }
0x32: {  	s10 =	sld [smem:$0x3FB8];
	_ =	sdelay $0x3  }
0x33: {  	p0 =	seq.s32 s10, $0x1;
	s10 =	sld [smem:$0x3FBA];
	_ =	sdelay $0x3  }
0x34: {  	[smem:$0x3FBA] =	sst s10  }
0x35: {  	s10 =	sld [smem:$0x3FB9];
	_ =	sdelay $0x3  }
0x36: {  	p1 =	seq.s32 s10, $0x1;
	s10 =	sld [smem:$0x3FBA];
	_ =	sdelay $0x3  }
0x37: {  	[smem:$0x3FBA] =	sst s10  }
0x38: {  	s10 =	sld [smem:$0x3FBB]  }
0x39: {  	_ = 	snop;
	(pc) =	sbr.ind lr, $3  }
0x3a: {  	_ = 	snop  }
0x3b: {  	_ = 	snop  }
0x3c: {  	p2 =	seq.s32 s10, $0x1;
	s10 =	sld [smem:$0x3FBA]  }
0x3d: {  	_ =	shalt  }
0x3e: {  	_ =	shalt  }
0x3f: {  	_ =	shalt  }
0x40: {  	_ =	shalt  }
0x41: {  	_ =	shalt  }
0x42: {  	_ =	shalt  }
0x43: {  	_ =	shalt  }
0x44: {  	_ =	shalt  }
0x45: {  	_ =	shalt  }
0x46: {  	_ =	shalt  }
0x47: {  	_ =	shalt  }
0x48: {  	_ =	shalt  }
0x49: {  	_ =	shalt  }
0x4a: {  	_ =	shalt  }
0x4b: {  	_ =	shalt  }
0x4c: {  	_ =	shalt  }
0x4d: {  	_ =	shalt  }
0x4e: {  	_ =	shalt  }
0x4f: {  	_ =	shalt  }
0x50: {  	_ =	shalt  }
0x51: {  	_ =	shalt  }
0x52: {  	_ =	shalt  }
0x53: {  	_ =	shalt  }
0x54: {  	_ =	shalt  }
0x55: {  	_ =	shalt  }
0x56: {  	_ =	shalt  }
0x57: {  	_ =	shalt  }
0x58: {  	_ =	shalt  }
0x59: {  	_ =	shalt  }
0x5a: {  	_ =	shalt  }
0x5b: {  	_ =	shalt  }
0x5c: {  	_ =	shalt  }
0x5d: {  	_ =	shalt  }
0x5e: {  	_ =	shalt  }
0x5f: {  	_ =	shalt  }
0x60: {  	_ =	shalt  }
0x61: {  	_ =	shalt  }
0x62: {  	_ =	shalt  }
0x63: {  	_ =	shalt  }
0x64: {  	_ =	shalt  }
0x65: {  	_ =	shalt  }
0x66: {  	_ =	shalt  }
0x67: {  	_ =	shalt  }
0x68: {  	_ =	shalt  }
0x69: {  	_ =	shalt  }
0x6a: {  	_ =	shalt  }
0x6b: {  	_ =	shalt  }
0x6c: {  	_ =	shalt  }
0x6d: {  	_ =	shalt  }
0x6e: {  	_ =	shalt  }
0x6f: {  	_ =	shalt  }
0x70: {  	_ =	shalt  }
0x71: {  	_ =	shalt  }
0x72: {  	_ =	shalt  }
0x73: {  	_ =	shalt  }
0x74: {  	_ =	shalt  }
0x75: {  	_ =	shalt  }
0x76: {  	_ =	shalt  }
0x77: {  	_ =	shalt  }
0x78: {  	_ =	shalt  }
0x79: {  	_ =	shalt  }
0x7a: {  	_ =	shalt  }
0x7b: {  	_ =	shalt  }
0x7c: {  	_ =	shalt  }
0x7d: {  	_ =	shalt  }
0x7e: {  	_ =	shalt  }
0x7f: {  	_ =	shalt  }
0x80: {  	_ =	shalt  }
0x81: {  	_ =	shalt  }
0x82: {  	_ =	shalt  }
0x83: {  	_ =	shalt  }
0x84: {  	_ =	shalt  }
0x85: {  	_ =	shalt  }
0x86: {  	_ =	shalt  }
0x87: {  	_ =	shalt  }
.Lfunc_end0:
.L_simem_size_0:
called_computation_lowered:
.L_overlay_start_0:
0x88: {  	s2 =	sld [smem:$0x3FD9]  }
0x89: {  	s3 =	sld [smem:$0x3FFE];
	_ =	sdelay $0x1  }
0x8a: {  	s1 =	srdreg.scid  }
0x8b: {  	s0 =	sand.u32 $0x1, s1  }
0x8c: {  	s17 =	sshll.u32 s0, $0xA;
	s2 =	sadd.s32 s3, s2  }
0x8d: {  	s2 =	sadd.s32 s2, s17  }
0x8e: {  	[smem:$0x3FC6] =	sst s2  }
0x8f: {  	_ = 	snop  }
0x90: {  	s2 =	sld [smem:$0x3FC9]  }
0x91: {  	s18 =	sld [smem:$0x3FC8]  }
0x92: {  	s4 =	sld [smem:$0x3FD0];
	(tm) =	ssettm $0x1  }
0x93: {  	s5 =	sld [smem:$0x3FFB];
	_ =	sdelay $0x3  }
0x94: {  	_ =	strace s5  }
0x95: {  	s5 =	sld [smem:$0x3FFC];
	_ =	sdelay $0x3  }
0x96: {  	_ =	strace s5  }
0x97: {  	s5 =	sld [smem:$0x3FFD];
	_ =	sdelay $0x3  }
0x98: {  	_ =	strace s5  }
0x99: {  	_ =	strace $0x8FFFFFFF  }
0x9a: {  	s19 =	sld [smem:$0x3FDB];
	_ =	sdelay $0x1  }
0x9b: {  	s6 =	simm.s32 $_scs_section_size  }
0x9c: {  	s7 =	simm.s32 $_size__tile_overlayer_lowered;
	s8 =	simm.s32 $_tile_overlayer_lowered  }
0x9d: {  	s22 =	simm.s32 $0x1BFF;
	s21 =	sshll.u32 s8, $0x1;
	s5 =	sadd.s32 s6, s19  }
0x9e: {  	s9 =	simm.s32 $0x0;
	s20 =	sshll.u32 s7, $0x1;
	s7 =	sadd.s32 s21, s5  }
0x9f: {  	[timem:s9], [sflag:s22] =	dma.local [hbm:s7], s20  }
0xa0: {  	_ =	swait.ge [sflag:s22], s20  }
0xa1: {  	s6 =	ssub.s32 $0x0, s20;
	[sflag:s22] =	ssyncset.done $0x0  }
0xa2: {  	[sflag:s22] =	ssyncadd.s32 s6;
	_ =	sdelay $0x1  }
0xa3: {  	s23 =	simm.s32 $0x1B8B  }
0xa4: {  	_ =	swait.ge [sflag:s23], $0x1  }
0xa5: {  	[sflag:s23] =	ssyncset.done $0x0  }
0xa6: {  	s25 =	simm.s32 $0x1B8E;
	s24 =	sld [smem:$0x3FFE];
	[sflag:s23] =	ssyncadd.s32 $0xFFFFFFFF  }
0xa7: {  	s26 =	simm.s32 $execute0_lowered;
	[smem:$0x3FD2] =	sst s25  }
0xa8: {  	s7 =	sshll.u32 s26, $0x1;
	_ =	strace $0x80000046;
	[dreg:$0x1] =	wrdreg $0xFFFFFFFF  }
0xa9: {  	s28 =	simm.s32 $_size_execute0_lowered;
	s5 =	sadd.s32 s5, s7;
	[dreg:$0x0] =	wrdreg $0x0  }
0xaa: {  	s7 =	sshll.u32 s28, $0x1;
	[dreg:$0x2] =	wrdreg s5  }
0xab: {  	[dreg:$0x3] =	wrdreg s7  }
0xac: {  	[dreg:$0x4] =	wrdreg $0xC0  }
0xad: {  	_ =	task [dreg:s9], $0x5FFFF  }
0xae: {  	[dreg:$0x1] =	wrdreg $0xFFFFFFFF  }
0xaf: {  	[dreg:$0x0] =	wrdreg $0x60  }
0xb0: {  	[dreg:$0x2] =	wrdreg s2  }
0xb1: {  	[dreg:$0x3] =	wrdreg s18  }
0xb2: {  	[dreg:$0x4] =	wrdreg s4  }
0xb3: {  	[dreg:$0x5] =	wrdreg s24  }
0xb4: {  	[dreg:$0x6] =	wrdreg $0x9  }
0xb5: {  	_ =	task.clear_ibuf [dreg:s9], $0x7FFFF;
	_ =	strace $0x90000046  }
0xb6: {  	s29 =	simm.s32 $0x9;
	_ =	strace $0x80000048  }
0xb7: {  	_ =	swait.ge [sflag:s29], $0x1  }
0xb8: {  	[sflag:s29] =	ssyncadd.s32 $0xFFFFFFFF  }
0xb9: {  	_ =	strace $0x90000048  }
0xba: {  	_ =	sfence  }
0xbb: {  	s30 =	sld [smem:$0x0];
	_ =	sdelay $0x2  }
0xbc: {  	s31 =	sshll.u32 s1, $0xD;
	s1 =	sshrl.u32 s1, $0x2  }
0xbd: {  	s3 =	sand.u32 $0x4000, s31;
	s1 =	sadd.s32 s1, s30  }
0xbe: {  	s0 =	sor.u32 s3, s0;
	s1 =	sshll.u32 s1, $0x11  }
0xbf: {  	s0 =	sor.u32 s1, s0  }
0xc0: {  	s0 =	sadd.s32 $0x8F2B, s0  }
0xc1: {  	[sflag:s0] =	ssyncadd.remote.s32 $0x1  }
0xc2: {  	_ =	sfence.sel $0xFFFF  }
0xc3: {  	[dreg:$0x0] =	wrdreg $0xFFFFFFFF;
	(pc) =	sbr.abs _section_cstart, $3  }
0xc4: {  	[dreg:$0x1] =	wrdreg $0xFFFFFFFF  }
0xc5: {  	_ =	task.clear_ibuf [dreg:s9], $0x2FFFF;
	_ =	strace $0x9FFFFFFF  }
0xc6: {  	(tm) =	ssettm $0x7FFFFFFF  }
0xc7: {  	_ =	shalt  }
tec
execute0_lowered:
.L_overlay_start_1:
0x0: {  	(tag) =	ssettag $0x1  }
0x1: {  	s0 =	srdreg.scid;
	s12 =	stileid.u32  }
0x2: {  	s0 =	sand.u32 $0x1, s0;
	s1 =	sshll.u32 s12, $0x1  }
0x3: {  	s2 =	rddreg [dreg:$0x0];
	s6 =	sshrl.u32 s12, $0x2;
	s5 =	sor.u32 s0, s1  }
0x4: {  	s31 =	rddreg [dreg:$0x1];
	s3 =	smul.u32 $0x7A1400, s6;
	s7 =	sshll.u32 s5, $0x7  }
0x5: {  	s8 =	rddreg [dreg:$0x2];
	s12 =	sshll.u32 s12, $0xD;
	s9 =	sand.u32 $0x380, s7  }
0x6: {  	s1 =	rddreg [dreg:$0x3];
	s10 =	sor.u32 s3, s9;
	s3 =	simm.s32 $0x0  }
0x7: {  	s7 =	sor.u32 s12, s7;
	s12 =	sadd.s32 $0x20, s31;
	[smem:$0x7FF] =	sst s3  }
0x8: {  	s13 =	sadd.s32 $0x30, s31;
	_ =	strace $0x80000047;
	[dreg:$0x12] =	wrdreg s12  }
0x9: {  	s15 =	sadd.s32 $0x40, s31;
	[dreg:$0x14] =	wrdreg s13  }
0xa: {  	s17 =	sadd.s32 $0x50, s31;
	[dreg:$0x16] =	wrdreg s15  }
0xb: {  	[dreg:$0x18] =	wrdreg s17;
	s13 =	sadd.s32 $0x1050, s31  }
0xc: {  	s15 =	sadd.s32 $0x1060, s31;
	[smem:$0x7EA] =	sst s13  }
0xd: {  	s4 =	sshrl.u32 s10, $0x3;
	s17 =	sadd.s32 $0x1070, s31;
	[smem:$0x7EC] =	sst s15  }
0xe: {  	s4 =	sadd.s32 s2, s4;
	[smem:$0x7EE] =	sst s17  }
0xf: {  	s11 =	sadd.s32 $0x18000, s4;
	[smem:$0x7E1] =	sst s4  }
0x10: {  	s18 =	sadd.s32 $0x30000, s4;
	[dreg:$0x5] =	wrdreg s11  }
0x11: {  	s19 =	sadd.s32 $0x48000, s4;
	[dreg:$0x6] =	wrdreg s18  }
0x12: {  	s20 =	sadd.s32 $0x60000, s4;
	[dreg:$0x7] =	wrdreg s19  }
0x13: {  	s21 =	sadd.s32 $0x78000, s4;
	[dreg:$0x8] =	wrdreg s20  }
0x14: {  	s22 =	sadd.s32 $0x90000, s4;
	[dreg:$0x9] =	wrdreg s21  }
0x15: {  	s23 =	sadd.s32 $0xA8000, s4;
	[dreg:$0xa] =	wrdreg s22  }
0x16: {  	s24 =	sadd.s32 $0xC0000, s4;
	[dreg:$0xb] =	wrdreg s23  }
0x17: {  	s10 =	sadd.s32 $0x7A1000, s10;
	s25 =	sadd.s32 $0xD8000, s4;
	[dreg:$0xc] =	wrdreg s24  }
0x18: {  	s10 =	sshrl.u32 s10, $0x3;
	s26 =	sadd.s32 $0xF0000, s4;
	[dreg:$0xd] =	wrdreg s25  }
0x19: {  	s2 =	sadd.s32 s2, s10;
	[dreg:$0xe] =	wrdreg s26  }
0x1a: {  	s10 =	sadd.s32 $0x10, s31;
	[dreg:$0xf] =	wrdreg s2  }
0x1b: {  	[dreg:$0x10] =	wrdreg s10;
	s19 =	sadd.s32 $0x60, s31  }
0x1c: {  	s6 =	sshll.u32 s6, $0xF;
	s21 =	sadd.s32 $0x70, s31;
	[dreg:$0x1a] =	wrdreg s19  }
0x1d: {  	s9 =	sor.u32 s6, s9;
	s23 =	sadd.s32 $0x1000, s31;
	[dreg:$0x1c] =	wrdreg s21  }
0x1e: {  	s7 =	sand.u32 $0x18380, s7;
	s25 =	sadd.s32 $0x1010, s31;
	[dreg:$0x1e] =	wrdreg s23  }
0x1f: {  	s11 =	sshrl.u32 s7, $0x3;
	s7 =	sadd.s32 $0x1020, s31;
	[smem:$0x7E2] =	sst s25  }
0x20: {  	s2 =	sshrl.u32 s9, $0x3;
	s9 =	sadd.s32 $0x1030, s31;
	[smem:$0x7E4] =	sst s7  }
0x21: {  	s2 =	sadd.s32 s8, s2;
	[smem:$0x7E6] =	sst s9  }
0x22: {  	s19 =	sadd.s32 $0x2000, s31;
	[dreg:$0x11] =	wrdreg s2  }
0x23: {  	s21 =	sadd.s32 $0x2010, s31;
	[smem:$0x7F0] =	sst s19  }
0x24: {  	s23 =	sadd.s32 $0x2020, s31;
	[smem:$0x7F2] =	sst s21  }
0x25: {  	s25 =	sadd.s32 $0x2030, s31;
	[smem:$0x7F4] =	sst s23  }
0x26: {  	s7 =	sadd.s32 $0x2040, s31;
	[smem:$0x7F6] =	sst s25  }
0x27: {  	s9 =	sadd.s32 $0x2050, s31;
	[smem:$0x7F8] =	sst s7  }
0x28: {  	s2 =	sadd.s32 s11, s8;
	s11 =	sadd.s32 $0x1040, s31;
	[smem:$0x7FA] =	sst s9  }
0x29: {  	s6 =	sadd.s32 $0x4000, s2;
	[smem:$0x7E8] =	sst s11  }
0x2a: {  	s14 =	sadd.s32 $0x8000, s2;
	[dreg:$0x13] =	wrdreg s6  }
0x2b: {  	s16 =	sadd.s32 $0xC000, s2;
	[dreg:$0x15] =	wrdreg s14  }
0x2c: {  	s18 =	sadd.s32 $0x10000, s2;
	[dreg:$0x17] =	wrdreg s16  }
0x2d: {  	s20 =	sadd.s32 $0x14000, s2;
	[dreg:$0x19] =	wrdreg s18  }
0x2e: {  	s22 =	sadd.s32 $0x18000, s2;
	[dreg:$0x1b] =	wrdreg s20  }
0x2f: {  	s24 =	sadd.s32 $0x1C000, s2;
	[dreg:$0x1d] =	wrdreg s22  }
0x30: {  	s26 =	sadd.s32 $0x20000, s2;
	[dreg:$0x1f] =	wrdreg s24  }
0x31: {  	s8 =	sadd.s32 $0x24000, s2;
	[smem:$0x7E3] =	sst s26  }
0x32: {  	s10 =	sadd.s32 $0x28000, s2;
	[smem:$0x7E5] =	sst s8  }
0x33: {  	s12 =	sadd.s32 $0x2C000, s2;
	[smem:$0x7E7] =	sst s10  }
0x34: {  	s11 =	sadd.s32 $0x2060, s31;
	[smem:$0x7E9] =	sst s12  }
0x35: {  	s13 =	sadd.s32 $0x54000, s2;
	[smem:$0x7FC] =	sst s11  }
0x36: {  	s14 =	sadd.s32 $0x30000, s2;
	[smem:$0x7FD] =	sst s13  }
0x37: {  	s16 =	sadd.s32 $0x34000, s2;
	[smem:$0x7EB] =	sst s14  }
0x38: {  	s18 =	sadd.s32 $0x38000, s2;
	[smem:$0x7ED] =	sst s16  }
0x39: {  	s20 =	sadd.s32 $0x3C000, s2;
	[smem:$0x7EF] =	sst s18  }
0x3a: {  	s22 =	sadd.s32 $0x40000, s2;
	[smem:$0x7F1] =	sst s20  }
0x3b: {  	s24 =	sadd.s32 $0x44000, s2;
	[smem:$0x7F3] =	sst s22  }
0x3c: {  	s26 =	sadd.s32 $0x48000, s2;
	s8 =	sadd.s32 $0x4C000, s2;
	[smem:$0x7F5] =	sst s24  }
0x3d: {  	s10 =	sadd.s32 $0x50000, s2;
	s12 =	smul.u32 $0x1E848, s5;
	[smem:$0x7F7] =	sst s26  }
0x3e: {  	s5 =	simm.s32 $0x80;
	s6 =	simm.s32 $0x400;
	[smem:$0x7F9] =	sst s8  }
0x3f: {  	[tilespmem:s3], [sflag:$0x1] =	stream.strided.gather [hbm4b:s31+s5], $0x1000, s6, s5, $0x38;
	[tilespmem:$0x1B080] =	vst v63  }
0x40: {  	s7 =	simm.s32 $0x3;
	[smem:$0x7FB] =	sst s10;
	s8 =	simm.s32 $0x3000  }
0x41: {  	[tilespmem:s8], [sflag:$0x3] =	stream.strided.gather [hbm4b:s4+s5], $0x18000, s6, s5, $0x38;
	[tilespmem:$0x1B080] =	vst v63  }
0x42: {  	_ =	swait.ge [sflag:s7], $0x18000  }
0x43: {  	s1 =	sadd.s32 s12, s1;
	[sflag:s7] =	ssyncset.done $0x0  }
0x44: {  	s9 =	sadd.s32 $0x800, s1;
	[sflag:s7] =	ssyncadd.s32 $0xFFFE8000  }
0x45: {  	[hbm4b:s9+s3] =	stream.linear.scatter [tilespmem:s8], [sflag:$0x3], $0x18000, $0x38;
	[tilespmem:$0x1B080] =	vst v63  }
0x46: {  	_ =	swait.ge [sflag:s7], $0x18000  }
0x47: {  	[sflag:s7] =	ssyncset.done $0x0  }
0x48: {  	s14 =	rddreg [dreg:$0x5];
	[sflag:s7] =	ssyncadd.s32 $0xFFFE8000  }
0x49: {  	[tilespmem:s8], [sflag:$0x3] =	stream.strided.gather [hbm4b:s14+s5], $0x18000, s6, s5, $0x38;
	[tilespmem:$0x1B080] =	vst v63  }
0x4a: {  	_ =	swait.ge [sflag:s7], $0x18000  }
0x4b: {  	[sflag:s7] =	ssyncset.done $0x0  }
0x4c: {  	s10 =	sadd.s32 $0x3000, s9;
	[sflag:s7] =	ssyncadd.s32 $0xFFFE8000  }
0x4d: {  	[hbm4b:s10+s3] =	stream.linear.scatter [tilespmem:s8], [sflag:$0x3], $0x18000, $0x38;
	[tilespmem:$0x1B080] =	vst v63  }
0x4e: {  	_ =	swait.ge [sflag:s7], $0x18000  }
0x4f: {  	[sflag:s7] =	ssyncset.done $0x0  }
0x50: {  	s15 =	rddreg [dreg:$0x6];
	[sflag:s7] =	ssyncadd.s32 $0xFFFE8000  }
0x51: {  	[tilespmem:s8], [sflag:$0x3] =	stream.strided.gather [hbm4b:s15+s5], $0x18000, s6, s5, $0x38;
	[tilespmem:$0x1B080] =	vst v63  }
0x52: {  	_ =	swait.ge [sflag:s7], $0x18000  }
0x53: {  	[sflag:s7] =	ssyncset.done $0x0  }
0x54: {  	s11 =	sadd.s32 $0x6000, s9;
	[sflag:s7] =	ssyncadd.s32 $0xFFFE8000  }
0x55: {  	[hbm4b:s11+s3] =	stream.linear.scatter [tilespmem:s8], [sflag:$0x3], $0x18000, $0x38;
	[tilespmem:$0x1B080] =	vst v63  }
0x56: {  	_ =	swait.ge [sflag:s7], $0x18000  }
0x57: {  	[sflag:s7] =	ssyncset.done $0x0  }
0x58: {  	s16 =	rddreg [dreg:$0x7];
	[sflag:s7] =	ssyncadd.s32 $0xFFFE8000  }
0x59: {  	[tilespmem:s8], [sflag:$0x3] =	stream.strided.gather [hbm4b:s16+s5], $0x18000, s6, s5, $0x38;
	[tilespmem:$0x1B080] =	vst v63  }
0x5a: {  	_ =	swait.ge [sflag:s7], $0x18000  }
0x5b: {  	[sflag:s7] =	ssyncset.done $0x0  }
0x5c: {  	s12 =	sadd.s32 $0x9000, s9;
	[sflag:s7] =	ssyncadd.s32 $0xFFFE8000  }
0x5d: {  	[hbm4b:s12+s3] =	stream.linear.scatter [tilespmem:s8], [sflag:$0x3], $0x18000, $0x38;
	[tilespmem:$0x1B080] =	vst v63  }
0x5e: {  	_ =	swait.ge [sflag:s7], $0x18000  }
0x5f: {  	[sflag:s7] =	ssyncset.done $0x0  }
0x60: {  	s17 =	rddreg [dreg:$0x8];
	[sflag:s7] =	ssyncadd.s32 $0xFFFE8000  }
0x61: {  	[tilespmem:s8], [sflag:$0x3] =	stream.strided.gather [hbm4b:s17+s5], $0x18000, s6, s5, $0x38;
	[tilespmem:$0x1B080] =	vst v63  }
0x62: {  	_ =	swait.ge [sflag:s7], $0x18000  }
0x63: {  	[sflag:s7] =	ssyncset.done $0x0  }
0x64: {  	s13 =	sadd.s32 $0xC000, s9;
	[sflag:s7] =	ssyncadd.s32 $0xFFFE8000  }
0x65: {  	[hbm4b:s13+s3] =	stream.linear.scatter [tilespmem:s8], [sflag:$0x3], $0x18000, $0x38;
	[tilespmem:$0x1B080] =	vst v63  }
0x66: {  	_ =	swait.ge [sflag:s7], $0x18000  }
0x67: {  	[sflag:s7] =	ssyncset.done $0x0  }
0x68: {  	s18 =	rddreg [dreg:$0x9];
	[sflag:s7] =	ssyncadd.s32 $0xFFFE8000  }
0x69: {  	[tilespmem:s8], [sflag:$0x3] =	stream.strided.gather [hbm4b:s18+s5], $0x18000, s6, s5, $0x38;
	[tilespmem:$0x1B080] =	vst v63  }
0x6a: {  	_ =	swait.ge [sflag:s7], $0x18000  }
0x6b: {  	[sflag:s7] =	ssyncset.done $0x0  }
0x6c: {  	s14 =	sadd.s32 $0xF000, s9;
	[sflag:s7] =	ssyncadd.s32 $0xFFFE8000  }
0x6d: {  	[hbm4b:s14+s3] =	stream.linear.scatter [tilespmem:s8], [sflag:$0x3], $0x18000, $0x38;
	[tilespmem:$0x1B080] =	vst v63  }
0x6e: {  	_ =	swait.ge [sflag:s7], $0x18000  }
0x6f: {  	[sflag:s7] =	ssyncset.done $0x0  }
0x70: {  	s19 =	rddreg [dreg:$0xa];
	[sflag:s7] =	ssyncadd.s32 $0xFFFE8000  }
0x71: {  	[tilespmem:s8], [sflag:$0x3] =	stream.strided.gather [hbm4b:s19+s5], $0x18000, s6, s5, $0x38;
	[tilespmem:$0x1B080] =	vst v63  }
0x72: {  	_ =	swait.ge [sflag:s7], $0x18000  }
0x73: {  	[sflag:s7] =	ssyncset.done $0x0  }
0x74: {  	s15 =	sadd.s32 $0x12000, s9;
	[sflag:s7] =	ssyncadd.s32 $0xFFFE8000  }
0x75: {  	[hbm4b:s15+s3] =	stream.linear.scatter [tilespmem:s8], [sflag:$0x3], $0x18000, $0x38;
	[tilespmem:$0x1B080] =	vst v63  }
0x76: {  	_ =	swait.ge [sflag:s7], $0x18000  }
0x77: {  	[sflag:s7] =	ssyncset.done $0x0  }
0x78: {  	s20 =	rddreg [dreg:$0xb];
	[sflag:s7] =	ssyncadd.s32 $0xFFFE8000  }
0x79: {  	[tilespmem:s8], [sflag:$0x3] =	stream.strided.gather [hbm4b:s20+s5], $0x18000, s6, s5, $0x38;
	[tilespmem:$0x1B080] =	vst v63  }
0x7a: {  	_ =	swait.ge [sflag:s7], $0x18000  }
0x7b: {  	[sflag:s7] =	ssyncset.done $0x0  }
0x7c: {  	s16 =	sadd.s32 $0x15000, s9;
	[sflag:s7] =	ssyncadd.s32 $0xFFFE8000  }
0x7d: {  	[hbm4b:s16+s3] =	stream.linear.scatter [tilespmem:s8], [sflag:$0x3], $0x18000, $0x38;
	[tilespmem:$0x1B080] =	vst v63  }
0x7e: {  	_ =	swait.ge [sflag:s7], $0x18000  }
0x7f: {  	[sflag:s7] =	ssyncset.done $0x0  }
0x80: {  	s21 =	rddreg [dreg:$0xc];
	[sflag:s7] =	ssyncadd.s32 $0xFFFE8000  }
0x81: {  	[tilespmem:s8], [sflag:$0x3] =	stream.strided.gather [hbm4b:s21+s5], $0x18000, s6, s5, $0x38;
	[tilespmem:$0x1B080] =	vst v63  }
0x82: {  	_ =	swait.ge [sflag:s7], $0x18000  }
0x83: {  	[sflag:s7] =	ssyncset.done $0x0  }
0x84: {  	s17 =	sadd.s32 $0x18000, s9;
	[sflag:s7] =	ssyncadd.s32 $0xFFFE8000  }
0x85: {  	[hbm4b:s17+s3] =	stream.linear.scatter [tilespmem:s8], [sflag:$0x3], $0x18000, $0x38;
	[tilespmem:$0x1B080] =	vst v63  }
0x86: {  	_ =	swait.ge [sflag:s7], $0x18000  }
0x87: {  	[sflag:s7] =	ssyncset.done $0x0  }
0x88: {  	s22 =	rddreg [dreg:$0xd];
	[sflag:s7] =	ssyncadd.s32 $0xFFFE8000  }
0x89: {  	[tilespmem:s8], [sflag:$0x3] =	stream.strided.gather [hbm4b:s22+s5], $0x18000, s6, s5, $0x38;
	[tilespmem:$0x1B080] =	vst v63  }
0x8a: {  	_ =	swait.ge [sflag:s7], $0x18000  }
0x8b: {  	[sflag:s7] =	ssyncset.done $0x0  }
0x8c: {  	s18 =	sadd.s32 $0x1B000, s9;
	[sflag:s7] =	ssyncadd.s32 $0xFFFE8000  }
0x8d: {  	[hbm4b:s18+s3] =	stream.linear.scatter [tilespmem:s8], [sflag:$0x3], $0x18000, $0x38;
	[tilespmem:$0x1B080] =	vst v63  }
0x8e: {  	_ =	swait.ge [sflag:s7], $0x18000  }
0x8f: {  	[sflag:s7] =	ssyncset.done $0x0  }
0x90: {  	s23 =	rddreg [dreg:$0xe];
	[sflag:s7] =	ssyncadd.s32 $0xFFFE8000  }
0x91: {  	[tilespmem:s8], [sflag:$0x3] =	stream.strided.gather [hbm4b:s23+s5], $0x4200, s6, s5, $0x38;
	[tilespmem:$0x1B080] =	vst v63  }
0x92: {  	_ =	swait.ge [sflag:s7], $0x4200  }
0x93: {  	[sflag:s7] =	ssyncset.done $0x0  }
0x94: {  	s19 =	sadd.s32 $0x1E000, s9;
	[sflag:s7] =	ssyncadd.s32 $0xFFFFBE00  }
0x95: {  	[hbm4b:s19+s3] =	stream.linear.scatter [tilespmem:s8], [sflag:$0x3], $0x4200, $0x38;
	[tilespmem:$0x1B080] =	vst v63  }
0x96: {  	_ =	swait.ge [sflag:s7], $0x4200  }
0x97: {  	[sflag:s7] =	ssyncset.done $0x0  }
0x98: {  	s20 =	simm.s32 $0x1B000;
	s24 =	rddreg [dreg:$0xf];
	[sflag:s7] =	ssyncadd.s32 $0xFFFFBE00  }
0x99: {  	[tilespmem:s20], [sflag:$0x3] =	stream.linear.gather [hbm4b:s24+s3], $0x80, $0x38;
	[tilespmem:$0x1B080] =	vst v63  }
0x9a: {  	_ =	swait.ge [sflag:s7], $0x80  }
0x9b: {  	[sflag:s7] =	ssyncset.done $0x0  }
0x9c: {  	s21 =	sadd.s32 $0x1E840, s9;
	[sflag:s7] =	ssyncadd.s32 $0xFFFFFF80  }
0x9d: {  	[hbm4b:s21+s3] =	stream.linear.scatter [tilespmem:s20], [sflag:$0x3], $0x40, $0x38;
	[tilespmem:$0x1B080] =	vst v63  }
0x9e: {  	_ =	swait.ge [sflag:s7], $0x40  }
0x9f: {  	[sflag:s7] =	ssyncset.done $0x0  }
0xa0: {  	s22 =	simm.s32 $0x1;
	[sflag:s7] =	ssyncadd.s32 $0xFFFFFFC0  }
0xa1: {  	_ =	swait.ge [sflag:s22], $0x1000  }
0xa2: {  	[sflag:s22] =	ssyncset.done $0x0  }
0xa3: {  	s23 =	simm.s32 $0x1000;
	s24 =	simm.s32 $0x2000;
	[sflag:s22] =	ssyncadd.s32 $0xFFFFF000  }
0xa4: {  	[tilespmem:s24], [sflag:$0x2] =	stream.indirect.gather [hbm4b:s9+s23], $0x1, s3, s23, $0xb8;
	[tilespmem:$0x1B080] =	vst v63  }
0xa5: {  	s25 =	rddreg [dreg:$0x10]  }
0xa6: {  	[tilespmem:s23], [sflag:$0x1] =	stream.strided.gather [hbm4b:s25+s5], $0x1000, s6, s5, $0x38;
	[tilespmem:$0x1B080] =	vst v63  }
0xa7: {  	s25 =	simm.s32 $0x2  }
0xa8: {  	_ =	swait.ge [sflag:s25], $0x1000  }
0xa9: {  	[sflag:s25] =	ssyncset.done $0x0  }
0xaa: {  	s26 =	rddreg [dreg:$0x11];
	[sflag:s25] =	ssyncadd.s32 $0xFFFFF000  }
0xab: {  	[hbm4b:s26+s5] =	stream.strided.scatter [tilespmem:s24], [sflag:$0x3], $0x1000, s6, s5, $0x38;
	[tilespmem:$0x1B080] =	vst v63  }
0xac: {  	_ =	swait.ge [sflag:s7], $0x1000  }
0xad: {  	[sflag:s7] =	ssyncset.done $0x0  }
0xae: {  	[sflag:s7] =	ssyncadd.s32 $0xFFFFF000  }
0xaf: {  	_ =	swait.ge [sflag:s22], $0x1000  }
0xb0: {  	[sflag:s22] =	ssyncset.done $0x0  }
0xb1: {  	[sflag:s22] =	ssyncadd.s32 $0xFFFFF000  }
0xb2: {  	[tilespmem:s24], [sflag:$0x2] =	stream.indirect.gather [hbm4b:s9+s23], $0x1, s23, s23, $0xb8;
	[tilespmem:$0x1B080] =	vst v63  }
0xb3: {  	s4 =	rddreg [dreg:$0x12]  }
0xb4: {  	[tilespmem:s3], [sflag:$0x1] =	stream.strided.gather [hbm4b:s4+s5], $0x1000, s6, s5, $0x38;
	[tilespmem:$0x1B080] =	vst v63  }
0xb5: {  	_ =	swait.ge [sflag:s25], $0x1000  }
0xb6: {  	[sflag:s25] =	ssyncset.done $0x0  }
0xb7: {  	s26 =	rddreg [dreg:$0x13];
	[sflag:s25] =	ssyncadd.s32 $0xFFFFF000  }
0xb8: {  	[hbm4b:s26+s5] =	stream.strided.scatter [tilespmem:s24], [sflag:$0x3], $0x1000, s6, s5, $0x38;
	[tilespmem:$0x1B080] =	vst v63  }
0xb9: {  	_ =	swait.ge [sflag:s7], $0x1000  }
0xba: {  	[sflag:s7] =	ssyncset.done $0x0  }
0xbb: {  	[sflag:s7] =	ssyncadd.s32 $0xFFFFF000  }
0xbc: {  	_ =	swait.ge [sflag:s22], $0x1000  }
0xbd: {  	[sflag:s22] =	ssyncset.done $0x0  }
0xbe: {  	[sflag:s22] =	ssyncadd.s32 $0xFFFFF000  }
0xbf: {  	[tilespmem:s24], [sflag:$0x2] =	stream.indirect.gather [hbm4b:s9+s23], $0x1, s3, s23, $0xb8;
	[tilespmem:$0x1B080] =	vst v63  }
0xc0: {  	s4 =	rddreg [dreg:$0x14]  }
0xc1: {  	[tilespmem:s23], [sflag:$0x1] =	stream.strided.gather [hbm4b:s4+s5], $0x1000, s6, s5, $0x38;
	[tilespmem:$0x1B080] =	vst v63  }
0xc2: {  	_ =	swait.ge [sflag:s25], $0x1000  }
0xc3: {  	[sflag:s25] =	ssyncset.done $0x0  }
0xc4: {  	s26 =	rddreg [dreg:$0x15];
	[sflag:s25] =	ssyncadd.s32 $0xFFFFF000  }
0xc5: {  	[hbm4b:s26+s5] =	stream.strided.scatter [tilespmem:s24], [sflag:$0x3], $0x1000, s6, s5, $0x38;
	[tilespmem:$0x1B080] =	vst v63  }
0xc6: {  	_ =	swait.ge [sflag:s7], $0x1000  }
0xc7: {  	[sflag:s7] =	ssyncset.done $0x0  }
0xc8: {  	[sflag:s7] =	ssyncadd.s32 $0xFFFFF000  }
0xc9: {  	_ =	swait.ge [sflag:s22], $0x1000  }
0xca: {  	[sflag:s22] =	ssyncset.done $0x0  }
0xcb: {  	[sflag:s22] =	ssyncadd.s32 $0xFFFFF000  }
0xcc: {  	[tilespmem:s24], [sflag:$0x2] =	stream.indirect.gather [hbm4b:s9+s23], $0x1, s23, s23, $0xb8;
	[tilespmem:$0x1B080] =	vst v63  }
0xcd: {  	s4 =	rddreg [dreg:$0x16]  }
0xce: {  	[tilespmem:s3], [sflag:$0x1] =	stream.strided.gather [hbm4b:s4+s5], $0x1000, s6, s5, $0x38;
	[tilespmem:$0x1B080] =	vst v63  }
0xcf: {  	_ =	swait.ge [sflag:s25], $0x1000  }
0xd0: {  	[sflag:s25] =	ssyncset.done $0x0  }
0xd1: {  	s26 =	rddreg [dreg:$0x17];
	[sflag:s25] =	ssyncadd.s32 $0xFFFFF000  }
0xd2: {  	[hbm4b:s26+s5] =	stream.strided.scatter [tilespmem:s24], [sflag:$0x3], $0x1000, s6, s5, $0x38;
	[tilespmem:$0x1B080] =	vst v63  }
0xd3: {  	_ =	swait.ge [sflag:s7], $0x1000  }
0xd4: {  	[sflag:s7] =	ssyncset.done $0x0  }
0xd5: {  	[sflag:s7] =	ssyncadd.s32 $0xFFFFF000  }
0xd6: {  	_ =	swait.ge [sflag:s22], $0x1000  }
0xd7: {  	[sflag:s22] =	ssyncset.done $0x0  }
0xd8: {  	[sflag:s22] =	ssyncadd.s32 $0xFFFFF000  }
0xd9: {  	[tilespmem:s24], [sflag:$0x2] =	stream.indirect.gather [hbm4b:s9+s23], $0x1, s3, s23, $0xb8;
	[tilespmem:$0x1B080] =	vst v63  }
0xda: {  	s4 =	rddreg [dreg:$0x18]  }
0xdb: {  	[tilespmem:s23], [sflag:$0x1] =	stream.strided.gather [hbm4b:s4+s5], $0x1000, s6, s5, $0x38;
	[tilespmem:$0x1B080] =	vst v63  }
0xdc: {  	_ =	swait.ge [sflag:s25], $0x1000  }
0xdd: {  	[sflag:s25] =	ssyncset.done $0x0  }
0xde: {  	s26 =	rddreg [dreg:$0x19];
	[sflag:s25] =	ssyncadd.s32 $0xFFFFF000  }
0xdf: {  	[hbm4b:s26+s5] =	stream.strided.scatter [tilespmem:s24], [sflag:$0x3], $0x1000, s6, s5, $0x38;
	[tilespmem:$0x1B080] =	vst v63  }
0xe0: {  	_ =	swait.ge [sflag:s7], $0x1000  }
0xe1: {  	[sflag:s7] =	ssyncset.done $0x0  }
0xe2: {  	[sflag:s7] =	ssyncadd.s32 $0xFFFFF000  }
0xe3: {  	_ =	swait.ge [sflag:s22], $0x1000  }
0xe4: {  	[sflag:s22] =	ssyncset.done $0x0  }
0xe5: {  	[sflag:s22] =	ssyncadd.s32 $0xFFFFF000  }
0xe6: {  	[tilespmem:s24], [sflag:$0x2] =	stream.indirect.gather [hbm4b:s9+s23], $0x1, s23, s23, $0xb8;
	[tilespmem:$0x1B080] =	vst v63  }
0xe7: {  	s4 =	rddreg [dreg:$0x1a]  }
0xe8: {  	[tilespmem:s3], [sflag:$0x1] =	stream.strided.gather [hbm4b:s4+s5], $0x1000, s6, s5, $0x38;
	[tilespmem:$0x1B080] =	vst v63  }
0xe9: {  	_ =	swait.ge [sflag:s25], $0x1000  }
0xea: {  	[sflag:s25] =	ssyncset.done $0x0  }
0xeb: {  	s26 =	rddreg [dreg:$0x1b];
	[sflag:s25] =	ssyncadd.s32 $0xFFFFF000  }
0xec: {  	[hbm4b:s26+s5] =	stream.strided.scatter [tilespmem:s24], [sflag:$0x3], $0x1000, s6, s5, $0x38;
	[tilespmem:$0x1B080] =	vst v63  }
0xed: {  	_ =	swait.ge [sflag:s7], $0x1000  }
0xee: {  	[sflag:s7] =	ssyncset.done $0x0  }
0xef: {  	[sflag:s7] =	ssyncadd.s32 $0xFFFFF000  }
0xf0: {  	_ =	swait.ge [sflag:s22], $0x1000  }
0xf1: {  	[sflag:s22] =	ssyncset.done $0x0  }
0xf2: {  	[sflag:s22] =	ssyncadd.s32 $0xFFFFF000  }
0xf3: {  	[tilespmem:s24], [sflag:$0x2] =	stream.indirect.gather [hbm4b:s9+s23], $0x1, s3, s23, $0xb8;
	[tilespmem:$0x1B080] =	vst v63  }
0xf4: {  	s4 =	rddreg [dreg:$0x1c]  }
0xf5: {  	[tilespmem:s23], [sflag:$0x1] =	stream.strided.gather [hbm4b:s4+s5], $0x1000, s6, s5, $0x38;
	[tilespmem:$0x1B080] =	vst v63  }
0xf6: {  	_ =	swait.ge [sflag:s25], $0x1000  }
0xf7: {  	[sflag:s25] =	ssyncset.done $0x0  }
0xf8: {  	s26 =	rddreg [dreg:$0x1d];
	[sflag:s25] =	ssyncadd.s32 $0xFFFFF000  }
0xf9: {  	[hbm4b:s26+s5] =	stream.strided.scatter [tilespmem:s24], [sflag:$0x3], $0x1000, s6, s5, $0x38;
	[tilespmem:$0x1B080] =	vst v63  }
0xfa: {  	_ =	swait.ge [sflag:s7], $0x1000  }
0xfb: {  	[sflag:s7] =	ssyncset.done $0x0  }
0xfc: {  	[sflag:s7] =	ssyncadd.s32 $0xFFFFF000  }
0xfd: {  	_ =	swait.ge [sflag:s22], $0x1000  }
0xfe: {  	[sflag:s22] =	ssyncset.done $0x0  }
0xff: {  	[sflag:s22] =	ssyncadd.s32 $0xFFFFF000  }
0x100: {  	[tilespmem:s24], [sflag:$0x2] =	stream.indirect.gather [hbm4b:s9+s23], $0x1, s23, s23, $0xb8;
	[tilespmem:$0x1B080] =	vst v63  }
0x101: {  	s4 =	rddreg [dreg:$0x1e]  }
0x102: {  	[tilespmem:s3], [sflag:$0x1] =	stream.strided.gather [hbm4b:s4+s5], $0x1000, s6, s5, $0x38;
	[tilespmem:$0x1B080] =	vst v63  }
0x103: {  	_ =	swait.ge [sflag:s25], $0x1000  }
0x104: {  	[sflag:s25] =	ssyncset.done $0x0  }
0x105: {  	s26 =	rddreg [dreg:$0x1f];
	[sflag:s25] =	ssyncadd.s32 $0xFFFFF000  }
0x106: {  	[hbm4b:s26+s5] =	stream.strided.scatter [tilespmem:s24], [sflag:$0x3], $0x1000, s6, s5, $0x38;
	[tilespmem:$0x1B080] =	vst v63  }
0x107: {  	_ =	swait.ge [sflag:s7], $0x1000  }
0x108: {  	[sflag:s7] =	ssyncset.done $0x0  }
0x109: {  	[sflag:s7] =	ssyncadd.s32 $0xFFFFF000  }
0x10a: {  	_ =	swait.ge [sflag:s22], $0x1000  }
0x10b: {  	[sflag:s22] =	ssyncset.done $0x0  }
0x10c: {  	s4 =	sld [smem:$0x7E2];
	[sflag:s22] =	ssyncadd.s32 $0xFFFFF000  }
0x10d: {  	[tilespmem:s24], [sflag:$0x2] =	stream.indirect.gather [hbm4b:s9+s23], $0x1, s3, s23, $0xb8;
	[tilespmem:$0x1B080] =	vst v63  }
0x10e: {  	_ = 	snop  }
0x10f: {  	[tilespmem:s23], [sflag:$0x1] =	stream.strided.gather [hbm4b:s4+s5], $0x1000, s6, s5, $0x38;
	[tilespmem:$0x1B080] =	vst v63  }
0x110: {  	_ =	swait.ge [sflag:s25], $0x1000  }
0x111: {  	s26 =	sld [smem:$0x7E3]  }
0x112: {  	[sflag:s25] =	ssyncset.done $0x0  }
0x113: {  	[sflag:s25] =	ssyncadd.s32 $0xFFFFF000  }
0x114: {  	[hbm4b:s26+s5] =	stream.strided.scatter [tilespmem:s24], [sflag:$0x3], $0x1000, s6, s5, $0x38;
	[tilespmem:$0x1B080] =	vst v63  }
0x115: {  	_ =	swait.ge [sflag:s7], $0x1000  }
0x116: {  	[sflag:s7] =	ssyncset.done $0x0  }
0x117: {  	[sflag:s7] =	ssyncadd.s32 $0xFFFFF000  }
0x118: {  	_ =	swait.ge [sflag:s22], $0x1000  }
0x119: {  	[sflag:s22] =	ssyncset.done $0x0  }
0x11a: {  	s4 =	sld [smem:$0x7E4];
	[sflag:s22] =	ssyncadd.s32 $0xFFFFF000  }
0x11b: {  	[tilespmem:s24], [sflag:$0x2] =	stream.indirect.gather [hbm4b:s9+s23], $0x1, s23, s23, $0xb8;
	[tilespmem:$0x1B080] =	vst v63  }
0x11c: {  	_ = 	snop  }
0x11d: {  	[tilespmem:s3], [sflag:$0x1] =	stream.strided.gather [hbm4b:s4+s5], $0x1000, s6, s5, $0x38;
	[tilespmem:$0x1B080] =	vst v63  }
0x11e: {  	_ =	swait.ge [sflag:s25], $0x1000  }
0x11f: {  	s26 =	sld [smem:$0x7E5]  }
0x120: {  	[sflag:s25] =	ssyncset.done $0x0  }
0x121: {  	[sflag:s25] =	ssyncadd.s32 $0xFFFFF000  }
0x122: {  	[hbm4b:s26+s5] =	stream.strided.scatter [tilespmem:s24], [sflag:$0x3], $0x1000, s6, s5, $0x38;
	[tilespmem:$0x1B080] =	vst v63  }
0x123: {  	_ =	swait.ge [sflag:s7], $0x1000  }
0x124: {  	[sflag:s7] =	ssyncset.done $0x0  }
0x125: {  	[sflag:s7] =	ssyncadd.s32 $0xFFFFF000  }
0x126: {  	_ =	swait.ge [sflag:s22], $0x1000  }
0x127: {  	[sflag:s22] =	ssyncset.done $0x0  }
0x128: {  	s4 =	sld [smem:$0x7E6];
	[sflag:s22] =	ssyncadd.s32 $0xFFFFF000  }
0x129: {  	[tilespmem:s24], [sflag:$0x2] =	stream.indirect.gather [hbm4b:s9+s23], $0x1, s3, s23, $0xb8;
	[tilespmem:$0x1B080] =	vst v63  }
0x12a: {  	_ = 	snop  }
0x12b: {  	[tilespmem:s23], [sflag:$0x1] =	stream.strided.gather [hbm4b:s4+s5], $0x1000, s6, s5, $0x38;
	[tilespmem:$0x1B080] =	vst v63  }
0x12c: {  	_ =	swait.ge [sflag:s25], $0x1000  }
0x12d: {  	s26 =	sld [smem:$0x7E7]  }
0x12e: {  	[sflag:s25] =	ssyncset.done $0x0  }
0x12f: {  	[sflag:s25] =	ssyncadd.s32 $0xFFFFF000  }
0x130: {  	[hbm4b:s26+s5] =	stream.strided.scatter [tilespmem:s24], [sflag:$0x3], $0x1000, s6, s5, $0x38;
	[tilespmem:$0x1B080] =	vst v63  }
0x131: {  	_ =	swait.ge [sflag:s7], $0x1000  }
0x132: {  	[sflag:s7] =	ssyncset.done $0x0  }
0x133: {  	[sflag:s7] =	ssyncadd.s32 $0xFFFFF000  }
0x134: {  	_ =	swait.ge [sflag:s22], $0x1000  }
0x135: {  	[sflag:s22] =	ssyncset.done $0x0  }
0x136: {  	s4 =	sld [smem:$0x7E8];
	[sflag:s22] =	ssyncadd.s32 $0xFFFFF000  }
0x137: {  	[tilespmem:s24], [sflag:$0x2] =	stream.indirect.gather [hbm4b:s9+s23], $0x1, s23, s23, $0xb8;
	[tilespmem:$0x1B080] =	vst v63  }
0x138: {  	_ = 	snop  }
0x139: {  	[tilespmem:s3], [sflag:$0x1] =	stream.strided.gather [hbm4b:s4+s5], $0x1000, s6, s5, $0x38;
	[tilespmem:$0x1B080] =	vst v63  }
0x13a: {  	_ =	swait.ge [sflag:s25], $0x1000  }
0x13b: {  	s26 =	sld [smem:$0x7E9]  }
0x13c: {  	[sflag:s25] =	ssyncset.done $0x0  }
0x13d: {  	[sflag:s25] =	ssyncadd.s32 $0xFFFFF000  }
0x13e: {  	[hbm4b:s26+s5] =	stream.strided.scatter [tilespmem:s24], [sflag:$0x3], $0x1000, s6, s5, $0x38;
	[tilespmem:$0x1B080] =	vst v63  }
0x13f: {  	_ =	swait.ge [sflag:s7], $0x1000  }
0x140: {  	[sflag:s7] =	ssyncset.done $0x0  }
0x141: {  	[sflag:s7] =	ssyncadd.s32 $0xFFFFF000  }
0x142: {  	_ =	swait.ge [sflag:s22], $0x1000  }
0x143: {  	[sflag:s22] =	ssyncset.done $0x0  }
0x144: {  	s4 =	sld [smem:$0x7EA];
	[sflag:s22] =	ssyncadd.s32 $0xFFFFF000  }
0x145: {  	[tilespmem:s24], [sflag:$0x2] =	stream.indirect.gather [hbm4b:s9+s23], $0x1, s3, s23, $0xb8;
	[tilespmem:$0x1B080] =	vst v63  }
0x146: {  	_ = 	snop  }
0x147: {  	[tilespmem:s23], [sflag:$0x1] =	stream.strided.gather [hbm4b:s4+s5], $0x1000, s6, s5, $0x38;
	[tilespmem:$0x1B080] =	vst v63  }
0x148: {  	_ =	swait.ge [sflag:s25], $0x1000  }
0x149: {  	s26 =	sld [smem:$0x7EB]  }
0x14a: {  	[sflag:s25] =	ssyncset.done $0x0  }
0x14b: {  	[sflag:s25] =	ssyncadd.s32 $0xFFFFF000  }
0x14c: {  	[hbm4b:s26+s5] =	stream.strided.scatter [tilespmem:s24], [sflag:$0x3], $0x1000, s6, s5, $0x38;
	[tilespmem:$0x1B080] =	vst v63  }
0x14d: {  	_ =	swait.ge [sflag:s7], $0x1000  }
0x14e: {  	[sflag:s7] =	ssyncset.done $0x0  }
0x14f: {  	[sflag:s7] =	ssyncadd.s32 $0xFFFFF000  }
0x150: {  	_ =	swait.ge [sflag:s22], $0x1000  }
0x151: {  	[sflag:s22] =	ssyncset.done $0x0  }
0x152: {  	s4 =	sld [smem:$0x7EC];
	[sflag:s22] =	ssyncadd.s32 $0xFFFFF000  }
0x153: {  	[tilespmem:s24], [sflag:$0x2] =	stream.indirect.gather [hbm4b:s9+s23], $0x1, s23, s23, $0xb8;
	[tilespmem:$0x1B080] =	vst v63  }
0x154: {  	_ = 	snop  }
0x155: {  	[tilespmem:s3], [sflag:$0x1] =	stream.strided.gather [hbm4b:s4+s5], $0x1000, s6, s5, $0x38;
	[tilespmem:$0x1B080] =	vst v63  }
0x156: {  	_ =	swait.ge [sflag:s25], $0x1000  }
0x157: {  	s26 =	sld [smem:$0x7ED]  }
0x158: {  	[sflag:s25] =	ssyncset.done $0x0  }
0x159: {  	[sflag:s25] =	ssyncadd.s32 $0xFFFFF000  }
0x15a: {  	[hbm4b:s26+s5] =	stream.strided.scatter [tilespmem:s24], [sflag:$0x3], $0x1000, s6, s5, $0x38;
	[tilespmem:$0x1B080] =	vst v63  }
0x15b: {  	_ =	swait.ge [sflag:s7], $0x1000  }
0x15c: {  	[sflag:s7] =	ssyncset.done $0x0  }
0x15d: {  	[sflag:s7] =	ssyncadd.s32 $0xFFFFF000  }
0x15e: {  	_ =	swait.ge [sflag:s22], $0x1000  }
0x15f: {  	[sflag:s22] =	ssyncset.done $0x0  }
0x160: {  	s4 =	sld [smem:$0x7EE];
	[sflag:s22] =	ssyncadd.s32 $0xFFFFF000  }
0x161: {  	[tilespmem:s24], [sflag:$0x2] =	stream.indirect.gather [hbm4b:s9+s23], $0x1, s3, s23, $0xb8;
	[tilespmem:$0x1B080] =	vst v63  }
0x162: {  	_ = 	snop  }
0x163: {  	[tilespmem:s23], [sflag:$0x1] =	stream.strided.gather [hbm4b:s4+s5], $0x1000, s6, s5, $0x38;
	[tilespmem:$0x1B080] =	vst v63  }
0x164: {  	_ =	swait.ge [sflag:s25], $0x1000  }
0x165: {  	s26 =	sld [smem:$0x7EF]  }
0x166: {  	[sflag:s25] =	ssyncset.done $0x0  }
0x167: {  	[sflag:s25] =	ssyncadd.s32 $0xFFFFF000  }
0x168: {  	[hbm4b:s26+s5] =	stream.strided.scatter [tilespmem:s24], [sflag:$0x3], $0x1000, s6, s5, $0x38;
	[tilespmem:$0x1B080] =	vst v63  }
0x169: {  	_ =	swait.ge [sflag:s7], $0x1000  }
0x16a: {  	[sflag:s7] =	ssyncset.done $0x0  }
0x16b: {  	[sflag:s7] =	ssyncadd.s32 $0xFFFFF000  }
0x16c: {  	_ =	swait.ge [sflag:s22], $0x1000  }
0x16d: {  	[sflag:s22] =	ssyncset.done $0x0  }
0x16e: {  	s4 =	sld [smem:$0x7F0];
	[sflag:s22] =	ssyncadd.s32 $0xFFFFF000  }
0x16f: {  	[tilespmem:s24], [sflag:$0x2] =	stream.indirect.gather [hbm4b:s9+s23], $0x1, s23, s23, $0xb8;
	[tilespmem:$0x1B080] =	vst v63  }
0x170: {  	_ = 	snop  }
0x171: {  	[tilespmem:s3], [sflag:$0x1] =	stream.strided.gather [hbm4b:s4+s5], $0x1000, s6, s5, $0x38;
	[tilespmem:$0x1B080] =	vst v63  }
0x172: {  	_ =	swait.ge [sflag:s25], $0x1000  }
0x173: {  	s26 =	sld [smem:$0x7F1]  }
0x174: {  	[sflag:s25] =	ssyncset.done $0x0  }
0x175: {  	[sflag:s25] =	ssyncadd.s32 $0xFFFFF000  }
0x176: {  	[hbm4b:s26+s5] =	stream.strided.scatter [tilespmem:s24], [sflag:$0x3], $0x1000, s6, s5, $0x38;
	[tilespmem:$0x1B080] =	vst v63  }
0x177: {  	_ =	swait.ge [sflag:s7], $0x1000  }
0x178: {  	[sflag:s7] =	ssyncset.done $0x0  }
0x179: {  	[sflag:s7] =	ssyncadd.s32 $0xFFFFF000  }
0x17a: {  	_ =	swait.ge [sflag:s22], $0x1000  }
0x17b: {  	[sflag:s22] =	ssyncset.done $0x0  }
0x17c: {  	s4 =	sld [smem:$0x7F2];
	[sflag:s22] =	ssyncadd.s32 $0xFFFFF000  }
0x17d: {  	[tilespmem:s24], [sflag:$0x2] =	stream.indirect.gather [hbm4b:s9+s23], $0x1, s3, s23, $0xb8;
	[tilespmem:$0x1B080] =	vst v63  }
0x17e: {  	_ = 	snop  }
0x17f: {  	[tilespmem:s23], [sflag:$0x1] =	stream.strided.gather [hbm4b:s4+s5], $0x1000, s6, s5, $0x38;
	[tilespmem:$0x1B080] =	vst v63  }
0x180: {  	_ =	swait.ge [sflag:s25], $0x1000  }
0x181: {  	s26 =	sld [smem:$0x7F3]  }
0x182: {  	[sflag:s25] =	ssyncset.done $0x0  }
0x183: {  	[sflag:s25] =	ssyncadd.s32 $0xFFFFF000  }
0x184: {  	[hbm4b:s26+s5] =	stream.strided.scatter [tilespmem:s24], [sflag:$0x3], $0x1000, s6, s5, $0x38;
	[tilespmem:$0x1B080] =	vst v63  }
0x185: {  	_ =	swait.ge [sflag:s7], $0x1000  }
0x186: {  	[sflag:s7] =	ssyncset.done $0x0  }
0x187: {  	[sflag:s7] =	ssyncadd.s32 $0xFFFFF000  }
0x188: {  	_ =	swait.ge [sflag:s22], $0x1000  }
0x189: {  	[sflag:s22] =	ssyncset.done $0x0  }
0x18a: {  	s4 =	sld [smem:$0x7F4];
	[sflag:s22] =	ssyncadd.s32 $0xFFFFF000  }
0x18b: {  	[tilespmem:s24], [sflag:$0x2] =	stream.indirect.gather [hbm4b:s9+s23], $0x1, s23, s23, $0xb8;
	[tilespmem:$0x1B080] =	vst v63  }
0x18c: {  	_ = 	snop  }
0x18d: {  	[tilespmem:s3], [sflag:$0x1] =	stream.strided.gather [hbm4b:s4+s5], $0x1000, s6, s5, $0x38;
	[tilespmem:$0x1B080] =	vst v63  }
0x18e: {  	_ =	swait.ge [sflag:s25], $0x1000  }
0x18f: {  	s26 =	sld [smem:$0x7F5]  }
0x190: {  	[sflag:s25] =	ssyncset.done $0x0  }
0x191: {  	[sflag:s25] =	ssyncadd.s32 $0xFFFFF000  }
0x192: {  	[hbm4b:s26+s5] =	stream.strided.scatter [tilespmem:s24], [sflag:$0x3], $0x1000, s6, s5, $0x38;
	[tilespmem:$0x1B080] =	vst v63  }
0x193: {  	_ =	swait.ge [sflag:s7], $0x1000  }
0x194: {  	[sflag:s7] =	ssyncset.done $0x0  }
0x195: {  	[sflag:s7] =	ssyncadd.s32 $0xFFFFF000  }
0x196: {  	_ =	swait.ge [sflag:s22], $0x1000  }
0x197: {  	[sflag:s22] =	ssyncset.done $0x0  }
0x198: {  	s4 =	sld [smem:$0x7F6];
	[sflag:s22] =	ssyncadd.s32 $0xFFFFF000  }
0x199: {  	[tilespmem:s24], [sflag:$0x2] =	stream.indirect.gather [hbm4b:s9+s23], $0x1, s3, s23, $0xb8;
	[tilespmem:$0x1B080] =	vst v63  }
0x19a: {  	_ = 	snop  }
0x19b: {  	[tilespmem:s23], [sflag:$0x1] =	stream.strided.gather [hbm4b:s4+s5], $0x1000, s6, s5, $0x38;
	[tilespmem:$0x1B080] =	vst v63  }
0x19c: {  	_ =	swait.ge [sflag:s25], $0x1000  }
0x19d: {  	s26 =	sld [smem:$0x7F7]  }
0x19e: {  	[sflag:s25] =	ssyncset.done $0x0  }
0x19f: {  	[sflag:s25] =	ssyncadd.s32 $0xFFFFF000  }
0x1a0: {  	[hbm4b:s26+s5] =	stream.strided.scatter [tilespmem:s24], [sflag:$0x3], $0x1000, s6, s5, $0x38;
	[tilespmem:$0x1B080] =	vst v63  }
0x1a1: {  	_ =	swait.ge [sflag:s7], $0x1000  }
0x1a2: {  	[sflag:s7] =	ssyncset.done $0x0  }
0x1a3: {  	[sflag:s7] =	ssyncadd.s32 $0xFFFFF000  }
0x1a4: {  	_ =	swait.ge [sflag:s22], $0x1000  }
0x1a5: {  	[sflag:s22] =	ssyncset.done $0x0  }
0x1a6: {  	s4 =	sld [smem:$0x7F8];
	[sflag:s22] =	ssyncadd.s32 $0xFFFFF000  }
0x1a7: {  	[tilespmem:s24], [sflag:$0x2] =	stream.indirect.gather [hbm4b:s9+s23], $0x1, s23, s23, $0xb8;
	[tilespmem:$0x1B080] =	vst v63  }
0x1a8: {  	_ = 	snop  }
0x1a9: {  	[tilespmem:s3], [sflag:$0x1] =	stream.strided.gather [hbm4b:s4+s5], $0x1000, s6, s5, $0x38;
	[tilespmem:$0x1B080] =	vst v63  }
0x1aa: {  	_ =	swait.ge [sflag:s25], $0x1000  }
0x1ab: {  	s26 =	sld [smem:$0x7F9]  }
0x1ac: {  	[sflag:s25] =	ssyncset.done $0x0  }
0x1ad: {  	[sflag:s25] =	ssyncadd.s32 $0xFFFFF000  }
0x1ae: {  	[hbm4b:s26+s5] =	stream.strided.scatter [tilespmem:s24], [sflag:$0x3], $0x1000, s6, s5, $0x38;
	[tilespmem:$0x1B080] =	vst v63  }
0x1af: {  	_ =	swait.ge [sflag:s7], $0x1000  }
0x1b0: {  	[sflag:s7] =	ssyncset.done $0x0  }
0x1b1: {  	[sflag:s7] =	ssyncadd.s32 $0xFFFFF000  }
0x1b2: {  	_ =	swait.ge [sflag:s22], $0x1000  }
0x1b3: {  	[sflag:s22] =	ssyncset.done $0x0  }
0x1b4: {  	s4 =	sld [smem:$0x7FA];
	[sflag:s22] =	ssyncadd.s32 $0xFFFFF000  }
0x1b5: {  	[tilespmem:s24], [sflag:$0x2] =	stream.indirect.gather [hbm4b:s9+s23], $0x1, s3, s23, $0xb8;
	[tilespmem:$0x1B080] =	vst v63  }
0x1b6: {  	_ = 	snop  }
0x1b7: {  	[tilespmem:s23], [sflag:$0x1] =	stream.strided.gather [hbm4b:s4+s5], $0x1000, s6, s5, $0x38;
	[tilespmem:$0x1B080] =	vst v63  }
0x1b8: {  	_ =	swait.ge [sflag:s25], $0x1000  }
0x1b9: {  	s26 =	sld [smem:$0x7FB]  }
0x1ba: {  	[sflag:s25] =	ssyncset.done $0x0  }
0x1bb: {  	[sflag:s25] =	ssyncadd.s32 $0xFFFFF000  }
0x1bc: {  	[hbm4b:s26+s5] =	stream.strided.scatter [tilespmem:s24], [sflag:$0x3], $0x1000, s6, s5, $0x38;
	[tilespmem:$0x1B080] =	vst v63  }
0x1bd: {  	_ =	swait.ge [sflag:s7], $0x1000  }
0x1be: {  	[sflag:s7] =	ssyncset.done $0x0  }
0x1bf: {  	[sflag:s7] =	ssyncadd.s32 $0xFFFFF000  }
0x1c0: {  	_ =	swait.ge [sflag:s22], $0x1000  }
0x1c1: {  	[sflag:s22] =	ssyncset.done $0x0  }
0x1c2: {  	s4 =	sld [smem:$0x7FC];
	[sflag:s22] =	ssyncadd.s32 $0xFFFFF000  }
0x1c3: {  	[tilespmem:s24], [sflag:$0x2] =	stream.indirect.gather [hbm4b:s9+s23], $0x1, s23, s23, $0xb8;
	[tilespmem:$0x1B080] =	vst v63  }
0x1c4: {  	_ = 	snop  }
0x1c5: {  	[tilespmem:s3], [sflag:$0x1] =	stream.strided.gather [hbm4b:s4+s5], $0x1000, s6, s5, $0x38;
	[tilespmem:$0x1B080] =	vst v63  }
0x1c6: {  	_ =	swait.ge [sflag:s25], $0x1000  }
0x1c7: {  	s26 =	sld [smem:$0x7FD]  }
0x1c8: {  	[sflag:s25] =	ssyncset.done $0x0  }
0x1c9: {  	[sflag:s25] =	ssyncadd.s32 $0xFFFFF000  }
0x1ca: {  	[hbm4b:s26+s5] =	stream.strided.scatter [tilespmem:s24], [sflag:$0x3], $0x1000, s6, s5, $0x38;
	[tilespmem:$0x1B080] =	vst v63  }
0x1cb: {  	_ =	swait.ge [sflag:s7], $0x1000  }
0x1cc: {  	[sflag:s7] =	ssyncset.done $0x0  }
0x1cd: {  	[sflag:s7] =	ssyncadd.s32 $0xFFFFF000  }
0x1ce: {  	_ =	swait.ge [sflag:s22], $0x1000  }
0x1cf: {  	[sflag:s22] =	ssyncset.done $0x0  }
0x1d0: {  	[sflag:s22] =	ssyncadd.s32 $0xFFFFF000  }
0x1d1: {  	[tilespmem:s24], [sflag:$0x2] =	stream.indirect.gather [hbm4b:s9+s23], $0x1, s3, s23, $0xb8;
	[tilespmem:$0x1B080] =	vst v63  }
0x1d2: {  	s26 =	sadd.s32 $0x2070, s31  }
0x1d3: {  	[tilespmem:s23], [sflag:$0x1] =	stream.strided.gather [hbm4b:s26+s5], $0x1000, s6, s5, $0x38;
	[tilespmem:$0x1B080] =	vst v63  }
0x1d4: {  	_ =	swait.ge [sflag:s25], $0x1000  }
0x1d5: {  	[sflag:s25] =	ssyncset.done $0x0  }
0x1d6: {  	s28 =	sadd.s32 $0x58000, s2;
	[sflag:s25] =	ssyncadd.s32 $0xFFFFF000  }
0x1d7: {  	[hbm4b:s28+s5] =	stream.strided.scatter [tilespmem:s24], [sflag:$0x3], $0x1000, s6, s5, $0x38;
	[tilespmem:$0x1B080] =	vst v63  }
0x1d8: {  	_ =	swait.ge [sflag:s7], $0x1000  }
0x1d9: {  	[sflag:s7] =	ssyncset.done $0x0  }
0x1da: {  	[sflag:s7] =	ssyncadd.s32 $0xFFFFF000  }
0x1db: {  	_ =	swait.ge [sflag:s22], $0x1000  }
0x1dc: {  	[sflag:s22] =	ssyncset.done $0x0  }
0x1dd: {  	[sflag:s22] =	ssyncadd.s32 $0xFFFFF000  }
0x1de: {  	[tilespmem:s24], [sflag:$0x2] =	stream.indirect.gather [hbm4b:s9+s23], $0x1, s23, s23, $0xb8;
	[tilespmem:$0x1B080] =	vst v63  }
0x1df: {  	s29 =	sadd.s32 $0x3000, s31  }
0x1e0: {  	[tilespmem:s3], [sflag:$0x1] =	stream.strided.gather [hbm4b:s29+s5], $0x1000, s6, s5, $0x38;
	[tilespmem:$0x1B080] =	vst v63  }
0x1e1: {  	_ =	swait.ge [sflag:s25], $0x1000  }
0x1e2: {  	[sflag:s25] =	ssyncset.done $0x0  }
0x1e3: {  	s30 =	sadd.s32 $0x5C000, s2;
	[sflag:s25] =	ssyncadd.s32 $0xFFFFF000  }
0x1e4: {  	[hbm4b:s30+s5] =	stream.strided.scatter [tilespmem:s24], [sflag:$0x3], $0x1000, s6, s5, $0x38;
	[tilespmem:$0x1B080] =	vst v63  }
0x1e5: {  	_ =	swait.ge [sflag:s7], $0x1000  }
0x1e6: {  	[sflag:s7] =	ssyncset.done $0x0  }
0x1e7: {  	[sflag:s7] =	ssyncadd.s32 $0xFFFFF000  }
0x1e8: {  	_ =	swait.ge [sflag:s22], $0x1000  }
0x1e9: {  	[sflag:s22] =	ssyncset.done $0x0  }
0x1ea: {  	[sflag:s22] =	ssyncadd.s32 $0xFFFFF000  }
0x1eb: {  	[tilespmem:s24], [sflag:$0x2] =	stream.indirect.gather [hbm4b:s9+s23], $0x1, s3, s23, $0xb8;
	[tilespmem:$0x1B080] =	vst v63  }
0x1ec: {  	s31 =	sadd.s32 $0x3010, s31  }
0x1ed: {  	[tilespmem:s23], [sflag:$0x1] =	stream.strided.gather [hbm4b:s31+s5], $0x1000, s6, s5, $0x38;
	[tilespmem:$0x1B080] =	vst v63  }
0x1ee: {  	_ =	swait.ge [sflag:s25], $0x1000  }
0x1ef: {  	[sflag:s25] =	ssyncset.done $0x0  }
0x1f0: {  	s1 =	sadd.s32 $0x60000, s2;
	[sflag:s25] =	ssyncadd.s32 $0xFFFFF000  }
0x1f1: {  	[hbm4b:s1+s5] =	stream.strided.scatter [tilespmem:s24], [sflag:$0x3], $0x1000, s6, s5, $0x38;
	[tilespmem:$0x1B080] =	vst v63  }
0x1f2: {  	_ =	swait.ge [sflag:s7], $0x1000  }
0x1f3: {  	[sflag:s7] =	ssyncset.done $0x0  }
0x1f4: {  	s0 =	ssub.s32 $0x2, s0;
	[sflag:s7] =	ssyncadd.s32 $0xFFFFF000  }
0x1f5: {  	s4 =	smov.u32 s2;
	s2 =	sshrl.u32 s0, $0x1;
	_ =	swait.ge [sflag:s22], $0x1000  }
0x1f6: {  	s2 =	ssub.s32 s0, s2;
	[sflag:s22] =	ssyncset.done $0x0  }
0x1f7: {  	s2 =	smax.u32 s2, $0x1;
	[sflag:s22] =	ssyncadd.s32 $0xFFFFF000  }
0x1f8: {  	[tilespmem:s24], [sflag:$0x2] =	stream.indirect.gather [hbm4b:s9+s23], $0x1, s23, s23, $0xb8;
	[tilespmem:$0x1B080] =	vst v63  }
0x1f9: {  	p0 =	sne.s32 s2, $0x1;
	_ =	swait.ge [sflag:s25], $0x1000  }
.Ltmp0:
0x1fa: {  	[sflag:s25] =	ssyncset.done $0x0;
	(pc) =	sbr.rel @!p0 .LBB2_2-.Ltmp0, $4  }
0x1fb: {  	s0 =	sadd.s32 $0x64000, s4;
	[sflag:s25] =	ssyncadd.s32 $0xFFFFF000  }
0x1fc: {  	[hbm4b:s0+s5] =	stream.strided.scatter [tilespmem:s24], [sflag:$0x3], $0x1000, s6, s5, $0x38;
	[tilespmem:$0x1B080] =	vst v63  }
0x1fd: {  	_ =	swait.ge [sflag:s7], $0x1000  }
0x1fe: {  	s2 =	sadd.s32 $0xFFFFFFFF, s2;
	[sflag:s7] =	ssyncset.done $0x0  }
.LBB2_1:
0x1ff: {  	[sflag:s7] =	ssyncadd.s32 $0xFFFFF000  }
0x200: {  	s4 =	rddreg [dreg:$0x1]  }
0x201: {  	[tilespmem:s3], [sflag:$0x1] =	stream.strided.gather [hbm4b:s4+s5], $0x1000, s6, s5, $0x38;
	[tilespmem:$0x1B080] =	vst v63  }
0x202: {  	s4 =	sld [smem:$0x7E1];
	_ =	sdelay $0x2  }
0x203: {  	[tilespmem:s8], [sflag:$0x3] =	stream.strided.gather [hbm4b:s4+s5], $0x18000, s6, s5, $0x38;
	[tilespmem:$0x1B080] =	vst v63  }
0x204: {  	_ =	swait.ge [sflag:s7], $0x18000  }
0x205: {  	[sflag:s7] =	ssyncset.done $0x0  }
0x206: {  	[sflag:s7] =	ssyncadd.s32 $0xFFFE8000  }
0x207: {  	[hbm4b:s9+s3] =	stream.linear.scatter [tilespmem:s8], [sflag:$0x3], $0x18000, $0x38;
	[tilespmem:$0x1B080] =	vst v63  }
0x208: {  	_ =	swait.ge [sflag:s7], $0x18000  }
0x209: {  	[sflag:s7] =	ssyncset.done $0x0  }
0x20a: {  	s4 =	rddreg [dreg:$0x5];
	[sflag:s7] =	ssyncadd.s32 $0xFFFE8000  }
0x20b: {  	[tilespmem:s8], [sflag:$0x3] =	stream.strided.gather [hbm4b:s4+s5], $0x18000, s6, s5, $0x38;
	[tilespmem:$0x1B080] =	vst v63  }
0x20c: {  	_ =	swait.ge [sflag:s7], $0x18000  }
0x20d: {  	[sflag:s7] =	ssyncset.done $0x0  }
0x20e: {  	[sflag:s7] =	ssyncadd.s32 $0xFFFE8000  }
0x20f: {  	[hbm4b:s10+s3] =	stream.linear.scatter [tilespmem:s8], [sflag:$0x3], $0x18000, $0x38;
	[tilespmem:$0x1B080] =	vst v63  }
0x210: {  	_ =	swait.ge [sflag:s7], $0x18000  }
0x211: {  	[sflag:s7] =	ssyncset.done $0x0  }
0x212: {  	s4 =	rddreg [dreg:$0x6];
	[sflag:s7] =	ssyncadd.s32 $0xFFFE8000  }
0x213: {  	[tilespmem:s8], [sflag:$0x3] =	stream.strided.gather [hbm4b:s4+s5], $0x18000, s6, s5, $0x38;
	[tilespmem:$0x1B080] =	vst v63  }
0x214: {  	_ =	swait.ge [sflag:s7], $0x18000  }
0x215: {  	[sflag:s7] =	ssyncset.done $0x0  }
0x216: {  	[sflag:s7] =	ssyncadd.s32 $0xFFFE8000  }
0x217: {  	[hbm4b:s11+s3] =	stream.linear.scatter [tilespmem:s8], [sflag:$0x3], $0x18000, $0x38;
	[tilespmem:$0x1B080] =	vst v63  }
0x218: {  	_ =	swait.ge [sflag:s7], $0x18000  }
0x219: {  	[sflag:s7] =	ssyncset.done $0x0  }
0x21a: {  	s4 =	rddreg [dreg:$0x7];
	[sflag:s7] =	ssyncadd.s32 $0xFFFE8000  }
0x21b: {  	[tilespmem:s8], [sflag:$0x3] =	stream.strided.gather [hbm4b:s4+s5], $0x18000, s6, s5, $0x38;
	[tilespmem:$0x1B080] =	vst v63  }
0x21c: {  	_ =	swait.ge [sflag:s7], $0x18000  }
0x21d: {  	[sflag:s7] =	ssyncset.done $0x0  }
0x21e: {  	[sflag:s7] =	ssyncadd.s32 $0xFFFE8000  }
0x21f: {  	[hbm4b:s12+s3] =	stream.linear.scatter [tilespmem:s8], [sflag:$0x3], $0x18000, $0x38;
	[tilespmem:$0x1B080] =	vst v63  }
0x220: {  	_ =	swait.ge [sflag:s7], $0x18000  }
0x221: {  	[sflag:s7] =	ssyncset.done $0x0  }
0x222: {  	s4 =	rddreg [dreg:$0x8];
	[sflag:s7] =	ssyncadd.s32 $0xFFFE8000  }
0x223: {  	[tilespmem:s8], [sflag:$0x3] =	stream.strided.gather [hbm4b:s4+s5], $0x18000, s6, s5, $0x38;
	[tilespmem:$0x1B080] =	vst v63  }
0x224: {  	_ =	swait.ge [sflag:s7], $0x18000  }
0x225: {  	[sflag:s7] =	ssyncset.done $0x0  }
0x226: {  	[sflag:s7] =	ssyncadd.s32 $0xFFFE8000  }
0x227: {  	[hbm4b:s13+s3] =	stream.linear.scatter [tilespmem:s8], [sflag:$0x3], $0x18000, $0x38;
	[tilespmem:$0x1B080] =	vst v63  }
0x228: {  	_ =	swait.ge [sflag:s7], $0x18000  }
0x229: {  	[sflag:s7] =	ssyncset.done $0x0  }
0x22a: {  	s4 =	rddreg [dreg:$0x9];
	[sflag:s7] =	ssyncadd.s32 $0xFFFE8000  }
0x22b: {  	[tilespmem:s8], [sflag:$0x3] =	stream.strided.gather [hbm4b:s4+s5], $0x18000, s6, s5, $0x38;
	[tilespmem:$0x1B080] =	vst v63  }
0x22c: {  	_ =	swait.ge [sflag:s7], $0x18000  }
0x22d: {  	[sflag:s7] =	ssyncset.done $0x0  }
0x22e: {  	[sflag:s7] =	ssyncadd.s32 $0xFFFE8000  }
0x22f: {  	[hbm4b:s14+s3] =	stream.linear.scatter [tilespmem:s8], [sflag:$0x3], $0x18000, $0x38;
	[tilespmem:$0x1B080] =	vst v63  }
0x230: {  	_ =	swait.ge [sflag:s7], $0x18000  }
0x231: {  	[sflag:s7] =	ssyncset.done $0x0  }
0x232: {  	s4 =	rddreg [dreg:$0xa];
	[sflag:s7] =	ssyncadd.s32 $0xFFFE8000  }
0x233: {  	[tilespmem:s8], [sflag:$0x3] =	stream.strided.gather [hbm4b:s4+s5], $0x18000, s6, s5, $0x38;
	[tilespmem:$0x1B080] =	vst v63  }
0x234: {  	_ =	swait.ge [sflag:s7], $0x18000  }
0x235: {  	[sflag:s7] =	ssyncset.done $0x0  }
0x236: {  	[sflag:s7] =	ssyncadd.s32 $0xFFFE8000  }
0x237: {  	[hbm4b:s15+s3] =	stream.linear.scatter [tilespmem:s8], [sflag:$0x3], $0x18000, $0x38;
	[tilespmem:$0x1B080] =	vst v63  }
0x238: {  	_ =	swait.ge [sflag:s7], $0x18000  }
0x239: {  	[sflag:s7] =	ssyncset.done $0x0  }
0x23a: {  	s4 =	rddreg [dreg:$0xb];
	[sflag:s7] =	ssyncadd.s32 $0xFFFE8000  }
0x23b: {  	[tilespmem:s8], [sflag:$0x3] =	stream.strided.gather [hbm4b:s4+s5], $0x18000, s6, s5, $0x38;
	[tilespmem:$0x1B080] =	vst v63  }
0x23c: {  	_ =	swait.ge [sflag:s7], $0x18000  }
0x23d: {  	[sflag:s7] =	ssyncset.done $0x0  }
0x23e: {  	[sflag:s7] =	ssyncadd.s32 $0xFFFE8000  }
0x23f: {  	[hbm4b:s16+s3] =	stream.linear.scatter [tilespmem:s8], [sflag:$0x3], $0x18000, $0x38;
	[tilespmem:$0x1B080] =	vst v63  }
0x240: {  	_ =	swait.ge [sflag:s7], $0x18000  }
0x241: {  	[sflag:s7] =	ssyncset.done $0x0  }
0x242: {  	s4 =	rddreg [dreg:$0xc];
	[sflag:s7] =	ssyncadd.s32 $0xFFFE8000  }
0x243: {  	[tilespmem:s8], [sflag:$0x3] =	stream.strided.gather [hbm4b:s4+s5], $0x18000, s6, s5, $0x38;
	[tilespmem:$0x1B080] =	vst v63  }
0x244: {  	_ =	swait.ge [sflag:s7], $0x18000  }
0x245: {  	[sflag:s7] =	ssyncset.done $0x0  }
0x246: {  	[sflag:s7] =	ssyncadd.s32 $0xFFFE8000  }
0x247: {  	[hbm4b:s17+s3] =	stream.linear.scatter [tilespmem:s8], [sflag:$0x3], $0x18000, $0x38;
	[tilespmem:$0x1B080] =	vst v63  }
0x248: {  	_ =	swait.ge [sflag:s7], $0x18000  }
0x249: {  	[sflag:s7] =	ssyncset.done $0x0  }
0x24a: {  	s4 =	rddreg [dreg:$0xd];
	[sflag:s7] =	ssyncadd.s32 $0xFFFE8000  }
0x24b: {  	[tilespmem:s8], [sflag:$0x3] =	stream.strided.gather [hbm4b:s4+s5], $0x18000, s6, s5, $0x38;
	[tilespmem:$0x1B080] =	vst v63  }
0x24c: {  	_ =	swait.ge [sflag:s7], $0x18000  }
0x24d: {  	[sflag:s7] =	ssyncset.done $0x0  }
0x24e: {  	[sflag:s7] =	ssyncadd.s32 $0xFFFE8000  }
0x24f: {  	[hbm4b:s18+s3] =	stream.linear.scatter [tilespmem:s8], [sflag:$0x3], $0x18000, $0x38;
	[tilespmem:$0x1B080] =	vst v63  }
0x250: {  	_ =	swait.ge [sflag:s7], $0x18000  }
0x251: {  	[sflag:s7] =	ssyncset.done $0x0  }
0x252: {  	s4 =	rddreg [dreg:$0xe];
	[sflag:s7] =	ssyncadd.s32 $0xFFFE8000  }
0x253: {  	[tilespmem:s8], [sflag:$0x3] =	stream.strided.gather [hbm4b:s4+s5], $0x4200, s6, s5, $0x38;
	[tilespmem:$0x1B080] =	vst v63  }
0x254: {  	_ =	swait.ge [sflag:s7], $0x4200  }
0x255: {  	[sflag:s7] =	ssyncset.done $0x0  }
0x256: {  	[sflag:s7] =	ssyncadd.s32 $0xFFFFBE00  }
0x257: {  	[hbm4b:s19+s3] =	stream.linear.scatter [tilespmem:s8], [sflag:$0x3], $0x4200, $0x38;
	[tilespmem:$0x1B080] =	vst v63  }
0x258: {  	_ =	swait.ge [sflag:s7], $0x4200  }
0x259: {  	[sflag:s7] =	ssyncset.done $0x0  }
0x25a: {  	s4 =	rddreg [dreg:$0xf];
	[sflag:s7] =	ssyncadd.s32 $0xFFFFBE00  }
0x25b: {  	[tilespmem:s20], [sflag:$0x3] =	stream.linear.gather [hbm4b:s4+s3], $0x80, $0x38;
	[tilespmem:$0x1B080] =	vst v63  }
0x25c: {  	_ =	swait.ge [sflag:s7], $0x80  }
0x25d: {  	[sflag:s7] =	ssyncset.done $0x0  }
0x25e: {  	[sflag:s7] =	ssyncadd.s32 $0xFFFFFF80  }
0x25f: {  	[hbm4b:s21+s3] =	stream.linear.scatter [tilespmem:s20], [sflag:$0x3], $0x40, $0x38;
	[tilespmem:$0x1B080] =	vst v63  }
0x260: {  	_ =	swait.ge [sflag:s7], $0x40  }
0x261: {  	[sflag:s7] =	ssyncset.done $0x0  }
0x262: {  	[sflag:s7] =	ssyncadd.s32 $0xFFFFFFC0  }
0x263: {  	_ =	swait.ge [sflag:s22], $0x1000  }
0x264: {  	[sflag:s22] =	ssyncset.done $0x0  }
0x265: {  	[sflag:s22] =	ssyncadd.s32 $0xFFFFF000  }
0x266: {  	[tilespmem:s24], [sflag:$0x2] =	stream.indirect.gather [hbm4b:s9+s23], $0x1, s3, s23, $0xb8;
	[tilespmem:$0x1B080] =	vst v63  }
0x267: {  	s4 =	rddreg [dreg:$0x10]  }
0x268: {  	[tilespmem:s23], [sflag:$0x1] =	stream.strided.gather [hbm4b:s4+s5], $0x1000, s6, s5, $0x38;
	[tilespmem:$0x1B080] =	vst v63  }
0x269: {  	_ =	swait.ge [sflag:s25], $0x1000  }
0x26a: {  	[sflag:s25] =	ssyncset.done $0x0  }
0x26b: {  	s4 =	rddreg [dreg:$0x11];
	[sflag:s25] =	ssyncadd.s32 $0xFFFFF000  }
0x26c: {  	[hbm4b:s4+s5] =	stream.strided.scatter [tilespmem:s24], [sflag:$0x3], $0x1000, s6, s5, $0x38;
	[tilespmem:$0x1B080] =	vst v63  }
0x26d: {  	_ =	swait.ge [sflag:s7], $0x1000  }
0x26e: {  	[sflag:s7] =	ssyncset.done $0x0  }
0x26f: {  	[sflag:s7] =	ssyncadd.s32 $0xFFFFF000  }
0x270: {  	_ =	swait.ge [sflag:s22], $0x1000  }
0x271: {  	[sflag:s22] =	ssyncset.done $0x0  }
0x272: {  	[sflag:s22] =	ssyncadd.s32 $0xFFFFF000  }
0x273: {  	[tilespmem:s24], [sflag:$0x2] =	stream.indirect.gather [hbm4b:s9+s23], $0x1, s23, s23, $0xb8;
	[tilespmem:$0x1B080] =	vst v63  }
0x274: {  	s4 =	rddreg [dreg:$0x12]  }
0x275: {  	[tilespmem:s3], [sflag:$0x1] =	stream.strided.gather [hbm4b:s4+s5], $0x1000, s6, s5, $0x38;
	[tilespmem:$0x1B080] =	vst v63  }
0x276: {  	_ =	swait.ge [sflag:s25], $0x1000  }
0x277: {  	[sflag:s25] =	ssyncset.done $0x0  }
0x278: {  	s4 =	rddreg [dreg:$0x13];
	[sflag:s25] =	ssyncadd.s32 $0xFFFFF000  }
0x279: {  	[hbm4b:s4+s5] =	stream.strided.scatter [tilespmem:s24], [sflag:$0x3], $0x1000, s6, s5, $0x38;
	[tilespmem:$0x1B080] =	vst v63  }
0x27a: {  	_ =	swait.ge [sflag:s7], $0x1000  }
0x27b: {  	[sflag:s7] =	ssyncset.done $0x0  }
0x27c: {  	[sflag:s7] =	ssyncadd.s32 $0xFFFFF000  }
0x27d: {  	_ =	swait.ge [sflag:s22], $0x1000  }
0x27e: {  	[sflag:s22] =	ssyncset.done $0x0  }
0x27f: {  	[sflag:s22] =	ssyncadd.s32 $0xFFFFF000  }
0x280: {  	[tilespmem:s24], [sflag:$0x2] =	stream.indirect.gather [hbm4b:s9+s23], $0x1, s3, s23, $0xb8;
	[tilespmem:$0x1B080] =	vst v63  }
0x281: {  	s4 =	rddreg [dreg:$0x14]  }
0x282: {  	[tilespmem:s23], [sflag:$0x1] =	stream.strided.gather [hbm4b:s4+s5], $0x1000, s6, s5, $0x38;
	[tilespmem:$0x1B080] =	vst v63  }
0x283: {  	_ =	swait.ge [sflag:s25], $0x1000  }
0x284: {  	[sflag:s25] =	ssyncset.done $0x0  }
0x285: {  	s4 =	rddreg [dreg:$0x15];
	[sflag:s25] =	ssyncadd.s32 $0xFFFFF000  }
0x286: {  	[hbm4b:s4+s5] =	stream.strided.scatter [tilespmem:s24], [sflag:$0x3], $0x1000, s6, s5, $0x38;
	[tilespmem:$0x1B080] =	vst v63  }
0x287: {  	_ =	swait.ge [sflag:s7], $0x1000  }
0x288: {  	[sflag:s7] =	ssyncset.done $0x0  }
0x289: {  	[sflag:s7] =	ssyncadd.s32 $0xFFFFF000  }
0x28a: {  	_ =	swait.ge [sflag:s22], $0x1000  }
0x28b: {  	[sflag:s22] =	ssyncset.done $0x0  }
0x28c: {  	[sflag:s22] =	ssyncadd.s32 $0xFFFFF000  }
0x28d: {  	[tilespmem:s24], [sflag:$0x2] =	stream.indirect.gather [hbm4b:s9+s23], $0x1, s23, s23, $0xb8;
	[tilespmem:$0x1B080] =	vst v63  }
0x28e: {  	s4 =	rddreg [dreg:$0x16]  }
0x28f: {  	[tilespmem:s3], [sflag:$0x1] =	stream.strided.gather [hbm4b:s4+s5], $0x1000, s6, s5, $0x38;
	[tilespmem:$0x1B080] =	vst v63  }
0x290: {  	_ =	swait.ge [sflag:s25], $0x1000  }
0x291: {  	[sflag:s25] =	ssyncset.done $0x0  }
0x292: {  	s4 =	rddreg [dreg:$0x17];
	[sflag:s25] =	ssyncadd.s32 $0xFFFFF000  }
0x293: {  	[hbm4b:s4+s5] =	stream.strided.scatter [tilespmem:s24], [sflag:$0x3], $0x1000, s6, s5, $0x38;
	[tilespmem:$0x1B080] =	vst v63  }
0x294: {  	_ =	swait.ge [sflag:s7], $0x1000  }
0x295: {  	[sflag:s7] =	ssyncset.done $0x0  }
0x296: {  	[sflag:s7] =	ssyncadd.s32 $0xFFFFF000  }
0x297: {  	_ =	swait.ge [sflag:s22], $0x1000  }
0x298: {  	[sflag:s22] =	ssyncset.done $0x0  }
0x299: {  	[sflag:s22] =	ssyncadd.s32 $0xFFFFF000  }
0x29a: {  	[tilespmem:s24], [sflag:$0x2] =	stream.indirect.gather [hbm4b:s9+s23], $0x1, s3, s23, $0xb8;
	[tilespmem:$0x1B080] =	vst v63  }
0x29b: {  	s4 =	rddreg [dreg:$0x18]  }
0x29c: {  	[tilespmem:s23], [sflag:$0x1] =	stream.strided.gather [hbm4b:s4+s5], $0x1000, s6, s5, $0x38;
	[tilespmem:$0x1B080] =	vst v63  }
0x29d: {  	_ =	swait.ge [sflag:s25], $0x1000  }
0x29e: {  	[sflag:s25] =	ssyncset.done $0x0  }
0x29f: {  	s4 =	rddreg [dreg:$0x19];
	[sflag:s25] =	ssyncadd.s32 $0xFFFFF000  }
0x2a0: {  	[hbm4b:s4+s5] =	stream.strided.scatter [tilespmem:s24], [sflag:$0x3], $0x1000, s6, s5, $0x38;
	[tilespmem:$0x1B080] =	vst v63  }
0x2a1: {  	_ =	swait.ge [sflag:s7], $0x1000  }
0x2a2: {  	[sflag:s7] =	ssyncset.done $0x0  }
0x2a3: {  	[sflag:s7] =	ssyncadd.s32 $0xFFFFF000  }
0x2a4: {  	_ =	swait.ge [sflag:s22], $0x1000  }
0x2a5: {  	[sflag:s22] =	ssyncset.done $0x0  }
0x2a6: {  	[sflag:s22] =	ssyncadd.s32 $0xFFFFF000  }
0x2a7: {  	[tilespmem:s24], [sflag:$0x2] =	stream.indirect.gather [hbm4b:s9+s23], $0x1, s23, s23, $0xb8;
	[tilespmem:$0x1B080] =	vst v63  }
0x2a8: {  	s4 =	rddreg [dreg:$0x1a]  }
0x2a9: {  	[tilespmem:s3], [sflag:$0x1] =	stream.strided.gather [hbm4b:s4+s5], $0x1000, s6, s5, $0x38;
	[tilespmem:$0x1B080] =	vst v63  }
0x2aa: {  	_ =	swait.ge [sflag:s25], $0x1000  }
0x2ab: {  	[sflag:s25] =	ssyncset.done $0x0  }
0x2ac: {  	s4 =	rddreg [dreg:$0x1b];
	[sflag:s25] =	ssyncadd.s32 $0xFFFFF000  }
0x2ad: {  	[hbm4b:s4+s5] =	stream.strided.scatter [tilespmem:s24], [sflag:$0x3], $0x1000, s6, s5, $0x38;
	[tilespmem:$0x1B080] =	vst v63  }
0x2ae: {  	_ =	swait.ge [sflag:s7], $0x1000  }
0x2af: {  	[sflag:s7] =	ssyncset.done $0x0  }
0x2b0: {  	[sflag:s7] =	ssyncadd.s32 $0xFFFFF000  }
0x2b1: {  	_ =	swait.ge [sflag:s22], $0x1000  }
0x2b2: {  	[sflag:s22] =	ssyncset.done $0x0  }
0x2b3: {  	[sflag:s22] =	ssyncadd.s32 $0xFFFFF000  }
0x2b4: {  	[tilespmem:s24], [sflag:$0x2] =	stream.indirect.gather [hbm4b:s9+s23], $0x1, s3, s23, $0xb8;
	[tilespmem:$0x1B080] =	vst v63  }
0x2b5: {  	s4 =	rddreg [dreg:$0x1c]  }
0x2b6: {  	[tilespmem:s23], [sflag:$0x1] =	stream.strided.gather [hbm4b:s4+s5], $0x1000, s6, s5, $0x38;
	[tilespmem:$0x1B080] =	vst v63  }
0x2b7: {  	_ =	swait.ge [sflag:s25], $0x1000  }
0x2b8: {  	[sflag:s25] =	ssyncset.done $0x0  }
0x2b9: {  	s4 =	rddreg [dreg:$0x1d];
	[sflag:s25] =	ssyncadd.s32 $0xFFFFF000  }
0x2ba: {  	[hbm4b:s4+s5] =	stream.strided.scatter [tilespmem:s24], [sflag:$0x3], $0x1000, s6, s5, $0x38;
	[tilespmem:$0x1B080] =	vst v63  }
0x2bb: {  	_ =	swait.ge [sflag:s7], $0x1000  }
0x2bc: {  	[sflag:s7] =	ssyncset.done $0x0  }
0x2bd: {  	[sflag:s7] =	ssyncadd.s32 $0xFFFFF000  }
0x2be: {  	_ =	swait.ge [sflag:s22], $0x1000  }
0x2bf: {  	[sflag:s22] =	ssyncset.done $0x0  }
0x2c0: {  	[sflag:s22] =	ssyncadd.s32 $0xFFFFF000  }
0x2c1: {  	[tilespmem:s24], [sflag:$0x2] =	stream.indirect.gather [hbm4b:s9+s23], $0x1, s23, s23, $0xb8;
	[tilespmem:$0x1B080] =	vst v63  }
0x2c2: {  	s4 =	rddreg [dreg:$0x1e]  }
0x2c3: {  	[tilespmem:s3], [sflag:$0x1] =	stream.strided.gather [hbm4b:s4+s5], $0x1000, s6, s5, $0x38;
	[tilespmem:$0x1B080] =	vst v63  }
0x2c4: {  	_ =	swait.ge [sflag:s25], $0x1000  }
0x2c5: {  	[sflag:s25] =	ssyncset.done $0x0  }
0x2c6: {  	s4 =	rddreg [dreg:$0x1f];
	[sflag:s25] =	ssyncadd.s32 $0xFFFFF000  }
0x2c7: {  	[hbm4b:s4+s5] =	stream.strided.scatter [tilespmem:s24], [sflag:$0x3], $0x1000, s6, s5, $0x38;
	[tilespmem:$0x1B080] =	vst v63  }
0x2c8: {  	_ =	swait.ge [sflag:s7], $0x1000  }
0x2c9: {  	[sflag:s7] =	ssyncset.done $0x0  }
0x2ca: {  	[sflag:s7] =	ssyncadd.s32 $0xFFFFF000  }
0x2cb: {  	_ =	swait.ge [sflag:s22], $0x1000  }
0x2cc: {  	[sflag:s22] =	ssyncset.done $0x0  }
0x2cd: {  	s4 =	sld [smem:$0x7E2];
	[sflag:s22] =	ssyncadd.s32 $0xFFFFF000  }
0x2ce: {  	[tilespmem:s24], [sflag:$0x2] =	stream.indirect.gather [hbm4b:s9+s23], $0x1, s3, s23, $0xb8;
	[tilespmem:$0x1B080] =	vst v63  }
0x2cf: {  	_ = 	snop  }
0x2d0: {  	[tilespmem:s23], [sflag:$0x1] =	stream.strided.gather [hbm4b:s4+s5], $0x1000, s6, s5, $0x38;
	[tilespmem:$0x1B080] =	vst v63  }
0x2d1: {  	_ =	swait.ge [sflag:s25], $0x1000  }
0x2d2: {  	s4 =	sld [smem:$0x7E3]  }
0x2d3: {  	[sflag:s25] =	ssyncset.done $0x0  }
0x2d4: {  	[sflag:s25] =	ssyncadd.s32 $0xFFFFF000  }
0x2d5: {  	[hbm4b:s4+s5] =	stream.strided.scatter [tilespmem:s24], [sflag:$0x3], $0x1000, s6, s5, $0x38;
	[tilespmem:$0x1B080] =	vst v63  }
0x2d6: {  	_ =	swait.ge [sflag:s7], $0x1000  }
0x2d7: {  	[sflag:s7] =	ssyncset.done $0x0  }
0x2d8: {  	[sflag:s7] =	ssyncadd.s32 $0xFFFFF000  }
0x2d9: {  	_ =	swait.ge [sflag:s22], $0x1000  }
0x2da: {  	[sflag:s22] =	ssyncset.done $0x0  }
0x2db: {  	s4 =	sld [smem:$0x7E4];
	[sflag:s22] =	ssyncadd.s32 $0xFFFFF000  }
0x2dc: {  	[tilespmem:s24], [sflag:$0x2] =	stream.indirect.gather [hbm4b:s9+s23], $0x1, s23, s23, $0xb8;
	[tilespmem:$0x1B080] =	vst v63  }
0x2dd: {  	_ = 	snop  }
0x2de: {  	[tilespmem:s3], [sflag:$0x1] =	stream.strided.gather [hbm4b:s4+s5], $0x1000, s6, s5, $0x38;
	[tilespmem:$0x1B080] =	vst v63  }
0x2df: {  	_ =	swait.ge [sflag:s25], $0x1000  }
0x2e0: {  	s4 =	sld [smem:$0x7E5]  }
0x2e1: {  	[sflag:s25] =	ssyncset.done $0x0  }
0x2e2: {  	[sflag:s25] =	ssyncadd.s32 $0xFFFFF000  }
0x2e3: {  	[hbm4b:s4+s5] =	stream.strided.scatter [tilespmem:s24], [sflag:$0x3], $0x1000, s6, s5, $0x38;
	[tilespmem:$0x1B080] =	vst v63  }
0x2e4: {  	_ =	swait.ge [sflag:s7], $0x1000  }
0x2e5: {  	[sflag:s7] =	ssyncset.done $0x0  }
0x2e6: {  	[sflag:s7] =	ssyncadd.s32 $0xFFFFF000  }
0x2e7: {  	_ =	swait.ge [sflag:s22], $0x1000  }
0x2e8: {  	[sflag:s22] =	ssyncset.done $0x0  }
0x2e9: {  	s4 =	sld [smem:$0x7E6];
	[sflag:s22] =	ssyncadd.s32 $0xFFFFF000  }
0x2ea: {  	[tilespmem:s24], [sflag:$0x2] =	stream.indirect.gather [hbm4b:s9+s23], $0x1, s3, s23, $0xb8;
	[tilespmem:$0x1B080] =	vst v63  }
0x2eb: {  	_ = 	snop  }
0x2ec: {  	[tilespmem:s23], [sflag:$0x1] =	stream.strided.gather [hbm4b:s4+s5], $0x1000, s6, s5, $0x38;
	[tilespmem:$0x1B080] =	vst v63  }
0x2ed: {  	_ =	swait.ge [sflag:s25], $0x1000  }
0x2ee: {  	s4 =	sld [smem:$0x7E7]  }
0x2ef: {  	[sflag:s25] =	ssyncset.done $0x0  }
0x2f0: {  	[sflag:s25] =	ssyncadd.s32 $0xFFFFF000  }
0x2f1: {  	[hbm4b:s4+s5] =	stream.strided.scatter [tilespmem:s24], [sflag:$0x3], $0x1000, s6, s5, $0x38;
	[tilespmem:$0x1B080] =	vst v63  }
0x2f2: {  	_ =	swait.ge [sflag:s7], $0x1000  }
0x2f3: {  	[sflag:s7] =	ssyncset.done $0x0  }
0x2f4: {  	[sflag:s7] =	ssyncadd.s32 $0xFFFFF000  }
0x2f5: {  	_ =	swait.ge [sflag:s22], $0x1000  }
0x2f6: {  	[sflag:s22] =	ssyncset.done $0x0  }
0x2f7: {  	s4 =	sld [smem:$0x7E8];
	[sflag:s22] =	ssyncadd.s32 $0xFFFFF000  }
0x2f8: {  	[tilespmem:s24], [sflag:$0x2] =	stream.indirect.gather [hbm4b:s9+s23], $0x1, s23, s23, $0xb8;
	[tilespmem:$0x1B080] =	vst v63  }
0x2f9: {  	_ = 	snop  }
0x2fa: {  	[tilespmem:s3], [sflag:$0x1] =	stream.strided.gather [hbm4b:s4+s5], $0x1000, s6, s5, $0x38;
	[tilespmem:$0x1B080] =	vst v63  }
0x2fb: {  	_ =	swait.ge [sflag:s25], $0x1000  }
0x2fc: {  	s4 =	sld [smem:$0x7E9]  }
0x2fd: {  	[sflag:s25] =	ssyncset.done $0x0  }
0x2fe: {  	[sflag:s25] =	ssyncadd.s32 $0xFFFFF000  }
0x2ff: {  	[hbm4b:s4+s5] =	stream.strided.scatter [tilespmem:s24], [sflag:$0x3], $0x1000, s6, s5, $0x38;
	[tilespmem:$0x1B080] =	vst v63  }
0x300: {  	_ =	swait.ge [sflag:s7], $0x1000  }
0x301: {  	[sflag:s7] =	ssyncset.done $0x0  }
0x302: {  	[sflag:s7] =	ssyncadd.s32 $0xFFFFF000  }
0x303: {  	_ =	swait.ge [sflag:s22], $0x1000  }
0x304: {  	[sflag:s22] =	ssyncset.done $0x0  }
0x305: {  	s4 =	sld [smem:$0x7EA];
	[sflag:s22] =	ssyncadd.s32 $0xFFFFF000  }
0x306: {  	[tilespmem:s24], [sflag:$0x2] =	stream.indirect.gather [hbm4b:s9+s23], $0x1, s3, s23, $0xb8;
	[tilespmem:$0x1B080] =	vst v63  }
0x307: {  	_ = 	snop  }
0x308: {  	[tilespmem:s23], [sflag:$0x1] =	stream.strided.gather [hbm4b:s4+s5], $0x1000, s6, s5, $0x38;
	[tilespmem:$0x1B080] =	vst v63  }
0x309: {  	_ =	swait.ge [sflag:s25], $0x1000  }
0x30a: {  	s4 =	sld [smem:$0x7EB]  }
0x30b: {  	[sflag:s25] =	ssyncset.done $0x0  }
0x30c: {  	[sflag:s25] =	ssyncadd.s32 $0xFFFFF000  }
0x30d: {  	[hbm4b:s4+s5] =	stream.strided.scatter [tilespmem:s24], [sflag:$0x3], $0x1000, s6, s5, $0x38;
	[tilespmem:$0x1B080] =	vst v63  }
0x30e: {  	_ =	swait.ge [sflag:s7], $0x1000  }
0x30f: {  	[sflag:s7] =	ssyncset.done $0x0  }
0x310: {  	[sflag:s7] =	ssyncadd.s32 $0xFFFFF000  }
0x311: {  	_ =	swait.ge [sflag:s22], $0x1000  }
0x312: {  	[sflag:s22] =	ssyncset.done $0x0  }
0x313: {  	s4 =	sld [smem:$0x7EC];
	[sflag:s22] =	ssyncadd.s32 $0xFFFFF000  }
0x314: {  	[tilespmem:s24], [sflag:$0x2] =	stream.indirect.gather [hbm4b:s9+s23], $0x1, s23, s23, $0xb8;
	[tilespmem:$0x1B080] =	vst v63  }
0x315: {  	_ = 	snop  }
0x316: {  	[tilespmem:s3], [sflag:$0x1] =	stream.strided.gather [hbm4b:s4+s5], $0x1000, s6, s5, $0x38;
	[tilespmem:$0x1B080] =	vst v63  }
0x317: {  	_ =	swait.ge [sflag:s25], $0x1000  }
0x318: {  	s4 =	sld [smem:$0x7ED]  }
0x319: {  	[sflag:s25] =	ssyncset.done $0x0  }
0x31a: {  	[sflag:s25] =	ssyncadd.s32 $0xFFFFF000  }
0x31b: {  	[hbm4b:s4+s5] =	stream.strided.scatter [tilespmem:s24], [sflag:$0x3], $0x1000, s6, s5, $0x38;
	[tilespmem:$0x1B080] =	vst v63  }
0x31c: {  	_ =	swait.ge [sflag:s7], $0x1000  }
0x31d: {  	[sflag:s7] =	ssyncset.done $0x0  }
0x31e: {  	[sflag:s7] =	ssyncadd.s32 $0xFFFFF000  }
0x31f: {  	_ =	swait.ge [sflag:s22], $0x1000  }
0x320: {  	[sflag:s22] =	ssyncset.done $0x0  }
0x321: {  	s4 =	sld [smem:$0x7EE];
	[sflag:s22] =	ssyncadd.s32 $0xFFFFF000  }
0x322: {  	[tilespmem:s24], [sflag:$0x2] =	stream.indirect.gather [hbm4b:s9+s23], $0x1, s3, s23, $0xb8;
	[tilespmem:$0x1B080] =	vst v63  }
0x323: {  	_ = 	snop  }
0x324: {  	[tilespmem:s23], [sflag:$0x1] =	stream.strided.gather [hbm4b:s4+s5], $0x1000, s6, s5, $0x38;
	[tilespmem:$0x1B080] =	vst v63  }
0x325: {  	_ =	swait.ge [sflag:s25], $0x1000  }
0x326: {  	s4 =	sld [smem:$0x7EF]  }
0x327: {  	[sflag:s25] =	ssyncset.done $0x0  }
0x328: {  	[sflag:s25] =	ssyncadd.s32 $0xFFFFF000  }
0x329: {  	[hbm4b:s4+s5] =	stream.strided.scatter [tilespmem:s24], [sflag:$0x3], $0x1000, s6, s5, $0x38;
	[tilespmem:$0x1B080] =	vst v63  }
0x32a: {  	_ =	swait.ge [sflag:s7], $0x1000  }
0x32b: {  	[sflag:s7] =	ssyncset.done $0x0  }
0x32c: {  	[sflag:s7] =	ssyncadd.s32 $0xFFFFF000  }
0x32d: {  	_ =	swait.ge [sflag:s22], $0x1000  }
0x32e: {  	[sflag:s22] =	ssyncset.done $0x0  }
0x32f: {  	s4 =	sld [smem:$0x7F0];
	[sflag:s22] =	ssyncadd.s32 $0xFFFFF000  }
0x330: {  	[tilespmem:s24], [sflag:$0x2] =	stream.indirect.gather [hbm4b:s9+s23], $0x1, s23, s23, $0xb8;
	[tilespmem:$0x1B080] =	vst v63  }
0x331: {  	_ = 	snop  }
0x332: {  	[tilespmem:s3], [sflag:$0x1] =	stream.strided.gather [hbm4b:s4+s5], $0x1000, s6, s5, $0x38;
	[tilespmem:$0x1B080] =	vst v63  }
0x333: {  	_ =	swait.ge [sflag:s25], $0x1000  }
0x334: {  	s4 =	sld [smem:$0x7F1]  }
0x335: {  	[sflag:s25] =	ssyncset.done $0x0  }
0x336: {  	[sflag:s25] =	ssyncadd.s32 $0xFFFFF000  }
0x337: {  	[hbm4b:s4+s5] =	stream.strided.scatter [tilespmem:s24], [sflag:$0x3], $0x1000, s6, s5, $0x38;
	[tilespmem:$0x1B080] =	vst v63  }
0x338: {  	_ =	swait.ge [sflag:s7], $0x1000  }
0x339: {  	[sflag:s7] =	ssyncset.done $0x0  }
0x33a: {  	[sflag:s7] =	ssyncadd.s32 $0xFFFFF000  }
0x33b: {  	_ =	swait.ge [sflag:s22], $0x1000  }
0x33c: {  	[sflag:s22] =	ssyncset.done $0x0  }
0x33d: {  	s4 =	sld [smem:$0x7F2];
	[sflag:s22] =	ssyncadd.s32 $0xFFFFF000  }
0x33e: {  	[tilespmem:s24], [sflag:$0x2] =	stream.indirect.gather [hbm4b:s9+s23], $0x1, s3, s23, $0xb8;
	[tilespmem:$0x1B080] =	vst v63  }
0x33f: {  	_ = 	snop  }
0x340: {  	[tilespmem:s23], [sflag:$0x1] =	stream.strided.gather [hbm4b:s4+s5], $0x1000, s6, s5, $0x38;
	[tilespmem:$0x1B080] =	vst v63  }
0x341: {  	_ =	swait.ge [sflag:s25], $0x1000  }
0x342: {  	s4 =	sld [smem:$0x7F3]  }
0x343: {  	[sflag:s25] =	ssyncset.done $0x0  }
0x344: {  	[sflag:s25] =	ssyncadd.s32 $0xFFFFF000  }
0x345: {  	[hbm4b:s4+s5] =	stream.strided.scatter [tilespmem:s24], [sflag:$0x3], $0x1000, s6, s5, $0x38;
	[tilespmem:$0x1B080] =	vst v63  }
0x346: {  	_ =	swait.ge [sflag:s7], $0x1000  }
0x347: {  	[sflag:s7] =	ssyncset.done $0x0  }
0x348: {  	[sflag:s7] =	ssyncadd.s32 $0xFFFFF000  }
0x349: {  	_ =	swait.ge [sflag:s22], $0x1000  }
0x34a: {  	[sflag:s22] =	ssyncset.done $0x0  }
0x34b: {  	s4 =	sld [smem:$0x7F4];
	[sflag:s22] =	ssyncadd.s32 $0xFFFFF000  }
0x34c: {  	[tilespmem:s24], [sflag:$0x2] =	stream.indirect.gather [hbm4b:s9+s23], $0x1, s23, s23, $0xb8;
	[tilespmem:$0x1B080] =	vst v63  }
0x34d: {  	_ = 	snop  }
0x34e: {  	[tilespmem:s3], [sflag:$0x1] =	stream.strided.gather [hbm4b:s4+s5], $0x1000, s6, s5, $0x38;
	[tilespmem:$0x1B080] =	vst v63  }
0x34f: {  	_ =	swait.ge [sflag:s25], $0x1000  }
0x350: {  	s4 =	sld [smem:$0x7F5]  }
0x351: {  	[sflag:s25] =	ssyncset.done $0x0  }
0x352: {  	[sflag:s25] =	ssyncadd.s32 $0xFFFFF000  }
0x353: {  	[hbm4b:s4+s5] =	stream.strided.scatter [tilespmem:s24], [sflag:$0x3], $0x1000, s6, s5, $0x38;
	[tilespmem:$0x1B080] =	vst v63  }
0x354: {  	_ =	swait.ge [sflag:s7], $0x1000  }
0x355: {  	[sflag:s7] =	ssyncset.done $0x0  }
0x356: {  	[sflag:s7] =	ssyncadd.s32 $0xFFFFF000  }
0x357: {  	_ =	swait.ge [sflag:s22], $0x1000  }
0x358: {  	[sflag:s22] =	ssyncset.done $0x0  }
0x359: {  	s4 =	sld [smem:$0x7F6];
	[sflag:s22] =	ssyncadd.s32 $0xFFFFF000  }
0x35a: {  	[tilespmem:s24], [sflag:$0x2] =	stream.indirect.gather [hbm4b:s9+s23], $0x1, s3, s23, $0xb8;
	[tilespmem:$0x1B080] =	vst v63  }
0x35b: {  	_ = 	snop  }
0x35c: {  	[tilespmem:s23], [sflag:$0x1] =	stream.strided.gather [hbm4b:s4+s5], $0x1000, s6, s5, $0x38;
	[tilespmem:$0x1B080] =	vst v63  }
0x35d: {  	_ =	swait.ge [sflag:s25], $0x1000  }
0x35e: {  	s4 =	sld [smem:$0x7F7]  }
0x35f: {  	[sflag:s25] =	ssyncset.done $0x0  }
0x360: {  	[sflag:s25] =	ssyncadd.s32 $0xFFFFF000  }
0x361: {  	[hbm4b:s4+s5] =	stream.strided.scatter [tilespmem:s24], [sflag:$0x3], $0x1000, s6, s5, $0x38;
	[tilespmem:$0x1B080] =	vst v63  }
0x362: {  	_ =	swait.ge [sflag:s7], $0x1000  }
0x363: {  	[sflag:s7] =	ssyncset.done $0x0  }
0x364: {  	[sflag:s7] =	ssyncadd.s32 $0xFFFFF000  }
0x365: {  	_ =	swait.ge [sflag:s22], $0x1000  }
0x366: {  	[sflag:s22] =	ssyncset.done $0x0  }
0x367: {  	s4 =	sld [smem:$0x7F8];
	[sflag:s22] =	ssyncadd.s32 $0xFFFFF000  }
0x368: {  	[tilespmem:s24], [sflag:$0x2] =	stream.indirect.gather [hbm4b:s9+s23], $0x1, s23, s23, $0xb8;
	[tilespmem:$0x1B080] =	vst v63  }
0x369: {  	_ = 	snop  }
0x36a: {  	[tilespmem:s3], [sflag:$0x1] =	stream.strided.gather [hbm4b:s4+s5], $0x1000, s6, s5, $0x38;
	[tilespmem:$0x1B080] =	vst v63  }
0x36b: {  	_ =	swait.ge [sflag:s25], $0x1000  }
0x36c: {  	s4 =	sld [smem:$0x7F9]  }
0x36d: {  	[sflag:s25] =	ssyncset.done $0x0  }
0x36e: {  	[sflag:s25] =	ssyncadd.s32 $0xFFFFF000  }
0x36f: {  	[hbm4b:s4+s5] =	stream.strided.scatter [tilespmem:s24], [sflag:$0x3], $0x1000, s6, s5, $0x38;
	[tilespmem:$0x1B080] =	vst v63  }
0x370: {  	_ =	swait.ge [sflag:s7], $0x1000  }
0x371: {  	[sflag:s7] =	ssyncset.done $0x0  }
0x372: {  	[sflag:s7] =	ssyncadd.s32 $0xFFFFF000  }
0x373: {  	_ =	swait.ge [sflag:s22], $0x1000  }
0x374: {  	[sflag:s22] =	ssyncset.done $0x0  }
0x375: {  	s4 =	sld [smem:$0x7FA];
	[sflag:s22] =	ssyncadd.s32 $0xFFFFF000  }
0x376: {  	[tilespmem:s24], [sflag:$0x2] =	stream.indirect.gather [hbm4b:s9+s23], $0x1, s3, s23, $0xb8;
	[tilespmem:$0x1B080] =	vst v63  }
0x377: {  	_ = 	snop  }
0x378: {  	[tilespmem:s23], [sflag:$0x1] =	stream.strided.gather [hbm4b:s4+s5], $0x1000, s6, s5, $0x38;
	[tilespmem:$0x1B080] =	vst v63  }
0x379: {  	_ =	swait.ge [sflag:s25], $0x1000  }
0x37a: {  	s4 =	sld [smem:$0x7FB]  }
0x37b: {  	[sflag:s25] =	ssyncset.done $0x0  }
0x37c: {  	[sflag:s25] =	ssyncadd.s32 $0xFFFFF000  }
0x37d: {  	[hbm4b:s4+s5] =	stream.strided.scatter [tilespmem:s24], [sflag:$0x3], $0x1000, s6, s5, $0x38;
	[tilespmem:$0x1B080] =	vst v63  }
0x37e: {  	_ =	swait.ge [sflag:s7], $0x1000  }
0x37f: {  	[sflag:s7] =	ssyncset.done $0x0  }
0x380: {  	[sflag:s7] =	ssyncadd.s32 $0xFFFFF000  }
0x381: {  	_ =	swait.ge [sflag:s22], $0x1000  }
0x382: {  	[sflag:s22] =	ssyncset.done $0x0  }
0x383: {  	s4 =	sld [smem:$0x7FC];
	[sflag:s22] =	ssyncadd.s32 $0xFFFFF000  }
0x384: {  	[tilespmem:s24], [sflag:$0x2] =	stream.indirect.gather [hbm4b:s9+s23], $0x1, s23, s23, $0xb8;
	[tilespmem:$0x1B080] =	vst v63  }
0x385: {  	_ = 	snop  }
0x386: {  	[tilespmem:s3], [sflag:$0x1] =	stream.strided.gather [hbm4b:s4+s5], $0x1000, s6, s5, $0x38;
	[tilespmem:$0x1B080] =	vst v63  }
0x387: {  	_ =	swait.ge [sflag:s25], $0x1000  }
0x388: {  	s4 =	sld [smem:$0x7FD]  }
0x389: {  	[sflag:s25] =	ssyncset.done $0x0  }
0x38a: {  	[sflag:s25] =	ssyncadd.s32 $0xFFFFF000  }
0x38b: {  	[hbm4b:s4+s5] =	stream.strided.scatter [tilespmem:s24], [sflag:$0x3], $0x1000, s6, s5, $0x38;
	[tilespmem:$0x1B080] =	vst v63  }
0x38c: {  	_ =	swait.ge [sflag:s7], $0x1000  }
0x38d: {  	[sflag:s7] =	ssyncset.done $0x0  }
0x38e: {  	[sflag:s7] =	ssyncadd.s32 $0xFFFFF000  }
0x38f: {  	_ =	swait.ge [sflag:s22], $0x1000  }
0x390: {  	[sflag:s22] =	ssyncset.done $0x0  }
0x391: {  	[sflag:s22] =	ssyncadd.s32 $0xFFFFF000  }
0x392: {  	[tilespmem:s24], [sflag:$0x2] =	stream.indirect.gather [hbm4b:s9+s23], $0x1, s3, s23, $0xb8;
	[tilespmem:$0x1B080] =	vst v63  }
0x393: {  	_ = 	snop  }
0x394: {  	[tilespmem:s23], [sflag:$0x1] =	stream.strided.gather [hbm4b:s26+s5], $0x1000, s6, s5, $0x38;
	[tilespmem:$0x1B080] =	vst v63  }
0x395: {  	_ =	swait.ge [sflag:s25], $0x1000  }
0x396: {  	[sflag:s25] =	ssyncset.done $0x0  }
0x397: {  	[sflag:s25] =	ssyncadd.s32 $0xFFFFF000  }
0x398: {  	[hbm4b:s28+s5] =	stream.strided.scatter [tilespmem:s24], [sflag:$0x3], $0x1000, s6, s5, $0x38;
	[tilespmem:$0x1B080] =	vst v63  }
0x399: {  	_ =	swait.ge [sflag:s7], $0x1000  }
0x39a: {  	[sflag:s7] =	ssyncset.done $0x0  }
0x39b: {  	[sflag:s7] =	ssyncadd.s32 $0xFFFFF000  }
0x39c: {  	_ =	swait.ge [sflag:s22], $0x1000  }
0x39d: {  	[sflag:s22] =	ssyncset.done $0x0  }
0x39e: {  	[sflag:s22] =	ssyncadd.s32 $0xFFFFF000  }
0x39f: {  	[tilespmem:s24], [sflag:$0x2] =	stream.indirect.gather [hbm4b:s9+s23], $0x1, s23, s23, $0xb8;
	[tilespmem:$0x1B080] =	vst v63  }
0x3a0: {  	_ = 	snop  }
0x3a1: {  	[tilespmem:s3], [sflag:$0x1] =	stream.strided.gather [hbm4b:s29+s5], $0x1000, s6, s5, $0x38;
	[tilespmem:$0x1B080] =	vst v63  }
0x3a2: {  	_ =	swait.ge [sflag:s25], $0x1000  }
0x3a3: {  	[sflag:s25] =	ssyncset.done $0x0  }
0x3a4: {  	[sflag:s25] =	ssyncadd.s32 $0xFFFFF000  }
0x3a5: {  	[hbm4b:s30+s5] =	stream.strided.scatter [tilespmem:s24], [sflag:$0x3], $0x1000, s6, s5, $0x38;
	[tilespmem:$0x1B080] =	vst v63  }
0x3a6: {  	_ =	swait.ge [sflag:s7], $0x1000  }
0x3a7: {  	[sflag:s7] =	ssyncset.done $0x0  }
0x3a8: {  	[sflag:s7] =	ssyncadd.s32 $0xFFFFF000  }
0x3a9: {  	_ =	swait.ge [sflag:s22], $0x1000  }
0x3aa: {  	[sflag:s22] =	ssyncset.done $0x0  }
0x3ab: {  	[sflag:s22] =	ssyncadd.s32 $0xFFFFF000  }
0x3ac: {  	[tilespmem:s24], [sflag:$0x2] =	stream.indirect.gather [hbm4b:s9+s23], $0x1, s3, s23, $0xb8;
	[tilespmem:$0x1B080] =	vst v63  }
0x3ad: {  	_ = 	snop  }
0x3ae: {  	[tilespmem:s23], [sflag:$0x1] =	stream.strided.gather [hbm4b:s31+s5], $0x1000, s6, s5, $0x38;
	[tilespmem:$0x1B080] =	vst v63  }
0x3af: {  	_ =	swait.ge [sflag:s25], $0x1000  }
0x3b0: {  	[sflag:s25] =	ssyncset.done $0x0  }
0x3b1: {  	[sflag:s25] =	ssyncadd.s32 $0xFFFFF000  }
0x3b2: {  	[hbm4b:s1+s5] =	stream.strided.scatter [tilespmem:s24], [sflag:$0x3], $0x1000, s6, s5, $0x38;
	[tilespmem:$0x1B080] =	vst v63  }
0x3b3: {  	_ =	swait.ge [sflag:s7], $0x1000  }
0x3b4: {  	[sflag:s7] =	ssyncset.done $0x0  }
0x3b5: {  	[sflag:s7] =	ssyncadd.s32 $0xFFFFF000  }
0x3b6: {  	_ =	swait.ge [sflag:s22], $0x1000  }
0x3b7: {  	[sflag:s22] =	ssyncset.done $0x0  }
0x3b8: {  	[sflag:s22] =	ssyncadd.s32 $0xFFFFF000  }
0x3b9: {  	[tilespmem:s24], [sflag:$0x2] =	stream.indirect.gather [hbm4b:s9+s23], $0x1, s23, s23, $0xb8;
	[tilespmem:$0x1B080] =	vst v63  }
0x3ba: {  	p0 =	sne.s32 s2, $0x1;
	_ =	swait.ge [sflag:s25], $0x1000  }
.Ltmp1:
0x3bb: {  	[sflag:s25] =	ssyncset.done $0x0;
	(pc) =	sbr.rel @p0 .LBB2_1-.Ltmp1, $4  }
0x3bc: {  	[sflag:s25] =	ssyncadd.s32 $0xFFFFF000  }
0x3bd: {  	[hbm4b:s0+s5] =	stream.strided.scatter [tilespmem:s24], [sflag:$0x3], $0x1000, s6, s5, $0x38;
	[tilespmem:$0x1B080] =	vst v63  }
0x3be: {  	_ =	swait.ge [sflag:s7], $0x1000  }
0x3bf: {  	s2 =	sadd.s32 $0xFFFFFFFF, s2;
	[sflag:s7] =	ssyncset.done $0x0  }
.LBB2_2:
0x3c0: {  	[sflag:s7] =	ssyncadd.s32 $0xFFFFF000  }
0x3c1: {  	_ =	sfence.sel $0x180000  }
0x3c2: {  	[bflag:$0x0] =	sbarrier.arrive $0xFFFF  }
0x3c3: {  	_ =	strace $0x90000047  }
0x3c4: {  	s0 =	stileid.u32;
	[bflag:$0x2] =	sbarrier.arrive $0xFFFF  }
0x3c5: {  	p0 =	sne.s32 s0, $0x0;
	s0 =	rddreg [dreg:$0x4]  }
0x3c6: {  	s0 =	sadd.s32 @!p0 $0x100000, s0  }
0x3c7: {  	[sflag:s0] =	ssyncadd.tile.s32 @!p0 $0x1;
	_ =	shalt  }
.Lfunc_end2:
_tile_overlayer_lowered:
.L_overlay_start_2:
0x3c8: {  	(tag) =	ssettag $0x2  }
0x3c9: {  	s0 =	rddreg [dreg:$0x0];
	s2 =	stileid.u32  }
0x3ca: {  	s1 =	rddreg [dreg:$0x1];
	p0 =	sne.s32 s2, $0x0  }
0x3cb: {  	s3 =	rddreg [dreg:$0x2];
	[bflag:$0x3] =	sbarrier.arrive $0xFFFF;
	s2 =	simm.s32 @!p0 $0x1C03  }
0x3cc: {  	[timem:s3], [sflag:s2] =	dma.local @!p0 [hbm:s0], s1  }
0x3cd: {  	s0 =	simm.s32 @!p0 $0x3  }
0x3ce: {  	_ =	swait.ge @!p0 [sflag:s0], s1  }
0x3cf: {  	s1 =	ssub.s32 @!p0 $0x0, s1;
	[sflag:s0] =	ssyncset.done @!p0 $0x0  }
0x3d0: {  	[sflag:s0] =	ssyncadd.s32 @!p0 s1  }
0x3d1: {  	[bflag:$0x3] =	sbarrier.arrive $0xFFFF  }
0x3d2: {  	_ =	shalt  }

</sc_bundles>
